<compile_context>
chip_gen: v7x
topology: tpu7x:2x2x1
jax: 0.10.2.dev20260603
libtpu: 0.0.44.dev20260713+nightly
codegen_flags: <defaults>
</compile_context>

<pallas_src>
import functools
import math

import jax
import jax.numpy as jnp
from jax import lax
from jax.experimental import pallas as pl
from jax.experimental.pallas import tpu as pltpu
from jax.experimental.pallas import tpu_sc as plsc

_B = 4096
_L = 50
_LP = 56
_DIM = 128
_SCALE = math.sqrt(_DIM)

_K = 4
_BS = _B // _K

_info = plsc.get_sparse_core_info()
_NC = _info.num_cores
_NS = _info.num_subcores
_NW = _NC * _NS
_BPW = _BS // _NW
_NBUF = 8
_LA = 4

_mesh = plsc.VectorSubcoreMesh(core_axis_name="c", subcore_axis_name="s")


def _make_sc_stage(stage):
    @functools.partial(
        pl.kernel,
        mesh=_mesh,
        out_type=jax.ShapeDtypeStruct((_BS, _LP, _DIM), jnp.float32),
        scratch_types=[
            pltpu.VMEM((_BPW, _L), jnp.int32),
            pltpu.VMEM((_NBUF, _LP, _DIM), jnp.float32),
        ]
        + [pltpu.SemaphoreType.DMA] * (2 * _NBUF),
    )
    def sc_stage(table_hbm, idx_hbm, out_hbm, idx_v, rows_v, *sems):
        sem_g = sems[:_NBUF]
        sem_s = sems[_NBUF:]
        wid = lax.axis_index("s") * _NC + lax.axis_index("c")
        base = stage * _BS + wid * _BPW
        obase = wid * _BPW
        pltpu.sync_copy(idx_hbm.at[pl.ds(base, _BPW)], idx_v)

        def gather_copy(g, b):
            return pltpu.make_async_copy(
                table_hbm.at[idx_v.at[g]],
                rows_v.at[b, pl.ds(0, _L)],
                sem_g[b],
            )

        def scatter_copy(g, b):
            return pltpu.make_async_copy(
                rows_v.at[b], out_hbm.at[obase + g], sem_s[b]
            )

        for g in range(_LA):
            gather_copy(g, g).start()

        def round_body(r, carry):
            for b in range(_NBUF):
                g = r * _NBUF + b
                gather_copy(g, b).wait()
                scatter_copy(g, b).start()
                bf = (b + _LA) % _NBUF
                gf = g + _LA

                @pl.when(gf < _BPW)
                def _():
                    @pl.when(gf >= _NBUF)
                    def _():
                        scatter_copy(gf - _NBUF, bf).wait()

                    gather_copy(gf, bf).start()

            return carry

        lax.fori_loop(0, _BPW // _NBUF, round_body, 0)

        for b in range(_NBUF):
            scatter_copy(_BPW - _NBUF + b, b).wait()

    return sc_stage


_GB = 64


def _tc_body_first(flat_ref, out_ref):
    out_ref[...] = flat_ref[:, : _L, :] * _SCALE


def _tc_body_rest(buf_ref, flat_ref, out_ref):
    del buf_ref
    out_ref[...] = flat_ref[:, : _L, :] * _SCALE


def _make_tc_stage(stage):
    grid = (_BS // _GB,)
    out_spec = pl.BlockSpec(
        (_GB, _L, _DIM),
        lambda i, _s=stage: (_s * (_BS // _GB) + i, 0, 0),
    )
    flat_spec = pl.BlockSpec((_GB, _LP, _DIM), lambda i: (i, 0, 0))
    out_shape = jax.ShapeDtypeStruct((_B, _L, _DIM), jnp.float32)
    if stage == 0:
        return pl.pallas_call(
            _tc_body_first,
            grid=grid,
            in_specs=[flat_spec],
            out_specs=out_spec,
            out_shape=out_shape,
        )
    return pl.pallas_call(
        _tc_body_rest,
        grid=grid,
        in_specs=[pl.BlockSpec(memory_space=pl.ANY), flat_spec],
        out_specs=out_spec,
        out_shape=out_shape,
        input_output_aliases={0: 0},
    )


_SC_STAGES = [_make_sc_stage(s) for s in range(_K)]
_TC_STAGES = [_make_tc_stage(s) for s in range(_K)]


def kernel(x, table):
    flats = [_SC_STAGES[s](table, x) for s in range(_K)]
    buf = _TC_STAGES[0](flats[0])
    for s in range(1, _K):
        buf = _TC_STAGES[s](buf, flats[s])
    return buf

# --- scband reference (transcript-rebuilt; emitter-appended) ---
"""Pipeline reference for scband-tforge-embedding-2241972928780 (READ-ONLY COPY).

The authoritative reference and input builder live on the scoring server;
editing this copy changes nothing except your own understanding.
"""

import jax, jax.numpy as jnp
import numpy as np
import math

VOCAB = 100000
DIM = 128
PAD = 0
B = 4096
L = 50

def setup_inputs(seed: int = 0) -> dict:
    key = jax.random.key(seed)
    k1, k2 = jax.random.split(key)
    x = jax.random.randint(k1, (B, L), 0, VOCAB, dtype=jnp.int64 if jax.config.jax_enable_x64 else jnp.int32).astype(jnp.int32)
    table = jax.random.normal(k2, (VOCAB, DIM), dtype=jnp.float32)
    # nn.Embedding with padding_idx initializes the pad row to zeros
    table = table.at[PAD].set(0.0)
    return {"x": x, "table": table}

def reference(x, table):
    # faithful translation of TForgeEmbedding.forward
    emb = jnp.take(table, x, axis=0)  # embedding lookup (gather)
    out = emb * math.sqrt(DIM)
    return out

if __name__ == "__main__":
    import jax
    _d = setup_inputs()
    print(jax.jit(kernel)(*tuple(_d.values())))

</pallas_src>

<mosaic_0001>
#map = affine_map<(d0, d1) -> (0, 0)>
#map1 = affine_map<(d0, d1) -> (0, 0, 0)>
module attributes {stable_mosaic.version = 14 : i64} {
  func.func @sc_stage(%arg0: i32, %arg1: i32, %arg2: memref<100000x128xf32, #tpu.memory_space<hbm>>, %arg3: memref<4096x50xi32, #tpu.memory_space<hbm>>, %arg4: memref<1024x56x128xf32, #tpu.memory_space<hbm>>, %arg5: memref<32x50xi32, #tpu.memory_space<vmem>>, %arg6: memref<8x56x128xf32, #tpu.memory_space<vmem>>, %arg7: memref<!tpu.dma_semaphore, #tpu.memory_space<semaphore_mem>>, %arg8: memref<!tpu.dma_semaphore, #tpu.memory_space<semaphore_mem>>, %arg9: memref<!tpu.dma_semaphore, #tpu.memory_space<semaphore_mem>>, %arg10: memref<!tpu.dma_semaphore, #tpu.memory_space<semaphore_mem>>, %arg11: memref<!tpu.dma_semaphore, #tpu.memory_space<semaphore_mem>>, %arg12: memref<!tpu.dma_semaphore, #tpu.memory_space<semaphore_mem>>, %arg13: memref<!tpu.dma_semaphore, #tpu.memory_space<semaphore_mem>>, %arg14: memref<!tpu.dma_semaphore, #tpu.memory_space<semaphore_mem>>, %arg15: memref<!tpu.dma_semaphore, #tpu.memory_space<semaphore_mem>>, %arg16: memref<!tpu.dma_semaphore, #tpu.memory_space<semaphore_mem>>, %arg17: memref<!tpu.dma_semaphore, #tpu.memory_space<semaphore_mem>>, %arg18: memref<!tpu.dma_semaphore, #tpu.memory_space<semaphore_mem>>, %arg19: memref<!tpu.dma_semaphore, #tpu.memory_space<semaphore_mem>>, %arg20: memref<!tpu.dma_semaphore, #tpu.memory_space<semaphore_mem>>, %arg21: memref<!tpu.dma_semaphore, #tpu.memory_space<semaphore_mem>>, %arg22: memref<!tpu.dma_semaphore, #tpu.memory_space<semaphore_mem>>) attributes {dimension_semantics = [#tpu.dimension_semantics<core_parallel>, #tpu.dimension_semantics<subcore_parallel>], iteration_bounds = array<i64: 2, 16>, scalar_prefetch = 0 : i64, scratch_operands = 18 : i64, tpu.core_type = #tpu.core_type<sc_vector_subcore>, window_params = [{transform_indices = #map}, {transform_indices = #map}, {transform_indices = #map1}]} {
    %mul3A = arith.constant 2 : i32
    %mul3A_0 = arith.muli %arg1, %mul3A : i32
    %add3A = arith.addi %mul3A_0, %arg0 : i32
    %mul3A_1 = arith.constant 32 : i32
    %mul3A_2 = arith.muli %add3A, %mul3A_1 : i32
    %add3A_3 = arith.constant 3072 : i32
    %add3A_4 = arith.addi %add3A_3, %mul3A_2 : i32
    %mul3A_5 = arith.constant 32 : i32
    %mul3A_6 = arith.muli %add3A, %mul3A_5 : i32
    "tpu.region"() ({
      %run_scoped3A = tpu.sem_alloc : memref<!tpu.dma_semaphore, #tpu.memory_space<semaphore_mem>>
      %dma_start3A_210 = arith.constant 0 : i32
      %dma_start3A_211 = tpu.memref_slice %arg3[%add3A_4, %dma_start3A_210] : memref<4096x50xi32, #tpu.memory_space<hbm>> -> memref<32x50xi32, #tpu.memory_space<hbm>>
      %dma_start3A_212 = arith.constant 0 : i32
      %dma_start3A_213 = tpu.memref_slice %arg3[%add3A_4, %dma_start3A_212] : memref<4096x50xi32, #tpu.memory_space<hbm>> -> memref<32x50xi32, #tpu.memory_space<hbm>>
      tpu.enqueue_dma source(%dma_start3A_213 : memref<32x50xi32, #tpu.memory_space<hbm>>) target(%arg5 : memref<32x50xi32, #tpu.memory_space<vmem>>) target_semaphore(%run_scoped3A : memref<!tpu.dma_semaphore, #tpu.memory_space<semaphore_mem>>)
      %dma_wait3A_214 = arith.constant 0 : i32
      %dma_wait3A_215 = tpu.memref_slice %arg3[%add3A_4, %dma_wait3A_214] : memref<4096x50xi32, #tpu.memory_space<hbm>> -> memref<32x50xi32, #tpu.memory_space<hbm>>
      %dma_wait3A_216 = arith.constant 0 : i32
      %dma_wait3A_217 = tpu.memref_slice %arg3[%add3A_4, %dma_wait3A_216] : memref<4096x50xi32, #tpu.memory_space<hbm>> -> memref<32x50xi32, #tpu.memory_space<hbm>>
      tpu.wait_dma2 semaphore(%run_scoped3A : memref<!tpu.dma_semaphore, #tpu.memory_space<semaphore_mem>>) src(%dma_wait3A_217 : memref<32x50xi32, #tpu.memory_space<hbm>>) dst(%arg5 : memref<32x50xi32, #tpu.memory_space<vmem>>)
      tpu.yield
    }) : () -> ()
    %dma_start3A = arith.constant 0 : i32
    %dma_start3A_7 = arith.constant 0 : i32
    %dma_start3A_8 = arith.constant 0 : i32
    %dma_start3A_9 = arith.constant 0 : i32
    %dma_start3A_10 = tpu.memref_slice %arg6[%dma_start3A_7, %dma_start3A_8, %dma_start3A_9] : memref<8x56x128xf32, #tpu.memory_space<vmem>> -> memref<1x50x128xf32, #tpu.memory_space<vmem>>
    %dma_start3A_11 = tpu.memref_squeeze %dma_start3A_10 : memref<1x50x128xf32, #tpu.memory_space<vmem>> -> memref<50x128xf32, #tpu.memory_space<vmem>>
    %dma_start3A_12 = arith.constant 0 : i32
    %dma_start3A_13 = tpu.memref_slice %arg5[%dma_start3A, %dma_start3A_12] : memref<32x50xi32, #tpu.memory_space<vmem>> -> memref<1x50xi32, #tpu.memory_space<vmem>>
    %dma_start3A_14 = tpu.memref_squeeze %dma_start3A_13 : memref<1x50xi32, #tpu.memory_space<vmem>> -> memref<50xi32, #tpu.memory_space<vmem>>
    %dma_start3A_15 = arith.constant 0 : i32
    %dma_start3A_16 = arith.constant 0 : i32
    %dma_start3A_17 = tpu.memref_slice %arg2[%dma_start3A_15, %dma_start3A_16] : memref<100000x128xf32, #tpu.memory_space<hbm>> -> memref<100000x128xf32, #tpu.memory_space<hbm>>
    tpu.enqueue_indirect_dma source(%dma_start3A_17 : memref<100000x128xf32, #tpu.memory_space<hbm>>) target(%dma_start3A_11 : memref<50x128xf32, #tpu.memory_space<vmem>>) offsets(%dma_start3A_14 : memref<50xi32, #tpu.memory_space<vmem>>) semaphore(%arg7 : memref<!tpu.dma_semaphore, #tpu.memory_space<semaphore_mem>>)
    %dma_start3A_18 = arith.constant 1 : i32
    %dma_start3A_19 = arith.constant 1 : i32
    %dma_start3A_20 = arith.constant 0 : i32
    %dma_start3A_21 = arith.constant 0 : i32
    %dma_start3A_22 = tpu.memref_slice %arg6[%dma_start3A_19, %dma_start3A_20, %dma_start3A_21] : memref<8x56x128xf32, #tpu.memory_space<vmem>> -> memref<1x50x128xf32, #tpu.memory_space<vmem>>
    %dma_start3A_23 = tpu.memref_squeeze %dma_start3A_22 : memref<1x50x128xf32, #tpu.memory_space<vmem>> -> memref<50x128xf32, #tpu.memory_space<vmem>>
    %dma_start3A_24 = arith.constant 0 : i32
    %dma_start3A_25 = tpu.memref_slice %arg5[%dma_start3A_18, %dma_start3A_24] : memref<32x50xi32, #tpu.memory_space<vmem>> -> memref<1x50xi32, #tpu.memory_space<vmem>>
    %dma_start3A_26 = tpu.memref_squeeze %dma_start3A_25 : memref<1x50xi32, #tpu.memory_space<vmem>> -> memref<50xi32, #tpu.memory_space<vmem>>
    %dma_start3A_27 = arith.constant 0 : i32
    %dma_start3A_28 = arith.constant 0 : i32
    %dma_start3A_29 = tpu.memref_slice %arg2[%dma_start3A_27, %dma_start3A_28] : memref<100000x128xf32, #tpu.memory_space<hbm>> -> memref<100000x128xf32, #tpu.memory_space<hbm>>
    tpu.enqueue_indirect_dma source(%dma_start3A_29 : memref<100000x128xf32, #tpu.memory_space<hbm>>) target(%dma_start3A_23 : memref<50x128xf32, #tpu.memory_space<vmem>>) offsets(%dma_start3A_26 : memref<50xi32, #tpu.memory_space<vmem>>) semaphore(%arg8 : memref<!tpu.dma_semaphore, #tpu.memory_space<semaphore_mem>>)
    %dma_start3A_30 = arith.constant 2 : i32
    %dma_start3A_31 = arith.constant 2 : i32
    %dma_start3A_32 = arith.constant 0 : i32
    %dma_start3A_33 = arith.constant 0 : i32
    %dma_start3A_34 = tpu.memref_slice %arg6[%dma_start3A_31, %dma_start3A_32, %dma_start3A_33] : memref<8x56x128xf32, #tpu.memory_space<vmem>> -> memref<1x50x128xf32, #tpu.memory_space<vmem>>
    %dma_start3A_35 = tpu.memref_squeeze %dma_start3A_34 : memref<1x50x128xf32, #tpu.memory_space<vmem>> -> memref<50x128xf32, #tpu.memory_space<vmem>>
    %dma_start3A_36 = arith.constant 0 : i32
    %dma_start3A_37 = tpu.memref_slice %arg5[%dma_start3A_30, %dma_start3A_36] : memref<32x50xi32, #tpu.memory_space<vmem>> -> memref<1x50xi32, #tpu.memory_space<vmem>>
    %dma_start3A_38 = tpu.memref_squeeze %dma_start3A_37 : memref<1x50xi32, #tpu.memory_space<vmem>> -> memref<50xi32, #tpu.memory_space<vmem>>
    %dma_start3A_39 = arith.constant 0 : i32
    %dma_start3A_40 = arith.constant 0 : i32
    %dma_start3A_41 = tpu.memref_slice %arg2[%dma_start3A_39, %dma_start3A_40] : memref<100000x128xf32, #tpu.memory_space<hbm>> -> memref<100000x128xf32, #tpu.memory_space<hbm>>
    tpu.enqueue_indirect_dma source(%dma_start3A_41 : memref<100000x128xf32, #tpu.memory_space<hbm>>) target(%dma_start3A_35 : memref<50x128xf32, #tpu.memory_space<vmem>>) offsets(%dma_start3A_38 : memref<50xi32, #tpu.memory_space<vmem>>) semaphore(%arg9 : memref<!tpu.dma_semaphore, #tpu.memory_space<semaphore_mem>>)
    %dma_start3A_42 = arith.constant 3 : i32
    %dma_start3A_43 = arith.constant 3 : i32
    %dma_start3A_44 = arith.constant 0 : i32
    %dma_start3A_45 = arith.constant 0 : i32
    %dma_start3A_46 = tpu.memref_slice %arg6[%dma_start3A_43, %dma_start3A_44, %dma_start3A_45] : memref<8x56x128xf32, #tpu.memory_space<vmem>> -> memref<1x50x128xf32, #tpu.memory_space<vmem>>
    %dma_start3A_47 = tpu.memref_squeeze %dma_start3A_46 : memref<1x50x128xf32, #tpu.memory_space<vmem>> -> memref<50x128xf32, #tpu.memory_space<vmem>>
    %dma_start3A_48 = arith.constant 0 : i32
    %dma_start3A_49 = tpu.memref_slice %arg5[%dma_start3A_42, %dma_start3A_48] : memref<32x50xi32, #tpu.memory_space<vmem>> -> memref<1x50xi32, #tpu.memory_space<vmem>>
    %dma_start3A_50 = tpu.memref_squeeze %dma_start3A_49 : memref<1x50xi32, #tpu.memory_space<vmem>> -> memref<50xi32, #tpu.memory_space<vmem>>
    %dma_start3A_51 = arith.constant 0 : i32
    %dma_start3A_52 = arith.constant 0 : i32
    %dma_start3A_53 = tpu.memref_slice %arg2[%dma_start3A_51, %dma_start3A_52] : memref<100000x128xf32, #tpu.memory_space<hbm>> -> memref<100000x128xf32, #tpu.memory_space<hbm>>
    tpu.enqueue_indirect_dma source(%dma_start3A_53 : memref<100000x128xf32, #tpu.memory_space<hbm>>) target(%dma_start3A_47 : memref<50x128xf32, #tpu.memory_space<vmem>>) offsets(%dma_start3A_50 : memref<50xi32, #tpu.memory_space<vmem>>) semaphore(%arg10 : memref<!tpu.dma_semaphore, #tpu.memory_space<semaphore_mem>>)
    %scan3A = arith.constant 0 : i32
    %scan3A_54 = arith.constant 0 : i32
    %scan3A_55 = arith.constant 4 : i32
    %scan3A_56 = arith.addi %scan3A_54, %scan3A_55 : i32
    %scan3A_57 = arith.constant 1 : i32
    scf.for %scan3A_210 = %scan3A_54 to %scan3A_56 step %scan3A_57  : i32 {
      %mul3A_211 = arith.constant 8 : i32
      %mul3A_212 = arith.muli %scan3A_210, %mul3A_211 : i32
      %add3A_213 = arith.constant 0 : i32
      %add3A_214 = arith.addi %mul3A_212, %add3A_213 : i32
      %dma_wait3A_215 = arith.constant 0 : i32
      %dma_wait3A_216 = arith.constant 0 : i32
      %dma_wait3A_217 = arith.constant 0 : i32
      %dma_wait3A_218 = tpu.memref_slice %arg6[%dma_wait3A_215, %dma_wait3A_216, %dma_wait3A_217] : memref<8x56x128xf32, #tpu.memory_space<vmem>> -> memref<1x50x128xf32, #tpu.memory_space<vmem>>
      %dma_wait3A_219 = tpu.memref_squeeze %dma_wait3A_218 : memref<1x50x128xf32, #tpu.memory_space<vmem>> -> memref<50x128xf32, #tpu.memory_space<vmem>>
      %dma_wait3A_220 = arith.constant 0 : i32
      %dma_wait3A_221 = tpu.memref_slice %arg5[%add3A_214, %dma_wait3A_220] : memref<32x50xi32, #tpu.memory_space<vmem>> -> memref<1x50xi32, #tpu.memory_space<vmem>>
      %dma_wait3A_222 = tpu.memref_squeeze %dma_wait3A_221 : memref<1x50xi32, #tpu.memory_space<vmem>> -> memref<50xi32, #tpu.memory_space<vmem>>
      %dma_wait3A_223 = arith.constant 0 : i32
      %dma_wait3A_224 = arith.constant 0 : i32
      %dma_wait3A_225 = tpu.memref_slice %arg2[%dma_wait3A_223, %dma_wait3A_224] : memref<100000x128xf32, #tpu.memory_space<hbm>> -> memref<100000x128xf32, #tpu.memory_space<hbm>>
      tpu.wait_indirect_dma semaphore(%arg7 : memref<!tpu.dma_semaphore, #tpu.memory_space<semaphore_mem>>) src(%dma_wait3A_225 : memref<100000x128xf32, #tpu.memory_space<hbm>>) dst(%dma_wait3A_219 : memref<50x128xf32, #tpu.memory_space<vmem>>)
      %add3A_226 = arith.addi %mul3A_6, %add3A_214 : i32
      %dma_start3A_227 = arith.constant 0 : i32
      %dma_start3A_228 = arith.constant 0 : i32
      %dma_start3A_229 = arith.constant 0 : i32
      %dma_start3A_230 = tpu.memref_slice %arg6[%dma_start3A_227, %dma_start3A_228, %dma_start3A_229] : memref<8x56x128xf32, #tpu.memory_space<vmem>> -> memref<1x56x128xf32, #tpu.memory_space<vmem>>
      %dma_start3A_231 = tpu.memref_squeeze %dma_start3A_230 : memref<1x56x128xf32, #tpu.memory_space<vmem>> -> memref<56x128xf32, #tpu.memory_space<vmem>>
      %dma_start3A_232 = arith.constant 0 : i32
      %dma_start3A_233 = arith.constant 0 : i32
      %dma_start3A_234 = tpu.memref_slice %arg4[%add3A_226, %dma_start3A_232, %dma_start3A_233] : memref<1024x56x128xf32, #tpu.memory_space<hbm>> -> memref<1x56x128xf32, #tpu.memory_space<hbm>>
      %dma_start3A_235 = tpu.memref_squeeze %dma_start3A_234 : memref<1x56x128xf32, #tpu.memory_space<hbm>> -> memref<56x128xf32, #tpu.memory_space<hbm>>
      %dma_start3A_236 = arith.constant 0 : i32
      %dma_start3A_237 = arith.constant 0 : i32
      %dma_start3A_238 = tpu.memref_slice %arg4[%add3A_226, %dma_start3A_236, %dma_start3A_237] : memref<1024x56x128xf32, #tpu.memory_space<hbm>> -> memref<1x56x128xf32, #tpu.memory_space<hbm>>
      %dma_start3A_239 = tpu.memref_squeeze %dma_start3A_238 : memref<1x56x128xf32, #tpu.memory_space<hbm>> -> memref<56x128xf32, #tpu.memory_space<hbm>>
      %dma_start3A_240 = arith.constant 0 : i32
      %dma_start3A_241 = arith.constant 0 : i32
      %dma_start3A_242 = tpu.memref_slice %arg6[%dma_start3A_227, %dma_start3A_240, %dma_start3A_241] : memref<8x56x128xf32, #tpu.memory_space<vmem>> -> memref<1x56x128xf32, #tpu.memory_space<vmem>>
      %dma_start3A_243 = tpu.memref_squeeze %dma_start3A_242 : memref<1x56x128xf32, #tpu.memory_space<vmem>> -> memref<56x128xf32, #tpu.memory_space<vmem>>
      tpu.enqueue_dma source(%dma_start3A_243 : memref<56x128xf32, #tpu.memory_space<vmem>>) target(%dma_start3A_239 : memref<56x128xf32, #tpu.memory_space<hbm>>) target_semaphore(%arg15 : memref<!tpu.dma_semaphore, #tpu.memory_space<semaphore_mem>>)
      %add3A_244 = arith.constant 4 : i32
      %add3A_245 = arith.addi %add3A_214, %add3A_244 : i32
      %lt3A = arith.constant 32 : i32
      %lt3A_246 = arith.cmpi slt, %add3A_245, %lt3A : i32
      %convert_element_type3A = arith.extui %lt3A_246 : i1 to i32
      %cond3A = arith.constant 0 : i32
      %cond3A_247 = arith.cmpi ne, %convert_element_type3A, %cond3A : i32
      scf.if %cond3A_247 {
        %ge3A = arith.constant 8 : i32
        %ge3A_528 = arith.cmpi sge, %add3A_245, %ge3A : i32
        %convert_element_type3A_529 = arith.extui %ge3A_528 : i1 to i32
        %cond3A_530 = arith.constant 0 : i32
        %cond3A_531 = arith.cmpi ne, %convert_element_type3A_529, %cond3A_530 : i32
        scf.if %cond3A_531 {
          %sub3A = arith.constant 8 : i32
          %sub3A_543 = arith.subi %add3A_245, %sub3A : i32
          %add3A_544 = arith.addi %mul3A_6, %sub3A_543 : i32
          %dma_wait3A_545 = arith.constant 4 : i32
          %dma_wait3A_546 = arith.constant 0 : i32
          %dma_wait3A_547 = arith.constant 0 : i32
          %dma_wait3A_548 = tpu.memref_slice %arg6[%dma_wait3A_545, %dma_wait3A_546, %dma_wait3A_547] : memref<8x56x128xf32, #tpu.memory_space<vmem>> -> memref<1x56x128xf32, #tpu.memory_space<vmem>>
          %dma_wait3A_549 = tpu.memref_squeeze %dma_wait3A_548 : memref<1x56x128xf32, #tpu.memory_space<vmem>> -> memref<56x128xf32, #tpu.memory_space<vmem>>
          %dma_wait3A_550 = arith.constant 0 : i32
          %dma_wait3A_551 = arith.constant 0 : i32
          %dma_wait3A_552 = tpu.memref_slice %arg4[%add3A_544, %dma_wait3A_550, %dma_wait3A_551] : memref<1024x56x128xf32, #tpu.memory_space<hbm>> -> memref<1x56x128xf32, #tpu.memory_space<hbm>>
          %dma_wait3A_553 = tpu.memref_squeeze %dma_wait3A_552 : memref<1x56x128xf32, #tpu.memory_space<hbm>> -> memref<56x128xf32, #tpu.memory_space<hbm>>
          %dma_wait3A_554 = arith.constant 0 : i32
          %dma_wait3A_555 = arith.constant 0 : i32
          %dma_wait3A_556 = tpu.memref_slice %arg4[%add3A_544, %dma_wait3A_554, %dma_wait3A_555] : memref<1024x56x128xf32, #tpu.memory_space<hbm>> -> memref<1x56x128xf32, #tpu.memory_space<hbm>>
          %dma_wait3A_557 = tpu.memref_squeeze %dma_wait3A_556 : memref<1x56x128xf32, #tpu.memory_space<hbm>> -> memref<56x128xf32, #tpu.memory_space<hbm>>
          %dma_wait3A_558 = arith.constant 0 : i32
          %dma_wait3A_559 = arith.constant 0 : i32
          %dma_wait3A_560 = tpu.memref_slice %arg6[%dma_wait3A_545, %dma_wait3A_558, %dma_wait3A_559] : memref<8x56x128xf32, #tpu.memory_space<vmem>> -> memref<1x56x128xf32, #tpu.memory_space<vmem>>
          %dma_wait3A_561 = tpu.memref_squeeze %dma_wait3A_560 : memref<1x56x128xf32, #tpu.memory_space<vmem>> -> memref<56x128xf32, #tpu.memory_space<vmem>>
          tpu.wait_dma2 semaphore(%arg19 : memref<!tpu.dma_semaphore, #tpu.memory_space<semaphore_mem>>) src(%dma_wait3A_561 : memref<56x128xf32, #tpu.memory_space<vmem>>) dst(%dma_wait3A_557 : memref<56x128xf32, #tpu.memory_space<hbm>>)
        } else {
        }
        %dma_start3A_532 = arith.constant 4 : i32
        %dma_start3A_533 = arith.constant 0 : i32
        %dma_start3A_534 = arith.constant 0 : i32
        %dma_start3A_535 = tpu.memref_slice %arg6[%dma_start3A_532, %dma_start3A_533, %dma_start3A_534] : memref<8x56x128xf32, #tpu.memory_space<vmem>> -> memref<1x50x128xf32, #tpu.memory_space<vmem>>
        %dma_start3A_536 = tpu.memref_squeeze %dma_start3A_535 : memref<1x50x128xf32, #tpu.memory_space<vmem>> -> memref<50x128xf32, #tpu.memory_space<vmem>>
        %dma_start3A_537 = arith.constant 0 : i32
        %dma_start3A_538 = tpu.memref_slice %arg5[%add3A_245, %dma_start3A_537] : memref<32x50xi32, #tpu.memory_space<vmem>> -> memref<1x50xi32, #tpu.memory_space<vmem>>
        %dma_start3A_539 = tpu.memref_squeeze %dma_start3A_538 : memref<1x50xi32, #tpu.memory_space<vmem>> -> memref<50xi32, #tpu.memory_space<vmem>>
        %dma_start3A_540 = arith.constant 0 : i32
        %dma_start3A_541 = arith.constant 0 : i32
        %dma_start3A_542 = tpu.memref_slice %arg2[%dma_start3A_540, %dma_start3A_541] : memref<100000x128xf32, #tpu.memory_space<hbm>> -> memref<100000x128xf32, #tpu.memory_space<hbm>>
        tpu.enqueue_indirect_dma source(%dma_start3A_542 : memref<100000x128xf32, #tpu.memory_space<hbm>>) target(%dma_start3A_536 : memref<50x128xf32, #tpu.memory_space<vmem>>) offsets(%dma_start3A_539 : memref<50xi32, #tpu.memory_space<vmem>>) semaphore(%arg11 : memref<!tpu.dma_semaphore, #tpu.memory_space<semaphore_mem>>)
      } else {
      }
      %mul3A_248 = arith.constant 8 : i32
      %mul3A_249 = arith.muli %scan3A_210, %mul3A_248 : i32
      %add3A_250 = arith.constant 1 : i32
      %add3A_251 = arith.addi %mul3A_249, %add3A_250 : i32
      %dma_wait3A_252 = arith.constant 1 : i32
      %dma_wait3A_253 = arith.constant 0 : i32
      %dma_wait3A_254 = arith.constant 0 : i32
      %dma_wait3A_255 = tpu.memref_slice %arg6[%dma_wait3A_252, %dma_wait3A_253, %dma_wait3A_254] : memref<8x56x128xf32, #tpu.memory_space<vmem>> -> memref<1x50x128xf32, #tpu.memory_space<vmem>>
      %dma_wait3A_256 = tpu.memref_squeeze %dma_wait3A_255 : memref<1x50x128xf32, #tpu.memory_space<vmem>> -> memref<50x128xf32, #tpu.memory_space<vmem>>
      %dma_wait3A_257 = arith.constant 0 : i32
      %dma_wait3A_258 = tpu.memref_slice %arg5[%add3A_251, %dma_wait3A_257] : memref<32x50xi32, #tpu.memory_space<vmem>> -> memref<1x50xi32, #tpu.memory_space<vmem>>
      %dma_wait3A_259 = tpu.memref_squeeze %dma_wait3A_258 : memref<1x50xi32, #tpu.memory_space<vmem>> -> memref<50xi32, #tpu.memory_space<vmem>>
      %dma_wait3A_260 = arith.constant 0 : i32
      %dma_wait3A_261 = arith.constant 0 : i32
      %dma_wait3A_262 = tpu.memref_slice %arg2[%dma_wait3A_260, %dma_wait3A_261] : memref<100000x128xf32, #tpu.memory_space<hbm>> -> memref<100000x128xf32, #tpu.memory_space<hbm>>
      tpu.wait_indirect_dma semaphore(%arg8 : memref<!tpu.dma_semaphore, #tpu.memory_space<semaphore_mem>>) src(%dma_wait3A_262 : memref<100000x128xf32, #tpu.memory_space<hbm>>) dst(%dma_wait3A_256 : memref<50x128xf32, #tpu.memory_space<vmem>>)
      %add3A_263 = arith.addi %mul3A_6, %add3A_251 : i32
      %dma_start3A_264 = arith.constant 1 : i32
      %dma_start3A_265 = arith.constant 0 : i32
      %dma_start3A_266 = arith.constant 0 : i32
      %dma_start3A_267 = tpu.memref_slice %arg6[%dma_start3A_264, %dma_start3A_265, %dma_start3A_266] : memref<8x56x128xf32, #tpu.memory_space<vmem>> -> memref<1x56x128xf32, #tpu.memory_space<vmem>>
      %dma_start3A_268 = tpu.memref_squeeze %dma_start3A_267 : memref<1x56x128xf32, #tpu.memory_space<vmem>> -> memref<56x128xf32, #tpu.memory_space<vmem>>
      %dma_start3A_269 = arith.constant 0 : i32
      %dma_start3A_270 = arith.constant 0 : i32
      %dma_start3A_271 = tpu.memref_slice %arg4[%add3A_263, %dma_start3A_269, %dma_start3A_270] : memref<1024x56x128xf32, #tpu.memory_space<hbm>> -> memref<1x56x128xf32, #tpu.memory_space<hbm>>
      %dma_start3A_272 = tpu.memref_squeeze %dma_start3A_271 : memref<1x56x128xf32, #tpu.memory_space<hbm>> -> memref<56x128xf32, #tpu.memory_space<hbm>>
      %dma_start3A_273 = arith.constant 0 : i32
      %dma_start3A_274 = arith.constant 0 : i32
      %dma_start3A_275 = tpu.memref_slice %arg4[%add3A_263, %dma_start3A_273, %dma_start3A_274] : memref<1024x56x128xf32, #tpu.memory_space<hbm>> -> memref<1x56x128xf32, #tpu.memory_space<hbm>>
      %dma_start3A_276 = tpu.memref_squeeze %dma_start3A_275 : memref<1x56x128xf32, #tpu.memory_space<hbm>> -> memref<56x128xf32, #tpu.memory_space<hbm>>
      %dma_start3A_277 = arith.constant 0 : i32
      %dma_start3A_278 = arith.constant 0 : i32
      %dma_start3A_279 = tpu.memref_slice %arg6[%dma_start3A_264, %dma_start3A_277, %dma_start3A_278] : memref<8x56x128xf32, #tpu.memory_space<vmem>> -> memref<1x56x128xf32, #tpu.memory_space<vmem>>
      %dma_start3A_280 = tpu.memref_squeeze %dma_start3A_279 : memref<1x56x128xf32, #tpu.memory_space<vmem>> -> memref<56x128xf32, #tpu.memory_space<vmem>>
      tpu.enqueue_dma source(%dma_start3A_280 : memref<56x128xf32, #tpu.memory_space<vmem>>) target(%dma_start3A_276 : memref<56x128xf32, #tpu.memory_space<hbm>>) target_semaphore(%arg16 : memref<!tpu.dma_semaphore, #tpu.memory_space<semaphore_mem>>)
      %add3A_281 = arith.constant 4 : i32
      %add3A_282 = arith.addi %add3A_251, %add3A_281 : i32
      %lt3A_283 = arith.constant 32 : i32
      %lt3A_284 = arith.cmpi slt, %add3A_282, %lt3A_283 : i32
      %convert_element_type3A_285 = arith.extui %lt3A_284 : i1 to i32
      %cond3A_286 = arith.constant 0 : i32
      %cond3A_287 = arith.cmpi ne, %convert_element_type3A_285, %cond3A_286 : i32
      scf.if %cond3A_287 {
        %ge3A = arith.constant 8 : i32
        %ge3A_528 = arith.cmpi sge, %add3A_282, %ge3A : i32
        %convert_element_type3A_529 = arith.extui %ge3A_528 : i1 to i32
        %cond3A_530 = arith.constant 0 : i32
        %cond3A_531 = arith.cmpi ne, %convert_element_type3A_529, %cond3A_530 : i32
        scf.if %cond3A_531 {
          %sub3A = arith.constant 8 : i32
          %sub3A_543 = arith.subi %add3A_282, %sub3A : i32
          %add3A_544 = arith.addi %mul3A_6, %sub3A_543 : i32
          %dma_wait3A_545 = arith.constant 5 : i32
          %dma_wait3A_546 = arith.constant 0 : i32
          %dma_wait3A_547 = arith.constant 0 : i32
          %dma_wait3A_548 = tpu.memref_slice %arg6[%dma_wait3A_545, %dma_wait3A_546, %dma_wait3A_547] : memref<8x56x128xf32, #tpu.memory_space<vmem>> -> memref<1x56x128xf32, #tpu.memory_space<vmem>>
          %dma_wait3A_549 = tpu.memref_squeeze %dma_wait3A_548 : memref<1x56x128xf32, #tpu.memory_space<vmem>> -> memref<56x128xf32, #tpu.memory_space<vmem>>
          %dma_wait3A_550 = arith.constant 0 : i32
          %dma_wait3A_551 = arith.constant 0 : i32
          %dma_wait3A_552 = tpu.memref_slice %arg4[%add3A_544, %dma_wait3A_550, %dma_wait3A_551] : memref<1024x56x128xf32, #tpu.memory_space<hbm>> -> memref<1x56x128xf32, #tpu.memory_space<hbm>>
          %dma_wait3A_553 = tpu.memref_squeeze %dma_wait3A_552 : memref<1x56x128xf32, #tpu.memory_space<hbm>> -> memref<56x128xf32, #tpu.memory_space<hbm>>
          %dma_wait3A_554 = arith.constant 0 : i32
          %dma_wait3A_555 = arith.constant 0 : i32
          %dma_wait3A_556 = tpu.memref_slice %arg4[%add3A_544, %dma_wait3A_554, %dma_wait3A_555] : memref<1024x56x128xf32, #tpu.memory_space<hbm>> -> memref<1x56x128xf32, #tpu.memory_space<hbm>>
          %dma_wait3A_557 = tpu.memref_squeeze %dma_wait3A_556 : memref<1x56x128xf32, #tpu.memory_space<hbm>> -> memref<56x128xf32, #tpu.memory_space<hbm>>
          %dma_wait3A_558 = arith.constant 0 : i32
          %dma_wait3A_559 = arith.constant 0 : i32
          %dma_wait3A_560 = tpu.memref_slice %arg6[%dma_wait3A_545, %dma_wait3A_558, %dma_wait3A_559] : memref<8x56x128xf32, #tpu.memory_space<vmem>> -> memref<1x56x128xf32, #tpu.memory_space<vmem>>
          %dma_wait3A_561 = tpu.memref_squeeze %dma_wait3A_560 : memref<1x56x128xf32, #tpu.memory_space<vmem>> -> memref<56x128xf32, #tpu.memory_space<vmem>>
          tpu.wait_dma2 semaphore(%arg20 : memref<!tpu.dma_semaphore, #tpu.memory_space<semaphore_mem>>) src(%dma_wait3A_561 : memref<56x128xf32, #tpu.memory_space<vmem>>) dst(%dma_wait3A_557 : memref<56x128xf32, #tpu.memory_space<hbm>>)
        } else {
        }
        %dma_start3A_532 = arith.constant 5 : i32
        %dma_start3A_533 = arith.constant 0 : i32
        %dma_start3A_534 = arith.constant 0 : i32
        %dma_start3A_535 = tpu.memref_slice %arg6[%dma_start3A_532, %dma_start3A_533, %dma_start3A_534] : memref<8x56x128xf32, #tpu.memory_space<vmem>> -> memref<1x50x128xf32, #tpu.memory_space<vmem>>
        %dma_start3A_536 = tpu.memref_squeeze %dma_start3A_535 : memref<1x50x128xf32, #tpu.memory_space<vmem>> -> memref<50x128xf32, #tpu.memory_space<vmem>>
        %dma_start3A_537 = arith.constant 0 : i32
        %dma_start3A_538 = tpu.memref_slice %arg5[%add3A_282, %dma_start3A_537] : memref<32x50xi32, #tpu.memory_space<vmem>> -> memref<1x50xi32, #tpu.memory_space<vmem>>
        %dma_start3A_539 = tpu.memref_squeeze %dma_start3A_538 : memref<1x50xi32, #tpu.memory_space<vmem>> -> memref<50xi32, #tpu.memory_space<vmem>>
        %dma_start3A_540 = arith.constant 0 : i32
        %dma_start3A_541 = arith.constant 0 : i32
        %dma_start3A_542 = tpu.memref_slice %arg2[%dma_start3A_540, %dma_start3A_541] : memref<100000x128xf32, #tpu.memory_space<hbm>> -> memref<100000x128xf32, #tpu.memory_space<hbm>>
        tpu.enqueue_indirect_dma source(%dma_start3A_542 : memref<100000x128xf32, #tpu.memory_space<hbm>>) target(%dma_start3A_536 : memref<50x128xf32, #tpu.memory_space<vmem>>) offsets(%dma_start3A_539 : memref<50xi32, #tpu.memory_space<vmem>>) semaphore(%arg12 : memref<!tpu.dma_semaphore, #tpu.memory_space<semaphore_mem>>)
      } else {
      }
      %mul3A_288 = arith.constant 8 : i32
      %mul3A_289 = arith.muli %scan3A_210, %mul3A_288 : i32
      %add3A_290 = arith.constant 2 : i32
      %add3A_291 = arith.addi %mul3A_289, %add3A_290 : i32
      %dma_wait3A_292 = arith.constant 2 : i32
      %dma_wait3A_293 = arith.constant 0 : i32
      %dma_wait3A_294 = arith.constant 0 : i32
      %dma_wait3A_295 = tpu.memref_slice %arg6[%dma_wait3A_292, %dma_wait3A_293, %dma_wait3A_294] : memref<8x56x128xf32, #tpu.memory_space<vmem>> -> memref<1x50x128xf32, #tpu.memory_space<vmem>>
      %dma_wait3A_296 = tpu.memref_squeeze %dma_wait3A_295 : memref<1x50x128xf32, #tpu.memory_space<vmem>> -> memref<50x128xf32, #tpu.memory_space<vmem>>
      %dma_wait3A_297 = arith.constant 0 : i32
      %dma_wait3A_298 = tpu.memref_slice %arg5[%add3A_291, %dma_wait3A_297] : memref<32x50xi32, #tpu.memory_space<vmem>> -> memref<1x50xi32, #tpu.memory_space<vmem>>
      %dma_wait3A_299 = tpu.memref_squeeze %dma_wait3A_298 : memref<1x50xi32, #tpu.memory_space<vmem>> -> memref<50xi32, #tpu.memory_space<vmem>>
      %dma_wait3A_300 = arith.constant 0 : i32
      %dma_wait3A_301 = arith.constant 0 : i32
      %dma_wait3A_302 = tpu.memref_slice %arg2[%dma_wait3A_300, %dma_wait3A_301] : memref<100000x128xf32, #tpu.memory_space<hbm>> -> memref<100000x128xf32, #tpu.memory_space<hbm>>
      tpu.wait_indirect_dma semaphore(%arg9 : memref<!tpu.dma_semaphore, #tpu.memory_space<semaphore_mem>>) src(%dma_wait3A_302 : memref<100000x128xf32, #tpu.memory_space<hbm>>) dst(%dma_wait3A_296 : memref<50x128xf32, #tpu.memory_space<vmem>>)
      %add3A_303 = arith.addi %mul3A_6, %add3A_291 : i32
      %dma_start3A_304 = arith.constant 2 : i32
      %dma_start3A_305 = arith.constant 0 : i32
      %dma_start3A_306 = arith.constant 0 : i32
      %dma_start3A_307 = tpu.memref_slice %arg6[%dma_start3A_304, %dma_start3A_305, %dma_start3A_306] : memref<8x56x128xf32, #tpu.memory_space<vmem>> -> memref<1x56x128xf32, #tpu.memory_space<vmem>>
      %dma_start3A_308 = tpu.memref_squeeze %dma_start3A_307 : memref<1x56x128xf32, #tpu.memory_space<vmem>> -> memref<56x128xf32, #tpu.memory_space<vmem>>
      %dma_start3A_309 = arith.constant 0 : i32
      %dma_start3A_310 = arith.constant 0 : i32
      %dma_start3A_311 = tpu.memref_slice %arg4[%add3A_303, %dma_start3A_309, %dma_start3A_310] : memref<1024x56x128xf32, #tpu.memory_space<hbm>> -> memref<1x56x128xf32, #tpu.memory_space<hbm>>
      %dma_start3A_312 = tpu.memref_squeeze %dma_start3A_311 : memref<1x56x128xf32, #tpu.memory_space<hbm>> -> memref<56x128xf32, #tpu.memory_space<hbm>>
      %dma_start3A_313 = arith.constant 0 : i32
      %dma_start3A_314 = arith.constant 0 : i32
      %dma_start3A_315 = tpu.memref_slice %arg4[%add3A_303, %dma_start3A_313, %dma_start3A_314] : memref<1024x56x128xf32, #tpu.memory_space<hbm>> -> memref<1x56x128xf32, #tpu.memory_space<hbm>>
      %dma_start3A_316 = tpu.memref_squeeze %dma_start3A_315 : memref<1x56x128xf32, #tpu.memory_space<hbm>> -> memref<56x128xf32, #tpu.memory_space<hbm>>
      %dma_start3A_317 = arith.constant 0 : i32
      %dma_start3A_318 = arith.constant 0 : i32
      %dma_start3A_319 = tpu.memref_slice %arg6[%dma_start3A_304, %dma_start3A_317, %dma_start3A_318] : memref<8x56x128xf32, #tpu.memory_space<vmem>> -> memref<1x56x128xf32, #tpu.memory_space<vmem>>
      %dma_start3A_320 = tpu.memref_squeeze %dma_start3A_319 : memref<1x56x128xf32, #tpu.memory_space<vmem>> -> memref<56x128xf32, #tpu.memory_space<vmem>>
      tpu.enqueue_dma source(%dma_start3A_320 : memref<56x128xf32, #tpu.memory_space<vmem>>) target(%dma_start3A_316 : memref<56x128xf32, #tpu.memory_space<hbm>>) target_semaphore(%arg17 : memref<!tpu.dma_semaphore, #tpu.memory_space<semaphore_mem>>)
      %add3A_321 = arith.constant 4 : i32
      %add3A_322 = arith.addi %add3A_291, %add3A_321 : i32
      %lt3A_323 = arith.constant 32 : i32
      %lt3A_324 = arith.cmpi slt, %add3A_322, %lt3A_323 : i32
      %convert_element_type3A_325 = arith.extui %lt3A_324 : i1 to i32
      %cond3A_326 = arith.constant 0 : i32
      %cond3A_327 = arith.cmpi ne, %convert_element_type3A_325, %cond3A_326 : i32
      scf.if %cond3A_327 {
        %ge3A = arith.constant 8 : i32
        %ge3A_528 = arith.cmpi sge, %add3A_322, %ge3A : i32
        %convert_element_type3A_529 = arith.extui %ge3A_528 : i1 to i32
        %cond3A_530 = arith.constant 0 : i32
        %cond3A_531 = arith.cmpi ne, %convert_element_type3A_529, %cond3A_530 : i32
        scf.if %cond3A_531 {
          %sub3A = arith.constant 8 : i32
          %sub3A_543 = arith.subi %add3A_322, %sub3A : i32
          %add3A_544 = arith.addi %mul3A_6, %sub3A_543 : i32
          %dma_wait3A_545 = arith.constant 6 : i32
          %dma_wait3A_546 = arith.constant 0 : i32
          %dma_wait3A_547 = arith.constant 0 : i32
          %dma_wait3A_548 = tpu.memref_slice %arg6[%dma_wait3A_545, %dma_wait3A_546, %dma_wait3A_547] : memref<8x56x128xf32, #tpu.memory_space<vmem>> -> memref<1x56x128xf32, #tpu.memory_space<vmem>>
          %dma_wait3A_549 = tpu.memref_squeeze %dma_wait3A_548 : memref<1x56x128xf32, #tpu.memory_space<vmem>> -> memref<56x128xf32, #tpu.memory_space<vmem>>
          %dma_wait3A_550 = arith.constant 0 : i32
          %dma_wait3A_551 = arith.constant 0 : i32
          %dma_wait3A_552 = tpu.memref_slice %arg4[%add3A_544, %dma_wait3A_550, %dma_wait3A_551] : memref<1024x56x128xf32, #tpu.memory_space<hbm>> -> memref<1x56x128xf32, #tpu.memory_space<hbm>>
          %dma_wait3A_553 = tpu.memref_squeeze %dma_wait3A_552 : memref<1x56x128xf32, #tpu.memory_space<hbm>> -> memref<56x128xf32, #tpu.memory_space<hbm>>
          %dma_wait3A_554 = arith.constant 0 : i32
          %dma_wait3A_555 = arith.constant 0 : i32
          %dma_wait3A_556 = tpu.memref_slice %arg4[%add3A_544, %dma_wait3A_554, %dma_wait3A_555] : memref<1024x56x128xf32, #tpu.memory_space<hbm>> -> memref<1x56x128xf32, #tpu.memory_space<hbm>>
          %dma_wait3A_557 = tpu.memref_squeeze %dma_wait3A_556 : memref<1x56x128xf32, #tpu.memory_space<hbm>> -> memref<56x128xf32, #tpu.memory_space<hbm>>
          %dma_wait3A_558 = arith.constant 0 : i32
          %dma_wait3A_559 = arith.constant 0 : i32
          %dma_wait3A_560 = tpu.memref_slice %arg6[%dma_wait3A_545, %dma_wait3A_558, %dma_wait3A_559] : memref<8x56x128xf32, #tpu.memory_space<vmem>> -> memref<1x56x128xf32, #tpu.memory_space<vmem>>
          %dma_wait3A_561 = tpu.memref_squeeze %dma_wait3A_560 : memref<1x56x128xf32, #tpu.memory_space<vmem>> -> memref<56x128xf32, #tpu.memory_space<vmem>>
          tpu.wait_dma2 semaphore(%arg21 : memref<!tpu.dma_semaphore, #tpu.memory_space<semaphore_mem>>) src(%dma_wait3A_561 : memref<56x128xf32, #tpu.memory_space<vmem>>) dst(%dma_wait3A_557 : memref<56x128xf32, #tpu.memory_space<hbm>>)
        } else {
        }
        %dma_start3A_532 = arith.constant 6 : i32
        %dma_start3A_533 = arith.constant 0 : i32
        %dma_start3A_534 = arith.constant 0 : i32
        %dma_start3A_535 = tpu.memref_slice %arg6[%dma_start3A_532, %dma_start3A_533, %dma_start3A_534] : memref<8x56x128xf32, #tpu.memory_space<vmem>> -> memref<1x50x128xf32, #tpu.memory_space<vmem>>
        %dma_start3A_536 = tpu.memref_squeeze %dma_start3A_535 : memref<1x50x128xf32, #tpu.memory_space<vmem>> -> memref<50x128xf32, #tpu.memory_space<vmem>>
        %dma_start3A_537 = arith.constant 0 : i32
        %dma_start3A_538 = tpu.memref_slice %arg5[%add3A_322, %dma_start3A_537] : memref<32x50xi32, #tpu.memory_space<vmem>> -> memref<1x50xi32, #tpu.memory_space<vmem>>
        %dma_start3A_539 = tpu.memref_squeeze %dma_start3A_538 : memref<1x50xi32, #tpu.memory_space<vmem>> -> memref<50xi32, #tpu.memory_space<vmem>>
        %dma_start3A_540 = arith.constant 0 : i32
        %dma_start3A_541 = arith.constant 0 : i32
        %dma_start3A_542 = tpu.memref_slice %arg2[%dma_start3A_540, %dma_start3A_541] : memref<100000x128xf32, #tpu.memory_space<hbm>> -> memref<100000x128xf32, #tpu.memory_space<hbm>>
        tpu.enqueue_indirect_dma source(%dma_start3A_542 : memref<100000x128xf32, #tpu.memory_space<hbm>>) target(%dma_start3A_536 : memref<50x128xf32, #tpu.memory_space<vmem>>) offsets(%dma_start3A_539 : memref<50xi32, #tpu.memory_space<vmem>>) semaphore(%arg13 : memref<!tpu.dma_semaphore, #tpu.memory_space<semaphore_mem>>)
      } else {
      }
      %mul3A_328 = arith.constant 8 : i32
      %mul3A_329 = arith.muli %scan3A_210, %mul3A_328 : i32
      %add3A_330 = arith.constant 3 : i32
      %add3A_331 = arith.addi %mul3A_329, %add3A_330 : i32
      %dma_wait3A_332 = arith.constant 3 : i32
      %dma_wait3A_333 = arith.constant 0 : i32
      %dma_wait3A_334 = arith.constant 0 : i32
      %dma_wait3A_335 = tpu.memref_slice %arg6[%dma_wait3A_332, %dma_wait3A_333, %dma_wait3A_334] : memref<8x56x128xf32, #tpu.memory_space<vmem>> -> memref<1x50x128xf32, #tpu.memory_space<vmem>>
      %dma_wait3A_336 = tpu.memref_squeeze %dma_wait3A_335 : memref<1x50x128xf32, #tpu.memory_space<vmem>> -> memref<50x128xf32, #tpu.memory_space<vmem>>
      %dma_wait3A_337 = arith.constant 0 : i32
      %dma_wait3A_338 = tpu.memref_slice %arg5[%add3A_331, %dma_wait3A_337] : memref<32x50xi32, #tpu.memory_space<vmem>> -> memref<1x50xi32, #tpu.memory_space<vmem>>
      %dma_wait3A_339 = tpu.memref_squeeze %dma_wait3A_338 : memref<1x50xi32, #tpu.memory_space<vmem>> -> memref<50xi32, #tpu.memory_space<vmem>>
      %dma_wait3A_340 = arith.constant 0 : i32
      %dma_wait3A_341 = arith.constant 0 : i32
      %dma_wait3A_342 = tpu.memref_slice %arg2[%dma_wait3A_340, %dma_wait3A_341] : memref<100000x128xf32, #tpu.memory_space<hbm>> -> memref<100000x128xf32, #tpu.memory_space<hbm>>
      tpu.wait_indirect_dma semaphore(%arg10 : memref<!tpu.dma_semaphore, #tpu.memory_space<semaphore_mem>>) src(%dma_wait3A_342 : memref<100000x128xf32, #tpu.memory_space<hbm>>) dst(%dma_wait3A_336 : memref<50x128xf32, #tpu.memory_space<vmem>>)
      %add3A_343 = arith.addi %mul3A_6, %add3A_331 : i32
      %dma_start3A_344 = arith.constant 3 : i32
      %dma_start3A_345 = arith.constant 0 : i32
      %dma_start3A_346 = arith.constant 0 : i32
      %dma_start3A_347 = tpu.memref_slice %arg6[%dma_start3A_344, %dma_start3A_345, %dma_start3A_346] : memref<8x56x128xf32, #tpu.memory_space<vmem>> -> memref<1x56x128xf32, #tpu.memory_space<vmem>>
      %dma_start3A_348 = tpu.memref_squeeze %dma_start3A_347 : memref<1x56x128xf32, #tpu.memory_space<vmem>> -> memref<56x128xf32, #tpu.memory_space<vmem>>
      %dma_start3A_349 = arith.constant 0 : i32
      %dma_start3A_350 = arith.constant 0 : i32
      %dma_start3A_351 = tpu.memref_slice %arg4[%add3A_343, %dma_start3A_349, %dma_start3A_350] : memref<1024x56x128xf32, #tpu.memory_space<hbm>> -> memref<1x56x128xf32, #tpu.memory_space<hbm>>
      %dma_start3A_352 = tpu.memref_squeeze %dma_start3A_351 : memref<1x56x128xf32, #tpu.memory_space<hbm>> -> memref<56x128xf32, #tpu.memory_space<hbm>>
      %dma_start3A_353 = arith.constant 0 : i32
      %dma_start3A_354 = arith.constant 0 : i32
      %dma_start3A_355 = tpu.memref_slice %arg4[%add3A_343, %dma_start3A_353, %dma_start3A_354] : memref<1024x56x128xf32, #tpu.memory_space<hbm>> -> memref<1x56x128xf32, #tpu.memory_space<hbm>>
      %dma_start3A_356 = tpu.memref_squeeze %dma_start3A_355 : memref<1x56x128xf32, #tpu.memory_space<hbm>> -> memref<56x128xf32, #tpu.memory_space<hbm>>
      %dma_start3A_357 = arith.constant 0 : i32
      %dma_start3A_358 = arith.constant 0 : i32
      %dma_start3A_359 = tpu.memref_slice %arg6[%dma_start3A_344, %dma_start3A_357, %dma_start3A_358] : memref<8x56x128xf32, #tpu.memory_space<vmem>> -> memref<1x56x128xf32, #tpu.memory_space<vmem>>
      %dma_start3A_360 = tpu.memref_squeeze %dma_start3A_359 : memref<1x56x128xf32, #tpu.memory_space<vmem>> -> memref<56x128xf32, #tpu.memory_space<vmem>>
      tpu.enqueue_dma source(%dma_start3A_360 : memref<56x128xf32, #tpu.memory_space<vmem>>) target(%dma_start3A_356 : memref<56x128xf32, #tpu.memory_space<hbm>>) target_semaphore(%arg18 : memref<!tpu.dma_semaphore, #tpu.memory_space<semaphore_mem>>)
      %add3A_361 = arith.constant 4 : i32
      %add3A_362 = arith.addi %add3A_331, %add3A_361 : i32
      %lt3A_363 = arith.constant 32 : i32
      %lt3A_364 = arith.cmpi slt, %add3A_362, %lt3A_363 : i32
      %convert_element_type3A_365 = arith.extui %lt3A_364 : i1 to i32
      %cond3A_366 = arith.constant 0 : i32
      %cond3A_367 = arith.cmpi ne, %convert_element_type3A_365, %cond3A_366 : i32
      scf.if %cond3A_367 {
        %ge3A = arith.constant 8 : i32
        %ge3A_528 = arith.cmpi sge, %add3A_362, %ge3A : i32
        %convert_element_type3A_529 = arith.extui %ge3A_528 : i1 to i32
        %cond3A_530 = arith.constant 0 : i32
        %cond3A_531 = arith.cmpi ne, %convert_element_type3A_529, %cond3A_530 : i32
        scf.if %cond3A_531 {
          %sub3A = arith.constant 8 : i32
          %sub3A_543 = arith.subi %add3A_362, %sub3A : i32
          %add3A_544 = arith.addi %mul3A_6, %sub3A_543 : i32
          %dma_wait3A_545 = arith.constant 7 : i32
          %dma_wait3A_546 = arith.constant 0 : i32
          %dma_wait3A_547 = arith.constant 0 : i32
          %dma_wait3A_548 = tpu.memref_slice %arg6[%dma_wait3A_545, %dma_wait3A_546, %dma_wait3A_547] : memref<8x56x128xf32, #tpu.memory_space<vmem>> -> memref<1x56x128xf32, #tpu.memory_space<vmem>>
          %dma_wait3A_549 = tpu.memref_squeeze %dma_wait3A_548 : memref<1x56x128xf32, #tpu.memory_space<vmem>> -> memref<56x128xf32, #tpu.memory_space<vmem>>
          %dma_wait3A_550 = arith.constant 0 : i32
          %dma_wait3A_551 = arith.constant 0 : i32
          %dma_wait3A_552 = tpu.memref_slice %arg4[%add3A_544, %dma_wait3A_550, %dma_wait3A_551] : memref<1024x56x128xf32, #tpu.memory_space<hbm>> -> memref<1x56x128xf32, #tpu.memory_space<hbm>>
          %dma_wait3A_553 = tpu.memref_squeeze %dma_wait3A_552 : memref<1x56x128xf32, #tpu.memory_space<hbm>> -> memref<56x128xf32, #tpu.memory_space<hbm>>
          %dma_wait3A_554 = arith.constant 0 : i32
          %dma_wait3A_555 = arith.constant 0 : i32
          %dma_wait3A_556 = tpu.memref_slice %arg4[%add3A_544, %dma_wait3A_554, %dma_wait3A_555] : memref<1024x56x128xf32, #tpu.memory_space<hbm>> -> memref<1x56x128xf32, #tpu.memory_space<hbm>>
          %dma_wait3A_557 = tpu.memref_squeeze %dma_wait3A_556 : memref<1x56x128xf32, #tpu.memory_space<hbm>> -> memref<56x128xf32, #tpu.memory_space<hbm>>
          %dma_wait3A_558 = arith.constant 0 : i32
          %dma_wait3A_559 = arith.constant 0 : i32
          %dma_wait3A_560 = tpu.memref_slice %arg6[%dma_wait3A_545, %dma_wait3A_558, %dma_wait3A_559] : memref<8x56x128xf32, #tpu.memory_space<vmem>> -> memref<1x56x128xf32, #tpu.memory_space<vmem>>
          %dma_wait3A_561 = tpu.memref_squeeze %dma_wait3A_560 : memref<1x56x128xf32, #tpu.memory_space<vmem>> -> memref<56x128xf32, #tpu.memory_space<vmem>>
          tpu.wait_dma2 semaphore(%arg22 : memref<!tpu.dma_semaphore, #tpu.memory_space<semaphore_mem>>) src(%dma_wait3A_561 : memref<56x128xf32, #tpu.memory_space<vmem>>) dst(%dma_wait3A_557 : memref<56x128xf32, #tpu.memory_space<hbm>>)
        } else {
        }
        %dma_start3A_532 = arith.constant 7 : i32
        %dma_start3A_533 = arith.constant 0 : i32
        %dma_start3A_534 = arith.constant 0 : i32
        %dma_start3A_535 = tpu.memref_slice %arg6[%dma_start3A_532, %dma_start3A_533, %dma_start3A_534] : memref<8x56x128xf32, #tpu.memory_space<vmem>> -> memref<1x50x128xf32, #tpu.memory_space<vmem>>
        %dma_start3A_536 = tpu.memref_squeeze %dma_start3A_535 : memref<1x50x128xf32, #tpu.memory_space<vmem>> -> memref<50x128xf32, #tpu.memory_space<vmem>>
        %dma_start3A_537 = arith.constant 0 : i32
        %dma_start3A_538 = tpu.memref_slice %arg5[%add3A_362, %dma_start3A_537] : memref<32x50xi32, #tpu.memory_space<vmem>> -> memref<1x50xi32, #tpu.memory_space<vmem>>
        %dma_start3A_539 = tpu.memref_squeeze %dma_start3A_538 : memref<1x50xi32, #tpu.memory_space<vmem>> -> memref<50xi32, #tpu.memory_space<vmem>>
        %dma_start3A_540 = arith.constant 0 : i32
        %dma_start3A_541 = arith.constant 0 : i32
        %dma_start3A_542 = tpu.memref_slice %arg2[%dma_start3A_540, %dma_start3A_541] : memref<100000x128xf32, #tpu.memory_space<hbm>> -> memref<100000x128xf32, #tpu.memory_space<hbm>>
        tpu.enqueue_indirect_dma source(%dma_start3A_542 : memref<100000x128xf32, #tpu.memory_space<hbm>>) target(%dma_start3A_536 : memref<50x128xf32, #tpu.memory_space<vmem>>) offsets(%dma_start3A_539 : memref<50xi32, #tpu.memory_space<vmem>>) semaphore(%arg14 : memref<!tpu.dma_semaphore, #tpu.memory_space<semaphore_mem>>)
      } else {
      }
      %mul3A_368 = arith.constant 8 : i32
      %mul3A_369 = arith.muli %scan3A_210, %mul3A_368 : i32
      %add3A_370 = arith.constant 4 : i32
      %add3A_371 = arith.addi %mul3A_369, %add3A_370 : i32
      %dma_wait3A_372 = arith.constant 4 : i32
      %dma_wait3A_373 = arith.constant 0 : i32
      %dma_wait3A_374 = arith.constant 0 : i32
      %dma_wait3A_375 = tpu.memref_slice %arg6[%dma_wait3A_372, %dma_wait3A_373, %dma_wait3A_374] : memref<8x56x128xf32, #tpu.memory_space<vmem>> -> memref<1x50x128xf32, #tpu.memory_space<vmem>>
      %dma_wait3A_376 = tpu.memref_squeeze %dma_wait3A_375 : memref<1x50x128xf32, #tpu.memory_space<vmem>> -> memref<50x128xf32, #tpu.memory_space<vmem>>
      %dma_wait3A_377 = arith.constant 0 : i32
      %dma_wait3A_378 = tpu.memref_slice %arg5[%add3A_371, %dma_wait3A_377] : memref<32x50xi32, #tpu.memory_space<vmem>> -> memref<1x50xi32, #tpu.memory_space<vmem>>
      %dma_wait3A_379 = tpu.memref_squeeze %dma_wait3A_378 : memref<1x50xi32, #tpu.memory_space<vmem>> -> memref<50xi32, #tpu.memory_space<vmem>>
      %dma_wait3A_380 = arith.constant 0 : i32
      %dma_wait3A_381 = arith.constant 0 : i32
      %dma_wait3A_382 = tpu.memref_slice %arg2[%dma_wait3A_380, %dma_wait3A_381] : memref<100000x128xf32, #tpu.memory_space<hbm>> -> memref<100000x128xf32, #tpu.memory_space<hbm>>
      tpu.wait_indirect_dma semaphore(%arg11 : memref<!tpu.dma_semaphore, #tpu.memory_space<semaphore_mem>>) src(%dma_wait3A_382 : memref<100000x128xf32, #tpu.memory_space<hbm>>) dst(%dma_wait3A_376 : memref<50x128xf32, #tpu.memory_space<vmem>>)
      %add3A_383 = arith.addi %mul3A_6, %add3A_371 : i32
      %dma_start3A_384 = arith.constant 4 : i32
      %dma_start3A_385 = arith.constant 0 : i32
      %dma_start3A_386 = arith.constant 0 : i32
      %dma_start3A_387 = tpu.memref_slice %arg6[%dma_start3A_384, %dma_start3A_385, %dma_start3A_386] : memref<8x56x128xf32, #tpu.memory_space<vmem>> -> memref<1x56x128xf32, #tpu.memory_space<vmem>>
      %dma_start3A_388 = tpu.memref_squeeze %dma_start3A_387 : memref<1x56x128xf32, #tpu.memory_space<vmem>> -> memref<56x128xf32, #tpu.memory_space<vmem>>
      %dma_start3A_389 = arith.constant 0 : i32
      %dma_start3A_390 = arith.constant 0 : i32
      %dma_start3A_391 = tpu.memref_slice %arg4[%add3A_383, %dma_start3A_389, %dma_start3A_390] : memref<1024x56x128xf32, #tpu.memory_space<hbm>> -> memref<1x56x128xf32, #tpu.memory_space<hbm>>
      %dma_start3A_392 = tpu.memref_squeeze %dma_start3A_391 : memref<1x56x128xf32, #tpu.memory_space<hbm>> -> memref<56x128xf32, #tpu.memory_space<hbm>>
      %dma_start3A_393 = arith.constant 0 : i32
      %dma_start3A_394 = arith.constant 0 : i32
      %dma_start3A_395 = tpu.memref_slice %arg4[%add3A_383, %dma_start3A_393, %dma_start3A_394] : memref<1024x56x128xf32, #tpu.memory_space<hbm>> -> memref<1x56x128xf32, #tpu.memory_space<hbm>>
      %dma_start3A_396 = tpu.memref_squeeze %dma_start3A_395 : memref<1x56x128xf32, #tpu.memory_space<hbm>> -> memref<56x128xf32, #tpu.memory_space<hbm>>
      %dma_start3A_397 = arith.constant 0 : i32
      %dma_start3A_398 = arith.constant 0 : i32
      %dma_start3A_399 = tpu.memref_slice %arg6[%dma_start3A_384, %dma_start3A_397, %dma_start3A_398] : memref<8x56x128xf32, #tpu.memory_space<vmem>> -> memref<1x56x128xf32, #tpu.memory_space<vmem>>
      %dma_start3A_400 = tpu.memref_squeeze %dma_start3A_399 : memref<1x56x128xf32, #tpu.memory_space<vmem>> -> memref<56x128xf32, #tpu.memory_space<vmem>>
      tpu.enqueue_dma source(%dma_start3A_400 : memref<56x128xf32, #tpu.memory_space<vmem>>) target(%dma_start3A_396 : memref<56x128xf32, #tpu.memory_space<hbm>>) target_semaphore(%arg19 : memref<!tpu.dma_semaphore, #tpu.memory_space<semaphore_mem>>)
      %add3A_401 = arith.constant 4 : i32
      %add3A_402 = arith.addi %add3A_371, %add3A_401 : i32
      %lt3A_403 = arith.constant 32 : i32
      %lt3A_404 = arith.cmpi slt, %add3A_402, %lt3A_403 : i32
      %convert_element_type3A_405 = arith.extui %lt3A_404 : i1 to i32
      %cond3A_406 = arith.constant 0 : i32
      %cond3A_407 = arith.cmpi ne, %convert_element_type3A_405, %cond3A_406 : i32
      scf.if %cond3A_407 {
        %ge3A = arith.constant 8 : i32
        %ge3A_528 = arith.cmpi sge, %add3A_402, %ge3A : i32
        %convert_element_type3A_529 = arith.extui %ge3A_528 : i1 to i32
        %cond3A_530 = arith.constant 0 : i32
        %cond3A_531 = arith.cmpi ne, %convert_element_type3A_529, %cond3A_530 : i32
        scf.if %cond3A_531 {
          %sub3A = arith.constant 8 : i32
          %sub3A_543 = arith.subi %add3A_402, %sub3A : i32
          %add3A_544 = arith.addi %mul3A_6, %sub3A_543 : i32
          %dma_wait3A_545 = arith.constant 0 : i32
          %dma_wait3A_546 = arith.constant 0 : i32
          %dma_wait3A_547 = arith.constant 0 : i32
          %dma_wait3A_548 = tpu.memref_slice %arg6[%dma_wait3A_545, %dma_wait3A_546, %dma_wait3A_547] : memref<8x56x128xf32, #tpu.memory_space<vmem>> -> memref<1x56x128xf32, #tpu.memory_space<vmem>>
          %dma_wait3A_549 = tpu.memref_squeeze %dma_wait3A_548 : memref<1x56x128xf32, #tpu.memory_space<vmem>> -> memref<56x128xf32, #tpu.memory_space<vmem>>
          %dma_wait3A_550 = arith.constant 0 : i32
          %dma_wait3A_551 = arith.constant 0 : i32
          %dma_wait3A_552 = tpu.memref_slice %arg4[%add3A_544, %dma_wait3A_550, %dma_wait3A_551] : memref<1024x56x128xf32, #tpu.memory_space<hbm>> -> memref<1x56x128xf32, #tpu.memory_space<hbm>>
          %dma_wait3A_553 = tpu.memref_squeeze %dma_wait3A_552 : memref<1x56x128xf32, #tpu.memory_space<hbm>> -> memref<56x128xf32, #tpu.memory_space<hbm>>
          %dma_wait3A_554 = arith.constant 0 : i32
          %dma_wait3A_555 = arith.constant 0 : i32
          %dma_wait3A_556 = tpu.memref_slice %arg4[%add3A_544, %dma_wait3A_554, %dma_wait3A_555] : memref<1024x56x128xf32, #tpu.memory_space<hbm>> -> memref<1x56x128xf32, #tpu.memory_space<hbm>>
          %dma_wait3A_557 = tpu.memref_squeeze %dma_wait3A_556 : memref<1x56x128xf32, #tpu.memory_space<hbm>> -> memref<56x128xf32, #tpu.memory_space<hbm>>
          %dma_wait3A_558 = arith.constant 0 : i32
          %dma_wait3A_559 = arith.constant 0 : i32
          %dma_wait3A_560 = tpu.memref_slice %arg6[%dma_wait3A_545, %dma_wait3A_558, %dma_wait3A_559] : memref<8x56x128xf32, #tpu.memory_space<vmem>> -> memref<1x56x128xf32, #tpu.memory_space<vmem>>
          %dma_wait3A_561 = tpu.memref_squeeze %dma_wait3A_560 : memref<1x56x128xf32, #tpu.memory_space<vmem>> -> memref<56x128xf32, #tpu.memory_space<vmem>>
          tpu.wait_dma2 semaphore(%arg15 : memref<!tpu.dma_semaphore, #tpu.memory_space<semaphore_mem>>) src(%dma_wait3A_561 : memref<56x128xf32, #tpu.memory_space<vmem>>) dst(%dma_wait3A_557 : memref<56x128xf32, #tpu.memory_space<hbm>>)
        } else {
        }
        %dma_start3A_532 = arith.constant 0 : i32
        %dma_start3A_533 = arith.constant 0 : i32
        %dma_start3A_534 = arith.constant 0 : i32
        %dma_start3A_535 = tpu.memref_slice %arg6[%dma_start3A_532, %dma_start3A_533, %dma_start3A_534] : memref<8x56x128xf32, #tpu.memory_space<vmem>> -> memref<1x50x128xf32, #tpu.memory_space<vmem>>
        %dma_start3A_536 = tpu.memref_squeeze %dma_start3A_535 : memref<1x50x128xf32, #tpu.memory_space<vmem>> -> memref<50x128xf32, #tpu.memory_space<vmem>>
        %dma_start3A_537 = arith.constant 0 : i32
        %dma_start3A_538 = tpu.memref_slice %arg5[%add3A_402, %dma_start3A_537] : memref<32x50xi32, #tpu.memory_space<vmem>> -> memref<1x50xi32, #tpu.memory_space<vmem>>
        %dma_start3A_539 = tpu.memref_squeeze %dma_start3A_538 : memref<1x50xi32, #tpu.memory_space<vmem>> -> memref<50xi32, #tpu.memory_space<vmem>>
        %dma_start3A_540 = arith.constant 0 : i32
        %dma_start3A_541 = arith.constant 0 : i32
        %dma_start3A_542 = tpu.memref_slice %arg2[%dma_start3A_540, %dma_start3A_541] : memref<100000x128xf32, #tpu.memory_space<hbm>> -> memref<100000x128xf32, #tpu.memory_space<hbm>>
        tpu.enqueue_indirect_dma source(%dma_start3A_542 : memref<100000x128xf32, #tpu.memory_space<hbm>>) target(%dma_start3A_536 : memref<50x128xf32, #tpu.memory_space<vmem>>) offsets(%dma_start3A_539 : memref<50xi32, #tpu.memory_space<vmem>>) semaphore(%arg7 : memref<!tpu.dma_semaphore, #tpu.memory_space<semaphore_mem>>)
      } else {
      }
      %mul3A_408 = arith.constant 8 : i32
      %mul3A_409 = arith.muli %scan3A_210, %mul3A_408 : i32
      %add3A_410 = arith.constant 5 : i32
      %add3A_411 = arith.addi %mul3A_409, %add3A_410 : i32
      %dma_wait3A_412 = arith.constant 5 : i32
      %dma_wait3A_413 = arith.constant 0 : i32
      %dma_wait3A_414 = arith.constant 0 : i32
      %dma_wait3A_415 = tpu.memref_slice %arg6[%dma_wait3A_412, %dma_wait3A_413, %dma_wait3A_414] : memref<8x56x128xf32, #tpu.memory_space<vmem>> -> memref<1x50x128xf32, #tpu.memory_space<vmem>>
      %dma_wait3A_416 = tpu.memref_squeeze %dma_wait3A_415 : memref<1x50x128xf32, #tpu.memory_space<vmem>> -> memref<50x128xf32, #tpu.memory_space<vmem>>
      %dma_wait3A_417 = arith.constant 0 : i32
      %dma_wait3A_418 = tpu.memref_slice %arg5[%add3A_411, %dma_wait3A_417] : memref<32x50xi32, #tpu.memory_space<vmem>> -> memref<1x50xi32, #tpu.memory_space<vmem>>
      %dma_wait3A_419 = tpu.memref_squeeze %dma_wait3A_418 : memref<1x50xi32, #tpu.memory_space<vmem>> -> memref<50xi32, #tpu.memory_space<vmem>>
      %dma_wait3A_420 = arith.constant 0 : i32
      %dma_wait3A_421 = arith.constant 0 : i32
      %dma_wait3A_422 = tpu.memref_slice %arg2[%dma_wait3A_420, %dma_wait3A_421] : memref<100000x128xf32, #tpu.memory_space<hbm>> -> memref<100000x128xf32, #tpu.memory_space<hbm>>
      tpu.wait_indirect_dma semaphore(%arg12 : memref<!tpu.dma_semaphore, #tpu.memory_space<semaphore_mem>>) src(%dma_wait3A_422 : memref<100000x128xf32, #tpu.memory_space<hbm>>) dst(%dma_wait3A_416 : memref<50x128xf32, #tpu.memory_space<vmem>>)
      %add3A_423 = arith.addi %mul3A_6, %add3A_411 : i32
      %dma_start3A_424 = arith.constant 5 : i32
      %dma_start3A_425 = arith.constant 0 : i32
      %dma_start3A_426 = arith.constant 0 : i32
      %dma_start3A_427 = tpu.memref_slice %arg6[%dma_start3A_424, %dma_start3A_425, %dma_start3A_426] : memref<8x56x128xf32, #tpu.memory_space<vmem>> -> memref<1x56x128xf32, #tpu.memory_space<vmem>>
      %dma_start3A_428 = tpu.memref_squeeze %dma_start3A_427 : memref<1x56x128xf32, #tpu.memory_space<vmem>> -> memref<56x128xf32, #tpu.memory_space<vmem>>
      %dma_start3A_429 = arith.constant 0 : i32
      %dma_start3A_430 = arith.constant 0 : i32
      %dma_start3A_431 = tpu.memref_slice %arg4[%add3A_423, %dma_start3A_429, %dma_start3A_430] : memref<1024x56x128xf32, #tpu.memory_space<hbm>> -> memref<1x56x128xf32, #tpu.memory_space<hbm>>
      %dma_start3A_432 = tpu.memref_squeeze %dma_start3A_431 : memref<1x56x128xf32, #tpu.memory_space<hbm>> -> memref<56x128xf32, #tpu.memory_space<hbm>>
      %dma_start3A_433 = arith.constant 0 : i32
      %dma_start3A_434 = arith.constant 0 : i32
      %dma_start3A_435 = tpu.memref_slice %arg4[%add3A_423, %dma_start3A_433, %dma_start3A_434] : memref<1024x56x128xf32, #tpu.memory_space<hbm>> -> memref<1x56x128xf32, #tpu.memory_space<hbm>>
      %dma_start3A_436 = tpu.memref_squeeze %dma_start3A_435 : memref<1x56x128xf32, #tpu.memory_space<hbm>> -> memref<56x128xf32, #tpu.memory_space<hbm>>
      %dma_start3A_437 = arith.constant 0 : i32
      %dma_start3A_438 = arith.constant 0 : i32
      %dma_start3A_439 = tpu.memref_slice %arg6[%dma_start3A_424, %dma_start3A_437, %dma_start3A_438] : memref<8x56x128xf32, #tpu.memory_space<vmem>> -> memref<1x56x128xf32, #tpu.memory_space<vmem>>
      %dma_start3A_440 = tpu.memref_squeeze %dma_start3A_439 : memref<1x56x128xf32, #tpu.memory_space<vmem>> -> memref<56x128xf32, #tpu.memory_space<vmem>>
      tpu.enqueue_dma source(%dma_start3A_440 : memref<56x128xf32, #tpu.memory_space<vmem>>) target(%dma_start3A_436 : memref<56x128xf32, #tpu.memory_space<hbm>>) target_semaphore(%arg20 : memref<!tpu.dma_semaphore, #tpu.memory_space<semaphore_mem>>)
      %add3A_441 = arith.constant 4 : i32
      %add3A_442 = arith.addi %add3A_411, %add3A_441 : i32
      %lt3A_443 = arith.constant 32 : i32
      %lt3A_444 = arith.cmpi slt, %add3A_442, %lt3A_443 : i32
      %convert_element_type3A_445 = arith.extui %lt3A_444 : i1 to i32
      %cond3A_446 = arith.constant 0 : i32
      %cond3A_447 = arith.cmpi ne, %convert_element_type3A_445, %cond3A_446 : i32
      scf.if %cond3A_447 {
        %ge3A = arith.constant 8 : i32
        %ge3A_528 = arith.cmpi sge, %add3A_442, %ge3A : i32
        %convert_element_type3A_529 = arith.extui %ge3A_528 : i1 to i32
        %cond3A_530 = arith.constant 0 : i32
        %cond3A_531 = arith.cmpi ne, %convert_element_type3A_529, %cond3A_530 : i32
        scf.if %cond3A_531 {
          %sub3A = arith.constant 8 : i32
          %sub3A_543 = arith.subi %add3A_442, %sub3A : i32
          %add3A_544 = arith.addi %mul3A_6, %sub3A_543 : i32
          %dma_wait3A_545 = arith.constant 1 : i32
          %dma_wait3A_546 = arith.constant 0 : i32
          %dma_wait3A_547 = arith.constant 0 : i32
          %dma_wait3A_548 = tpu.memref_slice %arg6[%dma_wait3A_545, %dma_wait3A_546, %dma_wait3A_547] : memref<8x56x128xf32, #tpu.memory_space<vmem>> -> memref<1x56x128xf32, #tpu.memory_space<vmem>>
          %dma_wait3A_549 = tpu.memref_squeeze %dma_wait3A_548 : memref<1x56x128xf32, #tpu.memory_space<vmem>> -> memref<56x128xf32, #tpu.memory_space<vmem>>
          %dma_wait3A_550 = arith.constant 0 : i32
          %dma_wait3A_551 = arith.constant 0 : i32
          %dma_wait3A_552 = tpu.memref_slice %arg4[%add3A_544, %dma_wait3A_550, %dma_wait3A_551] : memref<1024x56x128xf32, #tpu.memory_space<hbm>> -> memref<1x56x128xf32, #tpu.memory_space<hbm>>
          %dma_wait3A_553 = tpu.memref_squeeze %dma_wait3A_552 : memref<1x56x128xf32, #tpu.memory_space<hbm>> -> memref<56x128xf32, #tpu.memory_space<hbm>>
          %dma_wait3A_554 = arith.constant 0 : i32
          %dma_wait3A_555 = arith.constant 0 : i32
          %dma_wait3A_556 = tpu.memref_slice %arg4[%add3A_544, %dma_wait3A_554, %dma_wait3A_555] : memref<1024x56x128xf32, #tpu.memory_space<hbm>> -> memref<1x56x128xf32, #tpu.memory_space<hbm>>
          %dma_wait3A_557 = tpu.memref_squeeze %dma_wait3A_556 : memref<1x56x128xf32, #tpu.memory_space<hbm>> -> memref<56x128xf32, #tpu.memory_space<hbm>>
          %dma_wait3A_558 = arith.constant 0 : i32
          %dma_wait3A_559 = arith.constant 0 : i32
          %dma_wait3A_560 = tpu.memref_slice %arg6[%dma_wait3A_545, %dma_wait3A_558, %dma_wait3A_559] : memref<8x56x128xf32, #tpu.memory_space<vmem>> -> memref<1x56x128xf32, #tpu.memory_space<vmem>>
          %dma_wait3A_561 = tpu.memref_squeeze %dma_wait3A_560 : memref<1x56x128xf32, #tpu.memory_space<vmem>> -> memref<56x128xf32, #tpu.memory_space<vmem>>
          tpu.wait_dma2 semaphore(%arg16 : memref<!tpu.dma_semaphore, #tpu.memory_space<semaphore_mem>>) src(%dma_wait3A_561 : memref<56x128xf32, #tpu.memory_space<vmem>>) dst(%dma_wait3A_557 : memref<56x128xf32, #tpu.memory_space<hbm>>)
        } else {
        }
        %dma_start3A_532 = arith.constant 1 : i32
        %dma_start3A_533 = arith.constant 0 : i32
        %dma_start3A_534 = arith.constant 0 : i32
        %dma_start3A_535 = tpu.memref_slice %arg6[%dma_start3A_532, %dma_start3A_533, %dma_start3A_534] : memref<8x56x128xf32, #tpu.memory_space<vmem>> -> memref<1x50x128xf32, #tpu.memory_space<vmem>>
        %dma_start3A_536 = tpu.memref_squeeze %dma_start3A_535 : memref<1x50x128xf32, #tpu.memory_space<vmem>> -> memref<50x128xf32, #tpu.memory_space<vmem>>
        %dma_start3A_537 = arith.constant 0 : i32
        %dma_start3A_538 = tpu.memref_slice %arg5[%add3A_442, %dma_start3A_537] : memref<32x50xi32, #tpu.memory_space<vmem>> -> memref<1x50xi32, #tpu.memory_space<vmem>>
        %dma_start3A_539 = tpu.memref_squeeze %dma_start3A_538 : memref<1x50xi32, #tpu.memory_space<vmem>> -> memref<50xi32, #tpu.memory_space<vmem>>
        %dma_start3A_540 = arith.constant 0 : i32
        %dma_start3A_541 = arith.constant 0 : i32
        %dma_start3A_542 = tpu.memref_slice %arg2[%dma_start3A_540, %dma_start3A_541] : memref<100000x128xf32, #tpu.memory_space<hbm>> -> memref<100000x128xf32, #tpu.memory_space<hbm>>
        tpu.enqueue_indirect_dma source(%dma_start3A_542 : memref<100000x128xf32, #tpu.memory_space<hbm>>) target(%dma_start3A_536 : memref<50x128xf32, #tpu.memory_space<vmem>>) offsets(%dma_start3A_539 : memref<50xi32, #tpu.memory_space<vmem>>) semaphore(%arg8 : memref<!tpu.dma_semaphore, #tpu.memory_space<semaphore_mem>>)
      } else {
      }
      %mul3A_448 = arith.constant 8 : i32
      %mul3A_449 = arith.muli %scan3A_210, %mul3A_448 : i32
      %add3A_450 = arith.constant 6 : i32
      %add3A_451 = arith.addi %mul3A_449, %add3A_450 : i32
      %dma_wait3A_452 = arith.constant 6 : i32
      %dma_wait3A_453 = arith.constant 0 : i32
      %dma_wait3A_454 = arith.constant 0 : i32
      %dma_wait3A_455 = tpu.memref_slice %arg6[%dma_wait3A_452, %dma_wait3A_453, %dma_wait3A_454] : memref<8x56x128xf32, #tpu.memory_space<vmem>> -> memref<1x50x128xf32, #tpu.memory_space<vmem>>
      %dma_wait3A_456 = tpu.memref_squeeze %dma_wait3A_455 : memref<1x50x128xf32, #tpu.memory_space<vmem>> -> memref<50x128xf32, #tpu.memory_space<vmem>>
      %dma_wait3A_457 = arith.constant 0 : i32
      %dma_wait3A_458 = tpu.memref_slice %arg5[%add3A_451, %dma_wait3A_457] : memref<32x50xi32, #tpu.memory_space<vmem>> -> memref<1x50xi32, #tpu.memory_space<vmem>>
      %dma_wait3A_459 = tpu.memref_squeeze %dma_wait3A_458 : memref<1x50xi32, #tpu.memory_space<vmem>> -> memref<50xi32, #tpu.memory_space<vmem>>
      %dma_wait3A_460 = arith.constant 0 : i32
      %dma_wait3A_461 = arith.constant 0 : i32
      %dma_wait3A_462 = tpu.memref_slice %arg2[%dma_wait3A_460, %dma_wait3A_461] : memref<100000x128xf32, #tpu.memory_space<hbm>> -> memref<100000x128xf32, #tpu.memory_space<hbm>>
      tpu.wait_indirect_dma semaphore(%arg13 : memref<!tpu.dma_semaphore, #tpu.memory_space<semaphore_mem>>) src(%dma_wait3A_462 : memref<100000x128xf32, #tpu.memory_space<hbm>>) dst(%dma_wait3A_456 : memref<50x128xf32, #tpu.memory_space<vmem>>)
      %add3A_463 = arith.addi %mul3A_6, %add3A_451 : i32
      %dma_start3A_464 = arith.constant 6 : i32
      %dma_start3A_465 = arith.constant 0 : i32
      %dma_start3A_466 = arith.constant 0 : i32
      %dma_start3A_467 = tpu.memref_slice %arg6[%dma_start3A_464, %dma_start3A_465, %dma_start3A_466] : memref<8x56x128xf32, #tpu.memory_space<vmem>> -> memref<1x56x128xf32, #tpu.memory_space<vmem>>
      %dma_start3A_468 = tpu.memref_squeeze %dma_start3A_467 : memref<1x56x128xf32, #tpu.memory_space<vmem>> -> memref<56x128xf32, #tpu.memory_space<vmem>>
      %dma_start3A_469 = arith.constant 0 : i32
      %dma_start3A_470 = arith.constant 0 : i32
      %dma_start3A_471 = tpu.memref_slice %arg4[%add3A_463, %dma_start3A_469, %dma_start3A_470] : memref<1024x56x128xf32, #tpu.memory_space<hbm>> -> memref<1x56x128xf32, #tpu.memory_space<hbm>>
      %dma_start3A_472 = tpu.memref_squeeze %dma_start3A_471 : memref<1x56x128xf32, #tpu.memory_space<hbm>> -> memref<56x128xf32, #tpu.memory_space<hbm>>
      %dma_start3A_473 = arith.constant 0 : i32
      %dma_start3A_474 = arith.constant 0 : i32
      %dma_start3A_475 = tpu.memref_slice %arg4[%add3A_463, %dma_start3A_473, %dma_start3A_474] : memref<1024x56x128xf32, #tpu.memory_space<hbm>> -> memref<1x56x128xf32, #tpu.memory_space<hbm>>
      %dma_start3A_476 = tpu.memref_squeeze %dma_start3A_475 : memref<1x56x128xf32, #tpu.memory_space<hbm>> -> memref<56x128xf32, #tpu.memory_space<hbm>>
      %dma_start3A_477 = arith.constant 0 : i32
      %dma_start3A_478 = arith.constant 0 : i32
      %dma_start3A_479 = tpu.memref_slice %arg6[%dma_start3A_464, %dma_start3A_477, %dma_start3A_478] : memref<8x56x128xf32, #tpu.memory_space<vmem>> -> memref<1x56x128xf32, #tpu.memory_space<vmem>>
      %dma_start3A_480 = tpu.memref_squeeze %dma_start3A_479 : memref<1x56x128xf32, #tpu.memory_space<vmem>> -> memref<56x128xf32, #tpu.memory_space<vmem>>
      tpu.enqueue_dma source(%dma_start3A_480 : memref<56x128xf32, #tpu.memory_space<vmem>>) target(%dma_start3A_476 : memref<56x128xf32, #tpu.memory_space<hbm>>) target_semaphore(%arg21 : memref<!tpu.dma_semaphore, #tpu.memory_space<semaphore_mem>>)
      %add3A_481 = arith.constant 4 : i32
      %add3A_482 = arith.addi %add3A_451, %add3A_481 : i32
      %lt3A_483 = arith.constant 32 : i32
      %lt3A_484 = arith.cmpi slt, %add3A_482, %lt3A_483 : i32
      %convert_element_type3A_485 = arith.extui %lt3A_484 : i1 to i32
      %cond3A_486 = arith.constant 0 : i32
      %cond3A_487 = arith.cmpi ne, %convert_element_type3A_485, %cond3A_486 : i32
      scf.if %cond3A_487 {
        %ge3A = arith.constant 8 : i32
        %ge3A_528 = arith.cmpi sge, %add3A_482, %ge3A : i32
        %convert_element_type3A_529 = arith.extui %ge3A_528 : i1 to i32
        %cond3A_530 = arith.constant 0 : i32
        %cond3A_531 = arith.cmpi ne, %convert_element_type3A_529, %cond3A_530 : i32
        scf.if %cond3A_531 {
          %sub3A = arith.constant 8 : i32
          %sub3A_543 = arith.subi %add3A_482, %sub3A : i32
          %add3A_544 = arith.addi %mul3A_6, %sub3A_543 : i32
          %dma_wait3A_545 = arith.constant 2 : i32
          %dma_wait3A_546 = arith.constant 0 : i32
          %dma_wait3A_547 = arith.constant 0 : i32
          %dma_wait3A_548 = tpu.memref_slice %arg6[%dma_wait3A_545, %dma_wait3A_546, %dma_wait3A_547] : memref<8x56x128xf32, #tpu.memory_space<vmem>> -> memref<1x56x128xf32, #tpu.memory_space<vmem>>
          %dma_wait3A_549 = tpu.memref_squeeze %dma_wait3A_548 : memref<1x56x128xf32, #tpu.memory_space<vmem>> -> memref<56x128xf32, #tpu.memory_space<vmem>>
          %dma_wait3A_550 = arith.constant 0 : i32
          %dma_wait3A_551 = arith.constant 0 : i32
          %dma_wait3A_552 = tpu.memref_slice %arg4[%add3A_544, %dma_wait3A_550, %dma_wait3A_551] : memref<1024x56x128xf32, #tpu.memory_space<hbm>> -> memref<1x56x128xf32, #tpu.memory_space<hbm>>
          %dma_wait3A_553 = tpu.memref_squeeze %dma_wait3A_552 : memref<1x56x128xf32, #tpu.memory_space<hbm>> -> memref<56x128xf32, #tpu.memory_space<hbm>>
          %dma_wait3A_554 = arith.constant 0 : i32
          %dma_wait3A_555 = arith.constant 0 : i32
          %dma_wait3A_556 = tpu.memref_slice %arg4[%add3A_544, %dma_wait3A_554, %dma_wait3A_555] : memref<1024x56x128xf32, #tpu.memory_space<hbm>> -> memref<1x56x128xf32, #tpu.memory_space<hbm>>
          %dma_wait3A_557 = tpu.memref_squeeze %dma_wait3A_556 : memref<1x56x128xf32, #tpu.memory_space<hbm>> -> memref<56x128xf32, #tpu.memory_space<hbm>>
          %dma_wait3A_558 = arith.constant 0 : i32
          %dma_wait3A_559 = arith.constant 0 : i32
          %dma_wait3A_560 = tpu.memref_slice %arg6[%dma_wait3A_545, %dma_wait3A_558, %dma_wait3A_559] : memref<8x56x128xf32, #tpu.memory_space<vmem>> -> memref<1x56x128xf32, #tpu.memory_space<vmem>>
          %dma_wait3A_561 = tpu.memref_squeeze %dma_wait3A_560 : memref<1x56x128xf32, #tpu.memory_space<vmem>> -> memref<56x128xf32, #tpu.memory_space<vmem>>
          tpu.wait_dma2 semaphore(%arg17 : memref<!tpu.dma_semaphore, #tpu.memory_space<semaphore_mem>>) src(%dma_wait3A_561 : memref<56x128xf32, #tpu.memory_space<vmem>>) dst(%dma_wait3A_557 : memref<56x128xf32, #tpu.memory_space<hbm>>)
        } else {
        }
        %dma_start3A_532 = arith.constant 2 : i32
        %dma_start3A_533 = arith.constant 0 : i32
        %dma_start3A_534 = arith.constant 0 : i32
        %dma_start3A_535 = tpu.memref_slice %arg6[%dma_start3A_532, %dma_start3A_533, %dma_start3A_534] : memref<8x56x128xf32, #tpu.memory_space<vmem>> -> memref<1x50x128xf32, #tpu.memory_space<vmem>>
        %dma_start3A_536 = tpu.memref_squeeze %dma_start3A_535 : memref<1x50x128xf32, #tpu.memory_space<vmem>> -> memref<50x128xf32, #tpu.memory_space<vmem>>
        %dma_start3A_537 = arith.constant 0 : i32
        %dma_start3A_538 = tpu.memref_slice %arg5[%add3A_482, %dma_start3A_537] : memref<32x50xi32, #tpu.memory_space<vmem>> -> memref<1x50xi32, #tpu.memory_space<vmem>>
        %dma_start3A_539 = tpu.memref_squeeze %dma_start3A_538 : memref<1x50xi32, #tpu.memory_space<vmem>> -> memref<50xi32, #tpu.memory_space<vmem>>
        %dma_start3A_540 = arith.constant 0 : i32
        %dma_start3A_541 = arith.constant 0 : i32
        %dma_start3A_542 = tpu.memref_slice %arg2[%dma_start3A_540, %dma_start3A_541] : memref<100000x128xf32, #tpu.memory_space<hbm>> -> memref<100000x128xf32, #tpu.memory_space<hbm>>
        tpu.enqueue_indirect_dma source(%dma_start3A_542 : memref<100000x128xf32, #tpu.memory_space<hbm>>) target(%dma_start3A_536 : memref<50x128xf32, #tpu.memory_space<vmem>>) offsets(%dma_start3A_539 : memref<50xi32, #tpu.memory_space<vmem>>) semaphore(%arg9 : memref<!tpu.dma_semaphore, #tpu.memory_space<semaphore_mem>>)
      } else {
      }
      %mul3A_488 = arith.constant 8 : i32
      %mul3A_489 = arith.muli %scan3A_210, %mul3A_488 : i32
      %add3A_490 = arith.constant 7 : i32
      %add3A_491 = arith.addi %mul3A_489, %add3A_490 : i32
      %dma_wait3A_492 = arith.constant 7 : i32
      %dma_wait3A_493 = arith.constant 0 : i32
      %dma_wait3A_494 = arith.constant 0 : i32
      %dma_wait3A_495 = tpu.memref_slice %arg6[%dma_wait3A_492, %dma_wait3A_493, %dma_wait3A_494] : memref<8x56x128xf32, #tpu.memory_space<vmem>> -> memref<1x50x128xf32, #tpu.memory_space<vmem>>
      %dma_wait3A_496 = tpu.memref_squeeze %dma_wait3A_495 : memref<1x50x128xf32, #tpu.memory_space<vmem>> -> memref<50x128xf32, #tpu.memory_space<vmem>>
      %dma_wait3A_497 = arith.constant 0 : i32
      %dma_wait3A_498 = tpu.memref_slice %arg5[%add3A_491, %dma_wait3A_497] : memref<32x50xi32, #tpu.memory_space<vmem>> -> memref<1x50xi32, #tpu.memory_space<vmem>>
      %dma_wait3A_499 = tpu.memref_squeeze %dma_wait3A_498 : memref<1x50xi32, #tpu.memory_space<vmem>> -> memref<50xi32, #tpu.memory_space<vmem>>
      %dma_wait3A_500 = arith.constant 0 : i32
      %dma_wait3A_501 = arith.constant 0 : i32
      %dma_wait3A_502 = tpu.memref_slice %arg2[%dma_wait3A_500, %dma_wait3A_501] : memref<100000x128xf32, #tpu.memory_space<hbm>> -> memref<100000x128xf32, #tpu.memory_space<hbm>>
      tpu.wait_indirect_dma semaphore(%arg14 : memref<!tpu.dma_semaphore, #tpu.memory_space<semaphore_mem>>) src(%dma_wait3A_502 : memref<100000x128xf32, #tpu.memory_space<hbm>>) dst(%dma_wait3A_496 : memref<50x128xf32, #tpu.memory_space<vmem>>)
      %add3A_503 = arith.addi %mul3A_6, %add3A_491 : i32
      %dma_start3A_504 = arith.constant 7 : i32
      %dma_start3A_505 = arith.constant 0 : i32
      %dma_start3A_506 = arith.constant 0 : i32
      %dma_start3A_507 = tpu.memref_slice %arg6[%dma_start3A_504, %dma_start3A_505, %dma_start3A_506] : memref<8x56x128xf32, #tpu.memory_space<vmem>> -> memref<1x56x128xf32, #tpu.memory_space<vmem>>
      %dma_start3A_508 = tpu.memref_squeeze %dma_start3A_507 : memref<1x56x128xf32, #tpu.memory_space<vmem>> -> memref<56x128xf32, #tpu.memory_space<vmem>>
      %dma_start3A_509 = arith.constant 0 : i32
      %dma_start3A_510 = arith.constant 0 : i32
      %dma_start3A_511 = tpu.memref_slice %arg4[%add3A_503, %dma_start3A_509, %dma_start3A_510] : memref<1024x56x128xf32, #tpu.memory_space<hbm>> -> memref<1x56x128xf32, #tpu.memory_space<hbm>>
      %dma_start3A_512 = tpu.memref_squeeze %dma_start3A_511 : memref<1x56x128xf32, #tpu.memory_space<hbm>> -> memref<56x128xf32, #tpu.memory_space<hbm>>
      %dma_start3A_513 = arith.constant 0 : i32
      %dma_start3A_514 = arith.constant 0 : i32
      %dma_start3A_515 = tpu.memref_slice %arg4[%add3A_503, %dma_start3A_513, %dma_start3A_514] : memref<1024x56x128xf32, #tpu.memory_space<hbm>> -> memref<1x56x128xf32, #tpu.memory_space<hbm>>
      %dma_start3A_516 = tpu.memref_squeeze %dma_start3A_515 : memref<1x56x128xf32, #tpu.memory_space<hbm>> -> memref<56x128xf32, #tpu.memory_space<hbm>>
      %dma_start3A_517 = arith.constant 0 : i32
      %dma_start3A_518 = arith.constant 0 : i32
      %dma_start3A_519 = tpu.memref_slice %arg6[%dma_start3A_504, %dma_start3A_517, %dma_start3A_518] : memref<8x56x128xf32, #tpu.memory_space<vmem>> -> memref<1x56x128xf32, #tpu.memory_space<vmem>>
      %dma_start3A_520 = tpu.memref_squeeze %dma_start3A_519 : memref<1x56x128xf32, #tpu.memory_space<vmem>> -> memref<56x128xf32, #tpu.memory_space<vmem>>
      tpu.enqueue_dma source(%dma_start3A_520 : memref<56x128xf32, #tpu.memory_space<vmem>>) target(%dma_start3A_516 : memref<56x128xf32, #tpu.memory_space<hbm>>) target_semaphore(%arg22 : memref<!tpu.dma_semaphore, #tpu.memory_space<semaphore_mem>>)
      %add3A_521 = arith.constant 4 : i32
      %add3A_522 = arith.addi %add3A_491, %add3A_521 : i32
      %lt3A_523 = arith.constant 32 : i32
      %lt3A_524 = arith.cmpi slt, %add3A_522, %lt3A_523 : i32
      %convert_element_type3A_525 = arith.extui %lt3A_524 : i1 to i32
      %cond3A_526 = arith.constant 0 : i32
      %cond3A_527 = arith.cmpi ne, %convert_element_type3A_525, %cond3A_526 : i32
      scf.if %cond3A_527 {
        %ge3A = arith.constant 8 : i32
        %ge3A_528 = arith.cmpi sge, %add3A_522, %ge3A : i32
        %convert_element_type3A_529 = arith.extui %ge3A_528 : i1 to i32
        %cond3A_530 = arith.constant 0 : i32
        %cond3A_531 = arith.cmpi ne, %convert_element_type3A_529, %cond3A_530 : i32
        scf.if %cond3A_531 {
          %sub3A = arith.constant 8 : i32
          %sub3A_543 = arith.subi %add3A_522, %sub3A : i32
          %add3A_544 = arith.addi %mul3A_6, %sub3A_543 : i32
          %dma_wait3A_545 = arith.constant 3 : i32
          %dma_wait3A_546 = arith.constant 0 : i32
          %dma_wait3A_547 = arith.constant 0 : i32
          %dma_wait3A_548 = tpu.memref_slice %arg6[%dma_wait3A_545, %dma_wait3A_546, %dma_wait3A_547] : memref<8x56x128xf32, #tpu.memory_space<vmem>> -> memref<1x56x128xf32, #tpu.memory_space<vmem>>
          %dma_wait3A_549 = tpu.memref_squeeze %dma_wait3A_548 : memref<1x56x128xf32, #tpu.memory_space<vmem>> -> memref<56x128xf32, #tpu.memory_space<vmem>>
          %dma_wait3A_550 = arith.constant 0 : i32
          %dma_wait3A_551 = arith.constant 0 : i32
          %dma_wait3A_552 = tpu.memref_slice %arg4[%add3A_544, %dma_wait3A_550, %dma_wait3A_551] : memref<1024x56x128xf32, #tpu.memory_space<hbm>> -> memref<1x56x128xf32, #tpu.memory_space<hbm>>
          %dma_wait3A_553 = tpu.memref_squeeze %dma_wait3A_552 : memref<1x56x128xf32, #tpu.memory_space<hbm>> -> memref<56x128xf32, #tpu.memory_space<hbm>>
          %dma_wait3A_554 = arith.constant 0 : i32
          %dma_wait3A_555 = arith.constant 0 : i32
          %dma_wait3A_556 = tpu.memref_slice %arg4[%add3A_544, %dma_wait3A_554, %dma_wait3A_555] : memref<1024x56x128xf32, #tpu.memory_space<hbm>> -> memref<1x56x128xf32, #tpu.memory_space<hbm>>
          %dma_wait3A_557 = tpu.memref_squeeze %dma_wait3A_556 : memref<1x56x128xf32, #tpu.memory_space<hbm>> -> memref<56x128xf32, #tpu.memory_space<hbm>>
          %dma_wait3A_558 = arith.constant 0 : i32
          %dma_wait3A_559 = arith.constant 0 : i32
          %dma_wait3A_560 = tpu.memref_slice %arg6[%dma_wait3A_545, %dma_wait3A_558, %dma_wait3A_559] : memref<8x56x128xf32, #tpu.memory_space<vmem>> -> memref<1x56x128xf32, #tpu.memory_space<vmem>>
          %dma_wait3A_561 = tpu.memref_squeeze %dma_wait3A_560 : memref<1x56x128xf32, #tpu.memory_space<vmem>> -> memref<56x128xf32, #tpu.memory_space<vmem>>
          tpu.wait_dma2 semaphore(%arg18 : memref<!tpu.dma_semaphore, #tpu.memory_space<semaphore_mem>>) src(%dma_wait3A_561 : memref<56x128xf32, #tpu.memory_space<vmem>>) dst(%dma_wait3A_557 : memref<56x128xf32, #tpu.memory_space<hbm>>)
        } else {
        }
        %dma_start3A_532 = arith.constant 3 : i32
        %dma_start3A_533 = arith.constant 0 : i32
        %dma_start3A_534 = arith.constant 0 : i32
        %dma_start3A_535 = tpu.memref_slice %arg6[%dma_start3A_532, %dma_start3A_533, %dma_start3A_534] : memref<8x56x128xf32, #tpu.memory_space<vmem>> -> memref<1x50x128xf32, #tpu.memory_space<vmem>>
        %dma_start3A_536 = tpu.memref_squeeze %dma_start3A_535 : memref<1x50x128xf32, #tpu.memory_space<vmem>> -> memref<50x128xf32, #tpu.memory_space<vmem>>
        %dma_start3A_537 = arith.constant 0 : i32
        %dma_start3A_538 = tpu.memref_slice %arg5[%add3A_522, %dma_start3A_537] : memref<32x50xi32, #tpu.memory_space<vmem>> -> memref<1x50xi32, #tpu.memory_space<vmem>>
        %dma_start3A_539 = tpu.memref_squeeze %dma_start3A_538 : memref<1x50xi32, #tpu.memory_space<vmem>> -> memref<50xi32, #tpu.memory_space<vmem>>
        %dma_start3A_540 = arith.constant 0 : i32
        %dma_start3A_541 = arith.constant 0 : i32
        %dma_start3A_542 = tpu.memref_slice %arg2[%dma_start3A_540, %dma_start3A_541] : memref<100000x128xf32, #tpu.memory_space<hbm>> -> memref<100000x128xf32, #tpu.memory_space<hbm>>
        tpu.enqueue_indirect_dma source(%dma_start3A_542 : memref<100000x128xf32, #tpu.memory_space<hbm>>) target(%dma_start3A_536 : memref<50x128xf32, #tpu.memory_space<vmem>>) offsets(%dma_start3A_539 : memref<50xi32, #tpu.memory_space<vmem>>) semaphore(%arg10 : memref<!tpu.dma_semaphore, #tpu.memory_space<semaphore_mem>>)
      } else {
      }
    }
    %scan3A_58 = arith.constant 4 : i32
    %add3A_59 = arith.constant 24 : i32
    %add3A_60 = arith.addi %mul3A_6, %add3A_59 : i32
    %dma_wait3A = arith.constant 0 : i32
    %dma_wait3A_61 = arith.constant 0 : i32
    %dma_wait3A_62 = arith.constant 0 : i32
    %dma_wait3A_63 = tpu.memref_slice %arg6[%dma_wait3A, %dma_wait3A_61, %dma_wait3A_62] : memref<8x56x128xf32, #tpu.memory_space<vmem>> -> memref<1x56x128xf32, #tpu.memory_space<vmem>>
    %dma_wait3A_64 = tpu.memref_squeeze %dma_wait3A_63 : memref<1x56x128xf32, #tpu.memory_space<vmem>> -> memref<56x128xf32, #tpu.memory_space<vmem>>
    %dma_wait3A_65 = arith.constant 0 : i32
    %dma_wait3A_66 = arith.constant 0 : i32
    %dma_wait3A_67 = tpu.memref_slice %arg4[%add3A_60, %dma_wait3A_65, %dma_wait3A_66] : memref<1024x56x128xf32, #tpu.memory_space<hbm>> -> memref<1x56x128xf32, #tpu.memory_space<hbm>>
    %dma_wait3A_68 = tpu.memref_squeeze %dma_wait3A_67 : memref<1x56x128xf32, #tpu.memory_space<hbm>> -> memref<56x128xf32, #tpu.memory_space<hbm>>
    %dma_wait3A_69 = arith.constant 0 : i32
    %dma_wait3A_70 = arith.constant 0 : i32
    %dma_wait3A_71 = tpu.memref_slice %arg4[%add3A_60, %dma_wait3A_69, %dma_wait3A_70] : memref<1024x56x128xf32, #tpu.memory_space<hbm>> -> memref<1x56x128xf32, #tpu.memory_space<hbm>>
    %dma_wait3A_72 = tpu.memref_squeeze %dma_wait3A_71 : memref<1x56x128xf32, #tpu.memory_space<hbm>> -> memref<56x128xf32, #tpu.memory_space<hbm>>
    %dma_wait3A_73 = arith.constant 0 : i32
    %dma_wait3A_74 = arith.constant 0 : i32
    %dma_wait3A_75 = tpu.memref_slice %arg6[%dma_wait3A, %dma_wait3A_73, %dma_wait3A_74] : memref<8x56x128xf32, #tpu.memory_space<vmem>> -> memref<1x56x128xf32, #tpu.memory_space<vmem>>
    %dma_wait3A_76 = tpu.memref_squeeze %dma_wait3A_75 : memref<1x56x128xf32, #tpu.memory_space<vmem>> -> memref<56x128xf32, #tpu.memory_space<vmem>>
    tpu.wait_dma2 semaphore(%arg15 : memref<!tpu.dma_semaphore, #tpu.memory_space<semaphore_mem>>) src(%dma_wait3A_76 : memref<56x128xf32, #tpu.memory_space<vmem>>) dst(%dma_wait3A_72 : memref<56x128xf32, #tpu.memory_space<hbm>>)
    %add3A_77 = arith.constant 25 : i32
    %add3A_78 = arith.addi %mul3A_6, %add3A_77 : i32
    %dma_wait3A_79 = arith.constant 1 : i32
    %dma_wait3A_80 = arith.constant 0 : i32
    %dma_wait3A_81 = arith.constant 0 : i32
    %dma_wait3A_82 = tpu.memref_slice %arg6[%dma_wait3A_79, %dma_wait3A_80, %dma_wait3A_81] : memref<8x56x128xf32, #tpu.memory_space<vmem>> -> memref<1x56x128xf32, #tpu.memory_space<vmem>>
    %dma_wait3A_83 = tpu.memref_squeeze %dma_wait3A_82 : memref<1x56x128xf32, #tpu.memory_space<vmem>> -> memref<56x128xf32, #tpu.memory_space<vmem>>
    %dma_wait3A_84 = arith.constant 0 : i32
    %dma_wait3A_85 = arith.constant 0 : i32
    %dma_wait3A_86 = tpu.memref_slice %arg4[%add3A_78, %dma_wait3A_84, %dma_wait3A_85] : memref<1024x56x128xf32, #tpu.memory_space<hbm>> -> memref<1x56x128xf32, #tpu.memory_space<hbm>>
    %dma_wait3A_87 = tpu.memref_squeeze %dma_wait3A_86 : memref<1x56x128xf32, #tpu.memory_space<hbm>> -> memref<56x128xf32, #tpu.memory_space<hbm>>
    %dma_wait3A_88 = arith.constant 0 : i32
    %dma_wait3A_89 = arith.constant 0 : i32
    %dma_wait3A_90 = tpu.memref_slice %arg4[%add3A_78, %dma_wait3A_88, %dma_wait3A_89] : memref<1024x56x128xf32, #tpu.memory_space<hbm>> -> memref<1x56x128xf32, #tpu.memory_space<hbm>>
    %dma_wait3A_91 = tpu.memref_squeeze %dma_wait3A_90 : memref<1x56x128xf32, #tpu.memory_space<hbm>> -> memref<56x128xf32, #tpu.memory_space<hbm>>
    %dma_wait3A_92 = arith.constant 0 : i32
    %dma_wait3A_93 = arith.constant 0 : i32
    %dma_wait3A_94 = tpu.memref_slice %arg6[%dma_wait3A_79, %dma_wait3A_92, %dma_wait3A_93] : memref<8x56x128xf32, #tpu.memory_space<vmem>> -> memref<1x56x128xf32, #tpu.memory_space<vmem>>
    %dma_wait3A_95 = tpu.memref_squeeze %dma_wait3A_94 : memref<1x56x128xf32, #tpu.memory_space<vmem>> -> memref<56x128xf32, #tpu.memory_space<vmem>>
    tpu.wait_dma2 semaphore(%arg16 : memref<!tpu.dma_semaphore, #tpu.memory_space<semaphore_mem>>) src(%dma_wait3A_95 : memref<56x128xf32, #tpu.memory_space<vmem>>) dst(%dma_wait3A_91 : memref<56x128xf32, #tpu.memory_space<hbm>>)
    %add3A_96 = arith.constant 26 : i32
    %add3A_97 = arith.addi %mul3A_6, %add3A_96 : i32
    %dma_wait3A_98 = arith.constant 2 : i32
    %dma_wait3A_99 = arith.constant 0 : i32
    %dma_wait3A_100 = arith.constant 0 : i32
    %dma_wait3A_101 = tpu.memref_slice %arg6[%dma_wait3A_98, %dma_wait3A_99, %dma_wait3A_100] : memref<8x56x128xf32, #tpu.memory_space<vmem>> -> memref<1x56x128xf32, #tpu.memory_space<vmem>>
    %dma_wait3A_102 = tpu.memref_squeeze %dma_wait3A_101 : memref<1x56x128xf32, #tpu.memory_space<vmem>> -> memref<56x128xf32, #tpu.memory_space<vmem>>
    %dma_wait3A_103 = arith.constant 0 : i32
    %dma_wait3A_104 = arith.constant 0 : i32
    %dma_wait3A_105 = tpu.memref_slice %arg4[%add3A_97, %dma_wait3A_103, %dma_wait3A_104] : memref<1024x56x128xf32, #tpu.memory_space<hbm>> -> memref<1x56x128xf32, #tpu.memory_space<hbm>>
    %dma_wait3A_106 = tpu.memref_squeeze %dma_wait3A_105 : memref<1x56x128xf32, #tpu.memory_space<hbm>> -> memref<56x128xf32, #tpu.memory_space<hbm>>
    %dma_wait3A_107 = arith.constant 0 : i32
    %dma_wait3A_108 = arith.constant 0 : i32
    %dma_wait3A_109 = tpu.memref_slice %arg4[%add3A_97, %dma_wait3A_107, %dma_wait3A_108] : memref<1024x56x128xf32, #tpu.memory_space<hbm>> -> memref<1x56x128xf32, #tpu.memory_space<hbm>>
    %dma_wait3A_110 = tpu.memref_squeeze %dma_wait3A_109 : memref<1x56x128xf32, #tpu.memory_space<hbm>> -> memref<56x128xf32, #tpu.memory_space<hbm>>
    %dma_wait3A_111 = arith.constant 0 : i32
    %dma_wait3A_112 = arith.constant 0 : i32
    %dma_wait3A_113 = tpu.memref_slice %arg6[%dma_wait3A_98, %dma_wait3A_111, %dma_wait3A_112] : memref<8x56x128xf32, #tpu.memory_space<vmem>> -> memref<1x56x128xf32, #tpu.memory_space<vmem>>
    %dma_wait3A_114 = tpu.memref_squeeze %dma_wait3A_113 : memref<1x56x128xf32, #tpu.memory_space<vmem>> -> memref<56x128xf32, #tpu.memory_space<vmem>>
    tpu.wait_dma2 semaphore(%arg17 : memref<!tpu.dma_semaphore, #tpu.memory_space<semaphore_mem>>) src(%dma_wait3A_114 : memref<56x128xf32, #tpu.memory_space<vmem>>) dst(%dma_wait3A_110 : memref<56x128xf32, #tpu.memory_space<hbm>>)
    %add3A_115 = arith.constant 27 : i32
    %add3A_116 = arith.addi %mul3A_6, %add3A_115 : i32
    %dma_wait3A_117 = arith.constant 3 : i32
    %dma_wait3A_118 = arith.constant 0 : i32
    %dma_wait3A_119 = arith.constant 0 : i32
    %dma_wait3A_120 = tpu.memref_slice %arg6[%dma_wait3A_117, %dma_wait3A_118, %dma_wait3A_119] : memref<8x56x128xf32, #tpu.memory_space<vmem>> -> memref<1x56x128xf32, #tpu.memory_space<vmem>>
    %dma_wait3A_121 = tpu.memref_squeeze %dma_wait3A_120 : memref<1x56x128xf32, #tpu.memory_space<vmem>> -> memref<56x128xf32, #tpu.memory_space<vmem>>
    %dma_wait3A_122 = arith.constant 0 : i32
    %dma_wait3A_123 = arith.constant 0 : i32
    %dma_wait3A_124 = tpu.memref_slice %arg4[%add3A_116, %dma_wait3A_122, %dma_wait3A_123] : memref<1024x56x128xf32, #tpu.memory_space<hbm>> -> memref<1x56x128xf32, #tpu.memory_space<hbm>>
    %dma_wait3A_125 = tpu.memref_squeeze %dma_wait3A_124 : memref<1x56x128xf32, #tpu.memory_space<hbm>> -> memref<56x128xf32, #tpu.memory_space<hbm>>
    %dma_wait3A_126 = arith.constant 0 : i32
    %dma_wait3A_127 = arith.constant 0 : i32
    %dma_wait3A_128 = tpu.memref_slice %arg4[%add3A_116, %dma_wait3A_126, %dma_wait3A_127] : memref<1024x56x128xf32, #tpu.memory_space<hbm>> -> memref<1x56x128xf32, #tpu.memory_space<hbm>>
    %dma_wait3A_129 = tpu.memref_squeeze %dma_wait3A_128 : memref<1x56x128xf32, #tpu.memory_space<hbm>> -> memref<56x128xf32, #tpu.memory_space<hbm>>
    %dma_wait3A_130 = arith.constant 0 : i32
    %dma_wait3A_131 = arith.constant 0 : i32
    %dma_wait3A_132 = tpu.memref_slice %arg6[%dma_wait3A_117, %dma_wait3A_130, %dma_wait3A_131] : memref<8x56x128xf32, #tpu.memory_space<vmem>> -> memref<1x56x128xf32, #tpu.memory_space<vmem>>
    %dma_wait3A_133 = tpu.memref_squeeze %dma_wait3A_132 : memref<1x56x128xf32, #tpu.memory_space<vmem>> -> memref<56x128xf32, #tpu.memory_space<vmem>>
    tpu.wait_dma2 semaphore(%arg18 : memref<!tpu.dma_semaphore, #tpu.memory_space<semaphore_mem>>) src(%dma_wait3A_133 : memref<56x128xf32, #tpu.memory_space<vmem>>) dst(%dma_wait3A_129 : memref<56x128xf32, #tpu.memory_space<hbm>>)
    %add3A_134 = arith.constant 28 : i32
    %add3A_135 = arith.addi %mul3A_6, %add3A_134 : i32
    %dma_wait3A_136 = arith.constant 4 : i32
    %dma_wait3A_137 = arith.constant 0 : i32
    %dma_wait3A_138 = arith.constant 0 : i32
    %dma_wait3A_139 = tpu.memref_slice %arg6[%dma_wait3A_136, %dma_wait3A_137, %dma_wait3A_138] : memref<8x56x128xf32, #tpu.memory_space<vmem>> -> memref<1x56x128xf32, #tpu.memory_space<vmem>>
    %dma_wait3A_140 = tpu.memref_squeeze %dma_wait3A_139 : memref<1x56x128xf32, #tpu.memory_space<vmem>> -> memref<56x128xf32, #tpu.memory_space<vmem>>
    %dma_wait3A_141 = arith.constant 0 : i32
    %dma_wait3A_142 = arith.constant 0 : i32
    %dma_wait3A_143 = tpu.memref_slice %arg4[%add3A_135, %dma_wait3A_141, %dma_wait3A_142] : memref<1024x56x128xf32, #tpu.memory_space<hbm>> -> memref<1x56x128xf32, #tpu.memory_space<hbm>>
    %dma_wait3A_144 = tpu.memref_squeeze %dma_wait3A_143 : memref<1x56x128xf32, #tpu.memory_space<hbm>> -> memref<56x128xf32, #tpu.memory_space<hbm>>
    %dma_wait3A_145 = arith.constant 0 : i32
    %dma_wait3A_146 = arith.constant 0 : i32
    %dma_wait3A_147 = tpu.memref_slice %arg4[%add3A_135, %dma_wait3A_145, %dma_wait3A_146] : memref<1024x56x128xf32, #tpu.memory_space<hbm>> -> memref<1x56x128xf32, #tpu.memory_space<hbm>>
    %dma_wait3A_148 = tpu.memref_squeeze %dma_wait3A_147 : memref<1x56x128xf32, #tpu.memory_space<hbm>> -> memref<56x128xf32, #tpu.memory_space<hbm>>
    %dma_wait3A_149 = arith.constant 0 : i32
    %dma_wait3A_150 = arith.constant 0 : i32
    %dma_wait3A_151 = tpu.memref_slice %arg6[%dma_wait3A_136, %dma_wait3A_149, %dma_wait3A_150] : memref<8x56x128xf32, #tpu.memory_space<vmem>> -> memref<1x56x128xf32, #tpu.memory_space<vmem>>
    %dma_wait3A_152 = tpu.memref_squeeze %dma_wait3A_151 : memref<1x56x128xf32, #tpu.memory_space<vmem>> -> memref<56x128xf32, #tpu.memory_space<vmem>>
    tpu.wait_dma2 semaphore(%arg19 : memref<!tpu.dma_semaphore, #tpu.memory_space<semaphore_mem>>) src(%dma_wait3A_152 : memref<56x128xf32, #tpu.memory_space<vmem>>) dst(%dma_wait3A_148 : memref<56x128xf32, #tpu.memory_space<hbm>>)
    %add3A_153 = arith.constant 29 : i32
    %add3A_154 = arith.addi %mul3A_6, %add3A_153 : i32
    %dma_wait3A_155 = arith.constant 5 : i32
    %dma_wait3A_156 = arith.constant 0 : i32
    %dma_wait3A_157 = arith.constant 0 : i32
    %dma_wait3A_158 = tpu.memref_slice %arg6[%dma_wait3A_155, %dma_wait3A_156, %dma_wait3A_157] : memref<8x56x128xf32, #tpu.memory_space<vmem>> -> memref<1x56x128xf32, #tpu.memory_space<vmem>>
    %dma_wait3A_159 = tpu.memref_squeeze %dma_wait3A_158 : memref<1x56x128xf32, #tpu.memory_space<vmem>> -> memref<56x128xf32, #tpu.memory_space<vmem>>
    %dma_wait3A_160 = arith.constant 0 : i32
    %dma_wait3A_161 = arith.constant 0 : i32
    %dma_wait3A_162 = tpu.memref_slice %arg4[%add3A_154, %dma_wait3A_160, %dma_wait3A_161] : memref<1024x56x128xf32, #tpu.memory_space<hbm>> -> memref<1x56x128xf32, #tpu.memory_space<hbm>>
    %dma_wait3A_163 = tpu.memref_squeeze %dma_wait3A_162 : memref<1x56x128xf32, #tpu.memory_space<hbm>> -> memref<56x128xf32, #tpu.memory_space<hbm>>
    %dma_wait3A_164 = arith.constant 0 : i32
    %dma_wait3A_165 = arith.constant 0 : i32
    %dma_wait3A_166 = tpu.memref_slice %arg4[%add3A_154, %dma_wait3A_164, %dma_wait3A_165] : memref<1024x56x128xf32, #tpu.memory_space<hbm>> -> memref<1x56x128xf32, #tpu.memory_space<hbm>>
    %dma_wait3A_167 = tpu.memref_squeeze %dma_wait3A_166 : memref<1x56x128xf32, #tpu.memory_space<hbm>> -> memref<56x128xf32, #tpu.memory_space<hbm>>
    %dma_wait3A_168 = arith.constant 0 : i32
    %dma_wait3A_169 = arith.constant 0 : i32
    %dma_wait3A_170 = tpu.memref_slice %arg6[%dma_wait3A_155, %dma_wait3A_168, %dma_wait3A_169] : memref<8x56x128xf32, #tpu.memory_space<vmem>> -> memref<1x56x128xf32, #tpu.memory_space<vmem>>
    %dma_wait3A_171 = tpu.memref_squeeze %dma_wait3A_170 : memref<1x56x128xf32, #tpu.memory_space<vmem>> -> memref<56x128xf32, #tpu.memory_space<vmem>>
    tpu.wait_dma2 semaphore(%arg20 : memref<!tpu.dma_semaphore, #tpu.memory_space<semaphore_mem>>) src(%dma_wait3A_171 : memref<56x128xf32, #tpu.memory_space<vmem>>) dst(%dma_wait3A_167 : memref<56x128xf32, #tpu.memory_space<hbm>>)
    %add3A_172 = arith.constant 30 : i32
    %add3A_173 = arith.addi %mul3A_6, %add3A_172 : i32
    %dma_wait3A_174 = arith.constant 6 : i32
    %dma_wait3A_175 = arith.constant 0 : i32
    %dma_wait3A_176 = arith.constant 0 : i32
    %dma_wait3A_177 = tpu.memref_slice %arg6[%dma_wait3A_174, %dma_wait3A_175, %dma_wait3A_176] : memref<8x56x128xf32, #tpu.memory_space<vmem>> -> memref<1x56x128xf32, #tpu.memory_space<vmem>>
    %dma_wait3A_178 = tpu.memref_squeeze %dma_wait3A_177 : memref<1x56x128xf32, #tpu.memory_space<vmem>> -> memref<56x128xf32, #tpu.memory_space<vmem>>
    %dma_wait3A_179 = arith.constant 0 : i32
    %dma_wait3A_180 = arith.constant 0 : i32
    %dma_wait3A_181 = tpu.memref_slice %arg4[%add3A_173, %dma_wait3A_179, %dma_wait3A_180] : memref<1024x56x128xf32, #tpu.memory_space<hbm>> -> memref<1x56x128xf32, #tpu.memory_space<hbm>>
    %dma_wait3A_182 = tpu.memref_squeeze %dma_wait3A_181 : memref<1x56x128xf32, #tpu.memory_space<hbm>> -> memref<56x128xf32, #tpu.memory_space<hbm>>
    %dma_wait3A_183 = arith.constant 0 : i32
    %dma_wait3A_184 = arith.constant 0 : i32
    %dma_wait3A_185 = tpu.memref_slice %arg4[%add3A_173, %dma_wait3A_183, %dma_wait3A_184] : memref<1024x56x128xf32, #tpu.memory_space<hbm>> -> memref<1x56x128xf32, #tpu.memory_space<hbm>>
    %dma_wait3A_186 = tpu.memref_squeeze %dma_wait3A_185 : memref<1x56x128xf32, #tpu.memory_space<hbm>> -> memref<56x128xf32, #tpu.memory_space<hbm>>
    %dma_wait3A_187 = arith.constant 0 : i32
    %dma_wait3A_188 = arith.constant 0 : i32
    %dma_wait3A_189 = tpu.memref_slice %arg6[%dma_wait3A_174, %dma_wait3A_187, %dma_wait3A_188] : memref<8x56x128xf32, #tpu.memory_space<vmem>> -> memref<1x56x128xf32, #tpu.memory_space<vmem>>
    %dma_wait3A_190 = tpu.memref_squeeze %dma_wait3A_189 : memref<1x56x128xf32, #tpu.memory_space<vmem>> -> memref<56x128xf32, #tpu.memory_space<vmem>>
    tpu.wait_dma2 semaphore(%arg21 : memref<!tpu.dma_semaphore, #tpu.memory_space<semaphore_mem>>) src(%dma_wait3A_190 : memref<56x128xf32, #tpu.memory_space<vmem>>) dst(%dma_wait3A_186 : memref<56x128xf32, #tpu.memory_space<hbm>>)
    %add3A_191 = arith.constant 31 : i32
    %add3A_192 = arith.addi %mul3A_6, %add3A_191 : i32
    %dma_wait3A_193 = arith.constant 7 : i32
    %dma_wait3A_194 = arith.constant 0 : i32
    %dma_wait3A_195 = arith.constant 0 : i32
    %dma_wait3A_196 = tpu.memref_slice %arg6[%dma_wait3A_193, %dma_wait3A_194, %dma_wait3A_195] : memref<8x56x128xf32, #tpu.memory_space<vmem>> -> memref<1x56x128xf32, #tpu.memory_space<vmem>>
    %dma_wait3A_197 = tpu.memref_squeeze %dma_wait3A_196 : memref<1x56x128xf32, #tpu.memory_space<vmem>> -> memref<56x128xf32, #tpu.memory_space<vmem>>
    %dma_wait3A_198 = arith.constant 0 : i32
    %dma_wait3A_199 = arith.constant 0 : i32
    %dma_wait3A_200 = tpu.memref_slice %arg4[%add3A_192, %dma_wait3A_198, %dma_wait3A_199] : memref<1024x56x128xf32, #tpu.memory_space<hbm>> -> memref<1x56x128xf32, #tpu.memory_space<hbm>>
    %dma_wait3A_201 = tpu.memref_squeeze %dma_wait3A_200 : memref<1x56x128xf32, #tpu.memory_space<hbm>> -> memref<56x128xf32, #tpu.memory_space<hbm>>
    %dma_wait3A_202 = arith.constant 0 : i32
    %dma_wait3A_203 = arith.constant 0 : i32
    %dma_wait3A_204 = tpu.memref_slice %arg4[%add3A_192, %dma_wait3A_202, %dma_wait3A_203] : memref<1024x56x128xf32, #tpu.memory_space<hbm>> -> memref<1x56x128xf32, #tpu.memory_space<hbm>>
    %dma_wait3A_205 = tpu.memref_squeeze %dma_wait3A_204 : memref<1x56x128xf32, #tpu.memory_space<hbm>> -> memref<56x128xf32, #tpu.memory_space<hbm>>
    %dma_wait3A_206 = arith.constant 0 : i32
    %dma_wait3A_207 = arith.constant 0 : i32
    %dma_wait3A_208 = tpu.memref_slice %arg6[%dma_wait3A_193, %dma_wait3A_206, %dma_wait3A_207] : memref<8x56x128xf32, #tpu.memory_space<vmem>> -> memref<1x56x128xf32, #tpu.memory_space<vmem>>
    %dma_wait3A_209 = tpu.memref_squeeze %dma_wait3A_208 : memref<1x56x128xf32, #tpu.memory_space<vmem>> -> memref<56x128xf32, #tpu.memory_space<vmem>>
    tpu.wait_dma2 semaphore(%arg22 : memref<!tpu.dma_semaphore, #tpu.memory_space<semaphore_mem>>) src(%dma_wait3A_209 : memref<56x128xf32, #tpu.memory_space<vmem>>) dst(%dma_wait3A_205 : memref<56x128xf32, #tpu.memory_space<hbm>>)
    return
  }
}

#map = affine_map<(d0, d1) -> (0, 0)>
#map1 = affine_map<(d0, d1) -> (0, 0, 0)>
module attributes {stable_mosaic.version = 14 : i64} {
  func.func @sc_stage(%arg0: i32, %arg1: i32, %arg2: memref<100000x128xf32, #tpu.memory_space<hbm>>, %arg3: memref<4096x50xi32, #tpu.memory_space<hbm>>, %arg4: memref<1024x56x128xf32, #tpu.memory_space<hbm>>, %arg5: memref<32x50xi32, #tpu.memory_space<vmem>>, %arg6: memref<8x56x128xf32, #tpu.memory_space<vmem>>, %arg7: memref<!tpu.dma_semaphore, #tpu.memory_space<semaphore_mem>>, %arg8: memref<!tpu.dma_semaphore, #tpu.memory_space<semaphore_mem>>, %arg9: memref<!tpu.dma_semaphore, #tpu.memory_space<semaphore_mem>>, %arg10: memref<!tpu.dma_semaphore, #tpu.memory_space<semaphore_mem>>, %arg11: memref<!tpu.dma_semaphore, #tpu.memory_space<semaphore_mem>>, %arg12: memref<!tpu.dma_semaphore, #tpu.memory_space<semaphore_mem>>, %arg13: memref<!tpu.dma_semaphore, #tpu.memory_space<semaphore_mem>>, %arg14: memref<!tpu.dma_semaphore, #tpu.memory_space<semaphore_mem>>, %arg15: memref<!tpu.dma_semaphore, #tpu.memory_space<semaphore_mem>>, %arg16: memref<!tpu.dma_semaphore, #tpu.memory_space<semaphore_mem>>, %arg17: memref<!tpu.dma_semaphore, #tpu.memory_space<semaphore_mem>>, %arg18: memref<!tpu.dma_semaphore, #tpu.memory_space<semaphore_mem>>, %arg19: memref<!tpu.dma_semaphore, #tpu.memory_space<semaphore_mem>>, %arg20: memref<!tpu.dma_semaphore, #tpu.memory_space<semaphore_mem>>, %arg21: memref<!tpu.dma_semaphore, #tpu.memory_space<semaphore_mem>>, %arg22: memref<!tpu.dma_semaphore, #tpu.memory_space<semaphore_mem>>) attributes {dimension_semantics = [#tpu.dimension_semantics<core_parallel>, #tpu.dimension_semantics<subcore_parallel>], iteration_bounds = array<i64: 2, 16>, scalar_prefetch = 0 : i64, scratch_operands = 18 : i64, tpu.core_type = #tpu.core_type<sc_vector_subcore>, window_params = [{transform_indices = #map}, {transform_indices = #map}, {transform_indices = #map1}]} {
    %mul3A = arith.constant 2 : i32
    %mul3A_0 = arith.muli %arg1, %mul3A : i32
    %add3A = arith.addi %mul3A_0, %arg0 : i32
    %mul3A_1 = arith.constant 32 : i32
    %mul3A_2 = arith.muli %add3A, %mul3A_1 : i32
    %add3A_3 = arith.constant 2048 : i32
    %add3A_4 = arith.addi %add3A_3, %mul3A_2 : i32
    %mul3A_5 = arith.constant 32 : i32
    %mul3A_6 = arith.muli %add3A, %mul3A_5 : i32
    "tpu.region"() ({
      %run_scoped3A = tpu.sem_alloc : memref<!tpu.dma_semaphore, #tpu.memory_space<semaphore_mem>>
      %dma_start3A_210 = arith.constant 0 : i32
      %dma_start3A_211 = tpu.memref_slice %arg3[%add3A_4, %dma_start3A_210] : memref<4096x50xi32, #tpu.memory_space<hbm>> -> memref<32x50xi32, #tpu.memory_space<hbm>>
      %dma_start3A_212 = arith.constant 0 : i32
      %dma_start3A_213 = tpu.memref_slice %arg3[%add3A_4, %dma_start3A_212] : memref<4096x50xi32, #tpu.memory_space<hbm>> -> memref<32x50xi32, #tpu.memory_space<hbm>>
      tpu.enqueue_dma source(%dma_start3A_213 : memref<32x50xi32, #tpu.memory_space<hbm>>) target(%arg5 : memref<32x50xi32, #tpu.memory_space<vmem>>) target_semaphore(%run_scoped3A : memref<!tpu.dma_semaphore, #tpu.memory_space<semaphore_mem>>)
      %dma_wait3A_214 = arith.constant 0 : i32
      %dma_wait3A_215 = tpu.memref_slice %arg3[%add3A_4, %dma_wait3A_214] : memref<4096x50xi32, #tpu.memory_space<hbm>> -> memref<32x50xi32, #tpu.memory_space<hbm>>
      %dma_wait3A_216 = arith.constant 0 : i32
      %dma_wait3A_217 = tpu.memref_slice %arg3[%add3A_4, %dma_wait3A_216] : memref<4096x50xi32, #tpu.memory_space<hbm>> -> memref<32x50xi32, #tpu.memory_space<hbm>>
      tpu.wait_dma2 semaphore(%run_scoped3A : memref<!tpu.dma_semaphore, #tpu.memory_space<semaphore_mem>>) src(%dma_wait3A_217 : memref<32x50xi32, #tpu.memory_space<hbm>>) dst(%arg5 : memref<32x50xi32, #tpu.memory_space<vmem>>)
      tpu.yield
    }) : () -> ()
    %dma_start3A = arith.constant 0 : i32
    %dma_start3A_7 = arith.constant 0 : i32
    %dma_start3A_8 = arith.constant 0 : i32
    %dma_start3A_9 = arith.constant 0 : i32
    %dma_start3A_10 = tpu.memref_slice %arg6[%dma_start3A_7, %dma_start3A_8, %dma_start3A_9] : memref<8x56x128xf32, #tpu.memory_space<vmem>> -> memref<1x50x128xf32, #tpu.memory_space<vmem>>
    %dma_start3A_11 = tpu.memref_squeeze %dma_start3A_10 : memref<1x50x128xf32, #tpu.memory_space<vmem>> -> memref<50x128xf32, #tpu.memory_space<vmem>>
    %dma_start3A_12 = arith.constant 0 : i32
    %dma_start3A_13 = tpu.memref_slice %arg5[%dma_start3A, %dma_start3A_12] : memref<32x50xi32, #tpu.memory_space<vmem>> -> memref<1x50xi32, #tpu.memory_space<vmem>>
    %dma_start3A_14 = tpu.memref_squeeze %dma_start3A_13 : memref<1x50xi32, #tpu.memory_space<vmem>> -> memref<50xi32, #tpu.memory_space<vmem>>
    %dma_start3A_15 = arith.constant 0 : i32
    %dma_start3A_16 = arith.constant 0 : i32
    %dma_start3A_17 = tpu.memref_slice %arg2[%dma_start3A_15, %dma_start3A_16] : memref<100000x128xf32, #tpu.memory_space<hbm>> -> memref<100000x128xf32, #tpu.memory_space<hbm>>
    tpu.enqueue_indirect_dma source(%dma_start3A_17 : memref<100000x128xf32, #tpu.memory_space<hbm>>) target(%dma_start3A_11 : memref<50x128xf32, #tpu.memory_space<vmem>>) offsets(%dma_start3A_14 : memref<50xi32, #tpu.memory_space<vmem>>) semaphore(%arg7 : memref<!tpu.dma_semaphore, #tpu.memory_space<semaphore_mem>>)
    %dma_start3A_18 = arith.constant 1 : i32
    %dma_start3A_19 = arith.constant 1 : i32
    %dma_start3A_20 = arith.constant 0 : i32
    %dma_start3A_21 = arith.constant 0 : i32
    %dma_start3A_22 = tpu.memref_slice %arg6[%dma_start3A_19, %dma_start3A_20, %dma_start3A_21] : memref<8x56x128xf32, #tpu.memory_space<vmem>> -> memref<1x50x128xf32, #tpu.memory_space<vmem>>
    %dma_start3A_23 = tpu.memref_squeeze %dma_start3A_22 : memref<1x50x128xf32, #tpu.memory_space<vmem>> -> memref<50x128xf32, #tpu.memory_space<vmem>>
    %dma_start3A_24 = arith.constant 0 : i32
    %dma_start3A_25 = tpu.memref_slice %arg5[%dma_start3A_18, %dma_start3A_24] : memref<32x50xi32, #tpu.memory_space<vmem>> -> memref<1x50xi32, #tpu.memory_space<vmem>>
    %dma_start3A_26 = tpu.memref_squeeze %dma_start3A_25 : memref<1x50xi32, #tpu.memory_space<vmem>> -> memref<50xi32, #tpu.memory_space<vmem>>
    %dma_start3A_27 = arith.constant 0 : i32
    %dma_start3A_28 = arith.constant 0 : i32
    %dma_start3A_29 = tpu.memref_slice %arg2[%dma_start3A_27, %dma_start3A_28] : memref<100000x128xf32, #tpu.memory_space<hbm>> -> memref<100000x128xf32, #tpu.memory_space<hbm>>
    tpu.enqueue_indirect_dma source(%dma_start3A_29 : memref<100000x128xf32, #tpu.memory_space<hbm>>) target(%dma_start3A_23 : memref<50x128xf32, #tpu.memory_space<vmem>>) offsets(%dma_start3A_26 : memref<50xi32, #tpu.memory_space<vmem>>) semaphore(%arg8 : memref<!tpu.dma_semaphore, #tpu.memory_space<semaphore_mem>>)
    %dma_start3A_30 = arith.constant 2 : i32
    %dma_start3A_31 = arith.constant 2 : i32
    %dma_start3A_32 = arith.constant 0 : i32
    %dma_start3A_33 = arith.constant 0 : i32
    %dma_start3A_34 = tpu.memref_slice %arg6[%dma_start3A_31, %dma_start3A_32, %dma_start3A_33] : memref<8x56x128xf32, #tpu.memory_space<vmem>> -> memref<1x50x128xf32, #tpu.memory_space<vmem>>
    %dma_start3A_35 = tpu.memref_squeeze %dma_start3A_34 : memref<1x50x128xf32, #tpu.memory_space<vmem>> -> memref<50x128xf32, #tpu.memory_space<vmem>>
    %dma_start3A_36 = arith.constant 0 : i32
    %dma_start3A_37 = tpu.memref_slice %arg5[%dma_start3A_30, %dma_start3A_36] : memref<32x50xi32, #tpu.memory_space<vmem>> -> memref<1x50xi32, #tpu.memory_space<vmem>>
    %dma_start3A_38 = tpu.memref_squeeze %dma_start3A_37 : memref<1x50xi32, #tpu.memory_space<vmem>> -> memref<50xi32, #tpu.memory_space<vmem>>
    %dma_start3A_39 = arith.constant 0 : i32
    %dma_start3A_40 = arith.constant 0 : i32
    %dma_start3A_41 = tpu.memref_slice %arg2[%dma_start3A_39, %dma_start3A_40] : memref<100000x128xf32, #tpu.memory_space<hbm>> -> memref<100000x128xf32, #tpu.memory_space<hbm>>
    tpu.enqueue_indirect_dma source(%dma_start3A_41 : memref<100000x128xf32, #tpu.memory_space<hbm>>) target(%dma_start3A_35 : memref<50x128xf32, #tpu.memory_space<vmem>>) offsets(%dma_start3A_38 : memref<50xi32, #tpu.memory_space<vmem>>) semaphore(%arg9 : memref<!tpu.dma_semaphore, #tpu.memory_space<semaphore_mem>>)
    %dma_start3A_42 = arith.constant 3 : i32
    %dma_start3A_43 = arith.constant 3 : i32
    %dma_start3A_44 = arith.constant 0 : i32
    %dma_start3A_45 = arith.constant 0 : i32
    %dma_start3A_46 = tpu.memref_slice %arg6[%dma_start3A_43, %dma_start3A_44, %dma_start3A_45] : memref<8x56x128xf32, #tpu.memory_space<vmem>> -> memref<1x50x128xf32, #tpu.memory_space<vmem>>
    %dma_start3A_47 = tpu.memref_squeeze %dma_start3A_46 : memref<1x50x128xf32, #tpu.memory_space<vmem>> -> memref<50x128xf32, #tpu.memory_space<vmem>>
    %dma_start3A_48 = arith.constant 0 : i32
    %dma_start3A_49 = tpu.memref_slice %arg5[%dma_start3A_42, %dma_start3A_48] : memref<32x50xi32, #tpu.memory_space<vmem>> -> memref<1x50xi32, #tpu.memory_space<vmem>>
    %dma_start3A_50 = tpu.memref_squeeze %dma_start3A_49 : memref<1x50xi32, #tpu.memory_space<vmem>> -> memref<50xi32, #tpu.memory_space<vmem>>
    %dma_start3A_51 = arith.constant 0 : i32
    %dma_start3A_52 = arith.constant 0 : i32
    %dma_start3A_53 = tpu.memref_slice %arg2[%dma_start3A_51, %dma_start3A_52] : memref<100000x128xf32, #tpu.memory_space<hbm>> -> memref<100000x128xf32, #tpu.memory_space<hbm>>
    tpu.enqueue_indirect_dma source(%dma_start3A_53 : memref<100000x128xf32, #tpu.memory_space<hbm>>) target(%dma_start3A_47 : memref<50x128xf32, #tpu.memory_space<vmem>>) offsets(%dma_start3A_50 : memref<50xi32, #tpu.memory_space<vmem>>) semaphore(%arg10 : memref<!tpu.dma_semaphore, #tpu.memory_space<semaphore_mem>>)
    %scan3A = arith.constant 0 : i32
    %scan3A_54 = arith.constant 0 : i32
    %scan3A_55 = arith.constant 4 : i32
    %scan3A_56 = arith.addi %scan3A_54, %scan3A_55 : i32
    %scan3A_57 = arith.constant 1 : i32
    scf.for %scan3A_210 = %scan3A_54 to %scan3A_56 step %scan3A_57  : i32 {
      %mul3A_211 = arith.constant 8 : i32
      %mul3A_212 = arith.muli %scan3A_210, %mul3A_211 : i32
      %add3A_213 = arith.constant 0 : i32
      %add3A_214 = arith.addi %mul3A_212, %add3A_213 : i32
      %dma_wait3A_215 = arith.constant 0 : i32
      %dma_wait3A_216 = arith.constant 0 : i32
      %dma_wait3A_217 = arith.constant 0 : i32
      %dma_wait3A_218 = tpu.memref_slice %arg6[%dma_wait3A_215, %dma_wait3A_216, %dma_wait3A_217] : memref<8x56x128xf32, #tpu.memory_space<vmem>> -> memref<1x50x128xf32, #tpu.memory_space<vmem>>
      %dma_wait3A_219 = tpu.memref_squeeze %dma_wait3A_218 : memref<1x50x128xf32, #tpu.memory_space<vmem>> -> memref<50x128xf32, #tpu.memory_space<vmem>>
      %dma_wait3A_220 = arith.constant 0 : i32
      %dma_wait3A_221 = tpu.memref_slice %arg5[%add3A_214, %dma_wait3A_220] : memref<32x50xi32, #tpu.memory_space<vmem>> -> memref<1x50xi32, #tpu.memory_space<vmem>>
      %dma_wait3A_222 = tpu.memref_squeeze %dma_wait3A_221 : memref<1x50xi32, #tpu.memory_space<vmem>> -> memref<50xi32, #tpu.memory_space<vmem>>
      %dma_wait3A_223 = arith.constant 0 : i32
      %dma_wait3A_224 = arith.constant 0 : i32
      %dma_wait3A_225 = tpu.memref_slice %arg2[%dma_wait3A_223, %dma_wait3A_224] : memref<100000x128xf32, #tpu.memory_space<hbm>> -> memref<100000x128xf32, #tpu.memory_space<hbm>>
      tpu.wait_indirect_dma semaphore(%arg7 : memref<!tpu.dma_semaphore, #tpu.memory_space<semaphore_mem>>) src(%dma_wait3A_225 : memref<100000x128xf32, #tpu.memory_space<hbm>>) dst(%dma_wait3A_219 : memref<50x128xf32, #tpu.memory_space<vmem>>)
      %add3A_226 = arith.addi %mul3A_6, %add3A_214 : i32
      %dma_start3A_227 = arith.constant 0 : i32
      %dma_start3A_228 = arith.constant 0 : i32
      %dma_start3A_229 = arith.constant 0 : i32
      %dma_start3A_230 = tpu.memref_slice %arg6[%dma_start3A_227, %dma_start3A_228, %dma_start3A_229] : memref<8x56x128xf32, #tpu.memory_space<vmem>> -> memref<1x56x128xf32, #tpu.memory_space<vmem>>
      %dma_start3A_231 = tpu.memref_squeeze %dma_start3A_230 : memref<1x56x128xf32, #tpu.memory_space<vmem>> -> memref<56x128xf32, #tpu.memory_space<vmem>>
      %dma_start3A_232 = arith.constant 0 : i32
      %dma_start3A_233 = arith.constant 0 : i32
      %dma_start3A_234 = tpu.memref_slice %arg4[%add3A_226, %dma_start3A_232, %dma_start3A_233] : memref<1024x56x128xf32, #tpu.memory_space<hbm>> -> memref<1x56x128xf32, #tpu.memory_space<hbm>>
      %dma_start3A_235 = tpu.memref_squeeze %dma_start3A_234 : memref<1x56x128xf32, #tpu.memory_space<hbm>> -> memref<56x128xf32, #tpu.memory_space<hbm>>
      %dma_start3A_236 = arith.constant 0 : i32
      %dma_start3A_237 = arith.constant 0 : i32
      %dma_start3A_238 = tpu.memref_slice %arg4[%add3A_226, %dma_start3A_236, %dma_start3A_237] : memref<1024x56x128xf32, #tpu.memory_space<hbm>> -> memref<1x56x128xf32, #tpu.memory_space<hbm>>
      %dma_start3A_239 = tpu.memref_squeeze %dma_start3A_238 : memref<1x56x128xf32, #tpu.memory_space<hbm>> -> memref<56x128xf32, #tpu.memory_space<hbm>>
      %dma_start3A_240 = arith.constant 0 : i32
      %dma_start3A_241 = arith.constant 0 : i32
      %dma_start3A_242 = tpu.memref_slice %arg6[%dma_start3A_227, %dma_start3A_240, %dma_start3A_241] : memref<8x56x128xf32, #tpu.memory_space<vmem>> -> memref<1x56x128xf32, #tpu.memory_space<vmem>>
      %dma_start3A_243 = tpu.memref_squeeze %dma_start3A_242 : memref<1x56x128xf32, #tpu.memory_space<vmem>> -> memref<56x128xf32, #tpu.memory_space<vmem>>
      tpu.enqueue_dma source(%dma_start3A_243 : memref<56x128xf32, #tpu.memory_space<vmem>>) target(%dma_start3A_239 : memref<56x128xf32, #tpu.memory_space<hbm>>) target_semaphore(%arg15 : memref<!tpu.dma_semaphore, #tpu.memory_space<semaphore_mem>>)
      %add3A_244 = arith.constant 4 : i32
      %add3A_245 = arith.addi %add3A_214, %add3A_244 : i32
      %lt3A = arith.constant 32 : i32
      %lt3A_246 = arith.cmpi slt, %add3A_245, %lt3A : i32
      %convert_element_type3A = arith.extui %lt3A_246 : i1 to i32
      %cond3A = arith.constant 0 : i32
      %cond3A_247 = arith.cmpi ne, %convert_element_type3A, %cond3A : i32
      scf.if %cond3A_247 {
        %ge3A = arith.constant 8 : i32
        %ge3A_528 = arith.cmpi sge, %add3A_245, %ge3A : i32
        %convert_element_type3A_529 = arith.extui %ge3A_528 : i1 to i32
        %cond3A_530 = arith.constant 0 : i32
        %cond3A_531 = arith.cmpi ne, %convert_element_type3A_529, %cond3A_530 : i32
        scf.if %cond3A_531 {
          %sub3A = arith.constant 8 : i32
          %sub3A_543 = arith.subi %add3A_245, %sub3A : i32
          %add3A_544 = arith.addi %mul3A_6, %sub3A_543 : i32
          %dma_wait3A_545 = arith.constant 4 : i32
          %dma_wait3A_546 = arith.constant 0 : i32
          %dma_wait3A_547 = arith.constant 0 : i32
          %dma_wait3A_548 = tpu.memref_slice %arg6[%dma_wait3A_545, %dma_wait3A_546, %dma_wait3A_547] : memref<8x56x128xf32, #tpu.memory_space<vmem>> -> memref<1x56x128xf32, #tpu.memory_space<vmem>>
          %dma_wait3A_549 = tpu.memref_squeeze %dma_wait3A_548 : memref<1x56x128xf32, #tpu.memory_space<vmem>> -> memref<56x128xf32, #tpu.memory_space<vmem>>
          %dma_wait3A_550 = arith.constant 0 : i32
          %dma_wait3A_551 = arith.constant 0 : i32
          %dma_wait3A_552 = tpu.memref_slice %arg4[%add3A_544, %dma_wait3A_550, %dma_wait3A_551] : memref<1024x56x128xf32, #tpu.memory_space<hbm>> -> memref<1x56x128xf32, #tpu.memory_space<hbm>>
          %dma_wait3A_553 = tpu.memref_squeeze %dma_wait3A_552 : memref<1x56x128xf32, #tpu.memory_space<hbm>> -> memref<56x128xf32, #tpu.memory_space<hbm>>
          %dma_wait3A_554 = arith.constant 0 : i32
          %dma_wait3A_555 = arith.constant 0 : i32
          %dma_wait3A_556 = tpu.memref_slice %arg4[%add3A_544, %dma_wait3A_554, %dma_wait3A_555] : memref<1024x56x128xf32, #tpu.memory_space<hbm>> -> memref<1x56x128xf32, #tpu.memory_space<hbm>>
          %dma_wait3A_557 = tpu.memref_squeeze %dma_wait3A_556 : memref<1x56x128xf32, #tpu.memory_space<hbm>> -> memref<56x128xf32, #tpu.memory_space<hbm>>
          %dma_wait3A_558 = arith.constant 0 : i32
          %dma_wait3A_559 = arith.constant 0 : i32
          %dma_wait3A_560 = tpu.memref_slice %arg6[%dma_wait3A_545, %dma_wait3A_558, %dma_wait3A_559] : memref<8x56x128xf32, #tpu.memory_space<vmem>> -> memref<1x56x128xf32, #tpu.memory_space<vmem>>
          %dma_wait3A_561 = tpu.memref_squeeze %dma_wait3A_560 : memref<1x56x128xf32, #tpu.memory_space<vmem>> -> memref<56x128xf32, #tpu.memory_space<vmem>>
          tpu.wait_dma2 semaphore(%arg19 : memref<!tpu.dma_semaphore, #tpu.memory_space<semaphore_mem>>) src(%dma_wait3A_561 : memref<56x128xf32, #tpu.memory_space<vmem>>) dst(%dma_wait3A_557 : memref<56x128xf32, #tpu.memory_space<hbm>>)
        } else {
        }
        %dma_start3A_532 = arith.constant 4 : i32
        %dma_start3A_533 = arith.constant 0 : i32
        %dma_start3A_534 = arith.constant 0 : i32
        %dma_start3A_535 = tpu.memref_slice %arg6[%dma_start3A_532, %dma_start3A_533, %dma_start3A_534] : memref<8x56x128xf32, #tpu.memory_space<vmem>> -> memref<1x50x128xf32, #tpu.memory_space<vmem>>
        %dma_start3A_536 = tpu.memref_squeeze %dma_start3A_535 : memref<1x50x128xf32, #tpu.memory_space<vmem>> -> memref<50x128xf32, #tpu.memory_space<vmem>>
        %dma_start3A_537 = arith.constant 0 : i32
        %dma_start3A_538 = tpu.memref_slice %arg5[%add3A_245, %dma_start3A_537] : memref<32x50xi32, #tpu.memory_space<vmem>> -> memref<1x50xi32, #tpu.memory_space<vmem>>
        %dma_start3A_539 = tpu.memref_squeeze %dma_start3A_538 : memref<1x50xi32, #tpu.memory_space<vmem>> -> memref<50xi32, #tpu.memory_space<vmem>>
        %dma_start3A_540 = arith.constant 0 : i32
        %dma_start3A_541 = arith.constant 0 : i32
        %dma_start3A_542 = tpu.memref_slice %arg2[%dma_start3A_540, %dma_start3A_541] : memref<100000x128xf32, #tpu.memory_space<hbm>> -> memref<100000x128xf32, #tpu.memory_space<hbm>>
        tpu.enqueue_indirect_dma source(%dma_start3A_542 : memref<100000x128xf32, #tpu.memory_space<hbm>>) target(%dma_start3A_536 : memref<50x128xf32, #tpu.memory_space<vmem>>) offsets(%dma_start3A_539 : memref<50xi32, #tpu.memory_space<vmem>>) semaphore(%arg11 : memref<!tpu.dma_semaphore, #tpu.memory_space<semaphore_mem>>)
      } else {
      }
      %mul3A_248 = arith.constant 8 : i32
      %mul3A_249 = arith.muli %scan3A_210, %mul3A_248 : i32
      %add3A_250 = arith.constant 1 : i32
      %add3A_251 = arith.addi %mul3A_249, %add3A_250 : i32
      %dma_wait3A_252 = arith.constant 1 : i32
      %dma_wait3A_253 = arith.constant 0 : i32
      %dma_wait3A_254 = arith.constant 0 : i32
      %dma_wait3A_255 = tpu.memref_slice %arg6[%dma_wait3A_252, %dma_wait3A_253, %dma_wait3A_254] : memref<8x56x128xf32, #tpu.memory_space<vmem>> -> memref<1x50x128xf32, #tpu.memory_space<vmem>>
      %dma_wait3A_256 = tpu.memref_squeeze %dma_wait3A_255 : memref<1x50x128xf32, #tpu.memory_space<vmem>> -> memref<50x128xf32, #tpu.memory_space<vmem>>
      %dma_wait3A_257 = arith.constant 0 : i32
      %dma_wait3A_258 = tpu.memref_slice %arg5[%add3A_251, %dma_wait3A_257] : memref<32x50xi32, #tpu.memory_space<vmem>> -> memref<1x50xi32, #tpu.memory_space<vmem>>
      %dma_wait3A_259 = tpu.memref_squeeze %dma_wait3A_258 : memref<1x50xi32, #tpu.memory_space<vmem>> -> memref<50xi32, #tpu.memory_space<vmem>>
      %dma_wait3A_260 = arith.constant 0 : i32
      %dma_wait3A_261 = arith.constant 0 : i32
      %dma_wait3A_262 = tpu.memref_slice %arg2[%dma_wait3A_260, %dma_wait3A_261] : memref<100000x128xf32, #tpu.memory_space<hbm>> -> memref<100000x128xf32, #tpu.memory_space<hbm>>
      tpu.wait_indirect_dma semaphore(%arg8 : memref<!tpu.dma_semaphore, #tpu.memory_space<semaphore_mem>>) src(%dma_wait3A_262 : memref<100000x128xf32, #tpu.memory_space<hbm>>) dst(%dma_wait3A_256 : memref<50x128xf32, #tpu.memory_space<vmem>>)
      %add3A_263 = arith.addi %mul3A_6, %add3A_251 : i32
      %dma_start3A_264 = arith.constant 1 : i32
      %dma_start3A_265 = arith.constant 0 : i32
      %dma_start3A_266 = arith.constant 0 : i32
      %dma_start3A_267 = tpu.memref_slice %arg6[%dma_start3A_264, %dma_start3A_265, %dma_start3A_266] : memref<8x56x128xf32, #tpu.memory_space<vmem>> -> memref<1x56x128xf32, #tpu.memory_space<vmem>>
      %dma_start3A_268 = tpu.memref_squeeze %dma_start3A_267 : memref<1x56x128xf32, #tpu.memory_space<vmem>> -> memref<56x128xf32, #tpu.memory_space<vmem>>
      %dma_start3A_269 = arith.constant 0 : i32
      %dma_start3A_270 = arith.constant 0 : i32
      %dma_start3A_271 = tpu.memref_slice %arg4[%add3A_263, %dma_start3A_269, %dma_start3A_270] : memref<1024x56x128xf32, #tpu.memory_space<hbm>> -> memref<1x56x128xf32, #tpu.memory_space<hbm>>
      %dma_start3A_272 = tpu.memref_squeeze %dma_start3A_271 : memref<1x56x128xf32, #tpu.memory_space<hbm>> -> memref<56x128xf32, #tpu.memory_space<hbm>>
      %dma_start3A_273 = arith.constant 0 : i32
      %dma_start3A_274 = arith.constant 0 : i32
      %dma_start3A_275 = tpu.memref_slice %arg4[%add3A_263, %dma_start3A_273, %dma_start3A_274] : memref<1024x56x128xf32, #tpu.memory_space<hbm>> -> memref<1x56x128xf32, #tpu.memory_space<hbm>>
      %dma_start3A_276 = tpu.memref_squeeze %dma_start3A_275 : memref<1x56x128xf32, #tpu.memory_space<hbm>> -> memref<56x128xf32, #tpu.memory_space<hbm>>
      %dma_start3A_277 = arith.constant 0 : i32
      %dma_start3A_278 = arith.constant 0 : i32
      %dma_start3A_279 = tpu.memref_slice %arg6[%dma_start3A_264, %dma_start3A_277, %dma_start3A_278] : memref<8x56x128xf32, #tpu.memory_space<vmem>> -> memref<1x56x128xf32, #tpu.memory_space<vmem>>
      %dma_start3A_280 = tpu.memref_squeeze %dma_start3A_279 : memref<1x56x128xf32, #tpu.memory_space<vmem>> -> memref<56x128xf32, #tpu.memory_space<vmem>>
      tpu.enqueue_dma source(%dma_start3A_280 : memref<56x128xf32, #tpu.memory_space<vmem>>) target(%dma_start3A_276 : memref<56x128xf32, #tpu.memory_space<hbm>>) target_semaphore(%arg16 : memref<!tpu.dma_semaphore, #tpu.memory_space<semaphore_mem>>)
      %add3A_281 = arith.constant 4 : i32
      %add3A_282 = arith.addi %add3A_251, %add3A_281 : i32
      %lt3A_283 = arith.constant 32 : i32
      %lt3A_284 = arith.cmpi slt, %add3A_282, %lt3A_283 : i32
      %convert_element_type3A_285 = arith.extui %lt3A_284 : i1 to i32
      %cond3A_286 = arith.constant 0 : i32
      %cond3A_287 = arith.cmpi ne, %convert_element_type3A_285, %cond3A_286 : i32
      scf.if %cond3A_287 {
        %ge3A = arith.constant 8 : i32
        %ge3A_528 = arith.cmpi sge, %add3A_282, %ge3A : i32
        %convert_element_type3A_529 = arith.extui %ge3A_528 : i1 to i32
        %cond3A_530 = arith.constant 0 : i32
        %cond3A_531 = arith.cmpi ne, %convert_element_type3A_529, %cond3A_530 : i32
        scf.if %cond3A_531 {
          %sub3A = arith.constant 8 : i32
          %sub3A_543 = arith.subi %add3A_282, %sub3A : i32
          %add3A_544 = arith.addi %mul3A_6, %sub3A_543 : i32
          %dma_wait3A_545 = arith.constant 5 : i32
          %dma_wait3A_546 = arith.constant 0 : i32
          %dma_wait3A_547 = arith.constant 0 : i32
          %dma_wait3A_548 = tpu.memref_slice %arg6[%dma_wait3A_545, %dma_wait3A_546, %dma_wait3A_547] : memref<8x56x128xf32, #tpu.memory_space<vmem>> -> memref<1x56x128xf32, #tpu.memory_space<vmem>>
          %dma_wait3A_549 = tpu.memref_squeeze %dma_wait3A_548 : memref<1x56x128xf32, #tpu.memory_space<vmem>> -> memref<56x128xf32, #tpu.memory_space<vmem>>
          %dma_wait3A_550 = arith.constant 0 : i32
          %dma_wait3A_551 = arith.constant 0 : i32
          %dma_wait3A_552 = tpu.memref_slice %arg4[%add3A_544, %dma_wait3A_550, %dma_wait3A_551] : memref<1024x56x128xf32, #tpu.memory_space<hbm>> -> memref<1x56x128xf32, #tpu.memory_space<hbm>>
          %dma_wait3A_553 = tpu.memref_squeeze %dma_wait3A_552 : memref<1x56x128xf32, #tpu.memory_space<hbm>> -> memref<56x128xf32, #tpu.memory_space<hbm>>
          %dma_wait3A_554 = arith.constant 0 : i32
          %dma_wait3A_555 = arith.constant 0 : i32
          %dma_wait3A_556 = tpu.memref_slice %arg4[%add3A_544, %dma_wait3A_554, %dma_wait3A_555] : memref<1024x56x128xf32, #tpu.memory_space<hbm>> -> memref<1x56x128xf32, #tpu.memory_space<hbm>>
          %dma_wait3A_557 = tpu.memref_squeeze %dma_wait3A_556 : memref<1x56x128xf32, #tpu.memory_space<hbm>> -> memref<56x128xf32, #tpu.memory_space<hbm>>
          %dma_wait3A_558 = arith.constant 0 : i32
          %dma_wait3A_559 = arith.constant 0 : i32
          %dma_wait3A_560 = tpu.memref_slice %arg6[%dma_wait3A_545, %dma_wait3A_558, %dma_wait3A_559] : memref<8x56x128xf32, #tpu.memory_space<vmem>> -> memref<1x56x128xf32, #tpu.memory_space<vmem>>
          %dma_wait3A_561 = tpu.memref_squeeze %dma_wait3A_560 : memref<1x56x128xf32, #tpu.memory_space<vmem>> -> memref<56x128xf32, #tpu.memory_space<vmem>>
          tpu.wait_dma2 semaphore(%arg20 : memref<!tpu.dma_semaphore, #tpu.memory_space<semaphore_mem>>) src(%dma_wait3A_561 : memref<56x128xf32, #tpu.memory_space<vmem>>) dst(%dma_wait3A_557 : memref<56x128xf32, #tpu.memory_space<hbm>>)
        } else {
        }
        %dma_start3A_532 = arith.constant 5 : i32
        %dma_start3A_533 = arith.constant 0 : i32
        %dma_start3A_534 = arith.constant 0 : i32
        %dma_start3A_535 = tpu.memref_slice %arg6[%dma_start3A_532, %dma_start3A_533, %dma_start3A_534] : memref<8x56x128xf32, #tpu.memory_space<vmem>> -> memref<1x50x128xf32, #tpu.memory_space<vmem>>
        %dma_start3A_536 = tpu.memref_squeeze %dma_start3A_535 : memref<1x50x128xf32, #tpu.memory_space<vmem>> -> memref<50x128xf32, #tpu.memory_space<vmem>>
        %dma_start3A_537 = arith.constant 0 : i32
        %dma_start3A_538 = tpu.memref_slice %arg5[%add3A_282, %dma_start3A_537] : memref<32x50xi32, #tpu.memory_space<vmem>> -> memref<1x50xi32, #tpu.memory_space<vmem>>
        %dma_start3A_539 = tpu.memref_squeeze %dma_start3A_538 : memref<1x50xi32, #tpu.memory_space<vmem>> -> memref<50xi32, #tpu.memory_space<vmem>>
        %dma_start3A_540 = arith.constant 0 : i32
        %dma_start3A_541 = arith.constant 0 : i32
        %dma_start3A_542 = tpu.memref_slice %arg2[%dma_start3A_540, %dma_start3A_541] : memref<100000x128xf32, #tpu.memory_space<hbm>> -> memref<100000x128xf32, #tpu.memory_space<hbm>>
        tpu.enqueue_indirect_dma source(%dma_start3A_542 : memref<100000x128xf32, #tpu.memory_space<hbm>>) target(%dma_start3A_536 : memref<50x128xf32, #tpu.memory_space<vmem>>) offsets(%dma_start3A_539 : memref<50xi32, #tpu.memory_space<vmem>>) semaphore(%arg12 : memref<!tpu.dma_semaphore, #tpu.memory_space<semaphore_mem>>)
      } else {
      }
      %mul3A_288 = arith.constant 8 : i32
      %mul3A_289 = arith.muli %scan3A_210, %mul3A_288 : i32
      %add3A_290 = arith.constant 2 : i32
      %add3A_291 = arith.addi %mul3A_289, %add3A_290 : i32
      %dma_wait3A_292 = arith.constant 2 : i32
      %dma_wait3A_293 = arith.constant 0 : i32
      %dma_wait3A_294 = arith.constant 0 : i32
      %dma_wait3A_295 = tpu.memref_slice %arg6[%dma_wait3A_292, %dma_wait3A_293, %dma_wait3A_294] : memref<8x56x128xf32, #tpu.memory_space<vmem>> -> memref<1x50x128xf32, #tpu.memory_space<vmem>>
      %dma_wait3A_296 = tpu.memref_squeeze %dma_wait3A_295 : memref<1x50x128xf32, #tpu.memory_space<vmem>> -> memref<50x128xf32, #tpu.memory_space<vmem>>
      %dma_wait3A_297 = arith.constant 0 : i32
      %dma_wait3A_298 = tpu.memref_slice %arg5[%add3A_291, %dma_wait3A_297] : memref<32x50xi32, #tpu.memory_space<vmem>> -> memref<1x50xi32, #tpu.memory_space<vmem>>
      %dma_wait3A_299 = tpu.memref_squeeze %dma_wait3A_298 : memref<1x50xi32, #tpu.memory_space<vmem>> -> memref<50xi32, #tpu.memory_space<vmem>>
      %dma_wait3A_300 = arith.constant 0 : i32
      %dma_wait3A_301 = arith.constant 0 : i32
      %dma_wait3A_302 = tpu.memref_slice %arg2[%dma_wait3A_300, %dma_wait3A_301] : memref<100000x128xf32, #tpu.memory_space<hbm>> -> memref<100000x128xf32, #tpu.memory_space<hbm>>
      tpu.wait_indirect_dma semaphore(%arg9 : memref<!tpu.dma_semaphore, #tpu.memory_space<semaphore_mem>>) src(%dma_wait3A_302 : memref<100000x128xf32, #tpu.memory_space<hbm>>) dst(%dma_wait3A_296 : memref<50x128xf32, #tpu.memory_space<vmem>>)
      %add3A_303 = arith.addi %mul3A_6, %add3A_291 : i32
      %dma_start3A_304 = arith.constant 2 : i32
      %dma_start3A_305 = arith.constant 0 : i32
      %dma_start3A_306 = arith.constant 0 : i32
      %dma_start3A_307 = tpu.memref_slice %arg6[%dma_start3A_304, %dma_start3A_305, %dma_start3A_306] : memref<8x56x128xf32, #tpu.memory_space<vmem>> -> memref<1x56x128xf32, #tpu.memory_space<vmem>>
      %dma_start3A_308 = tpu.memref_squeeze %dma_start3A_307 : memref<1x56x128xf32, #tpu.memory_space<vmem>> -> memref<56x128xf32, #tpu.memory_space<vmem>>
      %dma_start3A_309 = arith.constant 0 : i32
      %dma_start3A_310 = arith.constant 0 : i32
      %dma_start3A_311 = tpu.memref_slice %arg4[%add3A_303, %dma_start3A_309, %dma_start3A_310] : memref<1024x56x128xf32, #tpu.memory_space<hbm>> -> memref<1x56x128xf32, #tpu.memory_space<hbm>>
      %dma_start3A_312 = tpu.memref_squeeze %dma_start3A_311 : memref<1x56x128xf32, #tpu.memory_space<hbm>> -> memref<56x128xf32, #tpu.memory_space<hbm>>
      %dma_start3A_313 = arith.constant 0 : i32
      %dma_start3A_314 = arith.constant 0 : i32
      %dma_start3A_315 = tpu.memref_slice %arg4[%add3A_303, %dma_start3A_313, %dma_start3A_314] : memref<1024x56x128xf32, #tpu.memory_space<hbm>> -> memref<1x56x128xf32, #tpu.memory_space<hbm>>
      %dma_start3A_316 = tpu.memref_squeeze %dma_start3A_315 : memref<1x56x128xf32, #tpu.memory_space<hbm>> -> memref<56x128xf32, #tpu.memory_space<hbm>>
      %dma_start3A_317 = arith.constant 0 : i32
      %dma_start3A_318 = arith.constant 0 : i32
      %dma_start3A_319 = tpu.memref_slice %arg6[%dma_start3A_304, %dma_start3A_317, %dma_start3A_318] : memref<8x56x128xf32, #tpu.memory_space<vmem>> -> memref<1x56x128xf32, #tpu.memory_space<vmem>>
      %dma_start3A_320 = tpu.memref_squeeze %dma_start3A_319 : memref<1x56x128xf32, #tpu.memory_space<vmem>> -> memref<56x128xf32, #tpu.memory_space<vmem>>
      tpu.enqueue_dma source(%dma_start3A_320 : memref<56x128xf32, #tpu.memory_space<vmem>>) target(%dma_start3A_316 : memref<56x128xf32, #tpu.memory_space<hbm>>) target_semaphore(%arg17 : memref<!tpu.dma_semaphore, #tpu.memory_space<semaphore_mem>>)
      %add3A_321 = arith.constant 4 : i32
      %add3A_322 = arith.addi %add3A_291, %add3A_321 : i32
      %lt3A_323 = arith.constant 32 : i32
      %lt3A_324 = arith.cmpi slt, %add3A_322, %lt3A_323 : i32
      %convert_element_type3A_325 = arith.extui %lt3A_324 : i1 to i32
      %cond3A_326 = arith.constant 0 : i32
      %cond3A_327 = arith.cmpi ne, %convert_element_type3A_325, %cond3A_326 : i32
      scf.if %cond3A_327 {
        %ge3A = arith.constant 8 : i32
        %ge3A_528 = arith.cmpi sge, %add3A_322, %ge3A : i32
        %convert_element_type3A_529 = arith.extui %ge3A_528 : i1 to i32
        %cond3A_530 = arith.constant 0 : i32
        %cond3A_531 = arith.cmpi ne, %convert_element_type3A_529, %cond3A_530 : i32
        scf.if %cond3A_531 {
          %sub3A = arith.constant 8 : i32
          %sub3A_543 = arith.subi %add3A_322, %sub3A : i32
          %add3A_544 = arith.addi %mul3A_6, %sub3A_543 : i32
          %dma_wait3A_545 = arith.constant 6 : i32
          %dma_wait3A_546 = arith.constant 0 : i32
          %dma_wait3A_547 = arith.constant 0 : i32
          %dma_wait3A_548 = tpu.memref_slice %arg6[%dma_wait3A_545, %dma_wait3A_546, %dma_wait3A_547] : memref<8x56x128xf32, #tpu.memory_space<vmem>> -> memref<1x56x128xf32, #tpu.memory_space<vmem>>
          %dma_wait3A_549 = tpu.memref_squeeze %dma_wait3A_548 : memref<1x56x128xf32, #tpu.memory_space<vmem>> -> memref<56x128xf32, #tpu.memory_space<vmem>>
          %dma_wait3A_550 = arith.constant 0 : i32
          %dma_wait3A_551 = arith.constant 0 : i32
          %dma_wait3A_552 = tpu.memref_slice %arg4[%add3A_544, %dma_wait3A_550, %dma_wait3A_551] : memref<1024x56x128xf32, #tpu.memory_space<hbm>> -> memref<1x56x128xf32, #tpu.memory_space<hbm>>
          %dma_wait3A_553 = tpu.memref_squeeze %dma_wait3A_552 : memref<1x56x128xf32, #tpu.memory_space<hbm>> -> memref<56x128xf32, #tpu.memory_space<hbm>>
          %dma_wait3A_554 = arith.constant 0 : i32
          %dma_wait3A_555 = arith.constant 0 : i32
          %dma_wait3A_556 = tpu.memref_slice %arg4[%add3A_544, %dma_wait3A_554, %dma_wait3A_555] : memref<1024x56x128xf32, #tpu.memory_space<hbm>> -> memref<1x56x128xf32, #tpu.memory_space<hbm>>
          %dma_wait3A_557 = tpu.memref_squeeze %dma_wait3A_556 : memref<1x56x128xf32, #tpu.memory_space<hbm>> -> memref<56x128xf32, #tpu.memory_space<hbm>>
          %dma_wait3A_558 = arith.constant 0 : i32
          %dma_wait3A_559 = arith.constant 0 : i32
          %dma_wait3A_560 = tpu.memref_slice %arg6[%dma_wait3A_545, %dma_wait3A_558, %dma_wait3A_559] : memref<8x56x128xf32, #tpu.memory_space<vmem>> -> memref<1x56x128xf32, #tpu.memory_space<vmem>>
          %dma_wait3A_561 = tpu.memref_squeeze %dma_wait3A_560 : memref<1x56x128xf32, #tpu.memory_space<vmem>> -> memref<56x128xf32, #tpu.memory_space<vmem>>
          tpu.wait_dma2 semaphore(%arg21 : memref<!tpu.dma_semaphore, #tpu.memory_space<semaphore_mem>>) src(%dma_wait3A_561 : memref<56x128xf32, #tpu.memory_space<vmem>>) dst(%dma_wait3A_557 : memref<56x128xf32, #tpu.memory_space<hbm>>)
        } else {
        }
        %dma_start3A_532 = arith.constant 6 : i32
        %dma_start3A_533 = arith.constant 0 : i32
        %dma_start3A_534 = arith.constant 0 : i32
        %dma_start3A_535 = tpu.memref_slice %arg6[%dma_start3A_532, %dma_start3A_533, %dma_start3A_534] : memref<8x56x128xf32, #tpu.memory_space<vmem>> -> memref<1x50x128xf32, #tpu.memory_space<vmem>>
        %dma_start3A_536 = tpu.memref_squeeze %dma_start3A_535 : memref<1x50x128xf32, #tpu.memory_space<vmem>> -> memref<50x128xf32, #tpu.memory_space<vmem>>
        %dma_start3A_537 = arith.constant 0 : i32
        %dma_start3A_538 = tpu.memref_slice %arg5[%add3A_322, %dma_start3A_537] : memref<32x50xi32, #tpu.memory_space<vmem>> -> memref<1x50xi32, #tpu.memory_space<vmem>>
        %dma_start3A_539 = tpu.memref_squeeze %dma_start3A_538 : memref<1x50xi32, #tpu.memory_space<vmem>> -> memref<50xi32, #tpu.memory_space<vmem>>
        %dma_start3A_540 = arith.constant 0 : i32
        %dma_start3A_541 = arith.constant 0 : i32
        %dma_start3A_542 = tpu.memref_slice %arg2[%dma_start3A_540, %dma_start3A_541] : memref<100000x128xf32, #tpu.memory_space<hbm>> -> memref<100000x128xf32, #tpu.memory_space<hbm>>
        tpu.enqueue_indirect_dma source(%dma_start3A_542 : memref<100000x128xf32, #tpu.memory_space<hbm>>) target(%dma_start3A_536 : memref<50x128xf32, #tpu.memory_space<vmem>>) offsets(%dma_start3A_539 : memref<50xi32, #tpu.memory_space<vmem>>) semaphore(%arg13 : memref<!tpu.dma_semaphore, #tpu.memory_space<semaphore_mem>>)
      } else {
      }
      %mul3A_328 = arith.constant 8 : i32
      %mul3A_329 = arith.muli %scan3A_210, %mul3A_328 : i32
      %add3A_330 = arith.constant 3 : i32
      %add3A_331 = arith.addi %mul3A_329, %add3A_330 : i32
      %dma_wait3A_332 = arith.constant 3 : i32
      %dma_wait3A_333 = arith.constant 0 : i32
      %dma_wait3A_334 = arith.constant 0 : i32
      %dma_wait3A_335 = tpu.memref_slice %arg6[%dma_wait3A_332, %dma_wait3A_333, %dma_wait3A_334] : memref<8x56x128xf32, #tpu.memory_space<vmem>> -> memref<1x50x128xf32, #tpu.memory_space<vmem>>
      %dma_wait3A_336 = tpu.memref_squeeze %dma_wait3A_335 : memref<1x50x128xf32, #tpu.memory_space<vmem>> -> memref<50x128xf32, #tpu.memory_space<vmem>>
      %dma_wait3A_337 = arith.constant 0 : i32
      %dma_wait3A_338 = tpu.memref_slice %arg5[%add3A_331, %dma_wait3A_337] : memref<32x50xi32, #tpu.memory_space<vmem>> -> memref<1x50xi32, #tpu.memory_space<vmem>>
      %dma_wait3A_339 = tpu.memref_squeeze %dma_wait3A_338 : memref<1x50xi32, #tpu.memory_space<vmem>> -> memref<50xi32, #tpu.memory_space<vmem>>
      %dma_wait3A_340 = arith.constant 0 : i32
      %dma_wait3A_341 = arith.constant 0 : i32
      %dma_wait3A_342 = tpu.memref_slice %arg2[%dma_wait3A_340, %dma_wait3A_341] : memref<100000x128xf32, #tpu.memory_space<hbm>> -> memref<100000x128xf32, #tpu.memory_space<hbm>>
      tpu.wait_indirect_dma semaphore(%arg10 : memref<!tpu.dma_semaphore, #tpu.memory_space<semaphore_mem>>) src(%dma_wait3A_342 : memref<100000x128xf32, #tpu.memory_space<hbm>>) dst(%dma_wait3A_336 : memref<50x128xf32, #tpu.memory_space<vmem>>)
      %add3A_343 = arith.addi %mul3A_6, %add3A_331 : i32
      %dma_start3A_344 = arith.constant 3 : i32
      %dma_start3A_345 = arith.constant 0 : i32
      %dma_start3A_346 = arith.constant 0 : i32
      %dma_start3A_347 = tpu.memref_slice %arg6[%dma_start3A_344, %dma_start3A_345, %dma_start3A_346] : memref<8x56x128xf32, #tpu.memory_space<vmem>> -> memref<1x56x128xf32, #tpu.memory_space<vmem>>
      %dma_start3A_348 = tpu.memref_squeeze %dma_start3A_347 : memref<1x56x128xf32, #tpu.memory_space<vmem>> -> memref<56x128xf32, #tpu.memory_space<vmem>>
      %dma_start3A_349 = arith.constant 0 : i32
      %dma_start3A_350 = arith.constant 0 : i32
      %dma_start3A_351 = tpu.memref_slice %arg4[%add3A_343, %dma_start3A_349, %dma_start3A_350] : memref<1024x56x128xf32, #tpu.memory_space<hbm>> -> memref<1x56x128xf32, #tpu.memory_space<hbm>>
      %dma_start3A_352 = tpu.memref_squeeze %dma_start3A_351 : memref<1x56x128xf32, #tpu.memory_space<hbm>> -> memref<56x128xf32, #tpu.memory_space<hbm>>
      %dma_start3A_353 = arith.constant 0 : i32
      %dma_start3A_354 = arith.constant 0 : i32
      %dma_start3A_355 = tpu.memref_slice %arg4[%add3A_343, %dma_start3A_353, %dma_start3A_354] : memref<1024x56x128xf32, #tpu.memory_space<hbm>> -> memref<1x56x128xf32, #tpu.memory_space<hbm>>
      %dma_start3A_356 = tpu.memref_squeeze %dma_start3A_355 : memref<1x56x128xf32, #tpu.memory_space<hbm>> -> memref<56x128xf32, #tpu.memory_space<hbm>>
      %dma_start3A_357 = arith.constant 0 : i32
      %dma_start3A_358 = arith.constant 0 : i32
      %dma_start3A_359 = tpu.memref_slice %arg6[%dma_start3A_344, %dma_start3A_357, %dma_start3A_358] : memref<8x56x128xf32, #tpu.memory_space<vmem>> -> memref<1x56x128xf32, #tpu.memory_space<vmem>>
      %dma_start3A_360 = tpu.memref_squeeze %dma_start3A_359 : memref<1x56x128xf32, #tpu.memory_space<vmem>> -> memref<56x128xf32, #tpu.memory_space<vmem>>
      tpu.enqueue_dma source(%dma_start3A_360 : memref<56x128xf32, #tpu.memory_space<vmem>>) target(%dma_start3A_356 : memref<56x128xf32, #tpu.memory_space<hbm>>) target_semaphore(%arg18 : memref<!tpu.dma_semaphore, #tpu.memory_space<semaphore_mem>>)
      %add3A_361 = arith.constant 4 : i32
      %add3A_362 = arith.addi %add3A_331, %add3A_361 : i32
      %lt3A_363 = arith.constant 32 : i32
      %lt3A_364 = arith.cmpi slt, %add3A_362, %lt3A_363 : i32
      %convert_element_type3A_365 = arith.extui %lt3A_364 : i1 to i32
      %cond3A_366 = arith.constant 0 : i32
      %cond3A_367 = arith.cmpi ne, %convert_element_type3A_365, %cond3A_366 : i32
      scf.if %cond3A_367 {
        %ge3A = arith.constant 8 : i32
        %ge3A_528 = arith.cmpi sge, %add3A_362, %ge3A : i32
        %convert_element_type3A_529 = arith.extui %ge3A_528 : i1 to i32
        %cond3A_530 = arith.constant 0 : i32
        %cond3A_531 = arith.cmpi ne, %convert_element_type3A_529, %cond3A_530 : i32
        scf.if %cond3A_531 {
          %sub3A = arith.constant 8 : i32
          %sub3A_543 = arith.subi %add3A_362, %sub3A : i32
          %add3A_544 = arith.addi %mul3A_6, %sub3A_543 : i32
          %dma_wait3A_545 = arith.constant 7 : i32
          %dma_wait3A_546 = arith.constant 0 : i32
          %dma_wait3A_547 = arith.constant 0 : i32
          %dma_wait3A_548 = tpu.memref_slice %arg6[%dma_wait3A_545, %dma_wait3A_546, %dma_wait3A_547] : memref<8x56x128xf32, #tpu.memory_space<vmem>> -> memref<1x56x128xf32, #tpu.memory_space<vmem>>
          %dma_wait3A_549 = tpu.memref_squeeze %dma_wait3A_548 : memref<1x56x128xf32, #tpu.memory_space<vmem>> -> memref<56x128xf32, #tpu.memory_space<vmem>>
          %dma_wait3A_550 = arith.constant 0 : i32
          %dma_wait3A_551 = arith.constant 0 : i32
          %dma_wait3A_552 = tpu.memref_slice %arg4[%add3A_544, %dma_wait3A_550, %dma_wait3A_551] : memref<1024x56x128xf32, #tpu.memory_space<hbm>> -> memref<1x56x128xf32, #tpu.memory_space<hbm>>
          %dma_wait3A_553 = tpu.memref_squeeze %dma_wait3A_552 : memref<1x56x128xf32, #tpu.memory_space<hbm>> -> memref<56x128xf32, #tpu.memory_space<hbm>>
          %dma_wait3A_554 = arith.constant 0 : i32
          %dma_wait3A_555 = arith.constant 0 : i32
          %dma_wait3A_556 = tpu.memref_slice %arg4[%add3A_544, %dma_wait3A_554, %dma_wait3A_555] : memref<1024x56x128xf32, #tpu.memory_space<hbm>> -> memref<1x56x128xf32, #tpu.memory_space<hbm>>
          %dma_wait3A_557 = tpu.memref_squeeze %dma_wait3A_556 : memref<1x56x128xf32, #tpu.memory_space<hbm>> -> memref<56x128xf32, #tpu.memory_space<hbm>>
          %dma_wait3A_558 = arith.constant 0 : i32
          %dma_wait3A_559 = arith.constant 0 : i32
          %dma_wait3A_560 = tpu.memref_slice %arg6[%dma_wait3A_545, %dma_wait3A_558, %dma_wait3A_559] : memref<8x56x128xf32, #tpu.memory_space<vmem>> -> memref<1x56x128xf32, #tpu.memory_space<vmem>>
          %dma_wait3A_561 = tpu.memref_squeeze %dma_wait3A_560 : memref<1x56x128xf32, #tpu.memory_space<vmem>> -> memref<56x128xf32, #tpu.memory_space<vmem>>
          tpu.wait_dma2 semaphore(%arg22 : memref<!tpu.dma_semaphore, #tpu.memory_space<semaphore_mem>>) src(%dma_wait3A_561 : memref<56x128xf32, #tpu.memory_space<vmem>>) dst(%dma_wait3A_557 : memref<56x128xf32, #tpu.memory_space<hbm>>)
        } else {
        }
        %dma_start3A_532 = arith.constant 7 : i32
        %dma_start3A_533 = arith.constant 0 : i32
        %dma_start3A_534 = arith.constant 0 : i32
        %dma_start3A_535 = tpu.memref_slice %arg6[%dma_start3A_532, %dma_start3A_533, %dma_start3A_534] : memref<8x56x128xf32, #tpu.memory_space<vmem>> -> memref<1x50x128xf32, #tpu.memory_space<vmem>>
        %dma_start3A_536 = tpu.memref_squeeze %dma_start3A_535 : memref<1x50x128xf32, #tpu.memory_space<vmem>> -> memref<50x128xf32, #tpu.memory_space<vmem>>
        %dma_start3A_537 = arith.constant 0 : i32
        %dma_start3A_538 = tpu.memref_slice %arg5[%add3A_362, %dma_start3A_537] : memref<32x50xi32, #tpu.memory_space<vmem>> -> memref<1x50xi32, #tpu.memory_space<vmem>>
        %dma_start3A_539 = tpu.memref_squeeze %dma_start3A_538 : memref<1x50xi32, #tpu.memory_space<vmem>> -> memref<50xi32, #tpu.memory_space<vmem>>
        %dma_start3A_540 = arith.constant 0 : i32
        %dma_start3A_541 = arith.constant 0 : i32
        %dma_start3A_542 = tpu.memref_slice %arg2[%dma_start3A_540, %dma_start3A_541] : memref<100000x128xf32, #tpu.memory_space<hbm>> -> memref<100000x128xf32, #tpu.memory_space<hbm>>
        tpu.enqueue_indirect_dma source(%dma_start3A_542 : memref<100000x128xf32, #tpu.memory_space<hbm>>) target(%dma_start3A_536 : memref<50x128xf32, #tpu.memory_space<vmem>>) offsets(%dma_start3A_539 : memref<50xi32, #tpu.memory_space<vmem>>) semaphore(%arg14 : memref<!tpu.dma_semaphore, #tpu.memory_space<semaphore_mem>>)
      } else {
      }
      %mul3A_368 = arith.constant 8 : i32
      %mul3A_369 = arith.muli %scan3A_210, %mul3A_368 : i32
      %add3A_370 = arith.constant 4 : i32
      %add3A_371 = arith.addi %mul3A_369, %add3A_370 : i32
      %dma_wait3A_372 = arith.constant 4 : i32
      %dma_wait3A_373 = arith.constant 0 : i32
      %dma_wait3A_374 = arith.constant 0 : i32
      %dma_wait3A_375 = tpu.memref_slice %arg6[%dma_wait3A_372, %dma_wait3A_373, %dma_wait3A_374] : memref<8x56x128xf32, #tpu.memory_space<vmem>> -> memref<1x50x128xf32, #tpu.memory_space<vmem>>
      %dma_wait3A_376 = tpu.memref_squeeze %dma_wait3A_375 : memref<1x50x128xf32, #tpu.memory_space<vmem>> -> memref<50x128xf32, #tpu.memory_space<vmem>>
      %dma_wait3A_377 = arith.constant 0 : i32
      %dma_wait3A_378 = tpu.memref_slice %arg5[%add3A_371, %dma_wait3A_377] : memref<32x50xi32, #tpu.memory_space<vmem>> -> memref<1x50xi32, #tpu.memory_space<vmem>>
      %dma_wait3A_379 = tpu.memref_squeeze %dma_wait3A_378 : memref<1x50xi32, #tpu.memory_space<vmem>> -> memref<50xi32, #tpu.memory_space<vmem>>
      %dma_wait3A_380 = arith.constant 0 : i32
      %dma_wait3A_381 = arith.constant 0 : i32
      %dma_wait3A_382 = tpu.memref_slice %arg2[%dma_wait3A_380, %dma_wait3A_381] : memref<100000x128xf32, #tpu.memory_space<hbm>> -> memref<100000x128xf32, #tpu.memory_space<hbm>>
      tpu.wait_indirect_dma semaphore(%arg11 : memref<!tpu.dma_semaphore, #tpu.memory_space<semaphore_mem>>) src(%dma_wait3A_382 : memref<100000x128xf32, #tpu.memory_space<hbm>>) dst(%dma_wait3A_376 : memref<50x128xf32, #tpu.memory_space<vmem>>)
      %add3A_383 = arith.addi %mul3A_6, %add3A_371 : i32
      %dma_start3A_384 = arith.constant 4 : i32
      %dma_start3A_385 = arith.constant 0 : i32
      %dma_start3A_386 = arith.constant 0 : i32
      %dma_start3A_387 = tpu.memref_slice %arg6[%dma_start3A_384, %dma_start3A_385, %dma_start3A_386] : memref<8x56x128xf32, #tpu.memory_space<vmem>> -> memref<1x56x128xf32, #tpu.memory_space<vmem>>
      %dma_start3A_388 = tpu.memref_squeeze %dma_start3A_387 : memref<1x56x128xf32, #tpu.memory_space<vmem>> -> memref<56x128xf32, #tpu.memory_space<vmem>>
      %dma_start3A_389 = arith.constant 0 : i32
      %dma_start3A_390 = arith.constant 0 : i32
      %dma_start3A_391 = tpu.memref_slice %arg4[%add3A_383, %dma_start3A_389, %dma_start3A_390] : memref<1024x56x128xf32, #tpu.memory_space<hbm>> -> memref<1x56x128xf32, #tpu.memory_space<hbm>>
      %dma_start3A_392 = tpu.memref_squeeze %dma_start3A_391 : memref<1x56x128xf32, #tpu.memory_space<hbm>> -> memref<56x128xf32, #tpu.memory_space<hbm>>
      %dma_start3A_393 = arith.constant 0 : i32
      %dma_start3A_394 = arith.constant 0 : i32
      %dma_start3A_395 = tpu.memref_slice %arg4[%add3A_383, %dma_start3A_393, %dma_start3A_394] : memref<1024x56x128xf32, #tpu.memory_space<hbm>> -> memref<1x56x128xf32, #tpu.memory_space<hbm>>
      %dma_start3A_396 = tpu.memref_squeeze %dma_start3A_395 : memref<1x56x128xf32, #tpu.memory_space<hbm>> -> memref<56x128xf32, #tpu.memory_space<hbm>>
      %dma_start3A_397 = arith.constant 0 : i32
      %dma_start3A_398 = arith.constant 0 : i32
      %dma_start3A_399 = tpu.memref_slice %arg6[%dma_start3A_384, %dma_start3A_397, %dma_start3A_398] : memref<8x56x128xf32, #tpu.memory_space<vmem>> -> memref<1x56x128xf32, #tpu.memory_space<vmem>>
      %dma_start3A_400 = tpu.memref_squeeze %dma_start3A_399 : memref<1x56x128xf32, #tpu.memory_space<vmem>> -> memref<56x128xf32, #tpu.memory_space<vmem>>
      tpu.enqueue_dma source(%dma_start3A_400 : memref<56x128xf32, #tpu.memory_space<vmem>>) target(%dma_start3A_396 : memref<56x128xf32, #tpu.memory_space<hbm>>) target_semaphore(%arg19 : memref<!tpu.dma_semaphore, #tpu.memory_space<semaphore_mem>>)
      %add3A_401 = arith.constant 4 : i32
      %add3A_402 = arith.addi %add3A_371, %add3A_401 : i32
      %lt3A_403 = arith.constant 32 : i32
      %lt3A_404 = arith.cmpi slt, %add3A_402, %lt3A_403 : i32
      %convert_element_type3A_405 = arith.extui %lt3A_404 : i1 to i32
      %cond3A_406 = arith.constant 0 : i32
      %cond3A_407 = arith.cmpi ne, %convert_element_type3A_405, %cond3A_406 : i32
      scf.if %cond3A_407 {
        %ge3A = arith.constant 8 : i32
        %ge3A_528 = arith.cmpi sge, %add3A_402, %ge3A : i32
        %convert_element_type3A_529 = arith.extui %ge3A_528 : i1 to i32
        %cond3A_530 = arith.constant 0 : i32
        %cond3A_531 = arith.cmpi ne, %convert_element_type3A_529, %cond3A_530 : i32
        scf.if %cond3A_531 {
          %sub3A = arith.constant 8 : i32
          %sub3A_543 = arith.subi %add3A_402, %sub3A : i32
          %add3A_544 = arith.addi %mul3A_6, %sub3A_543 : i32
          %dma_wait3A_545 = arith.constant 0 : i32
          %dma_wait3A_546 = arith.constant 0 : i32
          %dma_wait3A_547 = arith.constant 0 : i32
          %dma_wait3A_548 = tpu.memref_slice %arg6[%dma_wait3A_545, %dma_wait3A_546, %dma_wait3A_547] : memref<8x56x128xf32, #tpu.memory_space<vmem>> -> memref<1x56x128xf32, #tpu.memory_space<vmem>>
          %dma_wait3A_549 = tpu.memref_squeeze %dma_wait3A_548 : memref<1x56x128xf32, #tpu.memory_space<vmem>> -> memref<56x128xf32, #tpu.memory_space<vmem>>
          %dma_wait3A_550 = arith.constant 0 : i32
          %dma_wait3A_551 = arith.constant 0 : i32
          %dma_wait3A_552 = tpu.memref_slice %arg4[%add3A_544, %dma_wait3A_550, %dma_wait3A_551] : memref<1024x56x128xf32, #tpu.memory_space<hbm>> -> memref<1x56x128xf32, #tpu.memory_space<hbm>>
          %dma_wait3A_553 = tpu.memref_squeeze %dma_wait3A_552 : memref<1x56x128xf32, #tpu.memory_space<hbm>> -> memref<56x128xf32, #tpu.memory_space<hbm>>
          %dma_wait3A_554 = arith.constant 0 : i32
          %dma_wait3A_555 = arith.constant 0 : i32
          %dma_wait3A_556 = tpu.memref_slice %arg4[%add3A_544, %dma_wait3A_554, %dma_wait3A_555] : memref<1024x56x128xf32, #tpu.memory_space<hbm>> -> memref<1x56x128xf32, #tpu.memory_space<hbm>>
          %dma_wait3A_557 = tpu.memref_squeeze %dma_wait3A_556 : memref<1x56x128xf32, #tpu.memory_space<hbm>> -> memref<56x128xf32, #tpu.memory_space<hbm>>
          %dma_wait3A_558 = arith.constant 0 : i32
          %dma_wait3A_559 = arith.constant 0 : i32
          %dma_wait3A_560 = tpu.memref_slice %arg6[%dma_wait3A_545, %dma_wait3A_558, %dma_wait3A_559] : memref<8x56x128xf32, #tpu.memory_space<vmem>> -> memref<1x56x128xf32, #tpu.memory_space<vmem>>
          %dma_wait3A_561 = tpu.memref_squeeze %dma_wait3A_560 : memref<1x56x128xf32, #tpu.memory_space<vmem>> -> memref<56x128xf32, #tpu.memory_space<vmem>>
          tpu.wait_dma2 semaphore(%arg15 : memref<!tpu.dma_semaphore, #tpu.memory_space<semaphore_mem>>) src(%dma_wait3A_561 : memref<56x128xf32, #tpu.memory_space<vmem>>) dst(%dma_wait3A_557 : memref<56x128xf32, #tpu.memory_space<hbm>>)
        } else {
        }
        %dma_start3A_532 = arith.constant 0 : i32
        %dma_start3A_533 = arith.constant 0 : i32
        %dma_start3A_534 = arith.constant 0 : i32
        %dma_start3A_535 = tpu.memref_slice %arg6[%dma_start3A_532, %dma_start3A_533, %dma_start3A_534] : memref<8x56x128xf32, #tpu.memory_space<vmem>> -> memref<1x50x128xf32, #tpu.memory_space<vmem>>
        %dma_start3A_536 = tpu.memref_squeeze %dma_start3A_535 : memref<1x50x128xf32, #tpu.memory_space<vmem>> -> memref<50x128xf32, #tpu.memory_space<vmem>>
        %dma_start3A_537 = arith.constant 0 : i32
        %dma_start3A_538 = tpu.memref_slice %arg5[%add3A_402, %dma_start3A_537] : memref<32x50xi32, #tpu.memory_space<vmem>> -> memref<1x50xi32, #tpu.memory_space<vmem>>
        %dma_start3A_539 = tpu.memref_squeeze %dma_start3A_538 : memref<1x50xi32, #tpu.memory_space<vmem>> -> memref<50xi32, #tpu.memory_space<vmem>>
        %dma_start3A_540 = arith.constant 0 : i32
        %dma_start3A_541 = arith.constant 0 : i32
        %dma_start3A_542 = tpu.memref_slice %arg2[%dma_start3A_540, %dma_start3A_541] : memref<100000x128xf32, #tpu.memory_space<hbm>> -> memref<100000x128xf32, #tpu.memory_space<hbm>>
        tpu.enqueue_indirect_dma source(%dma_start3A_542 : memref<100000x128xf32, #tpu.memory_space<hbm>>) target(%dma_start3A_536 : memref<50x128xf32, #tpu.memory_space<vmem>>) offsets(%dma_start3A_539 : memref<50xi32, #tpu.memory_space<vmem>>) semaphore(%arg7 : memref<!tpu.dma_semaphore, #tpu.memory_space<semaphore_mem>>)
      } else {
      }
      %mul3A_408 = arith.constant 8 : i32
      %mul3A_409 = arith.muli %scan3A_210, %mul3A_408 : i32
      %add3A_410 = arith.constant 5 : i32
      %add3A_411 = arith.addi %mul3A_409, %add3A_410 : i32
      %dma_wait3A_412 = arith.constant 5 : i32
      %dma_wait3A_413 = arith.constant 0 : i32
      %dma_wait3A_414 = arith.constant 0 : i32
      %dma_wait3A_415 = tpu.memref_slice %arg6[%dma_wait3A_412, %dma_wait3A_413, %dma_wait3A_414] : memref<8x56x128xf32, #tpu.memory_space<vmem>> -> memref<1x50x128xf32, #tpu.memory_space<vmem>>
      %dma_wait3A_416 = tpu.memref_squeeze %dma_wait3A_415 : memref<1x50x128xf32, #tpu.memory_space<vmem>> -> memref<50x128xf32, #tpu.memory_space<vmem>>
      %dma_wait3A_417 = arith.constant 0 : i32
      %dma_wait3A_418 = tpu.memref_slice %arg5[%add3A_411, %dma_wait3A_417] : memref<32x50xi32, #tpu.memory_space<vmem>> -> memref<1x50xi32, #tpu.memory_space<vmem>>
      %dma_wait3A_419 = tpu.memref_squeeze %dma_wait3A_418 : memref<1x50xi32, #tpu.memory_space<vmem>> -> memref<50xi32, #tpu.memory_space<vmem>>
      %dma_wait3A_420 = arith.constant 0 : i32
      %dma_wait3A_421 = arith.constant 0 : i32
      %dma_wait3A_422 = tpu.memref_slice %arg2[%dma_wait3A_420, %dma_wait3A_421] : memref<100000x128xf32, #tpu.memory_space<hbm>> -> memref<100000x128xf32, #tpu.memory_space<hbm>>
      tpu.wait_indirect_dma semaphore(%arg12 : memref<!tpu.dma_semaphore, #tpu.memory_space<semaphore_mem>>) src(%dma_wait3A_422 : memref<100000x128xf32, #tpu.memory_space<hbm>>) dst(%dma_wait3A_416 : memref<50x128xf32, #tpu.memory_space<vmem>>)
      %add3A_423 = arith.addi %mul3A_6, %add3A_411 : i32
      %dma_start3A_424 = arith.constant 5 : i32
      %dma_start3A_425 = arith.constant 0 : i32
      %dma_start3A_426 = arith.constant 0 : i32
      %dma_start3A_427 = tpu.memref_slice %arg6[%dma_start3A_424, %dma_start3A_425, %dma_start3A_426] : memref<8x56x128xf32, #tpu.memory_space<vmem>> -> memref<1x56x128xf32, #tpu.memory_space<vmem>>
      %dma_start3A_428 = tpu.memref_squeeze %dma_start3A_427 : memref<1x56x128xf32, #tpu.memory_space<vmem>> -> memref<56x128xf32, #tpu.memory_space<vmem>>
      %dma_start3A_429 = arith.constant 0 : i32
      %dma_start3A_430 = arith.constant 0 : i32
      %dma_start3A_431 = tpu.memref_slice %arg4[%add3A_423, %dma_start3A_429, %dma_start3A_430] : memref<1024x56x128xf32, #tpu.memory_space<hbm>> -> memref<1x56x128xf32, #tpu.memory_space<hbm>>
      %dma_start3A_432 = tpu.memref_squeeze %dma_start3A_431 : memref<1x56x128xf32, #tpu.memory_space<hbm>> -> memref<56x128xf32, #tpu.memory_space<hbm>>
      %dma_start3A_433 = arith.constant 0 : i32
      %dma_start3A_434 = arith.constant 0 : i32
      %dma_start3A_435 = tpu.memref_slice %arg4[%add3A_423, %dma_start3A_433, %dma_start3A_434] : memref<1024x56x128xf32, #tpu.memory_space<hbm>> -> memref<1x56x128xf32, #tpu.memory_space<hbm>>
      %dma_start3A_436 = tpu.memref_squeeze %dma_start3A_435 : memref<1x56x128xf32, #tpu.memory_space<hbm>> -> memref<56x128xf32, #tpu.memory_space<hbm>>
      %dma_start3A_437 = arith.constant 0 : i32
      %dma_start3A_438 = arith.constant 0 : i32
      %dma_start3A_439 = tpu.memref_slice %arg6[%dma_start3A_424, %dma_start3A_437, %dma_start3A_438] : memref<8x56x128xf32, #tpu.memory_space<vmem>> -> memref<1x56x128xf32, #tpu.memory_space<vmem>>
      %dma_start3A_440 = tpu.memref_squeeze %dma_start3A_439 : memref<1x56x128xf32, #tpu.memory_space<vmem>> -> memref<56x128xf32, #tpu.memory_space<vmem>>
      tpu.enqueue_dma source(%dma_start3A_440 : memref<56x128xf32, #tpu.memory_space<vmem>>) target(%dma_start3A_436 : memref<56x128xf32, #tpu.memory_space<hbm>>) target_semaphore(%arg20 : memref<!tpu.dma_semaphore, #tpu.memory_space<semaphore_mem>>)
      %add3A_441 = arith.constant 4 : i32
      %add3A_442 = arith.addi %add3A_411, %add3A_441 : i32
      %lt3A_443 = arith.constant 32 : i32
      %lt3A_444 = arith.cmpi slt, %add3A_442, %lt3A_443 : i32
      %convert_element_type3A_445 = arith.extui %lt3A_444 : i1 to i32
      %cond3A_446 = arith.constant 0 : i32
      %cond3A_447 = arith.cmpi ne, %convert_element_type3A_445, %cond3A_446 : i32
      scf.if %cond3A_447 {
        %ge3A = arith.constant 8 : i32
        %ge3A_528 = arith.cmpi sge, %add3A_442, %ge3A : i32
        %convert_element_type3A_529 = arith.extui %ge3A_528 : i1 to i32
        %cond3A_530 = arith.constant 0 : i32
        %cond3A_531 = arith.cmpi ne, %convert_element_type3A_529, %cond3A_530 : i32
        scf.if %cond3A_531 {
          %sub3A = arith.constant 8 : i32
          %sub3A_543 = arith.subi %add3A_442, %sub3A : i32
          %add3A_544 = arith.addi %mul3A_6, %sub3A_543 : i32
          %dma_wait3A_545 = arith.constant 1 : i32
          %dma_wait3A_546 = arith.constant 0 : i32
          %dma_wait3A_547 = arith.constant 0 : i32
          %dma_wait3A_548 = tpu.memref_slice %arg6[%dma_wait3A_545, %dma_wait3A_546, %dma_wait3A_547] : memref<8x56x128xf32, #tpu.memory_space<vmem>> -> memref<1x56x128xf32, #tpu.memory_space<vmem>>
          %dma_wait3A_549 = tpu.memref_squeeze %dma_wait3A_548 : memref<1x56x128xf32, #tpu.memory_space<vmem>> -> memref<56x128xf32, #tpu.memory_space<vmem>>
          %dma_wait3A_550 = arith.constant 0 : i32
          %dma_wait3A_551 = arith.constant 0 : i32
          %dma_wait3A_552 = tpu.memref_slice %arg4[%add3A_544, %dma_wait3A_550, %dma_wait3A_551] : memref<1024x56x128xf32, #tpu.memory_space<hbm>> -> memref<1x56x128xf32, #tpu.memory_space<hbm>>
          %dma_wait3A_553 = tpu.memref_squeeze %dma_wait3A_552 : memref<1x56x128xf32, #tpu.memory_space<hbm>> -> memref<56x128xf32, #tpu.memory_space<hbm>>
          %dma_wait3A_554 = arith.constant 0 : i32
          %dma_wait3A_555 = arith.constant 0 : i32
          %dma_wait3A_556 = tpu.memref_slice %arg4[%add3A_544, %dma_wait3A_554, %dma_wait3A_555] : memref<1024x56x128xf32, #tpu.memory_space<hbm>> -> memref<1x56x128xf32, #tpu.memory_space<hbm>>
          %dma_wait3A_557 = tpu.memref_squeeze %dma_wait3A_556 : memref<1x56x128xf32, #tpu.memory_space<hbm>> -> memref<56x128xf32, #tpu.memory_space<hbm>>
          %dma_wait3A_558 = arith.constant 0 : i32
          %dma_wait3A_559 = arith.constant 0 : i32
          %dma_wait3A_560 = tpu.memref_slice %arg6[%dma_wait3A_545, %dma_wait3A_558, %dma_wait3A_559] : memref<8x56x128xf32, #tpu.memory_space<vmem>> -> memref<1x56x128xf32, #tpu.memory_space<vmem>>
          %dma_wait3A_561 = tpu.memref_squeeze %dma_wait3A_560 : memref<1x56x128xf32, #tpu.memory_space<vmem>> -> memref<56x128xf32, #tpu.memory_space<vmem>>
          tpu.wait_dma2 semaphore(%arg16 : memref<!tpu.dma_semaphore, #tpu.memory_space<semaphore_mem>>) src(%dma_wait3A_561 : memref<56x128xf32, #tpu.memory_space<vmem>>) dst(%dma_wait3A_557 : memref<56x128xf32, #tpu.memory_space<hbm>>)
        } else {
        }
        %dma_start3A_532 = arith.constant 1 : i32
        %dma_start3A_533 = arith.constant 0 : i32
        %dma_start3A_534 = arith.constant 0 : i32
        %dma_start3A_535 = tpu.memref_slice %arg6[%dma_start3A_532, %dma_start3A_533, %dma_start3A_534] : memref<8x56x128xf32, #tpu.memory_space<vmem>> -> memref<1x50x128xf32, #tpu.memory_space<vmem>>
        %dma_start3A_536 = tpu.memref_squeeze %dma_start3A_535 : memref<1x50x128xf32, #tpu.memory_space<vmem>> -> memref<50x128xf32, #tpu.memory_space<vmem>>
        %dma_start3A_537 = arith.constant 0 : i32
        %dma_start3A_538 = tpu.memref_slice %arg5[%add3A_442, %dma_start3A_537] : memref<32x50xi32, #tpu.memory_space<vmem>> -> memref<1x50xi32, #tpu.memory_space<vmem>>
        %dma_start3A_539 = tpu.memref_squeeze %dma_start3A_538 : memref<1x50xi32, #tpu.memory_space<vmem>> -> memref<50xi32, #tpu.memory_space<vmem>>
        %dma_start3A_540 = arith.constant 0 : i32
        %dma_start3A_541 = arith.constant 0 : i32
        %dma_start3A_542 = tpu.memref_slice %arg2[%dma_start3A_540, %dma_start3A_541] : memref<100000x128xf32, #tpu.memory_space<hbm>> -> memref<100000x128xf32, #tpu.memory_space<hbm>>
        tpu.enqueue_indirect_dma source(%dma_start3A_542 : memref<100000x128xf32, #tpu.memory_space<hbm>>) target(%dma_start3A_536 : memref<50x128xf32, #tpu.memory_space<vmem>>) offsets(%dma_start3A_539 : memref<50xi32, #tpu.memory_space<vmem>>) semaphore(%arg8 : memref<!tpu.dma_semaphore, #tpu.memory_space<semaphore_mem>>)
      } else {
      }
      %mul3A_448 = arith.constant 8 : i32
      %mul3A_449 = arith.muli %scan3A_210, %mul3A_448 : i32
      %add3A_450 = arith.constant 6 : i32
      %add3A_451 = arith.addi %mul3A_449, %add3A_450 : i32
      %dma_wait3A_452 = arith.constant 6 : i32
      %dma_wait3A_453 = arith.constant 0 : i32
      %dma_wait3A_454 = arith.constant 0 : i32
      %dma_wait3A_455 = tpu.memref_slice %arg6[%dma_wait3A_452, %dma_wait3A_453, %dma_wait3A_454] : memref<8x56x128xf32, #tpu.memory_space<vmem>> -> memref<1x50x128xf32, #tpu.memory_space<vmem>>
      %dma_wait3A_456 = tpu.memref_squeeze %dma_wait3A_455 : memref<1x50x128xf32, #tpu.memory_space<vmem>> -> memref<50x128xf32, #tpu.memory_space<vmem>>
      %dma_wait3A_457 = arith.constant 0 : i32
      %dma_wait3A_458 = tpu.memref_slice %arg5[%add3A_451, %dma_wait3A_457] : memref<32x50xi32, #tpu.memory_space<vmem>> -> memref<1x50xi32, #tpu.memory_space<vmem>>
      %dma_wait3A_459 = tpu.memref_squeeze %dma_wait3A_458 : memref<1x50xi32, #tpu.memory_space<vmem>> -> memref<50xi32, #tpu.memory_space<vmem>>
      %dma_wait3A_460 = arith.constant 0 : i32
      %dma_wait3A_461 = arith.constant 0 : i32
      %dma_wait3A_462 = tpu.memref_slice %arg2[%dma_wait3A_460, %dma_wait3A_461] : memref<100000x128xf32, #tpu.memory_space<hbm>> -> memref<100000x128xf32, #tpu.memory_space<hbm>>
      tpu.wait_indirect_dma semaphore(%arg13 : memref<!tpu.dma_semaphore, #tpu.memory_space<semaphore_mem>>) src(%dma_wait3A_462 : memref<100000x128xf32, #tpu.memory_space<hbm>>) dst(%dma_wait3A_456 : memref<50x128xf32, #tpu.memory_space<vmem>>)
      %add3A_463 = arith.addi %mul3A_6, %add3A_451 : i32
      %dma_start3A_464 = arith.constant 6 : i32
      %dma_start3A_465 = arith.constant 0 : i32
      %dma_start3A_466 = arith.constant 0 : i32
      %dma_start3A_467 = tpu.memref_slice %arg6[%dma_start3A_464, %dma_start3A_465, %dma_start3A_466] : memref<8x56x128xf32, #tpu.memory_space<vmem>> -> memref<1x56x128xf32, #tpu.memory_space<vmem>>
      %dma_start3A_468 = tpu.memref_squeeze %dma_start3A_467 : memref<1x56x128xf32, #tpu.memory_space<vmem>> -> memref<56x128xf32, #tpu.memory_space<vmem>>
      %dma_start3A_469 = arith.constant 0 : i32
      %dma_start3A_470 = arith.constant 0 : i32
      %dma_start3A_471 = tpu.memref_slice %arg4[%add3A_463, %dma_start3A_469, %dma_start3A_470] : memref<1024x56x128xf32, #tpu.memory_space<hbm>> -> memref<1x56x128xf32, #tpu.memory_space<hbm>>
      %dma_start3A_472 = tpu.memref_squeeze %dma_start3A_471 : memref<1x56x128xf32, #tpu.memory_space<hbm>> -> memref<56x128xf32, #tpu.memory_space<hbm>>
      %dma_start3A_473 = arith.constant 0 : i32
      %dma_start3A_474 = arith.constant 0 : i32
      %dma_start3A_475 = tpu.memref_slice %arg4[%add3A_463, %dma_start3A_473, %dma_start3A_474] : memref<1024x56x128xf32, #tpu.memory_space<hbm>> -> memref<1x56x128xf32, #tpu.memory_space<hbm>>
      %dma_start3A_476 = tpu.memref_squeeze %dma_start3A_475 : memref<1x56x128xf32, #tpu.memory_space<hbm>> -> memref<56x128xf32, #tpu.memory_space<hbm>>
      %dma_start3A_477 = arith.constant 0 : i32
      %dma_start3A_478 = arith.constant 0 : i32
      %dma_start3A_479 = tpu.memref_slice %arg6[%dma_start3A_464, %dma_start3A_477, %dma_start3A_478] : memref<8x56x128xf32, #tpu.memory_space<vmem>> -> memref<1x56x128xf32, #tpu.memory_space<vmem>>
      %dma_start3A_480 = tpu.memref_squeeze %dma_start3A_479 : memref<1x56x128xf32, #tpu.memory_space<vmem>> -> memref<56x128xf32, #tpu.memory_space<vmem>>
      tpu.enqueue_dma source(%dma_start3A_480 : memref<56x128xf32, #tpu.memory_space<vmem>>) target(%dma_start3A_476 : memref<56x128xf32, #tpu.memory_space<hbm>>) target_semaphore(%arg21 : memref<!tpu.dma_semaphore, #tpu.memory_space<semaphore_mem>>)
      %add3A_481 = arith.constant 4 : i32
      %add3A_482 = arith.addi %add3A_451, %add3A_481 : i32
      %lt3A_483 = arith.constant 32 : i32
      %lt3A_484 = arith.cmpi slt, %add3A_482, %lt3A_483 : i32
      %convert_element_type3A_485 = arith.extui %lt3A_484 : i1 to i32
      %cond3A_486 = arith.constant 0 : i32
      %cond3A_487 = arith.cmpi ne, %convert_element_type3A_485, %cond3A_486 : i32
      scf.if %cond3A_487 {
        %ge3A = arith.constant 8 : i32
        %ge3A_528 = arith.cmpi sge, %add3A_482, %ge3A : i32
        %convert_element_type3A_529 = arith.extui %ge3A_528 : i1 to i32
        %cond3A_530 = arith.constant 0 : i32
        %cond3A_531 = arith.cmpi ne, %convert_element_type3A_529, %cond3A_530 : i32
        scf.if %cond3A_531 {
          %sub3A = arith.constant 8 : i32
          %sub3A_543 = arith.subi %add3A_482, %sub3A : i32
          %add3A_544 = arith.addi %mul3A_6, %sub3A_543 : i32
          %dma_wait3A_545 = arith.constant 2 : i32
          %dma_wait3A_546 = arith.constant 0 : i32
          %dma_wait3A_547 = arith.constant 0 : i32
          %dma_wait3A_548 = tpu.memref_slice %arg6[%dma_wait3A_545, %dma_wait3A_546, %dma_wait3A_547] : memref<8x56x128xf32, #tpu.memory_space<vmem>> -> memref<1x56x128xf32, #tpu.memory_space<vmem>>
          %dma_wait3A_549 = tpu.memref_squeeze %dma_wait3A_548 : memref<1x56x128xf32, #tpu.memory_space<vmem>> -> memref<56x128xf32, #tpu.memory_space<vmem>>
          %dma_wait3A_550 = arith.constant 0 : i32
          %dma_wait3A_551 = arith.constant 0 : i32
          %dma_wait3A_552 = tpu.memref_slice %arg4[%add3A_544, %dma_wait3A_550, %dma_wait3A_551] : memref<1024x56x128xf32, #tpu.memory_space<hbm>> -> memref<1x56x128xf32, #tpu.memory_space<hbm>>
          %dma_wait3A_553 = tpu.memref_squeeze %dma_wait3A_552 : memref<1x56x128xf32, #tpu.memory_space<hbm>> -> memref<56x128xf32, #tpu.memory_space<hbm>>
          %dma_wait3A_554 = arith.constant 0 : i32
          %dma_wait3A_555 = arith.constant 0 : i32
          %dma_wait3A_556 = tpu.memref_slice %arg4[%add3A_544, %dma_wait3A_554, %dma_wait3A_555] : memref<1024x56x128xf32, #tpu.memory_space<hbm>> -> memref<1x56x128xf32, #tpu.memory_space<hbm>>
          %dma_wait3A_557 = tpu.memref_squeeze %dma_wait3A_556 : memref<1x56x128xf32, #tpu.memory_space<hbm>> -> memref<56x128xf32, #tpu.memory_space<hbm>>
          %dma_wait3A_558 = arith.constant 0 : i32
          %dma_wait3A_559 = arith.constant 0 : i32
          %dma_wait3A_560 = tpu.memref_slice %arg6[%dma_wait3A_545, %dma_wait3A_558, %dma_wait3A_559] : memref<8x56x128xf32, #tpu.memory_space<vmem>> -> memref<1x56x128xf32, #tpu.memory_space<vmem>>
          %dma_wait3A_561 = tpu.memref_squeeze %dma_wait3A_560 : memref<1x56x128xf32, #tpu.memory_space<vmem>> -> memref<56x128xf32, #tpu.memory_space<vmem>>
          tpu.wait_dma2 semaphore(%arg17 : memref<!tpu.dma_semaphore, #tpu.memory_space<semaphore_mem>>) src(%dma_wait3A_561 : memref<56x128xf32, #tpu.memory_space<vmem>>) dst(%dma_wait3A_557 : memref<56x128xf32, #tpu.memory_space<hbm>>)
        } else {
        }
        %dma_start3A_532 = arith.constant 2 : i32
        %dma_start3A_533 = arith.constant 0 : i32
        %dma_start3A_534 = arith.constant 0 : i32
        %dma_start3A_535 = tpu.memref_slice %arg6[%dma_start3A_532, %dma_start3A_533, %dma_start3A_534] : memref<8x56x128xf32, #tpu.memory_space<vmem>> -> memref<1x50x128xf32, #tpu.memory_space<vmem>>
        %dma_start3A_536 = tpu.memref_squeeze %dma_start3A_535 : memref<1x50x128xf32, #tpu.memory_space<vmem>> -> memref<50x128xf32, #tpu.memory_space<vmem>>
        %dma_start3A_537 = arith.constant 0 : i32
        %dma_start3A_538 = tpu.memref_slice %arg5[%add3A_482, %dma_start3A_537] : memref<32x50xi32, #tpu.memory_space<vmem>> -> memref<1x50xi32, #tpu.memory_space<vmem>>
        %dma_start3A_539 = tpu.memref_squeeze %dma_start3A_538 : memref<1x50xi32, #tpu.memory_space<vmem>> -> memref<50xi32, #tpu.memory_space<vmem>>
        %dma_start3A_540 = arith.constant 0 : i32
        %dma_start3A_541 = arith.constant 0 : i32
        %dma_start3A_542 = tpu.memref_slice %arg2[%dma_start3A_540, %dma_start3A_541] : memref<100000x128xf32, #tpu.memory_space<hbm>> -> memref<100000x128xf32, #tpu.memory_space<hbm>>
        tpu.enqueue_indirect_dma source(%dma_start3A_542 : memref<100000x128xf32, #tpu.memory_space<hbm>>) target(%dma_start3A_536 : memref<50x128xf32, #tpu.memory_space<vmem>>) offsets(%dma_start3A_539 : memref<50xi32, #tpu.memory_space<vmem>>) semaphore(%arg9 : memref<!tpu.dma_semaphore, #tpu.memory_space<semaphore_mem>>)
      } else {
      }
      %mul3A_488 = arith.constant 8 : i32
      %mul3A_489 = arith.muli %scan3A_210, %mul3A_488 : i32
      %add3A_490 = arith.constant 7 : i32
      %add3A_491 = arith.addi %mul3A_489, %add3A_490 : i32
      %dma_wait3A_492 = arith.constant 7 : i32
      %dma_wait3A_493 = arith.constant 0 : i32
      %dma_wait3A_494 = arith.constant 0 : i32
      %dma_wait3A_495 = tpu.memref_slice %arg6[%dma_wait3A_492, %dma_wait3A_493, %dma_wait3A_494] : memref<8x56x128xf32, #tpu.memory_space<vmem>> -> memref<1x50x128xf32, #tpu.memory_space<vmem>>
      %dma_wait3A_496 = tpu.memref_squeeze %dma_wait3A_495 : memref<1x50x128xf32, #tpu.memory_space<vmem>> -> memref<50x128xf32, #tpu.memory_space<vmem>>
      %dma_wait3A_497 = arith.constant 0 : i32
      %dma_wait3A_498 = tpu.memref_slice %arg5[%add3A_491, %dma_wait3A_497] : memref<32x50xi32, #tpu.memory_space<vmem>> -> memref<1x50xi32, #tpu.memory_space<vmem>>
      %dma_wait3A_499 = tpu.memref_squeeze %dma_wait3A_498 : memref<1x50xi32, #tpu.memory_space<vmem>> -> memref<50xi32, #tpu.memory_space<vmem>>
      %dma_wait3A_500 = arith.constant 0 : i32
      %dma_wait3A_501 = arith.constant 0 : i32
      %dma_wait3A_502 = tpu.memref_slice %arg2[%dma_wait3A_500, %dma_wait3A_501] : memref<100000x128xf32, #tpu.memory_space<hbm>> -> memref<100000x128xf32, #tpu.memory_space<hbm>>
      tpu.wait_indirect_dma semaphore(%arg14 : memref<!tpu.dma_semaphore, #tpu.memory_space<semaphore_mem>>) src(%dma_wait3A_502 : memref<100000x128xf32, #tpu.memory_space<hbm>>) dst(%dma_wait3A_496 : memref<50x128xf32, #tpu.memory_space<vmem>>)
      %add3A_503 = arith.addi %mul3A_6, %add3A_491 : i32
      %dma_start3A_504 = arith.constant 7 : i32
      %dma_start3A_505 = arith.constant 0 : i32
      %dma_start3A_506 = arith.constant 0 : i32
      %dma_start3A_507 = tpu.memref_slice %arg6[%dma_start3A_504, %dma_start3A_505, %dma_start3A_506] : memref<8x56x128xf32, #tpu.memory_space<vmem>> -> memref<1x56x128xf32, #tpu.memory_space<vmem>>
      %dma_start3A_508 = tpu.memref_squeeze %dma_start3A_507 : memref<1x56x128xf32, #tpu.memory_space<vmem>> -> memref<56x128xf32, #tpu.memory_space<vmem>>
      %dma_start3A_509 = arith.constant 0 : i32
      %dma_start3A_510 = arith.constant 0 : i32
      %dma_start3A_511 = tpu.memref_slice %arg4[%add3A_503, %dma_start3A_509, %dma_start3A_510] : memref<1024x56x128xf32, #tpu.memory_space<hbm>> -> memref<1x56x128xf32, #tpu.memory_space<hbm>>
      %dma_start3A_512 = tpu.memref_squeeze %dma_start3A_511 : memref<1x56x128xf32, #tpu.memory_space<hbm>> -> memref<56x128xf32, #tpu.memory_space<hbm>>
      %dma_start3A_513 = arith.constant 0 : i32
      %dma_start3A_514 = arith.constant 0 : i32
      %dma_start3A_515 = tpu.memref_slice %arg4[%add3A_503, %dma_start3A_513, %dma_start3A_514] : memref<1024x56x128xf32, #tpu.memory_space<hbm>> -> memref<1x56x128xf32, #tpu.memory_space<hbm>>
      %dma_start3A_516 = tpu.memref_squeeze %dma_start3A_515 : memref<1x56x128xf32, #tpu.memory_space<hbm>> -> memref<56x128xf32, #tpu.memory_space<hbm>>
      %dma_start3A_517 = arith.constant 0 : i32
      %dma_start3A_518 = arith.constant 0 : i32
      %dma_start3A_519 = tpu.memref_slice %arg6[%dma_start3A_504, %dma_start3A_517, %dma_start3A_518] : memref<8x56x128xf32, #tpu.memory_space<vmem>> -> memref<1x56x128xf32, #tpu.memory_space<vmem>>
      %dma_start3A_520 = tpu.memref_squeeze %dma_start3A_519 : memref<1x56x128xf32, #tpu.memory_space<vmem>> -> memref<56x128xf32, #tpu.memory_space<vmem>>
      tpu.enqueue_dma source(%dma_start3A_520 : memref<56x128xf32, #tpu.memory_space<vmem>>) target(%dma_start3A_516 : memref<56x128xf32, #tpu.memory_space<hbm>>) target_semaphore(%arg22 : memref<!tpu.dma_semaphore, #tpu.memory_space<semaphore_mem>>)
      %add3A_521 = arith.constant 4 : i32
      %add3A_522 = arith.addi %add3A_491, %add3A_521 : i32
      %lt3A_523 = arith.constant 32 : i32
      %lt3A_524 = arith.cmpi slt, %add3A_522, %lt3A_523 : i32
      %convert_element_type3A_525 = arith.extui %lt3A_524 : i1 to i32
      %cond3A_526 = arith.constant 0 : i32
      %cond3A_527 = arith.cmpi ne, %convert_element_type3A_525, %cond3A_526 : i32
      scf.if %cond3A_527 {
        %ge3A = arith.constant 8 : i32
        %ge3A_528 = arith.cmpi sge, %add3A_522, %ge3A : i32
        %convert_element_type3A_529 = arith.extui %ge3A_528 : i1 to i32
        %cond3A_530 = arith.constant 0 : i32
        %cond3A_531 = arith.cmpi ne, %convert_element_type3A_529, %cond3A_530 : i32
        scf.if %cond3A_531 {
          %sub3A = arith.constant 8 : i32
          %sub3A_543 = arith.subi %add3A_522, %sub3A : i32
          %add3A_544 = arith.addi %mul3A_6, %sub3A_543 : i32
          %dma_wait3A_545 = arith.constant 3 : i32
          %dma_wait3A_546 = arith.constant 0 : i32
          %dma_wait3A_547 = arith.constant 0 : i32
          %dma_wait3A_548 = tpu.memref_slice %arg6[%dma_wait3A_545, %dma_wait3A_546, %dma_wait3A_547] : memref<8x56x128xf32, #tpu.memory_space<vmem>> -> memref<1x56x128xf32, #tpu.memory_space<vmem>>
          %dma_wait3A_549 = tpu.memref_squeeze %dma_wait3A_548 : memref<1x56x128xf32, #tpu.memory_space<vmem>> -> memref<56x128xf32, #tpu.memory_space<vmem>>
          %dma_wait3A_550 = arith.constant 0 : i32
          %dma_wait3A_551 = arith.constant 0 : i32
          %dma_wait3A_552 = tpu.memref_slice %arg4[%add3A_544, %dma_wait3A_550, %dma_wait3A_551] : memref<1024x56x128xf32, #tpu.memory_space<hbm>> -> memref<1x56x128xf32, #tpu.memory_space<hbm>>
          %dma_wait3A_553 = tpu.memref_squeeze %dma_wait3A_552 : memref<1x56x128xf32, #tpu.memory_space<hbm>> -> memref<56x128xf32, #tpu.memory_space<hbm>>
          %dma_wait3A_554 = arith.constant 0 : i32
          %dma_wait3A_555 = arith.constant 0 : i32
          %dma_wait3A_556 = tpu.memref_slice %arg4[%add3A_544, %dma_wait3A_554, %dma_wait3A_555] : memref<1024x56x128xf32, #tpu.memory_space<hbm>> -> memref<1x56x128xf32, #tpu.memory_space<hbm>>
          %dma_wait3A_557 = tpu.memref_squeeze %dma_wait3A_556 : memref<1x56x128xf32, #tpu.memory_space<hbm>> -> memref<56x128xf32, #tpu.memory_space<hbm>>
          %dma_wait3A_558 = arith.constant 0 : i32
          %dma_wait3A_559 = arith.constant 0 : i32
          %dma_wait3A_560 = tpu.memref_slice %arg6[%dma_wait3A_545, %dma_wait3A_558, %dma_wait3A_559] : memref<8x56x128xf32, #tpu.memory_space<vmem>> -> memref<1x56x128xf32, #tpu.memory_space<vmem>>
          %dma_wait3A_561 = tpu.memref_squeeze %dma_wait3A_560 : memref<1x56x128xf32, #tpu.memory_space<vmem>> -> memref<56x128xf32, #tpu.memory_space<vmem>>
          tpu.wait_dma2 semaphore(%arg18 : memref<!tpu.dma_semaphore, #tpu.memory_space<semaphore_mem>>) src(%dma_wait3A_561 : memref<56x128xf32, #tpu.memory_space<vmem>>) dst(%dma_wait3A_557 : memref<56x128xf32, #tpu.memory_space<hbm>>)
        } else {
        }
        %dma_start3A_532 = arith.constant 3 : i32
        %dma_start3A_533 = arith.constant 0 : i32
        %dma_start3A_534 = arith.constant 0 : i32
        %dma_start3A_535 = tpu.memref_slice %arg6[%dma_start3A_532, %dma_start3A_533, %dma_start3A_534] : memref<8x56x128xf32, #tpu.memory_space<vmem>> -> memref<1x50x128xf32, #tpu.memory_space<vmem>>
        %dma_start3A_536 = tpu.memref_squeeze %dma_start3A_535 : memref<1x50x128xf32, #tpu.memory_space<vmem>> -> memref<50x128xf32, #tpu.memory_space<vmem>>
        %dma_start3A_537 = arith.constant 0 : i32
        %dma_start3A_538 = tpu.memref_slice %arg5[%add3A_522, %dma_start3A_537] : memref<32x50xi32, #tpu.memory_space<vmem>> -> memref<1x50xi32, #tpu.memory_space<vmem>>
        %dma_start3A_539 = tpu.memref_squeeze %dma_start3A_538 : memref<1x50xi32, #tpu.memory_space<vmem>> -> memref<50xi32, #tpu.memory_space<vmem>>
        %dma_start3A_540 = arith.constant 0 : i32
        %dma_start3A_541 = arith.constant 0 : i32
        %dma_start3A_542 = tpu.memref_slice %arg2[%dma_start3A_540, %dma_start3A_541] : memref<100000x128xf32, #tpu.memory_space<hbm>> -> memref<100000x128xf32, #tpu.memory_space<hbm>>
        tpu.enqueue_indirect_dma source(%dma_start3A_542 : memref<100000x128xf32, #tpu.memory_space<hbm>>) target(%dma_start3A_536 : memref<50x128xf32, #tpu.memory_space<vmem>>) offsets(%dma_start3A_539 : memref<50xi32, #tpu.memory_space<vmem>>) semaphore(%arg10 : memref<!tpu.dma_semaphore, #tpu.memory_space<semaphore_mem>>)
      } else {
      }
    }
    %scan3A_58 = arith.constant 4 : i32
    %add3A_59 = arith.constant 24 : i32
    %add3A_60 = arith.addi %mul3A_6, %add3A_59 : i32
    %dma_wait3A = arith.constant 0 : i32
    %dma_wait3A_61 = arith.constant 0 : i32
    %dma_wait3A_62 = arith.constant 0 : i32
    %dma_wait3A_63 = tpu.memref_slice %arg6[%dma_wait3A, %dma_wait3A_61, %dma_wait3A_62] : memref<8x56x128xf32, #tpu.memory_space<vmem>> -> memref<1x56x128xf32, #tpu.memory_space<vmem>>
    %dma_wait3A_64 = tpu.memref_squeeze %dma_wait3A_63 : memref<1x56x128xf32, #tpu.memory_space<vmem>> -> memref<56x128xf32, #tpu.memory_space<vmem>>
    %dma_wait3A_65 = arith.constant 0 : i32
    %dma_wait3A_66 = arith.constant 0 : i32
    %dma_wait3A_67 = tpu.memref_slice %arg4[%add3A_60, %dma_wait3A_65, %dma_wait3A_66] : memref<1024x56x128xf32, #tpu.memory_space<hbm>> -> memref<1x56x128xf32, #tpu.memory_space<hbm>>
    %dma_wait3A_68 = tpu.memref_squeeze %dma_wait3A_67 : memref<1x56x128xf32, #tpu.memory_space<hbm>> -> memref<56x128xf32, #tpu.memory_space<hbm>>
    %dma_wait3A_69 = arith.constant 0 : i32
    %dma_wait3A_70 = arith.constant 0 : i32
    %dma_wait3A_71 = tpu.memref_slice %arg4[%add3A_60, %dma_wait3A_69, %dma_wait3A_70] : memref<1024x56x128xf32, #tpu.memory_space<hbm>> -> memref<1x56x128xf32, #tpu.memory_space<hbm>>
    %dma_wait3A_72 = tpu.memref_squeeze %dma_wait3A_71 : memref<1x56x128xf32, #tpu.memory_space<hbm>> -> memref<56x128xf32, #tpu.memory_space<hbm>>
    %dma_wait3A_73 = arith.constant 0 : i32
    %dma_wait3A_74 = arith.constant 0 : i32
    %dma_wait3A_75 = tpu.memref_slice %arg6[%dma_wait3A, %dma_wait3A_73, %dma_wait3A_74] : memref<8x56x128xf32, #tpu.memory_space<vmem>> -> memref<1x56x128xf32, #tpu.memory_space<vmem>>
    %dma_wait3A_76 = tpu.memref_squeeze %dma_wait3A_75 : memref<1x56x128xf32, #tpu.memory_space<vmem>> -> memref<56x128xf32, #tpu.memory_space<vmem>>
    tpu.wait_dma2 semaphore(%arg15 : memref<!tpu.dma_semaphore, #tpu.memory_space<semaphore_mem>>) src(%dma_wait3A_76 : memref<56x128xf32, #tpu.memory_space<vmem>>) dst(%dma_wait3A_72 : memref<56x128xf32, #tpu.memory_space<hbm>>)
    %add3A_77 = arith.constant 25 : i32
    %add3A_78 = arith.addi %mul3A_6, %add3A_77 : i32
    %dma_wait3A_79 = arith.constant 1 : i32
    %dma_wait3A_80 = arith.constant 0 : i32
    %dma_wait3A_81 = arith.constant 0 : i32
    %dma_wait3A_82 = tpu.memref_slice %arg6[%dma_wait3A_79, %dma_wait3A_80, %dma_wait3A_81] : memref<8x56x128xf32, #tpu.memory_space<vmem>> -> memref<1x56x128xf32, #tpu.memory_space<vmem>>
    %dma_wait3A_83 = tpu.memref_squeeze %dma_wait3A_82 : memref<1x56x128xf32, #tpu.memory_space<vmem>> -> memref<56x128xf32, #tpu.memory_space<vmem>>
    %dma_wait3A_84 = arith.constant 0 : i32
    %dma_wait3A_85 = arith.constant 0 : i32
    %dma_wait3A_86 = tpu.memref_slice %arg4[%add3A_78, %dma_wait3A_84, %dma_wait3A_85] : memref<1024x56x128xf32, #tpu.memory_space<hbm>> -> memref<1x56x128xf32, #tpu.memory_space<hbm>>
    %dma_wait3A_87 = tpu.memref_squeeze %dma_wait3A_86 : memref<1x56x128xf32, #tpu.memory_space<hbm>> -> memref<56x128xf32, #tpu.memory_space<hbm>>
    %dma_wait3A_88 = arith.constant 0 : i32
    %dma_wait3A_89 = arith.constant 0 : i32
    %dma_wait3A_90 = tpu.memref_slice %arg4[%add3A_78, %dma_wait3A_88, %dma_wait3A_89] : memref<1024x56x128xf32, #tpu.memory_space<hbm>> -> memref<1x56x128xf32, #tpu.memory_space<hbm>>
    %dma_wait3A_91 = tpu.memref_squeeze %dma_wait3A_90 : memref<1x56x128xf32, #tpu.memory_space<hbm>> -> memref<56x128xf32, #tpu.memory_space<hbm>>
    %dma_wait3A_92 = arith.constant 0 : i32
    %dma_wait3A_93 = arith.constant 0 : i32
    %dma_wait3A_94 = tpu.memref_slice %arg6[%dma_wait3A_79, %dma_wait3A_92, %dma_wait3A_93] : memref<8x56x128xf32, #tpu.memory_space<vmem>> -> memref<1x56x128xf32, #tpu.memory_space<vmem>>
    %dma_wait3A_95 = tpu.memref_squeeze %dma_wait3A_94 : memref<1x56x128xf32, #tpu.memory_space<vmem>> -> memref<56x128xf32, #tpu.memory_space<vmem>>
    tpu.wait_dma2 semaphore(%arg16 : memref<!tpu.dma_semaphore, #tpu.memory_space<semaphore_mem>>) src(%dma_wait3A_95 : memref<56x128xf32, #tpu.memory_space<vmem>>) dst(%dma_wait3A_91 : memref<56x128xf32, #tpu.memory_space<hbm>>)
    %add3A_96 = arith.constant 26 : i32
    %add3A_97 = arith.addi %mul3A_6, %add3A_96 : i32
    %dma_wait3A_98 = arith.constant 2 : i32
    %dma_wait3A_99 = arith.constant 0 : i32
    %dma_wait3A_100 = arith.constant 0 : i32
    %dma_wait3A_101 = tpu.memref_slice %arg6[%dma_wait3A_98, %dma_wait3A_99, %dma_wait3A_100] : memref<8x56x128xf32, #tpu.memory_space<vmem>> -> memref<1x56x128xf32, #tpu.memory_space<vmem>>
    %dma_wait3A_102 = tpu.memref_squeeze %dma_wait3A_101 : memref<1x56x128xf32, #tpu.memory_space<vmem>> -> memref<56x128xf32, #tpu.memory_space<vmem>>
    %dma_wait3A_103 = arith.constant 0 : i32
    %dma_wait3A_104 = arith.constant 0 : i32
    %dma_wait3A_105 = tpu.memref_slice %arg4[%add3A_97, %dma_wait3A_103, %dma_wait3A_104] : memref<1024x56x128xf32, #tpu.memory_space<hbm>> -> memref<1x56x128xf32, #tpu.memory_space<hbm>>
    %dma_wait3A_106 = tpu.memref_squeeze %dma_wait3A_105 : memref<1x56x128xf32, #tpu.memory_space<hbm>> -> memref<56x128xf32, #tpu.memory_space<hbm>>
    %dma_wait3A_107 = arith.constant 0 : i32
    %dma_wait3A_108 = arith.constant 0 : i32
    %dma_wait3A_109 = tpu.memref_slice %arg4[%add3A_97, %dma_wait3A_107, %dma_wait3A_108] : memref<1024x56x128xf32, #tpu.memory_space<hbm>> -> memref<1x56x128xf32, #tpu.memory_space<hbm>>
    %dma_wait3A_110 = tpu.memref_squeeze %dma_wait3A_109 : memref<1x56x128xf32, #tpu.memory_space<hbm>> -> memref<56x128xf32, #tpu.memory_space<hbm>>
    %dma_wait3A_111 = arith.constant 0 : i32
    %dma_wait3A_112 = arith.constant 0 : i32
    %dma_wait3A_113 = tpu.memref_slice %arg6[%dma_wait3A_98, %dma_wait3A_111, %dma_wait3A_112] : memref<8x56x128xf32, #tpu.memory_space<vmem>> -> memref<1x56x128xf32, #tpu.memory_space<vmem>>
    %dma_wait3A_114 = tpu.memref_squeeze %dma_wait3A_113 : memref<1x56x128xf32, #tpu.memory_space<vmem>> -> memref<56x128xf32, #tpu.memory_space<vmem>>
    tpu.wait_dma2 semaphore(%arg17 : memref<!tpu.dma_semaphore, #tpu.memory_space<semaphore_mem>>) src(%dma_wait3A_114 : memref<56x128xf32, #tpu.memory_space<vmem>>) dst(%dma_wait3A_110 : memref<56x128xf32, #tpu.memory_space<hbm>>)
    %add3A_115 = arith.constant 27 : i32
    %add3A_116 = arith.addi %mul3A_6, %add3A_115 : i32
    %dma_wait3A_117 = arith.constant 3 : i32
    %dma_wait3A_118 = arith.constant 0 : i32
    %dma_wait3A_119 = arith.constant 0 : i32
    %dma_wait3A_120 = tpu.memref_slice %arg6[%dma_wait3A_117, %dma_wait3A_118, %dma_wait3A_119] : memref<8x56x128xf32, #tpu.memory_space<vmem>> -> memref<1x56x128xf32, #tpu.memory_space<vmem>>
    %dma_wait3A_121 = tpu.memref_squeeze %dma_wait3A_120 : memref<1x56x128xf32, #tpu.memory_space<vmem>> -> memref<56x128xf32, #tpu.memory_space<vmem>>
    %dma_wait3A_122 = arith.constant 0 : i32
    %dma_wait3A_123 = arith.constant 0 : i32
    %dma_wait3A_124 = tpu.memref_slice %arg4[%add3A_116, %dma_wait3A_122, %dma_wait3A_123] : memref<1024x56x128xf32, #tpu.memory_space<hbm>> -> memref<1x56x128xf32, #tpu.memory_space<hbm>>
    %dma_wait3A_125 = tpu.memref_squeeze %dma_wait3A_124 : memref<1x56x128xf32, #tpu.memory_space<hbm>> -> memref<56x128xf32, #tpu.memory_space<hbm>>
    %dma_wait3A_126 = arith.constant 0 : i32
    %dma_wait3A_127 = arith.constant 0 : i32
    %dma_wait3A_128 = tpu.memref_slice %arg4[%add3A_116, %dma_wait3A_126, %dma_wait3A_127] : memref<1024x56x128xf32, #tpu.memory_space<hbm>> -> memref<1x56x128xf32, #tpu.memory_space<hbm>>
    %dma_wait3A_129 = tpu.memref_squeeze %dma_wait3A_128 : memref<1x56x128xf32, #tpu.memory_space<hbm>> -> memref<56x128xf32, #tpu.memory_space<hbm>>
    %dma_wait3A_130 = arith.constant 0 : i32
    %dma_wait3A_131 = arith.constant 0 : i32
    %dma_wait3A_132 = tpu.memref_slice %arg6[%dma_wait3A_117, %dma_wait3A_130, %dma_wait3A_131] : memref<8x56x128xf32, #tpu.memory_space<vmem>> -> memref<1x56x128xf32, #tpu.memory_space<vmem>>
    %dma_wait3A_133 = tpu.memref_squeeze %dma_wait3A_132 : memref<1x56x128xf32, #tpu.memory_space<vmem>> -> memref<56x128xf32, #tpu.memory_space<vmem>>
    tpu.wait_dma2 semaphore(%arg18 : memref<!tpu.dma_semaphore, #tpu.memory_space<semaphore_mem>>) src(%dma_wait3A_133 : memref<56x128xf32, #tpu.memory_space<vmem>>) dst(%dma_wait3A_129 : memref<56x128xf32, #tpu.memory_space<hbm>>)
    %add3A_134 = arith.constant 28 : i32
    %add3A_135 = arith.addi %mul3A_6, %add3A_134 : i32
    %dma_wait3A_136 = arith.constant 4 : i32
    %dma_wait3A_137 = arith.constant 0 : i32
    %dma_wait3A_138 = arith.constant 0 : i32
    %dma_wait3A_139 = tpu.memref_slice %arg6[%dma_wait3A_136, %dma_wait3A_137, %dma_wait3A_138] : memref<8x56x128xf32, #tpu.memory_space<vmem>> -> memref<1x56x128xf32, #tpu.memory_space<vmem>>
    %dma_wait3A_140 = tpu.memref_squeeze %dma_wait3A_139 : memref<1x56x128xf32, #tpu.memory_space<vmem>> -> memref<56x128xf32, #tpu.memory_space<vmem>>
    %dma_wait3A_141 = arith.constant 0 : i32
    %dma_wait3A_142 = arith.constant 0 : i32
    %dma_wait3A_143 = tpu.memref_slice %arg4[%add3A_135, %dma_wait3A_141, %dma_wait3A_142] : memref<1024x56x128xf32, #tpu.memory_space<hbm>> -> memref<1x56x128xf32, #tpu.memory_space<hbm>>
    %dma_wait3A_144 = tpu.memref_squeeze %dma_wait3A_143 : memref<1x56x128xf32, #tpu.memory_space<hbm>> -> memref<56x128xf32, #tpu.memory_space<hbm>>
    %dma_wait3A_145 = arith.constant 0 : i32
    %dma_wait3A_146 = arith.constant 0 : i32
    %dma_wait3A_147 = tpu.memref_slice %arg4[%add3A_135, %dma_wait3A_145, %dma_wait3A_146] : memref<1024x56x128xf32, #tpu.memory_space<hbm>> -> memref<1x56x128xf32, #tpu.memory_space<hbm>>
    %dma_wait3A_148 = tpu.memref_squeeze %dma_wait3A_147 : memref<1x56x128xf32, #tpu.memory_space<hbm>> -> memref<56x128xf32, #tpu.memory_space<hbm>>
    %dma_wait3A_149 = arith.constant 0 : i32
    %dma_wait3A_150 = arith.constant 0 : i32
    %dma_wait3A_151 = tpu.memref_slice %arg6[%dma_wait3A_136, %dma_wait3A_149, %dma_wait3A_150] : memref<8x56x128xf32, #tpu.memory_space<vmem>> -> memref<1x56x128xf32, #tpu.memory_space<vmem>>
    %dma_wait3A_152 = tpu.memref_squeeze %dma_wait3A_151 : memref<1x56x128xf32, #tpu.memory_space<vmem>> -> memref<56x128xf32, #tpu.memory_space<vmem>>
    tpu.wait_dma2 semaphore(%arg19 : memref<!tpu.dma_semaphore, #tpu.memory_space<semaphore_mem>>) src(%dma_wait3A_152 : memref<56x128xf32, #tpu.memory_space<vmem>>) dst(%dma_wait3A_148 : memref<56x128xf32, #tpu.memory_space<hbm>>)
    %add3A_153 = arith.constant 29 : i32
    %add3A_154 = arith.addi %mul3A_6, %add3A_153 : i32
    %dma_wait3A_155 = arith.constant 5 : i32
    %dma_wait3A_156 = arith.constant 0 : i32
    %dma_wait3A_157 = arith.constant 0 : i32
    %dma_wait3A_158 = tpu.memref_slice %arg6[%dma_wait3A_155, %dma_wait3A_156, %dma_wait3A_157] : memref<8x56x128xf32, #tpu.memory_space<vmem>> -> memref<1x56x128xf32, #tpu.memory_space<vmem>>
    %dma_wait3A_159 = tpu.memref_squeeze %dma_wait3A_158 : memref<1x56x128xf32, #tpu.memory_space<vmem>> -> memref<56x128xf32, #tpu.memory_space<vmem>>
    %dma_wait3A_160 = arith.constant 0 : i32
    %dma_wait3A_161 = arith.constant 0 : i32
    %dma_wait3A_162 = tpu.memref_slice %arg4[%add3A_154, %dma_wait3A_160, %dma_wait3A_161] : memref<1024x56x128xf32, #tpu.memory_space<hbm>> -> memref<1x56x128xf32, #tpu.memory_space<hbm>>
    %dma_wait3A_163 = tpu.memref_squeeze %dma_wait3A_162 : memref<1x56x128xf32, #tpu.memory_space<hbm>> -> memref<56x128xf32, #tpu.memory_space<hbm>>
    %dma_wait3A_164 = arith.constant 0 : i32
    %dma_wait3A_165 = arith.constant 0 : i32
    %dma_wait3A_166 = tpu.memref_slice %arg4[%add3A_154, %dma_wait3A_164, %dma_wait3A_165] : memref<1024x56x128xf32, #tpu.memory_space<hbm>> -> memref<1x56x128xf32, #tpu.memory_space<hbm>>
    %dma_wait3A_167 = tpu.memref_squeeze %dma_wait3A_166 : memref<1x56x128xf32, #tpu.memory_space<hbm>> -> memref<56x128xf32, #tpu.memory_space<hbm>>
    %dma_wait3A_168 = arith.constant 0 : i32
    %dma_wait3A_169 = arith.constant 0 : i32
    %dma_wait3A_170 = tpu.memref_slice %arg6[%dma_wait3A_155, %dma_wait3A_168, %dma_wait3A_169] : memref<8x56x128xf32, #tpu.memory_space<vmem>> -> memref<1x56x128xf32, #tpu.memory_space<vmem>>
    %dma_wait3A_171 = tpu.memref_squeeze %dma_wait3A_170 : memref<1x56x128xf32, #tpu.memory_space<vmem>> -> memref<56x128xf32, #tpu.memory_space<vmem>>
    tpu.wait_dma2 semaphore(%arg20 : memref<!tpu.dma_semaphore, #tpu.memory_space<semaphore_mem>>) src(%dma_wait3A_171 : memref<56x128xf32, #tpu.memory_space<vmem>>) dst(%dma_wait3A_167 : memref<56x128xf32, #tpu.memory_space<hbm>>)
    %add3A_172 = arith.constant 30 : i32
    %add3A_173 = arith.addi %mul3A_6, %add3A_172 : i32
    %dma_wait3A_174 = arith.constant 6 : i32
    %dma_wait3A_175 = arith.constant 0 : i32
    %dma_wait3A_176 = arith.constant 0 : i32
    %dma_wait3A_177 = tpu.memref_slice %arg6[%dma_wait3A_174, %dma_wait3A_175, %dma_wait3A_176] : memref<8x56x128xf32, #tpu.memory_space<vmem>> -> memref<1x56x128xf32, #tpu.memory_space<vmem>>
    %dma_wait3A_178 = tpu.memref_squeeze %dma_wait3A_177 : memref<1x56x128xf32, #tpu.memory_space<vmem>> -> memref<56x128xf32, #tpu.memory_space<vmem>>
    %dma_wait3A_179 = arith.constant 0 : i32
    %dma_wait3A_180 = arith.constant 0 : i32
    %dma_wait3A_181 = tpu.memref_slice %arg4[%add3A_173, %dma_wait3A_179, %dma_wait3A_180] : memref<1024x56x128xf32, #tpu.memory_space<hbm>> -> memref<1x56x128xf32, #tpu.memory_space<hbm>>
    %dma_wait3A_182 = tpu.memref_squeeze %dma_wait3A_181 : memref<1x56x128xf32, #tpu.memory_space<hbm>> -> memref<56x128xf32, #tpu.memory_space<hbm>>
    %dma_wait3A_183 = arith.constant 0 : i32
    %dma_wait3A_184 = arith.constant 0 : i32
    %dma_wait3A_185 = tpu.memref_slice %arg4[%add3A_173, %dma_wait3A_183, %dma_wait3A_184] : memref<1024x56x128xf32, #tpu.memory_space<hbm>> -> memref<1x56x128xf32, #tpu.memory_space<hbm>>
    %dma_wait3A_186 = tpu.memref_squeeze %dma_wait3A_185 : memref<1x56x128xf32, #tpu.memory_space<hbm>> -> memref<56x128xf32, #tpu.memory_space<hbm>>
    %dma_wait3A_187 = arith.constant 0 : i32
    %dma_wait3A_188 = arith.constant 0 : i32
    %dma_wait3A_189 = tpu.memref_slice %arg6[%dma_wait3A_174, %dma_wait3A_187, %dma_wait3A_188] : memref<8x56x128xf32, #tpu.memory_space<vmem>> -> memref<1x56x128xf32, #tpu.memory_space<vmem>>
    %dma_wait3A_190 = tpu.memref_squeeze %dma_wait3A_189 : memref<1x56x128xf32, #tpu.memory_space<vmem>> -> memref<56x128xf32, #tpu.memory_space<vmem>>
    tpu.wait_dma2 semaphore(%arg21 : memref<!tpu.dma_semaphore, #tpu.memory_space<semaphore_mem>>) src(%dma_wait3A_190 : memref<56x128xf32, #tpu.memory_space<vmem>>) dst(%dma_wait3A_186 : memref<56x128xf32, #tpu.memory_space<hbm>>)
    %add3A_191 = arith.constant 31 : i32
    %add3A_192 = arith.addi %mul3A_6, %add3A_191 : i32
    %dma_wait3A_193 = arith.constant 7 : i32
    %dma_wait3A_194 = arith.constant 0 : i32
    %dma_wait3A_195 = arith.constant 0 : i32
    %dma_wait3A_196 = tpu.memref_slice %arg6[%dma_wait3A_193, %dma_wait3A_194, %dma_wait3A_195] : memref<8x56x128xf32, #tpu.memory_space<vmem>> -> memref<1x56x128xf32, #tpu.memory_space<vmem>>
    %dma_wait3A_197 = tpu.memref_squeeze %dma_wait3A_196 : memref<1x56x128xf32, #tpu.memory_space<vmem>> -> memref<56x128xf32, #tpu.memory_space<vmem>>
    %dma_wait3A_198 = arith.constant 0 : i32
    %dma_wait3A_199 = arith.constant 0 : i32
    %dma_wait3A_200 = tpu.memref_slice %arg4[%add3A_192, %dma_wait3A_198, %dma_wait3A_199] : memref<1024x56x128xf32, #tpu.memory_space<hbm>> -> memref<1x56x128xf32, #tpu.memory_space<hbm>>
    %dma_wait3A_201 = tpu.memref_squeeze %dma_wait3A_200 : memref<1x56x128xf32, #tpu.memory_space<hbm>> -> memref<56x128xf32, #tpu.memory_space<hbm>>
    %dma_wait3A_202 = arith.constant 0 : i32
    %dma_wait3A_203 = arith.constant 0 : i32
    %dma_wait3A_204 = tpu.memref_slice %arg4[%add3A_192, %dma_wait3A_202, %dma_wait3A_203] : memref<1024x56x128xf32, #tpu.memory_space<hbm>> -> memref<1x56x128xf32, #tpu.memory_space<hbm>>
    %dma_wait3A_205 = tpu.memref_squeeze %dma_wait3A_204 : memref<1x56x128xf32, #tpu.memory_space<hbm>> -> memref<56x128xf32, #tpu.memory_space<hbm>>
    %dma_wait3A_206 = arith.constant 0 : i32
    %dma_wait3A_207 = arith.constant 0 : i32
    %dma_wait3A_208 = tpu.memref_slice %arg6[%dma_wait3A_193, %dma_wait3A_206, %dma_wait3A_207] : memref<8x56x128xf32, #tpu.memory_space<vmem>> -> memref<1x56x128xf32, #tpu.memory_space<vmem>>
    %dma_wait3A_209 = tpu.memref_squeeze %dma_wait3A_208 : memref<1x56x128xf32, #tpu.memory_space<vmem>> -> memref<56x128xf32, #tpu.memory_space<vmem>>
    tpu.wait_dma2 semaphore(%arg22 : memref<!tpu.dma_semaphore, #tpu.memory_space<semaphore_mem>>) src(%dma_wait3A_209 : memref<56x128xf32, #tpu.memory_space<vmem>>) dst(%dma_wait3A_205 : memref<56x128xf32, #tpu.memory_space<hbm>>)
    return
  }
}

#map = affine_map<(d0, d1) -> (0, 0)>
#map1 = affine_map<(d0, d1) -> (0, 0, 0)>
module attributes {stable_mosaic.version = 14 : i64} {
  func.func @sc_stage(%arg0: i32, %arg1: i32, %arg2: memref<100000x128xf32, #tpu.memory_space<hbm>>, %arg3: memref<4096x50xi32, #tpu.memory_space<hbm>>, %arg4: memref<1024x56x128xf32, #tpu.memory_space<hbm>>, %arg5: memref<32x50xi32, #tpu.memory_space<vmem>>, %arg6: memref<8x56x128xf32, #tpu.memory_space<vmem>>, %arg7: memref<!tpu.dma_semaphore, #tpu.memory_space<semaphore_mem>>, %arg8: memref<!tpu.dma_semaphore, #tpu.memory_space<semaphore_mem>>, %arg9: memref<!tpu.dma_semaphore, #tpu.memory_space<semaphore_mem>>, %arg10: memref<!tpu.dma_semaphore, #tpu.memory_space<semaphore_mem>>, %arg11: memref<!tpu.dma_semaphore, #tpu.memory_space<semaphore_mem>>, %arg12: memref<!tpu.dma_semaphore, #tpu.memory_space<semaphore_mem>>, %arg13: memref<!tpu.dma_semaphore, #tpu.memory_space<semaphore_mem>>, %arg14: memref<!tpu.dma_semaphore, #tpu.memory_space<semaphore_mem>>, %arg15: memref<!tpu.dma_semaphore, #tpu.memory_space<semaphore_mem>>, %arg16: memref<!tpu.dma_semaphore, #tpu.memory_space<semaphore_mem>>, %arg17: memref<!tpu.dma_semaphore, #tpu.memory_space<semaphore_mem>>, %arg18: memref<!tpu.dma_semaphore, #tpu.memory_space<semaphore_mem>>, %arg19: memref<!tpu.dma_semaphore, #tpu.memory_space<semaphore_mem>>, %arg20: memref<!tpu.dma_semaphore, #tpu.memory_space<semaphore_mem>>, %arg21: memref<!tpu.dma_semaphore, #tpu.memory_space<semaphore_mem>>, %arg22: memref<!tpu.dma_semaphore, #tpu.memory_space<semaphore_mem>>) attributes {dimension_semantics = [#tpu.dimension_semantics<core_parallel>, #tpu.dimension_semantics<subcore_parallel>], iteration_bounds = array<i64: 2, 16>, scalar_prefetch = 0 : i64, scratch_operands = 18 : i64, tpu.core_type = #tpu.core_type<sc_vector_subcore>, window_params = [{transform_indices = #map}, {transform_indices = #map}, {transform_indices = #map1}]} {
    %mul3A = arith.constant 2 : i32
    %mul3A_0 = arith.muli %arg1, %mul3A : i32
    %add3A = arith.addi %mul3A_0, %arg0 : i32
    %mul3A_1 = arith.constant 32 : i32
    %mul3A_2 = arith.muli %add3A, %mul3A_1 : i32
    %add3A_3 = arith.constant 1024 : i32
    %add3A_4 = arith.addi %add3A_3, %mul3A_2 : i32
    %mul3A_5 = arith.constant 32 : i32
    %mul3A_6 = arith.muli %add3A, %mul3A_5 : i32
    "tpu.region"() ({
      %run_scoped3A = tpu.sem_alloc : memref<!tpu.dma_semaphore, #tpu.memory_space<semaphore_mem>>
      %dma_start3A_210 = arith.constant 0 : i32
      %dma_start3A_211 = tpu.memref_slice %arg3[%add3A_4, %dma_start3A_210] : memref<4096x50xi32, #tpu.memory_space<hbm>> -> memref<32x50xi32, #tpu.memory_space<hbm>>
      %dma_start3A_212 = arith.constant 0 : i32
      %dma_start3A_213 = tpu.memref_slice %arg3[%add3A_4, %dma_start3A_212] : memref<4096x50xi32, #tpu.memory_space<hbm>> -> memref<32x50xi32, #tpu.memory_space<hbm>>
      tpu.enqueue_dma source(%dma_start3A_213 : memref<32x50xi32, #tpu.memory_space<hbm>>) target(%arg5 : memref<32x50xi32, #tpu.memory_space<vmem>>) target_semaphore(%run_scoped3A : memref<!tpu.dma_semaphore, #tpu.memory_space<semaphore_mem>>)
      %dma_wait3A_214 = arith.constant 0 : i32
      %dma_wait3A_215 = tpu.memref_slice %arg3[%add3A_4, %dma_wait3A_214] : memref<4096x50xi32, #tpu.memory_space<hbm>> -> memref<32x50xi32, #tpu.memory_space<hbm>>
      %dma_wait3A_216 = arith.constant 0 : i32
      %dma_wait3A_217 = tpu.memref_slice %arg3[%add3A_4, %dma_wait3A_216] : memref<4096x50xi32, #tpu.memory_space<hbm>> -> memref<32x50xi32, #tpu.memory_space<hbm>>
      tpu.wait_dma2 semaphore(%run_scoped3A : memref<!tpu.dma_semaphore, #tpu.memory_space<semaphore_mem>>) src(%dma_wait3A_217 : memref<32x50xi32, #tpu.memory_space<hbm>>) dst(%arg5 : memref<32x50xi32, #tpu.memory_space<vmem>>)
      tpu.yield
    }) : () -> ()
    %dma_start3A = arith.constant 0 : i32
    %dma_start3A_7 = arith.constant 0 : i32
    %dma_start3A_8 = arith.constant 0 : i32
    %dma_start3A_9 = arith.constant 0 : i32
    %dma_start3A_10 = tpu.memref_slice %arg6[%dma_start3A_7, %dma_start3A_8, %dma_start3A_9] : memref<8x56x128xf32, #tpu.memory_space<vmem>> -> memref<1x50x128xf32, #tpu.memory_space<vmem>>
    %dma_start3A_11 = tpu.memref_squeeze %dma_start3A_10 : memref<1x50x128xf32, #tpu.memory_space<vmem>> -> memref<50x128xf32, #tpu.memory_space<vmem>>
    %dma_start3A_12 = arith.constant 0 : i32
    %dma_start3A_13 = tpu.memref_slice %arg5[%dma_start3A, %dma_start3A_12] : memref<32x50xi32, #tpu.memory_space<vmem>> -> memref<1x50xi32, #tpu.memory_space<vmem>>
    %dma_start3A_14 = tpu.memref_squeeze %dma_start3A_13 : memref<1x50xi32, #tpu.memory_space<vmem>> -> memref<50xi32, #tpu.memory_space<vmem>>
    %dma_start3A_15 = arith.constant 0 : i32
    %dma_start3A_16 = arith.constant 0 : i32
    %dma_start3A_17 = tpu.memref_slice %arg2[%dma_start3A_15, %dma_start3A_16] : memref<100000x128xf32, #tpu.memory_space<hbm>> -> memref<100000x128xf32, #tpu.memory_space<hbm>>
    tpu.enqueue_indirect_dma source(%dma_start3A_17 : memref<100000x128xf32, #tpu.memory_space<hbm>>) target(%dma_start3A_11 : memref<50x128xf32, #tpu.memory_space<vmem>>) offsets(%dma_start3A_14 : memref<50xi32, #tpu.memory_space<vmem>>) semaphore(%arg7 : memref<!tpu.dma_semaphore, #tpu.memory_space<semaphore_mem>>)
    %dma_start3A_18 = arith.constant 1 : i32
    %dma_start3A_19 = arith.constant 1 : i32
    %dma_start3A_20 = arith.constant 0 : i32
    %dma_start3A_21 = arith.constant 0 : i32
    %dma_start3A_22 = tpu.memref_slice %arg6[%dma_start3A_19, %dma_start3A_20, %dma_start3A_21] : memref<8x56x128xf32, #tpu.memory_space<vmem>> -> memref<1x50x128xf32, #tpu.memory_space<vmem>>
    %dma_start3A_23 = tpu.memref_squeeze %dma_start3A_22 : memref<1x50x128xf32, #tpu.memory_space<vmem>> -> memref<50x128xf32, #tpu.memory_space<vmem>>
    %dma_start3A_24 = arith.constant 0 : i32
    %dma_start3A_25 = tpu.memref_slice %arg5[%dma_start3A_18, %dma_start3A_24] : memref<32x50xi32, #tpu.memory_space<vmem>> -> memref<1x50xi32, #tpu.memory_space<vmem>>
    %dma_start3A_26 = tpu.memref_squeeze %dma_start3A_25 : memref<1x50xi32, #tpu.memory_space<vmem>> -> memref<50xi32, #tpu.memory_space<vmem>>
    %dma_start3A_27 = arith.constant 0 : i32
    %dma_start3A_28 = arith.constant 0 : i32
    %dma_start3A_29 = tpu.memref_slice %arg2[%dma_start3A_27, %dma_start3A_28] : memref<100000x128xf32, #tpu.memory_space<hbm>> -> memref<100000x128xf32, #tpu.memory_space<hbm>>
    tpu.enqueue_indirect_dma source(%dma_start3A_29 : memref<100000x128xf32, #tpu.memory_space<hbm>>) target(%dma_start3A_23 : memref<50x128xf32, #tpu.memory_space<vmem>>) offsets(%dma_start3A_26 : memref<50xi32, #tpu.memory_space<vmem>>) semaphore(%arg8 : memref<!tpu.dma_semaphore, #tpu.memory_space<semaphore_mem>>)
    %dma_start3A_30 = arith.constant 2 : i32
    %dma_start3A_31 = arith.constant 2 : i32
    %dma_start3A_32 = arith.constant 0 : i32
    %dma_start3A_33 = arith.constant 0 : i32
    %dma_start3A_34 = tpu.memref_slice %arg6[%dma_start3A_31, %dma_start3A_32, %dma_start3A_33] : memref<8x56x128xf32, #tpu.memory_space<vmem>> -> memref<1x50x128xf32, #tpu.memory_space<vmem>>
    %dma_start3A_35 = tpu.memref_squeeze %dma_start3A_34 : memref<1x50x128xf32, #tpu.memory_space<vmem>> -> memref<50x128xf32, #tpu.memory_space<vmem>>
    %dma_start3A_36 = arith.constant 0 : i32
    %dma_start3A_37 = tpu.memref_slice %arg5[%dma_start3A_30, %dma_start3A_36] : memref<32x50xi32, #tpu.memory_space<vmem>> -> memref<1x50xi32, #tpu.memory_space<vmem>>
    %dma_start3A_38 = tpu.memref_squeeze %dma_start3A_37 : memref<1x50xi32, #tpu.memory_space<vmem>> -> memref<50xi32, #tpu.memory_space<vmem>>
    %dma_start3A_39 = arith.constant 0 : i32
    %dma_start3A_40 = arith.constant 0 : i32
    %dma_start3A_41 = tpu.memref_slice %arg2[%dma_start3A_39, %dma_start3A_40] : memref<100000x128xf32, #tpu.memory_space<hbm>> -> memref<100000x128xf32, #tpu.memory_space<hbm>>
    tpu.enqueue_indirect_dma source(%dma_start3A_41 : memref<100000x128xf32, #tpu.memory_space<hbm>>) target(%dma_start3A_35 : memref<50x128xf32, #tpu.memory_space<vmem>>) offsets(%dma_start3A_38 : memref<50xi32, #tpu.memory_space<vmem>>) semaphore(%arg9 : memref<!tpu.dma_semaphore, #tpu.memory_space<semaphore_mem>>)
    %dma_start3A_42 = arith.constant 3 : i32
    %dma_start3A_43 = arith.constant 3 : i32
    %dma_start3A_44 = arith.constant 0 : i32
    %dma_start3A_45 = arith.constant 0 : i32
    %dma_start3A_46 = tpu.memref_slice %arg6[%dma_start3A_43, %dma_start3A_44, %dma_start3A_45] : memref<8x56x128xf32, #tpu.memory_space<vmem>> -> memref<1x50x128xf32, #tpu.memory_space<vmem>>
    %dma_start3A_47 = tpu.memref_squeeze %dma_start3A_46 : memref<1x50x128xf32, #tpu.memory_space<vmem>> -> memref<50x128xf32, #tpu.memory_space<vmem>>
    %dma_start3A_48 = arith.constant 0 : i32
    %dma_start3A_49 = tpu.memref_slice %arg5[%dma_start3A_42, %dma_start3A_48] : memref<32x50xi32, #tpu.memory_space<vmem>> -> memref<1x50xi32, #tpu.memory_space<vmem>>
    %dma_start3A_50 = tpu.memref_squeeze %dma_start3A_49 : memref<1x50xi32, #tpu.memory_space<vmem>> -> memref<50xi32, #tpu.memory_space<vmem>>
    %dma_start3A_51 = arith.constant 0 : i32
    %dma_start3A_52 = arith.constant 0 : i32
    %dma_start3A_53 = tpu.memref_slice %arg2[%dma_start3A_51, %dma_start3A_52] : memref<100000x128xf32, #tpu.memory_space<hbm>> -> memref<100000x128xf32, #tpu.memory_space<hbm>>
    tpu.enqueue_indirect_dma source(%dma_start3A_53 : memref<100000x128xf32, #tpu.memory_space<hbm>>) target(%dma_start3A_47 : memref<50x128xf32, #tpu.memory_space<vmem>>) offsets(%dma_start3A_50 : memref<50xi32, #tpu.memory_space<vmem>>) semaphore(%arg10 : memref<!tpu.dma_semaphore, #tpu.memory_space<semaphore_mem>>)
    %scan3A = arith.constant 0 : i32
    %scan3A_54 = arith.constant 0 : i32
    %scan3A_55 = arith.constant 4 : i32
    %scan3A_56 = arith.addi %scan3A_54, %scan3A_55 : i32
    %scan3A_57 = arith.constant 1 : i32
    scf.for %scan3A_210 = %scan3A_54 to %scan3A_56 step %scan3A_57  : i32 {
      %mul3A_211 = arith.constant 8 : i32
      %mul3A_212 = arith.muli %scan3A_210, %mul3A_211 : i32
      %add3A_213 = arith.constant 0 : i32
      %add3A_214 = arith.addi %mul3A_212, %add3A_213 : i32
      %dma_wait3A_215 = arith.constant 0 : i32
      %dma_wait3A_216 = arith.constant 0 : i32
      %dma_wait3A_217 = arith.constant 0 : i32
      %dma_wait3A_218 = tpu.memref_slice %arg6[%dma_wait3A_215, %dma_wait3A_216, %dma_wait3A_217] : memref<8x56x128xf32, #tpu.memory_space<vmem>> -> memref<1x50x128xf32, #tpu.memory_space<vmem>>
      %dma_wait3A_219 = tpu.memref_squeeze %dma_wait3A_218 : memref<1x50x128xf32, #tpu.memory_space<vmem>> -> memref<50x128xf32, #tpu.memory_space<vmem>>
      %dma_wait3A_220 = arith.constant 0 : i32
      %dma_wait3A_221 = tpu.memref_slice %arg5[%add3A_214, %dma_wait3A_220] : memref<32x50xi32, #tpu.memory_space<vmem>> -> memref<1x50xi32, #tpu.memory_space<vmem>>
      %dma_wait3A_222 = tpu.memref_squeeze %dma_wait3A_221 : memref<1x50xi32, #tpu.memory_space<vmem>> -> memref<50xi32, #tpu.memory_space<vmem>>
      %dma_wait3A_223 = arith.constant 0 : i32
      %dma_wait3A_224 = arith.constant 0 : i32
      %dma_wait3A_225 = tpu.memref_slice %arg2[%dma_wait3A_223, %dma_wait3A_224] : memref<100000x128xf32, #tpu.memory_space<hbm>> -> memref<100000x128xf32, #tpu.memory_space<hbm>>
      tpu.wait_indirect_dma semaphore(%arg7 : memref<!tpu.dma_semaphore, #tpu.memory_space<semaphore_mem>>) src(%dma_wait3A_225 : memref<100000x128xf32, #tpu.memory_space<hbm>>) dst(%dma_wait3A_219 : memref<50x128xf32, #tpu.memory_space<vmem>>)
      %add3A_226 = arith.addi %mul3A_6, %add3A_214 : i32
      %dma_start3A_227 = arith.constant 0 : i32
      %dma_start3A_228 = arith.constant 0 : i32
      %dma_start3A_229 = arith.constant 0 : i32
      %dma_start3A_230 = tpu.memref_slice %arg6[%dma_start3A_227, %dma_start3A_228, %dma_start3A_229] : memref<8x56x128xf32, #tpu.memory_space<vmem>> -> memref<1x56x128xf32, #tpu.memory_space<vmem>>
      %dma_start3A_231 = tpu.memref_squeeze %dma_start3A_230 : memref<1x56x128xf32, #tpu.memory_space<vmem>> -> memref<56x128xf32, #tpu.memory_space<vmem>>
      %dma_start3A_232 = arith.constant 0 : i32
      %dma_start3A_233 = arith.constant 0 : i32
      %dma_start3A_234 = tpu.memref_slice %arg4[%add3A_226, %dma_start3A_232, %dma_start3A_233] : memref<1024x56x128xf32, #tpu.memory_space<hbm>> -> memref<1x56x128xf32, #tpu.memory_space<hbm>>
      %dma_start3A_235 = tpu.memref_squeeze %dma_start3A_234 : memref<1x56x128xf32, #tpu.memory_space<hbm>> -> memref<56x128xf32, #tpu.memory_space<hbm>>
      %dma_start3A_236 = arith.constant 0 : i32
      %dma_start3A_237 = arith.constant 0 : i32
      %dma_start3A_238 = tpu.memref_slice %arg4[%add3A_226, %dma_start3A_236, %dma_start3A_237] : memref<1024x56x128xf32, #tpu.memory_space<hbm>> -> memref<1x56x128xf32, #tpu.memory_space<hbm>>
      %dma_start3A_239 = tpu.memref_squeeze %dma_start3A_238 : memref<1x56x128xf32, #tpu.memory_space<hbm>> -> memref<56x128xf32, #tpu.memory_space<hbm>>
      %dma_start3A_240 = arith.constant 0 : i32
      %dma_start3A_241 = arith.constant 0 : i32
      %dma_start3A_242 = tpu.memref_slice %arg6[%dma_start3A_227, %dma_start3A_240, %dma_start3A_241] : memref<8x56x128xf32, #tpu.memory_space<vmem>> -> memref<1x56x128xf32, #tpu.memory_space<vmem>>
      %dma_start3A_243 = tpu.memref_squeeze %dma_start3A_242 : memref<1x56x128xf32, #tpu.memory_space<vmem>> -> memref<56x128xf32, #tpu.memory_space<vmem>>
      tpu.enqueue_dma source(%dma_start3A_243 : memref<56x128xf32, #tpu.memory_space<vmem>>) target(%dma_start3A_239 : memref<56x128xf32, #tpu.memory_space<hbm>>) target_semaphore(%arg15 : memref<!tpu.dma_semaphore, #tpu.memory_space<semaphore_mem>>)
      %add3A_244 = arith.constant 4 : i32
      %add3A_245 = arith.addi %add3A_214, %add3A_244 : i32
      %lt3A = arith.constant 32 : i32
      %lt3A_246 = arith.cmpi slt, %add3A_245, %lt3A : i32
      %convert_element_type3A = arith.extui %lt3A_246 : i1 to i32
      %cond3A = arith.constant 0 : i32
      %cond3A_247 = arith.cmpi ne, %convert_element_type3A, %cond3A : i32
      scf.if %cond3A_247 {
        %ge3A = arith.constant 8 : i32
        %ge3A_528 = arith.cmpi sge, %add3A_245, %ge3A : i32
        %convert_element_type3A_529 = arith.extui %ge3A_528 : i1 to i32
        %cond3A_530 = arith.constant 0 : i32
        %cond3A_531 = arith.cmpi ne, %convert_element_type3A_529, %cond3A_530 : i32
        scf.if %cond3A_531 {
          %sub3A = arith.constant 8 : i32
          %sub3A_543 = arith.subi %add3A_245, %sub3A : i32
          %add3A_544 = arith.addi %mul3A_6, %sub3A_543 : i32
          %dma_wait3A_545 = arith.constant 4 : i32
          %dma_wait3A_546 = arith.constant 0 : i32
          %dma_wait3A_547 = arith.constant 0 : i32
          %dma_wait3A_548 = tpu.memref_slice %arg6[%dma_wait3A_545, %dma_wait3A_546, %dma_wait3A_547] : memref<8x56x128xf32, #tpu.memory_space<vmem>> -> memref<1x56x128xf32, #tpu.memory_space<vmem>>
          %dma_wait3A_549 = tpu.memref_squeeze %dma_wait3A_548 : memref<1x56x128xf32, #tpu.memory_space<vmem>> -> memref<56x128xf32, #tpu.memory_space<vmem>>
          %dma_wait3A_550 = arith.constant 0 : i32
          %dma_wait3A_551 = arith.constant 0 : i32
          %dma_wait3A_552 = tpu.memref_slice %arg4[%add3A_544, %dma_wait3A_550, %dma_wait3A_551] : memref<1024x56x128xf32, #tpu.memory_space<hbm>> -> memref<1x56x128xf32, #tpu.memory_space<hbm>>
          %dma_wait3A_553 = tpu.memref_squeeze %dma_wait3A_552 : memref<1x56x128xf32, #tpu.memory_space<hbm>> -> memref<56x128xf32, #tpu.memory_space<hbm>>
          %dma_wait3A_554 = arith.constant 0 : i32
          %dma_wait3A_555 = arith.constant 0 : i32
          %dma_wait3A_556 = tpu.memref_slice %arg4[%add3A_544, %dma_wait3A_554, %dma_wait3A_555] : memref<1024x56x128xf32, #tpu.memory_space<hbm>> -> memref<1x56x128xf32, #tpu.memory_space<hbm>>
          %dma_wait3A_557 = tpu.memref_squeeze %dma_wait3A_556 : memref<1x56x128xf32, #tpu.memory_space<hbm>> -> memref<56x128xf32, #tpu.memory_space<hbm>>
          %dma_wait3A_558 = arith.constant 0 : i32
          %dma_wait3A_559 = arith.constant 0 : i32
          %dma_wait3A_560 = tpu.memref_slice %arg6[%dma_wait3A_545, %dma_wait3A_558, %dma_wait3A_559] : memref<8x56x128xf32, #tpu.memory_space<vmem>> -> memref<1x56x128xf32, #tpu.memory_space<vmem>>
          %dma_wait3A_561 = tpu.memref_squeeze %dma_wait3A_560 : memref<1x56x128xf32, #tpu.memory_space<vmem>> -> memref<56x128xf32, #tpu.memory_space<vmem>>
          tpu.wait_dma2 semaphore(%arg19 : memref<!tpu.dma_semaphore, #tpu.memory_space<semaphore_mem>>) src(%dma_wait3A_561 : memref<56x128xf32, #tpu.memory_space<vmem>>) dst(%dma_wait3A_557 : memref<56x128xf32, #tpu.memory_space<hbm>>)
        } else {
        }
        %dma_start3A_532 = arith.constant 4 : i32
        %dma_start3A_533 = arith.constant 0 : i32
        %dma_start3A_534 = arith.constant 0 : i32
        %dma_start3A_535 = tpu.memref_slice %arg6[%dma_start3A_532, %dma_start3A_533, %dma_start3A_534] : memref<8x56x128xf32, #tpu.memory_space<vmem>> -> memref<1x50x128xf32, #tpu.memory_space<vmem>>
        %dma_start3A_536 = tpu.memref_squeeze %dma_start3A_535 : memref<1x50x128xf32, #tpu.memory_space<vmem>> -> memref<50x128xf32, #tpu.memory_space<vmem>>
        %dma_start3A_537 = arith.constant 0 : i32
        %dma_start3A_538 = tpu.memref_slice %arg5[%add3A_245, %dma_start3A_537] : memref<32x50xi32, #tpu.memory_space<vmem>> -> memref<1x50xi32, #tpu.memory_space<vmem>>
        %dma_start3A_539 = tpu.memref_squeeze %dma_start3A_538 : memref<1x50xi32, #tpu.memory_space<vmem>> -> memref<50xi32, #tpu.memory_space<vmem>>
        %dma_start3A_540 = arith.constant 0 : i32
        %dma_start3A_541 = arith.constant 0 : i32
        %dma_start3A_542 = tpu.memref_slice %arg2[%dma_start3A_540, %dma_start3A_541] : memref<100000x128xf32, #tpu.memory_space<hbm>> -> memref<100000x128xf32, #tpu.memory_space<hbm>>
        tpu.enqueue_indirect_dma source(%dma_start3A_542 : memref<100000x128xf32, #tpu.memory_space<hbm>>) target(%dma_start3A_536 : memref<50x128xf32, #tpu.memory_space<vmem>>) offsets(%dma_start3A_539 : memref<50xi32, #tpu.memory_space<vmem>>) semaphore(%arg11 : memref<!tpu.dma_semaphore, #tpu.memory_space<semaphore_mem>>)
      } else {
      }
      %mul3A_248 = arith.constant 8 : i32
      %mul3A_249 = arith.muli %scan3A_210, %mul3A_248 : i32
      %add3A_250 = arith.constant 1 : i32
      %add3A_251 = arith.addi %mul3A_249, %add3A_250 : i32
      %dma_wait3A_252 = arith.constant 1 : i32
      %dma_wait3A_253 = arith.constant 0 : i32
      %dma_wait3A_254 = arith.constant 0 : i32
      %dma_wait3A_255 = tpu.memref_slice %arg6[%dma_wait3A_252, %dma_wait3A_253, %dma_wait3A_254] : memref<8x56x128xf32, #tpu.memory_space<vmem>> -> memref<1x50x128xf32, #tpu.memory_space<vmem>>
      %dma_wait3A_256 = tpu.memref_squeeze %dma_wait3A_255 : memref<1x50x128xf32, #tpu.memory_space<vmem>> -> memref<50x128xf32, #tpu.memory_space<vmem>>
      %dma_wait3A_257 = arith.constant 0 : i32
      %dma_wait3A_258 = tpu.memref_slice %arg5[%add3A_251, %dma_wait3A_257] : memref<32x50xi32, #tpu.memory_space<vmem>> -> memref<1x50xi32, #tpu.memory_space<vmem>>
      %dma_wait3A_259 = tpu.memref_squeeze %dma_wait3A_258 : memref<1x50xi32, #tpu.memory_space<vmem>> -> memref<50xi32, #tpu.memory_space<vmem>>
      %dma_wait3A_260 = arith.constant 0 : i32
      %dma_wait3A_261 = arith.constant 0 : i32
      %dma_wait3A_262 = tpu.memref_slice %arg2[%dma_wait3A_260, %dma_wait3A_261] : memref<100000x128xf32, #tpu.memory_space<hbm>> -> memref<100000x128xf32, #tpu.memory_space<hbm>>
      tpu.wait_indirect_dma semaphore(%arg8 : memref<!tpu.dma_semaphore, #tpu.memory_space<semaphore_mem>>) src(%dma_wait3A_262 : memref<100000x128xf32, #tpu.memory_space<hbm>>) dst(%dma_wait3A_256 : memref<50x128xf32, #tpu.memory_space<vmem>>)
      %add3A_263 = arith.addi %mul3A_6, %add3A_251 : i32
      %dma_start3A_264 = arith.constant 1 : i32
      %dma_start3A_265 = arith.constant 0 : i32
      %dma_start3A_266 = arith.constant 0 : i32
      %dma_start3A_267 = tpu.memref_slice %arg6[%dma_start3A_264, %dma_start3A_265, %dma_start3A_266] : memref<8x56x128xf32, #tpu.memory_space<vmem>> -> memref<1x56x128xf32, #tpu.memory_space<vmem>>
      %dma_start3A_268 = tpu.memref_squeeze %dma_start3A_267 : memref<1x56x128xf32, #tpu.memory_space<vmem>> -> memref<56x128xf32, #tpu.memory_space<vmem>>
      %dma_start3A_269 = arith.constant 0 : i32
      %dma_start3A_270 = arith.constant 0 : i32
      %dma_start3A_271 = tpu.memref_slice %arg4[%add3A_263, %dma_start3A_269, %dma_start3A_270] : memref<1024x56x128xf32, #tpu.memory_space<hbm>> -> memref<1x56x128xf32, #tpu.memory_space<hbm>>
      %dma_start3A_272 = tpu.memref_squeeze %dma_start3A_271 : memref<1x56x128xf32, #tpu.memory_space<hbm>> -> memref<56x128xf32, #tpu.memory_space<hbm>>
      %dma_start3A_273 = arith.constant 0 : i32
      %dma_start3A_274 = arith.constant 0 : i32
      %dma_start3A_275 = tpu.memref_slice %arg4[%add3A_263, %dma_start3A_273, %dma_start3A_274] : memref<1024x56x128xf32, #tpu.memory_space<hbm>> -> memref<1x56x128xf32, #tpu.memory_space<hbm>>
      %dma_start3A_276 = tpu.memref_squeeze %dma_start3A_275 : memref<1x56x128xf32, #tpu.memory_space<hbm>> -> memref<56x128xf32, #tpu.memory_space<hbm>>
      %dma_start3A_277 = arith.constant 0 : i32
      %dma_start3A_278 = arith.constant 0 : i32
      %dma_start3A_279 = tpu.memref_slice %arg6[%dma_start3A_264, %dma_start3A_277, %dma_start3A_278] : memref<8x56x128xf32, #tpu.memory_space<vmem>> -> memref<1x56x128xf32, #tpu.memory_space<vmem>>
      %dma_start3A_280 = tpu.memref_squeeze %dma_start3A_279 : memref<1x56x128xf32, #tpu.memory_space<vmem>> -> memref<56x128xf32, #tpu.memory_space<vmem>>
      tpu.enqueue_dma source(%dma_start3A_280 : memref<56x128xf32, #tpu.memory_space<vmem>>) target(%dma_start3A_276 : memref<56x128xf32, #tpu.memory_space<hbm>>) target_semaphore(%arg16 : memref<!tpu.dma_semaphore, #tpu.memory_space<semaphore_mem>>)
      %add3A_281 = arith.constant 4 : i32
      %add3A_282 = arith.addi %add3A_251, %add3A_281 : i32
      %lt3A_283 = arith.constant 32 : i32
      %lt3A_284 = arith.cmpi slt, %add3A_282, %lt3A_283 : i32
      %convert_element_type3A_285 = arith.extui %lt3A_284 : i1 to i32
      %cond3A_286 = arith.constant 0 : i32
      %cond3A_287 = arith.cmpi ne, %convert_element_type3A_285, %cond3A_286 : i32
      scf.if %cond3A_287 {
        %ge3A = arith.constant 8 : i32
        %ge3A_528 = arith.cmpi sge, %add3A_282, %ge3A : i32
        %convert_element_type3A_529 = arith.extui %ge3A_528 : i1 to i32
        %cond3A_530 = arith.constant 0 : i32
        %cond3A_531 = arith.cmpi ne, %convert_element_type3A_529, %cond3A_530 : i32
        scf.if %cond3A_531 {
          %sub3A = arith.constant 8 : i32
          %sub3A_543 = arith.subi %add3A_282, %sub3A : i32
          %add3A_544 = arith.addi %mul3A_6, %sub3A_543 : i32
          %dma_wait3A_545 = arith.constant 5 : i32
          %dma_wait3A_546 = arith.constant 0 : i32
          %dma_wait3A_547 = arith.constant 0 : i32
          %dma_wait3A_548 = tpu.memref_slice %arg6[%dma_wait3A_545, %dma_wait3A_546, %dma_wait3A_547] : memref<8x56x128xf32, #tpu.memory_space<vmem>> -> memref<1x56x128xf32, #tpu.memory_space<vmem>>
          %dma_wait3A_549 = tpu.memref_squeeze %dma_wait3A_548 : memref<1x56x128xf32, #tpu.memory_space<vmem>> -> memref<56x128xf32, #tpu.memory_space<vmem>>
          %dma_wait3A_550 = arith.constant 0 : i32
          %dma_wait3A_551 = arith.constant 0 : i32
          %dma_wait3A_552 = tpu.memref_slice %arg4[%add3A_544, %dma_wait3A_550, %dma_wait3A_551] : memref<1024x56x128xf32, #tpu.memory_space<hbm>> -> memref<1x56x128xf32, #tpu.memory_space<hbm>>
          %dma_wait3A_553 = tpu.memref_squeeze %dma_wait3A_552 : memref<1x56x128xf32, #tpu.memory_space<hbm>> -> memref<56x128xf32, #tpu.memory_space<hbm>>
          %dma_wait3A_554 = arith.constant 0 : i32
          %dma_wait3A_555 = arith.constant 0 : i32
          %dma_wait3A_556 = tpu.memref_slice %arg4[%add3A_544, %dma_wait3A_554, %dma_wait3A_555] : memref<1024x56x128xf32, #tpu.memory_space<hbm>> -> memref<1x56x128xf32, #tpu.memory_space<hbm>>
          %dma_wait3A_557 = tpu.memref_squeeze %dma_wait3A_556 : memref<1x56x128xf32, #tpu.memory_space<hbm>> -> memref<56x128xf32, #tpu.memory_space<hbm>>
          %dma_wait3A_558 = arith.constant 0 : i32
          %dma_wait3A_559 = arith.constant 0 : i32
          %dma_wait3A_560 = tpu.memref_slice %arg6[%dma_wait3A_545, %dma_wait3A_558, %dma_wait3A_559] : memref<8x56x128xf32, #tpu.memory_space<vmem>> -> memref<1x56x128xf32, #tpu.memory_space<vmem>>
          %dma_wait3A_561 = tpu.memref_squeeze %dma_wait3A_560 : memref<1x56x128xf32, #tpu.memory_space<vmem>> -> memref<56x128xf32, #tpu.memory_space<vmem>>
          tpu.wait_dma2 semaphore(%arg20 : memref<!tpu.dma_semaphore, #tpu.memory_space<semaphore_mem>>) src(%dma_wait3A_561 : memref<56x128xf32, #tpu.memory_space<vmem>>) dst(%dma_wait3A_557 : memref<56x128xf32, #tpu.memory_space<hbm>>)
        } else {
        }
        %dma_start3A_532 = arith.constant 5 : i32
        %dma_start3A_533 = arith.constant 0 : i32
        %dma_start3A_534 = arith.constant 0 : i32
        %dma_start3A_535 = tpu.memref_slice %arg6[%dma_start3A_532, %dma_start3A_533, %dma_start3A_534] : memref<8x56x128xf32, #tpu.memory_space<vmem>> -> memref<1x50x128xf32, #tpu.memory_space<vmem>>
        %dma_start3A_536 = tpu.memref_squeeze %dma_start3A_535 : memref<1x50x128xf32, #tpu.memory_space<vmem>> -> memref<50x128xf32, #tpu.memory_space<vmem>>
        %dma_start3A_537 = arith.constant 0 : i32
        %dma_start3A_538 = tpu.memref_slice %arg5[%add3A_282, %dma_start3A_537] : memref<32x50xi32, #tpu.memory_space<vmem>> -> memref<1x50xi32, #tpu.memory_space<vmem>>
        %dma_start3A_539 = tpu.memref_squeeze %dma_start3A_538 : memref<1x50xi32, #tpu.memory_space<vmem>> -> memref<50xi32, #tpu.memory_space<vmem>>
        %dma_start3A_540 = arith.constant 0 : i32
        %dma_start3A_541 = arith.constant 0 : i32
        %dma_start3A_542 = tpu.memref_slice %arg2[%dma_start3A_540, %dma_start3A_541] : memref<100000x128xf32, #tpu.memory_space<hbm>> -> memref<100000x128xf32, #tpu.memory_space<hbm>>
        tpu.enqueue_indirect_dma source(%dma_start3A_542 : memref<100000x128xf32, #tpu.memory_space<hbm>>) target(%dma_start3A_536 : memref<50x128xf32, #tpu.memory_space<vmem>>) offsets(%dma_start3A_539 : memref<50xi32, #tpu.memory_space<vmem>>) semaphore(%arg12 : memref<!tpu.dma_semaphore, #tpu.memory_space<semaphore_mem>>)
      } else {
      }
      %mul3A_288 = arith.constant 8 : i32
      %mul3A_289 = arith.muli %scan3A_210, %mul3A_288 : i32
      %add3A_290 = arith.constant 2 : i32
      %add3A_291 = arith.addi %mul3A_289, %add3A_290 : i32
      %dma_wait3A_292 = arith.constant 2 : i32
      %dma_wait3A_293 = arith.constant 0 : i32
      %dma_wait3A_294 = arith.constant 0 : i32
      %dma_wait3A_295 = tpu.memref_slice %arg6[%dma_wait3A_292, %dma_wait3A_293, %dma_wait3A_294] : memref<8x56x128xf32, #tpu.memory_space<vmem>> -> memref<1x50x128xf32, #tpu.memory_space<vmem>>
      %dma_wait3A_296 = tpu.memref_squeeze %dma_wait3A_295 : memref<1x50x128xf32, #tpu.memory_space<vmem>> -> memref<50x128xf32, #tpu.memory_space<vmem>>
      %dma_wait3A_297 = arith.constant 0 : i32
      %dma_wait3A_298 = tpu.memref_slice %arg5[%add3A_291, %dma_wait3A_297] : memref<32x50xi32, #tpu.memory_space<vmem>> -> memref<1x50xi32, #tpu.memory_space<vmem>>
      %dma_wait3A_299 = tpu.memref_squeeze %dma_wait3A_298 : memref<1x50xi32, #tpu.memory_space<vmem>> -> memref<50xi32, #tpu.memory_space<vmem>>
      %dma_wait3A_300 = arith.constant 0 : i32
      %dma_wait3A_301 = arith.constant 0 : i32
      %dma_wait3A_302 = tpu.memref_slice %arg2[%dma_wait3A_300, %dma_wait3A_301] : memref<100000x128xf32, #tpu.memory_space<hbm>> -> memref<100000x128xf32, #tpu.memory_space<hbm>>
      tpu.wait_indirect_dma semaphore(%arg9 : memref<!tpu.dma_semaphore, #tpu.memory_space<semaphore_mem>>) src(%dma_wait3A_302 : memref<100000x128xf32, #tpu.memory_space<hbm>>) dst(%dma_wait3A_296 : memref<50x128xf32, #tpu.memory_space<vmem>>)
      %add3A_303 = arith.addi %mul3A_6, %add3A_291 : i32
      %dma_start3A_304 = arith.constant 2 : i32
      %dma_start3A_305 = arith.constant 0 : i32
      %dma_start3A_306 = arith.constant 0 : i32
      %dma_start3A_307 = tpu.memref_slice %arg6[%dma_start3A_304, %dma_start3A_305, %dma_start3A_306] : memref<8x56x128xf32, #tpu.memory_space<vmem>> -> memref<1x56x128xf32, #tpu.memory_space<vmem>>
      %dma_start3A_308 = tpu.memref_squeeze %dma_start3A_307 : memref<1x56x128xf32, #tpu.memory_space<vmem>> -> memref<56x128xf32, #tpu.memory_space<vmem>>
      %dma_start3A_309 = arith.constant 0 : i32
      %dma_start3A_310 = arith.constant 0 : i32
      %dma_start3A_311 = tpu.memref_slice %arg4[%add3A_303, %dma_start3A_309, %dma_start3A_310] : memref<1024x56x128xf32, #tpu.memory_space<hbm>> -> memref<1x56x128xf32, #tpu.memory_space<hbm>>
      %dma_start3A_312 = tpu.memref_squeeze %dma_start3A_311 : memref<1x56x128xf32, #tpu.memory_space<hbm>> -> memref<56x128xf32, #tpu.memory_space<hbm>>
      %dma_start3A_313 = arith.constant 0 : i32
      %dma_start3A_314 = arith.constant 0 : i32
      %dma_start3A_315 = tpu.memref_slice %arg4[%add3A_303, %dma_start3A_313, %dma_start3A_314] : memref<1024x56x128xf32, #tpu.memory_space<hbm>> -> memref<1x56x128xf32, #tpu.memory_space<hbm>>
      %dma_start3A_316 = tpu.memref_squeeze %dma_start3A_315 : memref<1x56x128xf32, #tpu.memory_space<hbm>> -> memref<56x128xf32, #tpu.memory_space<hbm>>
      %dma_start3A_317 = arith.constant 0 : i32
      %dma_start3A_318 = arith.constant 0 : i32
      %dma_start3A_319 = tpu.memref_slice %arg6[%dma_start3A_304, %dma_start3A_317, %dma_start3A_318] : memref<8x56x128xf32, #tpu.memory_space<vmem>> -> memref<1x56x128xf32, #tpu.memory_space<vmem>>
      %dma_start3A_320 = tpu.memref_squeeze %dma_start3A_319 : memref<1x56x128xf32, #tpu.memory_space<vmem>> -> memref<56x128xf32, #tpu.memory_space<vmem>>
      tpu.enqueue_dma source(%dma_start3A_320 : memref<56x128xf32, #tpu.memory_space<vmem>>) target(%dma_start3A_316 : memref<56x128xf32, #tpu.memory_space<hbm>>) target_semaphore(%arg17 : memref<!tpu.dma_semaphore, #tpu.memory_space<semaphore_mem>>)
      %add3A_321 = arith.constant 4 : i32
      %add3A_322 = arith.addi %add3A_291, %add3A_321 : i32
      %lt3A_323 = arith.constant 32 : i32
      %lt3A_324 = arith.cmpi slt, %add3A_322, %lt3A_323 : i32
      %convert_element_type3A_325 = arith.extui %lt3A_324 : i1 to i32
      %cond3A_326 = arith.constant 0 : i32
      %cond3A_327 = arith.cmpi ne, %convert_element_type3A_325, %cond3A_326 : i32
      scf.if %cond3A_327 {
        %ge3A = arith.constant 8 : i32
        %ge3A_528 = arith.cmpi sge, %add3A_322, %ge3A : i32
        %convert_element_type3A_529 = arith.extui %ge3A_528 : i1 to i32
        %cond3A_530 = arith.constant 0 : i32
        %cond3A_531 = arith.cmpi ne, %convert_element_type3A_529, %cond3A_530 : i32
        scf.if %cond3A_531 {
          %sub3A = arith.constant 8 : i32
          %sub3A_543 = arith.subi %add3A_322, %sub3A : i32
          %add3A_544 = arith.addi %mul3A_6, %sub3A_543 : i32
          %dma_wait3A_545 = arith.constant 6 : i32
          %dma_wait3A_546 = arith.constant 0 : i32
          %dma_wait3A_547 = arith.constant 0 : i32
          %dma_wait3A_548 = tpu.memref_slice %arg6[%dma_wait3A_545, %dma_wait3A_546, %dma_wait3A_547] : memref<8x56x128xf32, #tpu.memory_space<vmem>> -> memref<1x56x128xf32, #tpu.memory_space<vmem>>
          %dma_wait3A_549 = tpu.memref_squeeze %dma_wait3A_548 : memref<1x56x128xf32, #tpu.memory_space<vmem>> -> memref<56x128xf32, #tpu.memory_space<vmem>>
          %dma_wait3A_550 = arith.constant 0 : i32
          %dma_wait3A_551 = arith.constant 0 : i32
          %dma_wait3A_552 = tpu.memref_slice %arg4[%add3A_544, %dma_wait3A_550, %dma_wait3A_551] : memref<1024x56x128xf32, #tpu.memory_space<hbm>> -> memref<1x56x128xf32, #tpu.memory_space<hbm>>
          %dma_wait3A_553 = tpu.memref_squeeze %dma_wait3A_552 : memref<1x56x128xf32, #tpu.memory_space<hbm>> -> memref<56x128xf32, #tpu.memory_space<hbm>>
          %dma_wait3A_554 = arith.constant 0 : i32
          %dma_wait3A_555 = arith.constant 0 : i32
          %dma_wait3A_556 = tpu.memref_slice %arg4[%add3A_544, %dma_wait3A_554, %dma_wait3A_555] : memref<1024x56x128xf32, #tpu.memory_space<hbm>> -> memref<1x56x128xf32, #tpu.memory_space<hbm>>
          %dma_wait3A_557 = tpu.memref_squeeze %dma_wait3A_556 : memref<1x56x128xf32, #tpu.memory_space<hbm>> -> memref<56x128xf32, #tpu.memory_space<hbm>>
          %dma_wait3A_558 = arith.constant 0 : i32
          %dma_wait3A_559 = arith.constant 0 : i32
          %dma_wait3A_560 = tpu.memref_slice %arg6[%dma_wait3A_545, %dma_wait3A_558, %dma_wait3A_559] : memref<8x56x128xf32, #tpu.memory_space<vmem>> -> memref<1x56x128xf32, #tpu.memory_space<vmem>>
          %dma_wait3A_561 = tpu.memref_squeeze %dma_wait3A_560 : memref<1x56x128xf32, #tpu.memory_space<vmem>> -> memref<56x128xf32, #tpu.memory_space<vmem>>
          tpu.wait_dma2 semaphore(%arg21 : memref<!tpu.dma_semaphore, #tpu.memory_space<semaphore_mem>>) src(%dma_wait3A_561 : memref<56x128xf32, #tpu.memory_space<vmem>>) dst(%dma_wait3A_557 : memref<56x128xf32, #tpu.memory_space<hbm>>)
        } else {
        }
        %dma_start3A_532 = arith.constant 6 : i32
        %dma_start3A_533 = arith.constant 0 : i32
        %dma_start3A_534 = arith.constant 0 : i32
        %dma_start3A_535 = tpu.memref_slice %arg6[%dma_start3A_532, %dma_start3A_533, %dma_start3A_534] : memref<8x56x128xf32, #tpu.memory_space<vmem>> -> memref<1x50x128xf32, #tpu.memory_space<vmem>>
        %dma_start3A_536 = tpu.memref_squeeze %dma_start3A_535 : memref<1x50x128xf32, #tpu.memory_space<vmem>> -> memref<50x128xf32, #tpu.memory_space<vmem>>
        %dma_start3A_537 = arith.constant 0 : i32
        %dma_start3A_538 = tpu.memref_slice %arg5[%add3A_322, %dma_start3A_537] : memref<32x50xi32, #tpu.memory_space<vmem>> -> memref<1x50xi32, #tpu.memory_space<vmem>>
        %dma_start3A_539 = tpu.memref_squeeze %dma_start3A_538 : memref<1x50xi32, #tpu.memory_space<vmem>> -> memref<50xi32, #tpu.memory_space<vmem>>
        %dma_start3A_540 = arith.constant 0 : i32
        %dma_start3A_541 = arith.constant 0 : i32
        %dma_start3A_542 = tpu.memref_slice %arg2[%dma_start3A_540, %dma_start3A_541] : memref<100000x128xf32, #tpu.memory_space<hbm>> -> memref<100000x128xf32, #tpu.memory_space<hbm>>
        tpu.enqueue_indirect_dma source(%dma_start3A_542 : memref<100000x128xf32, #tpu.memory_space<hbm>>) target(%dma_start3A_536 : memref<50x128xf32, #tpu.memory_space<vmem>>) offsets(%dma_start3A_539 : memref<50xi32, #tpu.memory_space<vmem>>) semaphore(%arg13 : memref<!tpu.dma_semaphore, #tpu.memory_space<semaphore_mem>>)
      } else {
      }
      %mul3A_328 = arith.constant 8 : i32
      %mul3A_329 = arith.muli %scan3A_210, %mul3A_328 : i32
      %add3A_330 = arith.constant 3 : i32
      %add3A_331 = arith.addi %mul3A_329, %add3A_330 : i32
      %dma_wait3A_332 = arith.constant 3 : i32
      %dma_wait3A_333 = arith.constant 0 : i32
      %dma_wait3A_334 = arith.constant 0 : i32
      %dma_wait3A_335 = tpu.memref_slice %arg6[%dma_wait3A_332, %dma_wait3A_333, %dma_wait3A_334] : memref<8x56x128xf32, #tpu.memory_space<vmem>> -> memref<1x50x128xf32, #tpu.memory_space<vmem>>
      %dma_wait3A_336 = tpu.memref_squeeze %dma_wait3A_335 : memref<1x50x128xf32, #tpu.memory_space<vmem>> -> memref<50x128xf32, #tpu.memory_space<vmem>>
      %dma_wait3A_337 = arith.constant 0 : i32
      %dma_wait3A_338 = tpu.memref_slice %arg5[%add3A_331, %dma_wait3A_337] : memref<32x50xi32, #tpu.memory_space<vmem>> -> memref<1x50xi32, #tpu.memory_space<vmem>>
      %dma_wait3A_339 = tpu.memref_squeeze %dma_wait3A_338 : memref<1x50xi32, #tpu.memory_space<vmem>> -> memref<50xi32, #tpu.memory_space<vmem>>
      %dma_wait3A_340 = arith.constant 0 : i32
      %dma_wait3A_341 = arith.constant 0 : i32
      %dma_wait3A_342 = tpu.memref_slice %arg2[%dma_wait3A_340, %dma_wait3A_341] : memref<100000x128xf32, #tpu.memory_space<hbm>> -> memref<100000x128xf32, #tpu.memory_space<hbm>>
      tpu.wait_indirect_dma semaphore(%arg10 : memref<!tpu.dma_semaphore, #tpu.memory_space<semaphore_mem>>) src(%dma_wait3A_342 : memref<100000x128xf32, #tpu.memory_space<hbm>>) dst(%dma_wait3A_336 : memref<50x128xf32, #tpu.memory_space<vmem>>)
      %add3A_343 = arith.addi %mul3A_6, %add3A_331 : i32
      %dma_start3A_344 = arith.constant 3 : i32
      %dma_start3A_345 = arith.constant 0 : i32
      %dma_start3A_346 = arith.constant 0 : i32
      %dma_start3A_347 = tpu.memref_slice %arg6[%dma_start3A_344, %dma_start3A_345, %dma_start3A_346] : memref<8x56x128xf32, #tpu.memory_space<vmem>> -> memref<1x56x128xf32, #tpu.memory_space<vmem>>
      %dma_start3A_348 = tpu.memref_squeeze %dma_start3A_347 : memref<1x56x128xf32, #tpu.memory_space<vmem>> -> memref<56x128xf32, #tpu.memory_space<vmem>>
      %dma_start3A_349 = arith.constant 0 : i32
      %dma_start3A_350 = arith.constant 0 : i32
      %dma_start3A_351 = tpu.memref_slice %arg4[%add3A_343, %dma_start3A_349, %dma_start3A_350] : memref<1024x56x128xf32, #tpu.memory_space<hbm>> -> memref<1x56x128xf32, #tpu.memory_space<hbm>>
      %dma_start3A_352 = tpu.memref_squeeze %dma_start3A_351 : memref<1x56x128xf32, #tpu.memory_space<hbm>> -> memref<56x128xf32, #tpu.memory_space<hbm>>
      %dma_start3A_353 = arith.constant 0 : i32
      %dma_start3A_354 = arith.constant 0 : i32
      %dma_start3A_355 = tpu.memref_slice %arg4[%add3A_343, %dma_start3A_353, %dma_start3A_354] : memref<1024x56x128xf32, #tpu.memory_space<hbm>> -> memref<1x56x128xf32, #tpu.memory_space<hbm>>
      %dma_start3A_356 = tpu.memref_squeeze %dma_start3A_355 : memref<1x56x128xf32, #tpu.memory_space<hbm>> -> memref<56x128xf32, #tpu.memory_space<hbm>>
      %dma_start3A_357 = arith.constant 0 : i32
      %dma_start3A_358 = arith.constant 0 : i32
      %dma_start3A_359 = tpu.memref_slice %arg6[%dma_start3A_344, %dma_start3A_357, %dma_start3A_358] : memref<8x56x128xf32, #tpu.memory_space<vmem>> -> memref<1x56x128xf32, #tpu.memory_space<vmem>>
      %dma_start3A_360 = tpu.memref_squeeze %dma_start3A_359 : memref<1x56x128xf32, #tpu.memory_space<vmem>> -> memref<56x128xf32, #tpu.memory_space<vmem>>
      tpu.enqueue_dma source(%dma_start3A_360 : memref<56x128xf32, #tpu.memory_space<vmem>>) target(%dma_start3A_356 : memref<56x128xf32, #tpu.memory_space<hbm>>) target_semaphore(%arg18 : memref<!tpu.dma_semaphore, #tpu.memory_space<semaphore_mem>>)
      %add3A_361 = arith.constant 4 : i32
      %add3A_362 = arith.addi %add3A_331, %add3A_361 : i32
      %lt3A_363 = arith.constant 32 : i32
      %lt3A_364 = arith.cmpi slt, %add3A_362, %lt3A_363 : i32
      %convert_element_type3A_365 = arith.extui %lt3A_364 : i1 to i32
      %cond3A_366 = arith.constant 0 : i32
      %cond3A_367 = arith.cmpi ne, %convert_element_type3A_365, %cond3A_366 : i32
      scf.if %cond3A_367 {
        %ge3A = arith.constant 8 : i32
        %ge3A_528 = arith.cmpi sge, %add3A_362, %ge3A : i32
        %convert_element_type3A_529 = arith.extui %ge3A_528 : i1 to i32
        %cond3A_530 = arith.constant 0 : i32
        %cond3A_531 = arith.cmpi ne, %convert_element_type3A_529, %cond3A_530 : i32
        scf.if %cond3A_531 {
          %sub3A = arith.constant 8 : i32
          %sub3A_543 = arith.subi %add3A_362, %sub3A : i32
          %add3A_544 = arith.addi %mul3A_6, %sub3A_543 : i32
          %dma_wait3A_545 = arith.constant 7 : i32
          %dma_wait3A_546 = arith.constant 0 : i32
          %dma_wait3A_547 = arith.constant 0 : i32
          %dma_wait3A_548 = tpu.memref_slice %arg6[%dma_wait3A_545, %dma_wait3A_546, %dma_wait3A_547] : memref<8x56x128xf32, #tpu.memory_space<vmem>> -> memref<1x56x128xf32, #tpu.memory_space<vmem>>
          %dma_wait3A_549 = tpu.memref_squeeze %dma_wait3A_548 : memref<1x56x128xf32, #tpu.memory_space<vmem>> -> memref<56x128xf32, #tpu.memory_space<vmem>>
          %dma_wait3A_550 = arith.constant 0 : i32
          %dma_wait3A_551 = arith.constant 0 : i32
          %dma_wait3A_552 = tpu.memref_slice %arg4[%add3A_544, %dma_wait3A_550, %dma_wait3A_551] : memref<1024x56x128xf32, #tpu.memory_space<hbm>> -> memref<1x56x128xf32, #tpu.memory_space<hbm>>
          %dma_wait3A_553 = tpu.memref_squeeze %dma_wait3A_552 : memref<1x56x128xf32, #tpu.memory_space<hbm>> -> memref<56x128xf32, #tpu.memory_space<hbm>>
          %dma_wait3A_554 = arith.constant 0 : i32
          %dma_wait3A_555 = arith.constant 0 : i32
          %dma_wait3A_556 = tpu.memref_slice %arg4[%add3A_544, %dma_wait3A_554, %dma_wait3A_555] : memref<1024x56x128xf32, #tpu.memory_space<hbm>> -> memref<1x56x128xf32, #tpu.memory_space<hbm>>
          %dma_wait3A_557 = tpu.memref_squeeze %dma_wait3A_556 : memref<1x56x128xf32, #tpu.memory_space<hbm>> -> memref<56x128xf32, #tpu.memory_space<hbm>>
          %dma_wait3A_558 = arith.constant 0 : i32
          %dma_wait3A_559 = arith.constant 0 : i32
          %dma_wait3A_560 = tpu.memref_slice %arg6[%dma_wait3A_545, %dma_wait3A_558, %dma_wait3A_559] : memref<8x56x128xf32, #tpu.memory_space<vmem>> -> memref<1x56x128xf32, #tpu.memory_space<vmem>>
          %dma_wait3A_561 = tpu.memref_squeeze %dma_wait3A_560 : memref<1x56x128xf32, #tpu.memory_space<vmem>> -> memref<56x128xf32, #tpu.memory_space<vmem>>
          tpu.wait_dma2 semaphore(%arg22 : memref<!tpu.dma_semaphore, #tpu.memory_space<semaphore_mem>>) src(%dma_wait3A_561 : memref<56x128xf32, #tpu.memory_space<vmem>>) dst(%dma_wait3A_557 : memref<56x128xf32, #tpu.memory_space<hbm>>)
        } else {
        }
        %dma_start3A_532 = arith.constant 7 : i32
        %dma_start3A_533 = arith.constant 0 : i32
        %dma_start3A_534 = arith.constant 0 : i32
        %dma_start3A_535 = tpu.memref_slice %arg6[%dma_start3A_532, %dma_start3A_533, %dma_start3A_534] : memref<8x56x128xf32, #tpu.memory_space<vmem>> -> memref<1x50x128xf32, #tpu.memory_space<vmem>>
        %dma_start3A_536 = tpu.memref_squeeze %dma_start3A_535 : memref<1x50x128xf32, #tpu.memory_space<vmem>> -> memref<50x128xf32, #tpu.memory_space<vmem>>
        %dma_start3A_537 = arith.constant 0 : i32
        %dma_start3A_538 = tpu.memref_slice %arg5[%add3A_362, %dma_start3A_537] : memref<32x50xi32, #tpu.memory_space<vmem>> -> memref<1x50xi32, #tpu.memory_space<vmem>>
        %dma_start3A_539 = tpu.memref_squeeze %dma_start3A_538 : memref<1x50xi32, #tpu.memory_space<vmem>> -> memref<50xi32, #tpu.memory_space<vmem>>
        %dma_start3A_540 = arith.constant 0 : i32
        %dma_start3A_541 = arith.constant 0 : i32
        %dma_start3A_542 = tpu.memref_slice %arg2[%dma_start3A_540, %dma_start3A_541] : memref<100000x128xf32, #tpu.memory_space<hbm>> -> memref<100000x128xf32, #tpu.memory_space<hbm>>
        tpu.enqueue_indirect_dma source(%dma_start3A_542 : memref<100000x128xf32, #tpu.memory_space<hbm>>) target(%dma_start3A_536 : memref<50x128xf32, #tpu.memory_space<vmem>>) offsets(%dma_start3A_539 : memref<50xi32, #tpu.memory_space<vmem>>) semaphore(%arg14 : memref<!tpu.dma_semaphore, #tpu.memory_space<semaphore_mem>>)
      } else {
      }
      %mul3A_368 = arith.constant 8 : i32
      %mul3A_369 = arith.muli %scan3A_210, %mul3A_368 : i32
      %add3A_370 = arith.constant 4 : i32
      %add3A_371 = arith.addi %mul3A_369, %add3A_370 : i32
      %dma_wait3A_372 = arith.constant 4 : i32
      %dma_wait3A_373 = arith.constant 0 : i32
      %dma_wait3A_374 = arith.constant 0 : i32
      %dma_wait3A_375 = tpu.memref_slice %arg6[%dma_wait3A_372, %dma_wait3A_373, %dma_wait3A_374] : memref<8x56x128xf32, #tpu.memory_space<vmem>> -> memref<1x50x128xf32, #tpu.memory_space<vmem>>
      %dma_wait3A_376 = tpu.memref_squeeze %dma_wait3A_375 : memref<1x50x128xf32, #tpu.memory_space<vmem>> -> memref<50x128xf32, #tpu.memory_space<vmem>>
      %dma_wait3A_377 = arith.constant 0 : i32
      %dma_wait3A_378 = tpu.memref_slice %arg5[%add3A_371, %dma_wait3A_377] : memref<32x50xi32, #tpu.memory_space<vmem>> -> memref<1x50xi32, #tpu.memory_space<vmem>>
      %dma_wait3A_379 = tpu.memref_squeeze %dma_wait3A_378 : memref<1x50xi32, #tpu.memory_space<vmem>> -> memref<50xi32, #tpu.memory_space<vmem>>
      %dma_wait3A_380 = arith.constant 0 : i32
      %dma_wait3A_381 = arith.constant 0 : i32
      %dma_wait3A_382 = tpu.memref_slice %arg2[%dma_wait3A_380, %dma_wait3A_381] : memref<100000x128xf32, #tpu.memory_space<hbm>> -> memref<100000x128xf32, #tpu.memory_space<hbm>>
      tpu.wait_indirect_dma semaphore(%arg11 : memref<!tpu.dma_semaphore, #tpu.memory_space<semaphore_mem>>) src(%dma_wait3A_382 : memref<100000x128xf32, #tpu.memory_space<hbm>>) dst(%dma_wait3A_376 : memref<50x128xf32, #tpu.memory_space<vmem>>)
      %add3A_383 = arith.addi %mul3A_6, %add3A_371 : i32
      %dma_start3A_384 = arith.constant 4 : i32
      %dma_start3A_385 = arith.constant 0 : i32
      %dma_start3A_386 = arith.constant 0 : i32
      %dma_start3A_387 = tpu.memref_slice %arg6[%dma_start3A_384, %dma_start3A_385, %dma_start3A_386] : memref<8x56x128xf32, #tpu.memory_space<vmem>> -> memref<1x56x128xf32, #tpu.memory_space<vmem>>
      %dma_start3A_388 = tpu.memref_squeeze %dma_start3A_387 : memref<1x56x128xf32, #tpu.memory_space<vmem>> -> memref<56x128xf32, #tpu.memory_space<vmem>>
      %dma_start3A_389 = arith.constant 0 : i32
      %dma_start3A_390 = arith.constant 0 : i32
      %dma_start3A_391 = tpu.memref_slice %arg4[%add3A_383, %dma_start3A_389, %dma_start3A_390] : memref<1024x56x128xf32, #tpu.memory_space<hbm>> -> memref<1x56x128xf32, #tpu.memory_space<hbm>>
      %dma_start3A_392 = tpu.memref_squeeze %dma_start3A_391 : memref<1x56x128xf32, #tpu.memory_space<hbm>> -> memref<56x128xf32, #tpu.memory_space<hbm>>
      %dma_start3A_393 = arith.constant 0 : i32
      %dma_start3A_394 = arith.constant 0 : i32
      %dma_start3A_395 = tpu.memref_slice %arg4[%add3A_383, %dma_start3A_393, %dma_start3A_394] : memref<1024x56x128xf32, #tpu.memory_space<hbm>> -> memref<1x56x128xf32, #tpu.memory_space<hbm>>
      %dma_start3A_396 = tpu.memref_squeeze %dma_start3A_395 : memref<1x56x128xf32, #tpu.memory_space<hbm>> -> memref<56x128xf32, #tpu.memory_space<hbm>>
      %dma_start3A_397 = arith.constant 0 : i32
      %dma_start3A_398 = arith.constant 0 : i32
      %dma_start3A_399 = tpu.memref_slice %arg6[%dma_start3A_384, %dma_start3A_397, %dma_start3A_398] : memref<8x56x128xf32, #tpu.memory_space<vmem>> -> memref<1x56x128xf32, #tpu.memory_space<vmem>>
      %dma_start3A_400 = tpu.memref_squeeze %dma_start3A_399 : memref<1x56x128xf32, #tpu.memory_space<vmem>> -> memref<56x128xf32, #tpu.memory_space<vmem>>
      tpu.enqueue_dma source(%dma_start3A_400 : memref<56x128xf32, #tpu.memory_space<vmem>>) target(%dma_start3A_396 : memref<56x128xf32, #tpu.memory_space<hbm>>) target_semaphore(%arg19 : memref<!tpu.dma_semaphore, #tpu.memory_space<semaphore_mem>>)
      %add3A_401 = arith.constant 4 : i32
      %add3A_402 = arith.addi %add3A_371, %add3A_401 : i32
      %lt3A_403 = arith.constant 32 : i32
      %lt3A_404 = arith.cmpi slt, %add3A_402, %lt3A_403 : i32
      %convert_element_type3A_405 = arith.extui %lt3A_404 : i1 to i32
      %cond3A_406 = arith.constant 0 : i32
      %cond3A_407 = arith.cmpi ne, %convert_element_type3A_405, %cond3A_406 : i32
      scf.if %cond3A_407 {
        %ge3A = arith.constant 8 : i32
        %ge3A_528 = arith.cmpi sge, %add3A_402, %ge3A : i32
        %convert_element_type3A_529 = arith.extui %ge3A_528 : i1 to i32
        %cond3A_530 = arith.constant 0 : i32
        %cond3A_531 = arith.cmpi ne, %convert_element_type3A_529, %cond3A_530 : i32
        scf.if %cond3A_531 {
          %sub3A = arith.constant 8 : i32
          %sub3A_543 = arith.subi %add3A_402, %sub3A : i32
          %add3A_544 = arith.addi %mul3A_6, %sub3A_543 : i32
          %dma_wait3A_545 = arith.constant 0 : i32
          %dma_wait3A_546 = arith.constant 0 : i32
          %dma_wait3A_547 = arith.constant 0 : i32
          %dma_wait3A_548 = tpu.memref_slice %arg6[%dma_wait3A_545, %dma_wait3A_546, %dma_wait3A_547] : memref<8x56x128xf32, #tpu.memory_space<vmem>> -> memref<1x56x128xf32, #tpu.memory_space<vmem>>
          %dma_wait3A_549 = tpu.memref_squeeze %dma_wait3A_548 : memref<1x56x128xf32, #tpu.memory_space<vmem>> -> memref<56x128xf32, #tpu.memory_space<vmem>>
          %dma_wait3A_550 = arith.constant 0 : i32
          %dma_wait3A_551 = arith.constant 0 : i32
          %dma_wait3A_552 = tpu.memref_slice %arg4[%add3A_544, %dma_wait3A_550, %dma_wait3A_551] : memref<1024x56x128xf32, #tpu.memory_space<hbm>> -> memref<1x56x128xf32, #tpu.memory_space<hbm>>
          %dma_wait3A_553 = tpu.memref_squeeze %dma_wait3A_552 : memref<1x56x128xf32, #tpu.memory_space<hbm>> -> memref<56x128xf32, #tpu.memory_space<hbm>>
          %dma_wait3A_554 = arith.constant 0 : i32
          %dma_wait3A_555 = arith.constant 0 : i32
          %dma_wait3A_556 = tpu.memref_slice %arg4[%add3A_544, %dma_wait3A_554, %dma_wait3A_555] : memref<1024x56x128xf32, #tpu.memory_space<hbm>> -> memref<1x56x128xf32, #tpu.memory_space<hbm>>
          %dma_wait3A_557 = tpu.memref_squeeze %dma_wait3A_556 : memref<1x56x128xf32, #tpu.memory_space<hbm>> -> memref<56x128xf32, #tpu.memory_space<hbm>>
          %dma_wait3A_558 = arith.constant 0 : i32
          %dma_wait3A_559 = arith.constant 0 : i32
          %dma_wait3A_560 = tpu.memref_slice %arg6[%dma_wait3A_545, %dma_wait3A_558, %dma_wait3A_559] : memref<8x56x128xf32, #tpu.memory_space<vmem>> -> memref<1x56x128xf32, #tpu.memory_space<vmem>>
          %dma_wait3A_561 = tpu.memref_squeeze %dma_wait3A_560 : memref<1x56x128xf32, #tpu.memory_space<vmem>> -> memref<56x128xf32, #tpu.memory_space<vmem>>
          tpu.wait_dma2 semaphore(%arg15 : memref<!tpu.dma_semaphore, #tpu.memory_space<semaphore_mem>>) src(%dma_wait3A_561 : memref<56x128xf32, #tpu.memory_space<vmem>>) dst(%dma_wait3A_557 : memref<56x128xf32, #tpu.memory_space<hbm>>)
        } else {
        }
        %dma_start3A_532 = arith.constant 0 : i32
        %dma_start3A_533 = arith.constant 0 : i32
        %dma_start3A_534 = arith.constant 0 : i32
        %dma_start3A_535 = tpu.memref_slice %arg6[%dma_start3A_532, %dma_start3A_533, %dma_start3A_534] : memref<8x56x128xf32, #tpu.memory_space<vmem>> -> memref<1x50x128xf32, #tpu.memory_space<vmem>>
        %dma_start3A_536 = tpu.memref_squeeze %dma_start3A_535 : memref<1x50x128xf32, #tpu.memory_space<vmem>> -> memref<50x128xf32, #tpu.memory_space<vmem>>
        %dma_start3A_537 = arith.constant 0 : i32
        %dma_start3A_538 = tpu.memref_slice %arg5[%add3A_402, %dma_start3A_537] : memref<32x50xi32, #tpu.memory_space<vmem>> -> memref<1x50xi32, #tpu.memory_space<vmem>>
        %dma_start3A_539 = tpu.memref_squeeze %dma_start3A_538 : memref<1x50xi32, #tpu.memory_space<vmem>> -> memref<50xi32, #tpu.memory_space<vmem>>
        %dma_start3A_540 = arith.constant 0 : i32
        %dma_start3A_541 = arith.constant 0 : i32
        %dma_start3A_542 = tpu.memref_slice %arg2[%dma_start3A_540, %dma_start3A_541] : memref<100000x128xf32, #tpu.memory_space<hbm>> -> memref<100000x128xf32, #tpu.memory_space<hbm>>
        tpu.enqueue_indirect_dma source(%dma_start3A_542 : memref<100000x128xf32, #tpu.memory_space<hbm>>) target(%dma_start3A_536 : memref<50x128xf32, #tpu.memory_space<vmem>>) offsets(%dma_start3A_539 : memref<50xi32, #tpu.memory_space<vmem>>) semaphore(%arg7 : memref<!tpu.dma_semaphore, #tpu.memory_space<semaphore_mem>>)
      } else {
      }
      %mul3A_408 = arith.constant 8 : i32
      %mul3A_409 = arith.muli %scan3A_210, %mul3A_408 : i32
      %add3A_410 = arith.constant 5 : i32
      %add3A_411 = arith.addi %mul3A_409, %add3A_410 : i32
      %dma_wait3A_412 = arith.constant 5 : i32
      %dma_wait3A_413 = arith.constant 0 : i32
      %dma_wait3A_414 = arith.constant 0 : i32
      %dma_wait3A_415 = tpu.memref_slice %arg6[%dma_wait3A_412, %dma_wait3A_413, %dma_wait3A_414] : memref<8x56x128xf32, #tpu.memory_space<vmem>> -> memref<1x50x128xf32, #tpu.memory_space<vmem>>
      %dma_wait3A_416 = tpu.memref_squeeze %dma_wait3A_415 : memref<1x50x128xf32, #tpu.memory_space<vmem>> -> memref<50x128xf32, #tpu.memory_space<vmem>>
      %dma_wait3A_417 = arith.constant 0 : i32
      %dma_wait3A_418 = tpu.memref_slice %arg5[%add3A_411, %dma_wait3A_417] : memref<32x50xi32, #tpu.memory_space<vmem>> -> memref<1x50xi32, #tpu.memory_space<vmem>>
      %dma_wait3A_419 = tpu.memref_squeeze %dma_wait3A_418 : memref<1x50xi32, #tpu.memory_space<vmem>> -> memref<50xi32, #tpu.memory_space<vmem>>
      %dma_wait3A_420 = arith.constant 0 : i32
      %dma_wait3A_421 = arith.constant 0 : i32
      %dma_wait3A_422 = tpu.memref_slice %arg2[%dma_wait3A_420, %dma_wait3A_421] : memref<100000x128xf32, #tpu.memory_space<hbm>> -> memref<100000x128xf32, #tpu.memory_space<hbm>>
      tpu.wait_indirect_dma semaphore(%arg12 : memref<!tpu.dma_semaphore, #tpu.memory_space<semaphore_mem>>) src(%dma_wait3A_422 : memref<100000x128xf32, #tpu.memory_space<hbm>>) dst(%dma_wait3A_416 : memref<50x128xf32, #tpu.memory_space<vmem>>)
      %add3A_423 = arith.addi %mul3A_6, %add3A_411 : i32
      %dma_start3A_424 = arith.constant 5 : i32
      %dma_start3A_425 = arith.constant 0 : i32
      %dma_start3A_426 = arith.constant 0 : i32
      %dma_start3A_427 = tpu.memref_slice %arg6[%dma_start3A_424, %dma_start3A_425, %dma_start3A_426] : memref<8x56x128xf32, #tpu.memory_space<vmem>> -> memref<1x56x128xf32, #tpu.memory_space<vmem>>
      %dma_start3A_428 = tpu.memref_squeeze %dma_start3A_427 : memref<1x56x128xf32, #tpu.memory_space<vmem>> -> memref<56x128xf32, #tpu.memory_space<vmem>>
      %dma_start3A_429 = arith.constant 0 : i32
      %dma_start3A_430 = arith.constant 0 : i32
      %dma_start3A_431 = tpu.memref_slice %arg4[%add3A_423, %dma_start3A_429, %dma_start3A_430] : memref<1024x56x128xf32, #tpu.memory_space<hbm>> -> memref<1x56x128xf32, #tpu.memory_space<hbm>>
      %dma_start3A_432 = tpu.memref_squeeze %dma_start3A_431 : memref<1x56x128xf32, #tpu.memory_space<hbm>> -> memref<56x128xf32, #tpu.memory_space<hbm>>
      %dma_start3A_433 = arith.constant 0 : i32
      %dma_start3A_434 = arith.constant 0 : i32
      %dma_start3A_435 = tpu.memref_slice %arg4[%add3A_423, %dma_start3A_433, %dma_start3A_434] : memref<1024x56x128xf32, #tpu.memory_space<hbm>> -> memref<1x56x128xf32, #tpu.memory_space<hbm>>
      %dma_start3A_436 = tpu.memref_squeeze %dma_start3A_435 : memref<1x56x128xf32, #tpu.memory_space<hbm>> -> memref<56x128xf32, #tpu.memory_space<hbm>>
      %dma_start3A_437 = arith.constant 0 : i32
      %dma_start3A_438 = arith.constant 0 : i32
      %dma_start3A_439 = tpu.memref_slice %arg6[%dma_start3A_424, %dma_start3A_437, %dma_start3A_438] : memref<8x56x128xf32, #tpu.memory_space<vmem>> -> memref<1x56x128xf32, #tpu.memory_space<vmem>>
      %dma_start3A_440 = tpu.memref_squeeze %dma_start3A_439 : memref<1x56x128xf32, #tpu.memory_space<vmem>> -> memref<56x128xf32, #tpu.memory_space<vmem>>
      tpu.enqueue_dma source(%dma_start3A_440 : memref<56x128xf32, #tpu.memory_space<vmem>>) target(%dma_start3A_436 : memref<56x128xf32, #tpu.memory_space<hbm>>) target_semaphore(%arg20 : memref<!tpu.dma_semaphore, #tpu.memory_space<semaphore_mem>>)
      %add3A_441 = arith.constant 4 : i32
      %add3A_442 = arith.addi %add3A_411, %add3A_441 : i32
      %lt3A_443 = arith.constant 32 : i32
      %lt3A_444 = arith.cmpi slt, %add3A_442, %lt3A_443 : i32
      %convert_element_type3A_445 = arith.extui %lt3A_444 : i1 to i32
      %cond3A_446 = arith.constant 0 : i32
      %cond3A_447 = arith.cmpi ne, %convert_element_type3A_445, %cond3A_446 : i32
      scf.if %cond3A_447 {
        %ge3A = arith.constant 8 : i32
        %ge3A_528 = arith.cmpi sge, %add3A_442, %ge3A : i32
        %convert_element_type3A_529 = arith.extui %ge3A_528 : i1 to i32
        %cond3A_530 = arith.constant 0 : i32
        %cond3A_531 = arith.cmpi ne, %convert_element_type3A_529, %cond3A_530 : i32
        scf.if %cond3A_531 {
          %sub3A = arith.constant 8 : i32
          %sub3A_543 = arith.subi %add3A_442, %sub3A : i32
          %add3A_544 = arith.addi %mul3A_6, %sub3A_543 : i32
          %dma_wait3A_545 = arith.constant 1 : i32
          %dma_wait3A_546 = arith.constant 0 : i32
          %dma_wait3A_547 = arith.constant 0 : i32
          %dma_wait3A_548 = tpu.memref_slice %arg6[%dma_wait3A_545, %dma_wait3A_546, %dma_wait3A_547] : memref<8x56x128xf32, #tpu.memory_space<vmem>> -> memref<1x56x128xf32, #tpu.memory_space<vmem>>
          %dma_wait3A_549 = tpu.memref_squeeze %dma_wait3A_548 : memref<1x56x128xf32, #tpu.memory_space<vmem>> -> memref<56x128xf32, #tpu.memory_space<vmem>>
          %dma_wait3A_550 = arith.constant 0 : i32
          %dma_wait3A_551 = arith.constant 0 : i32
          %dma_wait3A_552 = tpu.memref_slice %arg4[%add3A_544, %dma_wait3A_550, %dma_wait3A_551] : memref<1024x56x128xf32, #tpu.memory_space<hbm>> -> memref<1x56x128xf32, #tpu.memory_space<hbm>>
          %dma_wait3A_553 = tpu.memref_squeeze %dma_wait3A_552 : memref<1x56x128xf32, #tpu.memory_space<hbm>> -> memref<56x128xf32, #tpu.memory_space<hbm>>
          %dma_wait3A_554 = arith.constant 0 : i32
          %dma_wait3A_555 = arith.constant 0 : i32
          %dma_wait3A_556 = tpu.memref_slice %arg4[%add3A_544, %dma_wait3A_554, %dma_wait3A_555] : memref<1024x56x128xf32, #tpu.memory_space<hbm>> -> memref<1x56x128xf32, #tpu.memory_space<hbm>>
          %dma_wait3A_557 = tpu.memref_squeeze %dma_wait3A_556 : memref<1x56x128xf32, #tpu.memory_space<hbm>> -> memref<56x128xf32, #tpu.memory_space<hbm>>
          %dma_wait3A_558 = arith.constant 0 : i32
          %dma_wait3A_559 = arith.constant 0 : i32
          %dma_wait3A_560 = tpu.memref_slice %arg6[%dma_wait3A_545, %dma_wait3A_558, %dma_wait3A_559] : memref<8x56x128xf32, #tpu.memory_space<vmem>> -> memref<1x56x128xf32, #tpu.memory_space<vmem>>
          %dma_wait3A_561 = tpu.memref_squeeze %dma_wait3A_560 : memref<1x56x128xf32, #tpu.memory_space<vmem>> -> memref<56x128xf32, #tpu.memory_space<vmem>>
          tpu.wait_dma2 semaphore(%arg16 : memref<!tpu.dma_semaphore, #tpu.memory_space<semaphore_mem>>) src(%dma_wait3A_561 : memref<56x128xf32, #tpu.memory_space<vmem>>) dst(%dma_wait3A_557 : memref<56x128xf32, #tpu.memory_space<hbm>>)
        } else {
        }
        %dma_start3A_532 = arith.constant 1 : i32
        %dma_start3A_533 = arith.constant 0 : i32
        %dma_start3A_534 = arith.constant 0 : i32
        %dma_start3A_535 = tpu.memref_slice %arg6[%dma_start3A_532, %dma_start3A_533, %dma_start3A_534] : memref<8x56x128xf32, #tpu.memory_space<vmem>> -> memref<1x50x128xf32, #tpu.memory_space<vmem>>
        %dma_start3A_536 = tpu.memref_squeeze %dma_start3A_535 : memref<1x50x128xf32, #tpu.memory_space<vmem>> -> memref<50x128xf32, #tpu.memory_space<vmem>>
        %dma_start3A_537 = arith.constant 0 : i32
        %dma_start3A_538 = tpu.memref_slice %arg5[%add3A_442, %dma_start3A_537] : memref<32x50xi32, #tpu.memory_space<vmem>> -> memref<1x50xi32, #tpu.memory_space<vmem>>
        %dma_start3A_539 = tpu.memref_squeeze %dma_start3A_538 : memref<1x50xi32, #tpu.memory_space<vmem>> -> memref<50xi32, #tpu.memory_space<vmem>>
        %dma_start3A_540 = arith.constant 0 : i32
        %dma_start3A_541 = arith.constant 0 : i32
        %dma_start3A_542 = tpu.memref_slice %arg2[%dma_start3A_540, %dma_start3A_541] : memref<100000x128xf32, #tpu.memory_space<hbm>> -> memref<100000x128xf32, #tpu.memory_space<hbm>>
        tpu.enqueue_indirect_dma source(%dma_start3A_542 : memref<100000x128xf32, #tpu.memory_space<hbm>>) target(%dma_start3A_536 : memref<50x128xf32, #tpu.memory_space<vmem>>) offsets(%dma_start3A_539 : memref<50xi32, #tpu.memory_space<vmem>>) semaphore(%arg8 : memref<!tpu.dma_semaphore, #tpu.memory_space<semaphore_mem>>)
      } else {
      }
      %mul3A_448 = arith.constant 8 : i32
      %mul3A_449 = arith.muli %scan3A_210, %mul3A_448 : i32
      %add3A_450 = arith.constant 6 : i32
      %add3A_451 = arith.addi %mul3A_449, %add3A_450 : i32
      %dma_wait3A_452 = arith.constant 6 : i32
      %dma_wait3A_453 = arith.constant 0 : i32
      %dma_wait3A_454 = arith.constant 0 : i32
      %dma_wait3A_455 = tpu.memref_slice %arg6[%dma_wait3A_452, %dma_wait3A_453, %dma_wait3A_454] : memref<8x56x128xf32, #tpu.memory_space<vmem>> -> memref<1x50x128xf32, #tpu.memory_space<vmem>>
      %dma_wait3A_456 = tpu.memref_squeeze %dma_wait3A_455 : memref<1x50x128xf32, #tpu.memory_space<vmem>> -> memref<50x128xf32, #tpu.memory_space<vmem>>
      %dma_wait3A_457 = arith.constant 0 : i32
      %dma_wait3A_458 = tpu.memref_slice %arg5[%add3A_451, %dma_wait3A_457] : memref<32x50xi32, #tpu.memory_space<vmem>> -> memref<1x50xi32, #tpu.memory_space<vmem>>
      %dma_wait3A_459 = tpu.memref_squeeze %dma_wait3A_458 : memref<1x50xi32, #tpu.memory_space<vmem>> -> memref<50xi32, #tpu.memory_space<vmem>>
      %dma_wait3A_460 = arith.constant 0 : i32
      %dma_wait3A_461 = arith.constant 0 : i32
      %dma_wait3A_462 = tpu.memref_slice %arg2[%dma_wait3A_460, %dma_wait3A_461] : memref<100000x128xf32, #tpu.memory_space<hbm>> -> memref<100000x128xf32, #tpu.memory_space<hbm>>
      tpu.wait_indirect_dma semaphore(%arg13 : memref<!tpu.dma_semaphore, #tpu.memory_space<semaphore_mem>>) src(%dma_wait3A_462 : memref<100000x128xf32, #tpu.memory_space<hbm>>) dst(%dma_wait3A_456 : memref<50x128xf32, #tpu.memory_space<vmem>>)
      %add3A_463 = arith.addi %mul3A_6, %add3A_451 : i32
      %dma_start3A_464 = arith.constant 6 : i32
      %dma_start3A_465 = arith.constant 0 : i32
      %dma_start3A_466 = arith.constant 0 : i32
      %dma_start3A_467 = tpu.memref_slice %arg6[%dma_start3A_464, %dma_start3A_465, %dma_start3A_466] : memref<8x56x128xf32, #tpu.memory_space<vmem>> -> memref<1x56x128xf32, #tpu.memory_space<vmem>>
      %dma_start3A_468 = tpu.memref_squeeze %dma_start3A_467 : memref<1x56x128xf32, #tpu.memory_space<vmem>> -> memref<56x128xf32, #tpu.memory_space<vmem>>
      %dma_start3A_469 = arith.constant 0 : i32
      %dma_start3A_470 = arith.constant 0 : i32
      %dma_start3A_471 = tpu.memref_slice %arg4[%add3A_463, %dma_start3A_469, %dma_start3A_470] : memref<1024x56x128xf32, #tpu.memory_space<hbm>> -> memref<1x56x128xf32, #tpu.memory_space<hbm>>
      %dma_start3A_472 = tpu.memref_squeeze %dma_start3A_471 : memref<1x56x128xf32, #tpu.memory_space<hbm>> -> memref<56x128xf32, #tpu.memory_space<hbm>>
      %dma_start3A_473 = arith.constant 0 : i32
      %dma_start3A_474 = arith.constant 0 : i32
      %dma_start3A_475 = tpu.memref_slice %arg4[%add3A_463, %dma_start3A_473, %dma_start3A_474] : memref<1024x56x128xf32, #tpu.memory_space<hbm>> -> memref<1x56x128xf32, #tpu.memory_space<hbm>>
      %dma_start3A_476 = tpu.memref_squeeze %dma_start3A_475 : memref<1x56x128xf32, #tpu.memory_space<hbm>> -> memref<56x128xf32, #tpu.memory_space<hbm>>
      %dma_start3A_477 = arith.constant 0 : i32
      %dma_start3A_478 = arith.constant 0 : i32
      %dma_start3A_479 = tpu.memref_slice %arg6[%dma_start3A_464, %dma_start3A_477, %dma_start3A_478] : memref<8x56x128xf32, #tpu.memory_space<vmem>> -> memref<1x56x128xf32, #tpu.memory_space<vmem>>
      %dma_start3A_480 = tpu.memref_squeeze %dma_start3A_479 : memref<1x56x128xf32, #tpu.memory_space<vmem>> -> memref<56x128xf32, #tpu.memory_space<vmem>>
      tpu.enqueue_dma source(%dma_start3A_480 : memref<56x128xf32, #tpu.memory_space<vmem>>) target(%dma_start3A_476 : memref<56x128xf32, #tpu.memory_space<hbm>>) target_semaphore(%arg21 : memref<!tpu.dma_semaphore, #tpu.memory_space<semaphore_mem>>)
      %add3A_481 = arith.constant 4 : i32
      %add3A_482 = arith.addi %add3A_451, %add3A_481 : i32
      %lt3A_483 = arith.constant 32 : i32
      %lt3A_484 = arith.cmpi slt, %add3A_482, %lt3A_483 : i32
      %convert_element_type3A_485 = arith.extui %lt3A_484 : i1 to i32
      %cond3A_486 = arith.constant 0 : i32
      %cond3A_487 = arith.cmpi ne, %convert_element_type3A_485, %cond3A_486 : i32
      scf.if %cond3A_487 {
        %ge3A = arith.constant 8 : i32
        %ge3A_528 = arith.cmpi sge, %add3A_482, %ge3A : i32
        %convert_element_type3A_529 = arith.extui %ge3A_528 : i1 to i32
        %cond3A_530 = arith.constant 0 : i32
        %cond3A_531 = arith.cmpi ne, %convert_element_type3A_529, %cond3A_530 : i32
        scf.if %cond3A_531 {
          %sub3A = arith.constant 8 : i32
          %sub3A_543 = arith.subi %add3A_482, %sub3A : i32
          %add3A_544 = arith.addi %mul3A_6, %sub3A_543 : i32
          %dma_wait3A_545 = arith.constant 2 : i32
          %dma_wait3A_546 = arith.constant 0 : i32
          %dma_wait3A_547 = arith.constant 0 : i32
          %dma_wait3A_548 = tpu.memref_slice %arg6[%dma_wait3A_545, %dma_wait3A_546, %dma_wait3A_547] : memref<8x56x128xf32, #tpu.memory_space<vmem>> -> memref<1x56x128xf32, #tpu.memory_space<vmem>>
          %dma_wait3A_549 = tpu.memref_squeeze %dma_wait3A_548 : memref<1x56x128xf32, #tpu.memory_space<vmem>> -> memref<56x128xf32, #tpu.memory_space<vmem>>
          %dma_wait3A_550 = arith.constant 0 : i32
          %dma_wait3A_551 = arith.constant 0 : i32
          %dma_wait3A_552 = tpu.memref_slice %arg4[%add3A_544, %dma_wait3A_550, %dma_wait3A_551] : memref<1024x56x128xf32, #tpu.memory_space<hbm>> -> memref<1x56x128xf32, #tpu.memory_space<hbm>>
          %dma_wait3A_553 = tpu.memref_squeeze %dma_wait3A_552 : memref<1x56x128xf32, #tpu.memory_space<hbm>> -> memref<56x128xf32, #tpu.memory_space<hbm>>
          %dma_wait3A_554 = arith.constant 0 : i32
          %dma_wait3A_555 = arith.constant 0 : i32
          %dma_wait3A_556 = tpu.memref_slice %arg4[%add3A_544, %dma_wait3A_554, %dma_wait3A_555] : memref<1024x56x128xf32, #tpu.memory_space<hbm>> -> memref<1x56x128xf32, #tpu.memory_space<hbm>>
          %dma_wait3A_557 = tpu.memref_squeeze %dma_wait3A_556 : memref<1x56x128xf32, #tpu.memory_space<hbm>> -> memref<56x128xf32, #tpu.memory_space<hbm>>
          %dma_wait3A_558 = arith.constant 0 : i32
          %dma_wait3A_559 = arith.constant 0 : i32
          %dma_wait3A_560 = tpu.memref_slice %arg6[%dma_wait3A_545, %dma_wait3A_558, %dma_wait3A_559] : memref<8x56x128xf32, #tpu.memory_space<vmem>> -> memref<1x56x128xf32, #tpu.memory_space<vmem>>
          %dma_wait3A_561 = tpu.memref_squeeze %dma_wait3A_560 : memref<1x56x128xf32, #tpu.memory_space<vmem>> -> memref<56x128xf32, #tpu.memory_space<vmem>>
          tpu.wait_dma2 semaphore(%arg17 : memref<!tpu.dma_semaphore, #tpu.memory_space<semaphore_mem>>) src(%dma_wait3A_561 : memref<56x128xf32, #tpu.memory_space<vmem>>) dst(%dma_wait3A_557 : memref<56x128xf32, #tpu.memory_space<hbm>>)
        } else {
        }
        %dma_start3A_532 = arith.constant 2 : i32
        %dma_start3A_533 = arith.constant 0 : i32
        %dma_start3A_534 = arith.constant 0 : i32
        %dma_start3A_535 = tpu.memref_slice %arg6[%dma_start3A_532, %dma_start3A_533, %dma_start3A_534] : memref<8x56x128xf32, #tpu.memory_space<vmem>> -> memref<1x50x128xf32, #tpu.memory_space<vmem>>
        %dma_start3A_536 = tpu.memref_squeeze %dma_start3A_535 : memref<1x50x128xf32, #tpu.memory_space<vmem>> -> memref<50x128xf32, #tpu.memory_space<vmem>>
        %dma_start3A_537 = arith.constant 0 : i32
        %dma_start3A_538 = tpu.memref_slice %arg5[%add3A_482, %dma_start3A_537] : memref<32x50xi32, #tpu.memory_space<vmem>> -> memref<1x50xi32, #tpu.memory_space<vmem>>
        %dma_start3A_539 = tpu.memref_squeeze %dma_start3A_538 : memref<1x50xi32, #tpu.memory_space<vmem>> -> memref<50xi32, #tpu.memory_space<vmem>>
        %dma_start3A_540 = arith.constant 0 : i32
        %dma_start3A_541 = arith.constant 0 : i32
        %dma_start3A_542 = tpu.memref_slice %arg2[%dma_start3A_540, %dma_start3A_541] : memref<100000x128xf32, #tpu.memory_space<hbm>> -> memref<100000x128xf32, #tpu.memory_space<hbm>>
        tpu.enqueue_indirect_dma source(%dma_start3A_542 : memref<100000x128xf32, #tpu.memory_space<hbm>>) target(%dma_start3A_536 : memref<50x128xf32, #tpu.memory_space<vmem>>) offsets(%dma_start3A_539 : memref<50xi32, #tpu.memory_space<vmem>>) semaphore(%arg9 : memref<!tpu.dma_semaphore, #tpu.memory_space<semaphore_mem>>)
      } else {
      }
      %mul3A_488 = arith.constant 8 : i32
      %mul3A_489 = arith.muli %scan3A_210, %mul3A_488 : i32
      %add3A_490 = arith.constant 7 : i32
      %add3A_491 = arith.addi %mul3A_489, %add3A_490 : i32
      %dma_wait3A_492 = arith.constant 7 : i32
      %dma_wait3A_493 = arith.constant 0 : i32
      %dma_wait3A_494 = arith.constant 0 : i32
      %dma_wait3A_495 = tpu.memref_slice %arg6[%dma_wait3A_492, %dma_wait3A_493, %dma_wait3A_494] : memref<8x56x128xf32, #tpu.memory_space<vmem>> -> memref<1x50x128xf32, #tpu.memory_space<vmem>>
      %dma_wait3A_496 = tpu.memref_squeeze %dma_wait3A_495 : memref<1x50x128xf32, #tpu.memory_space<vmem>> -> memref<50x128xf32, #tpu.memory_space<vmem>>
      %dma_wait3A_497 = arith.constant 0 : i32
      %dma_wait3A_498 = tpu.memref_slice %arg5[%add3A_491, %dma_wait3A_497] : memref<32x50xi32, #tpu.memory_space<vmem>> -> memref<1x50xi32, #tpu.memory_space<vmem>>
      %dma_wait3A_499 = tpu.memref_squeeze %dma_wait3A_498 : memref<1x50xi32, #tpu.memory_space<vmem>> -> memref<50xi32, #tpu.memory_space<vmem>>
      %dma_wait3A_500 = arith.constant 0 : i32
      %dma_wait3A_501 = arith.constant 0 : i32
      %dma_wait3A_502 = tpu.memref_slice %arg2[%dma_wait3A_500, %dma_wait3A_501] : memref<100000x128xf32, #tpu.memory_space<hbm>> -> memref<100000x128xf32, #tpu.memory_space<hbm>>
      tpu.wait_indirect_dma semaphore(%arg14 : memref<!tpu.dma_semaphore, #tpu.memory_space<semaphore_mem>>) src(%dma_wait3A_502 : memref<100000x128xf32, #tpu.memory_space<hbm>>) dst(%dma_wait3A_496 : memref<50x128xf32, #tpu.memory_space<vmem>>)
      %add3A_503 = arith.addi %mul3A_6, %add3A_491 : i32
      %dma_start3A_504 = arith.constant 7 : i32
      %dma_start3A_505 = arith.constant 0 : i32
      %dma_start3A_506 = arith.constant 0 : i32
      %dma_start3A_507 = tpu.memref_slice %arg6[%dma_start3A_504, %dma_start3A_505, %dma_start3A_506] : memref<8x56x128xf32, #tpu.memory_space<vmem>> -> memref<1x56x128xf32, #tpu.memory_space<vmem>>
      %dma_start3A_508 = tpu.memref_squeeze %dma_start3A_507 : memref<1x56x128xf32, #tpu.memory_space<vmem>> -> memref<56x128xf32, #tpu.memory_space<vmem>>
      %dma_start3A_509 = arith.constant 0 : i32
      %dma_start3A_510 = arith.constant 0 : i32
      %dma_start3A_511 = tpu.memref_slice %arg4[%add3A_503, %dma_start3A_509, %dma_start3A_510] : memref<1024x56x128xf32, #tpu.memory_space<hbm>> -> memref<1x56x128xf32, #tpu.memory_space<hbm>>
      %dma_start3A_512 = tpu.memref_squeeze %dma_start3A_511 : memref<1x56x128xf32, #tpu.memory_space<hbm>> -> memref<56x128xf32, #tpu.memory_space<hbm>>
      %dma_start3A_513 = arith.constant 0 : i32
      %dma_start3A_514 = arith.constant 0 : i32
      %dma_start3A_515 = tpu.memref_slice %arg4[%add3A_503, %dma_start3A_513, %dma_start3A_514] : memref<1024x56x128xf32, #tpu.memory_space<hbm>> -> memref<1x56x128xf32, #tpu.memory_space<hbm>>
      %dma_start3A_516 = tpu.memref_squeeze %dma_start3A_515 : memref<1x56x128xf32, #tpu.memory_space<hbm>> -> memref<56x128xf32, #tpu.memory_space<hbm>>
      %dma_start3A_517 = arith.constant 0 : i32
      %dma_start3A_518 = arith.constant 0 : i32
      %dma_start3A_519 = tpu.memref_slice %arg6[%dma_start3A_504, %dma_start3A_517, %dma_start3A_518] : memref<8x56x128xf32, #tpu.memory_space<vmem>> -> memref<1x56x128xf32, #tpu.memory_space<vmem>>
      %dma_start3A_520 = tpu.memref_squeeze %dma_start3A_519 : memref<1x56x128xf32, #tpu.memory_space<vmem>> -> memref<56x128xf32, #tpu.memory_space<vmem>>
      tpu.enqueue_dma source(%dma_start3A_520 : memref<56x128xf32, #tpu.memory_space<vmem>>) target(%dma_start3A_516 : memref<56x128xf32, #tpu.memory_space<hbm>>) target_semaphore(%arg22 : memref<!tpu.dma_semaphore, #tpu.memory_space<semaphore_mem>>)
      %add3A_521 = arith.constant 4 : i32
      %add3A_522 = arith.addi %add3A_491, %add3A_521 : i32
      %lt3A_523 = arith.constant 32 : i32
      %lt3A_524 = arith.cmpi slt, %add3A_522, %lt3A_523 : i32
      %convert_element_type3A_525 = arith.extui %lt3A_524 : i1 to i32
      %cond3A_526 = arith.constant 0 : i32
      %cond3A_527 = arith.cmpi ne, %convert_element_type3A_525, %cond3A_526 : i32
      scf.if %cond3A_527 {
        %ge3A = arith.constant 8 : i32
        %ge3A_528 = arith.cmpi sge, %add3A_522, %ge3A : i32
        %convert_element_type3A_529 = arith.extui %ge3A_528 : i1 to i32
        %cond3A_530 = arith.constant 0 : i32
        %cond3A_531 = arith.cmpi ne, %convert_element_type3A_529, %cond3A_530 : i32
        scf.if %cond3A_531 {
          %sub3A = arith.constant 8 : i32
          %sub3A_543 = arith.subi %add3A_522, %sub3A : i32
          %add3A_544 = arith.addi %mul3A_6, %sub3A_543 : i32
          %dma_wait3A_545 = arith.constant 3 : i32
          %dma_wait3A_546 = arith.constant 0 : i32
          %dma_wait3A_547 = arith.constant 0 : i32
          %dma_wait3A_548 = tpu.memref_slice %arg6[%dma_wait3A_545, %dma_wait3A_546, %dma_wait3A_547] : memref<8x56x128xf32, #tpu.memory_space<vmem>> -> memref<1x56x128xf32, #tpu.memory_space<vmem>>
          %dma_wait3A_549 = tpu.memref_squeeze %dma_wait3A_548 : memref<1x56x128xf32, #tpu.memory_space<vmem>> -> memref<56x128xf32, #tpu.memory_space<vmem>>
          %dma_wait3A_550 = arith.constant 0 : i32
          %dma_wait3A_551 = arith.constant 0 : i32
          %dma_wait3A_552 = tpu.memref_slice %arg4[%add3A_544, %dma_wait3A_550, %dma_wait3A_551] : memref<1024x56x128xf32, #tpu.memory_space<hbm>> -> memref<1x56x128xf32, #tpu.memory_space<hbm>>
          %dma_wait3A_553 = tpu.memref_squeeze %dma_wait3A_552 : memref<1x56x128xf32, #tpu.memory_space<hbm>> -> memref<56x128xf32, #tpu.memory_space<hbm>>
          %dma_wait3A_554 = arith.constant 0 : i32
          %dma_wait3A_555 = arith.constant 0 : i32
          %dma_wait3A_556 = tpu.memref_slice %arg4[%add3A_544, %dma_wait3A_554, %dma_wait3A_555] : memref<1024x56x128xf32, #tpu.memory_space<hbm>> -> memref<1x56x128xf32, #tpu.memory_space<hbm>>
          %dma_wait3A_557 = tpu.memref_squeeze %dma_wait3A_556 : memref<1x56x128xf32, #tpu.memory_space<hbm>> -> memref<56x128xf32, #tpu.memory_space<hbm>>
          %dma_wait3A_558 = arith.constant 0 : i32
          %dma_wait3A_559 = arith.constant 0 : i32
          %dma_wait3A_560 = tpu.memref_slice %arg6[%dma_wait3A_545, %dma_wait3A_558, %dma_wait3A_559] : memref<8x56x128xf32, #tpu.memory_space<vmem>> -> memref<1x56x128xf32, #tpu.memory_space<vmem>>
          %dma_wait3A_561 = tpu.memref_squeeze %dma_wait3A_560 : memref<1x56x128xf32, #tpu.memory_space<vmem>> -> memref<56x128xf32, #tpu.memory_space<vmem>>
          tpu.wait_dma2 semaphore(%arg18 : memref<!tpu.dma_semaphore, #tpu.memory_space<semaphore_mem>>) src(%dma_wait3A_561 : memref<56x128xf32, #tpu.memory_space<vmem>>) dst(%dma_wait3A_557 : memref<56x128xf32, #tpu.memory_space<hbm>>)
        } else {
        }
        %dma_start3A_532 = arith.constant 3 : i32
        %dma_start3A_533 = arith.constant 0 : i32
        %dma_start3A_534 = arith.constant 0 : i32
        %dma_start3A_535 = tpu.memref_slice %arg6[%dma_start3A_532, %dma_start3A_533, %dma_start3A_534] : memref<8x56x128xf32, #tpu.memory_space<vmem>> -> memref<1x50x128xf32, #tpu.memory_space<vmem>>
        %dma_start3A_536 = tpu.memref_squeeze %dma_start3A_535 : memref<1x50x128xf32, #tpu.memory_space<vmem>> -> memref<50x128xf32, #tpu.memory_space<vmem>>
        %dma_start3A_537 = arith.constant 0 : i32
        %dma_start3A_538 = tpu.memref_slice %arg5[%add3A_522, %dma_start3A_537] : memref<32x50xi32, #tpu.memory_space<vmem>> -> memref<1x50xi32, #tpu.memory_space<vmem>>
        %dma_start3A_539 = tpu.memref_squeeze %dma_start3A_538 : memref<1x50xi32, #tpu.memory_space<vmem>> -> memref<50xi32, #tpu.memory_space<vmem>>
        %dma_start3A_540 = arith.constant 0 : i32
        %dma_start3A_541 = arith.constant 0 : i32
        %dma_start3A_542 = tpu.memref_slice %arg2[%dma_start3A_540, %dma_start3A_541] : memref<100000x128xf32, #tpu.memory_space<hbm>> -> memref<100000x128xf32, #tpu.memory_space<hbm>>
        tpu.enqueue_indirect_dma source(%dma_start3A_542 : memref<100000x128xf32, #tpu.memory_space<hbm>>) target(%dma_start3A_536 : memref<50x128xf32, #tpu.memory_space<vmem>>) offsets(%dma_start3A_539 : memref<50xi32, #tpu.memory_space<vmem>>) semaphore(%arg10 : memref<!tpu.dma_semaphore, #tpu.memory_space<semaphore_mem>>)
      } else {
      }
    }
    %scan3A_58 = arith.constant 4 : i32
    %add3A_59 = arith.constant 24 : i32
    %add3A_60 = arith.addi %mul3A_6, %add3A_59 : i32
    %dma_wait3A = arith.constant 0 : i32
    %dma_wait3A_61 = arith.constant 0 : i32
    %dma_wait3A_62 = arith.constant 0 : i32
    %dma_wait3A_63 = tpu.memref_slice %arg6[%dma_wait3A, %dma_wait3A_61, %dma_wait3A_62] : memref<8x56x128xf32, #tpu.memory_space<vmem>> -> memref<1x56x128xf32, #tpu.memory_space<vmem>>
    %dma_wait3A_64 = tpu.memref_squeeze %dma_wait3A_63 : memref<1x56x128xf32, #tpu.memory_space<vmem>> -> memref<56x128xf32, #tpu.memory_space<vmem>>
    %dma_wait3A_65 = arith.constant 0 : i32
    %dma_wait3A_66 = arith.constant 0 : i32
    %dma_wait3A_67 = tpu.memref_slice %arg4[%add3A_60, %dma_wait3A_65, %dma_wait3A_66] : memref<1024x56x128xf32, #tpu.memory_space<hbm>> -> memref<1x56x128xf32, #tpu.memory_space<hbm>>
    %dma_wait3A_68 = tpu.memref_squeeze %dma_wait3A_67 : memref<1x56x128xf32, #tpu.memory_space<hbm>> -> memref<56x128xf32, #tpu.memory_space<hbm>>
    %dma_wait3A_69 = arith.constant 0 : i32
    %dma_wait3A_70 = arith.constant 0 : i32
    %dma_wait3A_71 = tpu.memref_slice %arg4[%add3A_60, %dma_wait3A_69, %dma_wait3A_70] : memref<1024x56x128xf32, #tpu.memory_space<hbm>> -> memref<1x56x128xf32, #tpu.memory_space<hbm>>
    %dma_wait3A_72 = tpu.memref_squeeze %dma_wait3A_71 : memref<1x56x128xf32, #tpu.memory_space<hbm>> -> memref<56x128xf32, #tpu.memory_space<hbm>>
    %dma_wait3A_73 = arith.constant 0 : i32
    %dma_wait3A_74 = arith.constant 0 : i32
    %dma_wait3A_75 = tpu.memref_slice %arg6[%dma_wait3A, %dma_wait3A_73, %dma_wait3A_74] : memref<8x56x128xf32, #tpu.memory_space<vmem>> -> memref<1x56x128xf32, #tpu.memory_space<vmem>>
    %dma_wait3A_76 = tpu.memref_squeeze %dma_wait3A_75 : memref<1x56x128xf32, #tpu.memory_space<vmem>> -> memref<56x128xf32, #tpu.memory_space<vmem>>
    tpu.wait_dma2 semaphore(%arg15 : memref<!tpu.dma_semaphore, #tpu.memory_space<semaphore_mem>>) src(%dma_wait3A_76 : memref<56x128xf32, #tpu.memory_space<vmem>>) dst(%dma_wait3A_72 : memref<56x128xf32, #tpu.memory_space<hbm>>)
    %add3A_77 = arith.constant 25 : i32
    %add3A_78 = arith.addi %mul3A_6, %add3A_77 : i32
    %dma_wait3A_79 = arith.constant 1 : i32
    %dma_wait3A_80 = arith.constant 0 : i32
    %dma_wait3A_81 = arith.constant 0 : i32
    %dma_wait3A_82 = tpu.memref_slice %arg6[%dma_wait3A_79, %dma_wait3A_80, %dma_wait3A_81] : memref<8x56x128xf32, #tpu.memory_space<vmem>> -> memref<1x56x128xf32, #tpu.memory_space<vmem>>
    %dma_wait3A_83 = tpu.memref_squeeze %dma_wait3A_82 : memref<1x56x128xf32, #tpu.memory_space<vmem>> -> memref<56x128xf32, #tpu.memory_space<vmem>>
    %dma_wait3A_84 = arith.constant 0 : i32
    %dma_wait3A_85 = arith.constant 0 : i32
    %dma_wait3A_86 = tpu.memref_slice %arg4[%add3A_78, %dma_wait3A_84, %dma_wait3A_85] : memref<1024x56x128xf32, #tpu.memory_space<hbm>> -> memref<1x56x128xf32, #tpu.memory_space<hbm>>
    %dma_wait3A_87 = tpu.memref_squeeze %dma_wait3A_86 : memref<1x56x128xf32, #tpu.memory_space<hbm>> -> memref<56x128xf32, #tpu.memory_space<hbm>>
    %dma_wait3A_88 = arith.constant 0 : i32
    %dma_wait3A_89 = arith.constant 0 : i32
    %dma_wait3A_90 = tpu.memref_slice %arg4[%add3A_78, %dma_wait3A_88, %dma_wait3A_89] : memref<1024x56x128xf32, #tpu.memory_space<hbm>> -> memref<1x56x128xf32, #tpu.memory_space<hbm>>
    %dma_wait3A_91 = tpu.memref_squeeze %dma_wait3A_90 : memref<1x56x128xf32, #tpu.memory_space<hbm>> -> memref<56x128xf32, #tpu.memory_space<hbm>>
    %dma_wait3A_92 = arith.constant 0 : i32
    %dma_wait3A_93 = arith.constant 0 : i32
    %dma_wait3A_94 = tpu.memref_slice %arg6[%dma_wait3A_79, %dma_wait3A_92, %dma_wait3A_93] : memref<8x56x128xf32, #tpu.memory_space<vmem>> -> memref<1x56x128xf32, #tpu.memory_space<vmem>>
    %dma_wait3A_95 = tpu.memref_squeeze %dma_wait3A_94 : memref<1x56x128xf32, #tpu.memory_space<vmem>> -> memref<56x128xf32, #tpu.memory_space<vmem>>
    tpu.wait_dma2 semaphore(%arg16 : memref<!tpu.dma_semaphore, #tpu.memory_space<semaphore_mem>>) src(%dma_wait3A_95 : memref<56x128xf32, #tpu.memory_space<vmem>>) dst(%dma_wait3A_91 : memref<56x128xf32, #tpu.memory_space<hbm>>)
    %add3A_96 = arith.constant 26 : i32
    %add3A_97 = arith.addi %mul3A_6, %add3A_96 : i32
    %dma_wait3A_98 = arith.constant 2 : i32
    %dma_wait3A_99 = arith.constant 0 : i32
    %dma_wait3A_100 = arith.constant 0 : i32
    %dma_wait3A_101 = tpu.memref_slice %arg6[%dma_wait3A_98, %dma_wait3A_99, %dma_wait3A_100] : memref<8x56x128xf32, #tpu.memory_space<vmem>> -> memref<1x56x128xf32, #tpu.memory_space<vmem>>
    %dma_wait3A_102 = tpu.memref_squeeze %dma_wait3A_101 : memref<1x56x128xf32, #tpu.memory_space<vmem>> -> memref<56x128xf32, #tpu.memory_space<vmem>>
    %dma_wait3A_103 = arith.constant 0 : i32
    %dma_wait3A_104 = arith.constant 0 : i32
    %dma_wait3A_105 = tpu.memref_slice %arg4[%add3A_97, %dma_wait3A_103, %dma_wait3A_104] : memref<1024x56x128xf32, #tpu.memory_space<hbm>> -> memref<1x56x128xf32, #tpu.memory_space<hbm>>
    %dma_wait3A_106 = tpu.memref_squeeze %dma_wait3A_105 : memref<1x56x128xf32, #tpu.memory_space<hbm>> -> memref<56x128xf32, #tpu.memory_space<hbm>>
    %dma_wait3A_107 = arith.constant 0 : i32
    %dma_wait3A_108 = arith.constant 0 : i32
    %dma_wait3A_109 = tpu.memref_slice %arg4[%add3A_97, %dma_wait3A_107, %dma_wait3A_108] : memref<1024x56x128xf32, #tpu.memory_space<hbm>> -> memref<1x56x128xf32, #tpu.memory_space<hbm>>
    %dma_wait3A_110 = tpu.memref_squeeze %dma_wait3A_109 : memref<1x56x128xf32, #tpu.memory_space<hbm>> -> memref<56x128xf32, #tpu.memory_space<hbm>>
    %dma_wait3A_111 = arith.constant 0 : i32
    %dma_wait3A_112 = arith.constant 0 : i32
    %dma_wait3A_113 = tpu.memref_slice %arg6[%dma_wait3A_98, %dma_wait3A_111, %dma_wait3A_112] : memref<8x56x128xf32, #tpu.memory_space<vmem>> -> memref<1x56x128xf32, #tpu.memory_space<vmem>>
    %dma_wait3A_114 = tpu.memref_squeeze %dma_wait3A_113 : memref<1x56x128xf32, #tpu.memory_space<vmem>> -> memref<56x128xf32, #tpu.memory_space<vmem>>
    tpu.wait_dma2 semaphore(%arg17 : memref<!tpu.dma_semaphore, #tpu.memory_space<semaphore_mem>>) src(%dma_wait3A_114 : memref<56x128xf32, #tpu.memory_space<vmem>>) dst(%dma_wait3A_110 : memref<56x128xf32, #tpu.memory_space<hbm>>)
    %add3A_115 = arith.constant 27 : i32
    %add3A_116 = arith.addi %mul3A_6, %add3A_115 : i32
    %dma_wait3A_117 = arith.constant 3 : i32
    %dma_wait3A_118 = arith.constant 0 : i32
    %dma_wait3A_119 = arith.constant 0 : i32
    %dma_wait3A_120 = tpu.memref_slice %arg6[%dma_wait3A_117, %dma_wait3A_118, %dma_wait3A_119] : memref<8x56x128xf32, #tpu.memory_space<vmem>> -> memref<1x56x128xf32, #tpu.memory_space<vmem>>
    %dma_wait3A_121 = tpu.memref_squeeze %dma_wait3A_120 : memref<1x56x128xf32, #tpu.memory_space<vmem>> -> memref<56x128xf32, #tpu.memory_space<vmem>>
    %dma_wait3A_122 = arith.constant 0 : i32
    %dma_wait3A_123 = arith.constant 0 : i32
    %dma_wait3A_124 = tpu.memref_slice %arg4[%add3A_116, %dma_wait3A_122, %dma_wait3A_123] : memref<1024x56x128xf32, #tpu.memory_space<hbm>> -> memref<1x56x128xf32, #tpu.memory_space<hbm>>
    %dma_wait3A_125 = tpu.memref_squeeze %dma_wait3A_124 : memref<1x56x128xf32, #tpu.memory_space<hbm>> -> memref<56x128xf32, #tpu.memory_space<hbm>>
    %dma_wait3A_126 = arith.constant 0 : i32
    %dma_wait3A_127 = arith.constant 0 : i32
    %dma_wait3A_128 = tpu.memref_slice %arg4[%add3A_116, %dma_wait3A_126, %dma_wait3A_127] : memref<1024x56x128xf32, #tpu.memory_space<hbm>> -> memref<1x56x128xf32, #tpu.memory_space<hbm>>
    %dma_wait3A_129 = tpu.memref_squeeze %dma_wait3A_128 : memref<1x56x128xf32, #tpu.memory_space<hbm>> -> memref<56x128xf32, #tpu.memory_space<hbm>>
    %dma_wait3A_130 = arith.constant 0 : i32
    %dma_wait3A_131 = arith.constant 0 : i32
    %dma_wait3A_132 = tpu.memref_slice %arg6[%dma_wait3A_117, %dma_wait3A_130, %dma_wait3A_131] : memref<8x56x128xf32, #tpu.memory_space<vmem>> -> memref<1x56x128xf32, #tpu.memory_space<vmem>>
    %dma_wait3A_133 = tpu.memref_squeeze %dma_wait3A_132 : memref<1x56x128xf32, #tpu.memory_space<vmem>> -> memref<56x128xf32, #tpu.memory_space<vmem>>
    tpu.wait_dma2 semaphore(%arg18 : memref<!tpu.dma_semaphore, #tpu.memory_space<semaphore_mem>>) src(%dma_wait3A_133 : memref<56x128xf32, #tpu.memory_space<vmem>>) dst(%dma_wait3A_129 : memref<56x128xf32, #tpu.memory_space<hbm>>)
    %add3A_134 = arith.constant 28 : i32
    %add3A_135 = arith.addi %mul3A_6, %add3A_134 : i32
    %dma_wait3A_136 = arith.constant 4 : i32
    %dma_wait3A_137 = arith.constant 0 : i32
    %dma_wait3A_138 = arith.constant 0 : i32
    %dma_wait3A_139 = tpu.memref_slice %arg6[%dma_wait3A_136, %dma_wait3A_137, %dma_wait3A_138] : memref<8x56x128xf32, #tpu.memory_space<vmem>> -> memref<1x56x128xf32, #tpu.memory_space<vmem>>
    %dma_wait3A_140 = tpu.memref_squeeze %dma_wait3A_139 : memref<1x56x128xf32, #tpu.memory_space<vmem>> -> memref<56x128xf32, #tpu.memory_space<vmem>>
    %dma_wait3A_141 = arith.constant 0 : i32
    %dma_wait3A_142 = arith.constant 0 : i32
    %dma_wait3A_143 = tpu.memref_slice %arg4[%add3A_135, %dma_wait3A_141, %dma_wait3A_142] : memref<1024x56x128xf32, #tpu.memory_space<hbm>> -> memref<1x56x128xf32, #tpu.memory_space<hbm>>
    %dma_wait3A_144 = tpu.memref_squeeze %dma_wait3A_143 : memref<1x56x128xf32, #tpu.memory_space<hbm>> -> memref<56x128xf32, #tpu.memory_space<hbm>>
    %dma_wait3A_145 = arith.constant 0 : i32
    %dma_wait3A_146 = arith.constant 0 : i32
    %dma_wait3A_147 = tpu.memref_slice %arg4[%add3A_135, %dma_wait3A_145, %dma_wait3A_146] : memref<1024x56x128xf32, #tpu.memory_space<hbm>> -> memref<1x56x128xf32, #tpu.memory_space<hbm>>
    %dma_wait3A_148 = tpu.memref_squeeze %dma_wait3A_147 : memref<1x56x128xf32, #tpu.memory_space<hbm>> -> memref<56x128xf32, #tpu.memory_space<hbm>>
    %dma_wait3A_149 = arith.constant 0 : i32
    %dma_wait3A_150 = arith.constant 0 : i32
    %dma_wait3A_151 = tpu.memref_slice %arg6[%dma_wait3A_136, %dma_wait3A_149, %dma_wait3A_150] : memref<8x56x128xf32, #tpu.memory_space<vmem>> -> memref<1x56x128xf32, #tpu.memory_space<vmem>>
    %dma_wait3A_152 = tpu.memref_squeeze %dma_wait3A_151 : memref<1x56x128xf32, #tpu.memory_space<vmem>> -> memref<56x128xf32, #tpu.memory_space<vmem>>
    tpu.wait_dma2 semaphore(%arg19 : memref<!tpu.dma_semaphore, #tpu.memory_space<semaphore_mem>>) src(%dma_wait3A_152 : memref<56x128xf32, #tpu.memory_space<vmem>>) dst(%dma_wait3A_148 : memref<56x128xf32, #tpu.memory_space<hbm>>)
    %add3A_153 = arith.constant 29 : i32
    %add3A_154 = arith.addi %mul3A_6, %add3A_153 : i32
    %dma_wait3A_155 = arith.constant 5 : i32
    %dma_wait3A_156 = arith.constant 0 : i32
    %dma_wait3A_157 = arith.constant 0 : i32
    %dma_wait3A_158 = tpu.memref_slice %arg6[%dma_wait3A_155, %dma_wait3A_156, %dma_wait3A_157] : memref<8x56x128xf32, #tpu.memory_space<vmem>> -> memref<1x56x128xf32, #tpu.memory_space<vmem>>
    %dma_wait3A_159 = tpu.memref_squeeze %dma_wait3A_158 : memref<1x56x128xf32, #tpu.memory_space<vmem>> -> memref<56x128xf32, #tpu.memory_space<vmem>>
    %dma_wait3A_160 = arith.constant 0 : i32
    %dma_wait3A_161 = arith.constant 0 : i32
    %dma_wait3A_162 = tpu.memref_slice %arg4[%add3A_154, %dma_wait3A_160, %dma_wait3A_161] : memref<1024x56x128xf32, #tpu.memory_space<hbm>> -> memref<1x56x128xf32, #tpu.memory_space<hbm>>
    %dma_wait3A_163 = tpu.memref_squeeze %dma_wait3A_162 : memref<1x56x128xf32, #tpu.memory_space<hbm>> -> memref<56x128xf32, #tpu.memory_space<hbm>>
    %dma_wait3A_164 = arith.constant 0 : i32
    %dma_wait3A_165 = arith.constant 0 : i32
    %dma_wait3A_166 = tpu.memref_slice %arg4[%add3A_154, %dma_wait3A_164, %dma_wait3A_165] : memref<1024x56x128xf32, #tpu.memory_space<hbm>> -> memref<1x56x128xf32, #tpu.memory_space<hbm>>
    %dma_wait3A_167 = tpu.memref_squeeze %dma_wait3A_166 : memref<1x56x128xf32, #tpu.memory_space<hbm>> -> memref<56x128xf32, #tpu.memory_space<hbm>>
    %dma_wait3A_168 = arith.constant 0 : i32
    %dma_wait3A_169 = arith.constant 0 : i32
    %dma_wait3A_170 = tpu.memref_slice %arg6[%dma_wait3A_155, %dma_wait3A_168, %dma_wait3A_169] : memref<8x56x128xf32, #tpu.memory_space<vmem>> -> memref<1x56x128xf32, #tpu.memory_space<vmem>>
    %dma_wait3A_171 = tpu.memref_squeeze %dma_wait3A_170 : memref<1x56x128xf32, #tpu.memory_space<vmem>> -> memref<56x128xf32, #tpu.memory_space<vmem>>
    tpu.wait_dma2 semaphore(%arg20 : memref<!tpu.dma_semaphore, #tpu.memory_space<semaphore_mem>>) src(%dma_wait3A_171 : memref<56x128xf32, #tpu.memory_space<vmem>>) dst(%dma_wait3A_167 : memref<56x128xf32, #tpu.memory_space<hbm>>)
    %add3A_172 = arith.constant 30 : i32
    %add3A_173 = arith.addi %mul3A_6, %add3A_172 : i32
    %dma_wait3A_174 = arith.constant 6 : i32
    %dma_wait3A_175 = arith.constant 0 : i32
    %dma_wait3A_176 = arith.constant 0 : i32
    %dma_wait3A_177 = tpu.memref_slice %arg6[%dma_wait3A_174, %dma_wait3A_175, %dma_wait3A_176] : memref<8x56x128xf32, #tpu.memory_space<vmem>> -> memref<1x56x128xf32, #tpu.memory_space<vmem>>
    %dma_wait3A_178 = tpu.memref_squeeze %dma_wait3A_177 : memref<1x56x128xf32, #tpu.memory_space<vmem>> -> memref<56x128xf32, #tpu.memory_space<vmem>>
    %dma_wait3A_179 = arith.constant 0 : i32
    %dma_wait3A_180 = arith.constant 0 : i32
    %dma_wait3A_181 = tpu.memref_slice %arg4[%add3A_173, %dma_wait3A_179, %dma_wait3A_180] : memref<1024x56x128xf32, #tpu.memory_space<hbm>> -> memref<1x56x128xf32, #tpu.memory_space<hbm>>
    %dma_wait3A_182 = tpu.memref_squeeze %dma_wait3A_181 : memref<1x56x128xf32, #tpu.memory_space<hbm>> -> memref<56x128xf32, #tpu.memory_space<hbm>>
    %dma_wait3A_183 = arith.constant 0 : i32
    %dma_wait3A_184 = arith.constant 0 : i32
    %dma_wait3A_185 = tpu.memref_slice %arg4[%add3A_173, %dma_wait3A_183, %dma_wait3A_184] : memref<1024x56x128xf32, #tpu.memory_space<hbm>> -> memref<1x56x128xf32, #tpu.memory_space<hbm>>
    %dma_wait3A_186 = tpu.memref_squeeze %dma_wait3A_185 : memref<1x56x128xf32, #tpu.memory_space<hbm>> -> memref<56x128xf32, #tpu.memory_space<hbm>>
    %dma_wait3A_187 = arith.constant 0 : i32
    %dma_wait3A_188 = arith.constant 0 : i32
    %dma_wait3A_189 = tpu.memref_slice %arg6[%dma_wait3A_174, %dma_wait3A_187, %dma_wait3A_188] : memref<8x56x128xf32, #tpu.memory_space<vmem>> -> memref<1x56x128xf32, #tpu.memory_space<vmem>>
    %dma_wait3A_190 = tpu.memref_squeeze %dma_wait3A_189 : memref<1x56x128xf32, #tpu.memory_space<vmem>> -> memref<56x128xf32, #tpu.memory_space<vmem>>
    tpu.wait_dma2 semaphore(%arg21 : memref<!tpu.dma_semaphore, #tpu.memory_space<semaphore_mem>>) src(%dma_wait3A_190 : memref<56x128xf32, #tpu.memory_space<vmem>>) dst(%dma_wait3A_186 : memref<56x128xf32, #tpu.memory_space<hbm>>)
    %add3A_191 = arith.constant 31 : i32
    %add3A_192 = arith.addi %mul3A_6, %add3A_191 : i32
    %dma_wait3A_193 = arith.constant 7 : i32
    %dma_wait3A_194 = arith.constant 0 : i32
    %dma_wait3A_195 = arith.constant 0 : i32
    %dma_wait3A_196 = tpu.memref_slice %arg6[%dma_wait3A_193, %dma_wait3A_194, %dma_wait3A_195] : memref<8x56x128xf32, #tpu.memory_space<vmem>> -> memref<1x56x128xf32, #tpu.memory_space<vmem>>
    %dma_wait3A_197 = tpu.memref_squeeze %dma_wait3A_196 : memref<1x56x128xf32, #tpu.memory_space<vmem>> -> memref<56x128xf32, #tpu.memory_space<vmem>>
    %dma_wait3A_198 = arith.constant 0 : i32
    %dma_wait3A_199 = arith.constant 0 : i32
    %dma_wait3A_200 = tpu.memref_slice %arg4[%add3A_192, %dma_wait3A_198, %dma_wait3A_199] : memref<1024x56x128xf32, #tpu.memory_space<hbm>> -> memref<1x56x128xf32, #tpu.memory_space<hbm>>
    %dma_wait3A_201 = tpu.memref_squeeze %dma_wait3A_200 : memref<1x56x128xf32, #tpu.memory_space<hbm>> -> memref<56x128xf32, #tpu.memory_space<hbm>>
    %dma_wait3A_202 = arith.constant 0 : i32
    %dma_wait3A_203 = arith.constant 0 : i32
    %dma_wait3A_204 = tpu.memref_slice %arg4[%add3A_192, %dma_wait3A_202, %dma_wait3A_203] : memref<1024x56x128xf32, #tpu.memory_space<hbm>> -> memref<1x56x128xf32, #tpu.memory_space<hbm>>
    %dma_wait3A_205 = tpu.memref_squeeze %dma_wait3A_204 : memref<1x56x128xf32, #tpu.memory_space<hbm>> -> memref<56x128xf32, #tpu.memory_space<hbm>>
    %dma_wait3A_206 = arith.constant 0 : i32
    %dma_wait3A_207 = arith.constant 0 : i32
    %dma_wait3A_208 = tpu.memref_slice %arg6[%dma_wait3A_193, %dma_wait3A_206, %dma_wait3A_207] : memref<8x56x128xf32, #tpu.memory_space<vmem>> -> memref<1x56x128xf32, #tpu.memory_space<vmem>>
    %dma_wait3A_209 = tpu.memref_squeeze %dma_wait3A_208 : memref<1x56x128xf32, #tpu.memory_space<vmem>> -> memref<56x128xf32, #tpu.memory_space<vmem>>
    tpu.wait_dma2 semaphore(%arg22 : memref<!tpu.dma_semaphore, #tpu.memory_space<semaphore_mem>>) src(%dma_wait3A_209 : memref<56x128xf32, #tpu.memory_space<vmem>>) dst(%dma_wait3A_205 : memref<56x128xf32, #tpu.memory_space<hbm>>)
    return
  }
}

#map = affine_map<(d0, d1) -> (0, 0)>
#map1 = affine_map<(d0, d1) -> (0, 0, 0)>
module attributes {stable_mosaic.version = 14 : i64} {
  func.func @sc_stage(%arg0: i32, %arg1: i32, %arg2: memref<100000x128xf32, #tpu.memory_space<hbm>>, %arg3: memref<4096x50xi32, #tpu.memory_space<hbm>>, %arg4: memref<1024x56x128xf32, #tpu.memory_space<hbm>>, %arg5: memref<32x50xi32, #tpu.memory_space<vmem>>, %arg6: memref<8x56x128xf32, #tpu.memory_space<vmem>>, %arg7: memref<!tpu.dma_semaphore, #tpu.memory_space<semaphore_mem>>, %arg8: memref<!tpu.dma_semaphore, #tpu.memory_space<semaphore_mem>>, %arg9: memref<!tpu.dma_semaphore, #tpu.memory_space<semaphore_mem>>, %arg10: memref<!tpu.dma_semaphore, #tpu.memory_space<semaphore_mem>>, %arg11: memref<!tpu.dma_semaphore, #tpu.memory_space<semaphore_mem>>, %arg12: memref<!tpu.dma_semaphore, #tpu.memory_space<semaphore_mem>>, %arg13: memref<!tpu.dma_semaphore, #tpu.memory_space<semaphore_mem>>, %arg14: memref<!tpu.dma_semaphore, #tpu.memory_space<semaphore_mem>>, %arg15: memref<!tpu.dma_semaphore, #tpu.memory_space<semaphore_mem>>, %arg16: memref<!tpu.dma_semaphore, #tpu.memory_space<semaphore_mem>>, %arg17: memref<!tpu.dma_semaphore, #tpu.memory_space<semaphore_mem>>, %arg18: memref<!tpu.dma_semaphore, #tpu.memory_space<semaphore_mem>>, %arg19: memref<!tpu.dma_semaphore, #tpu.memory_space<semaphore_mem>>, %arg20: memref<!tpu.dma_semaphore, #tpu.memory_space<semaphore_mem>>, %arg21: memref<!tpu.dma_semaphore, #tpu.memory_space<semaphore_mem>>, %arg22: memref<!tpu.dma_semaphore, #tpu.memory_space<semaphore_mem>>) attributes {dimension_semantics = [#tpu.dimension_semantics<core_parallel>, #tpu.dimension_semantics<subcore_parallel>], iteration_bounds = array<i64: 2, 16>, scalar_prefetch = 0 : i64, scratch_operands = 18 : i64, tpu.core_type = #tpu.core_type<sc_vector_subcore>, window_params = [{transform_indices = #map}, {transform_indices = #map}, {transform_indices = #map1}]} {
    %mul3A = arith.constant 2 : i32
    %mul3A_0 = arith.muli %arg1, %mul3A : i32
    %add3A = arith.addi %mul3A_0, %arg0 : i32
    %mul3A_1 = arith.constant 32 : i32
    %mul3A_2 = arith.muli %add3A, %mul3A_1 : i32
    %add3A_3 = arith.constant 0 : i32
    %add3A_4 = arith.addi %add3A_3, %mul3A_2 : i32
    %mul3A_5 = arith.constant 32 : i32
    %mul3A_6 = arith.muli %add3A, %mul3A_5 : i32
    "tpu.region"() ({
      %run_scoped3A = tpu.sem_alloc : memref<!tpu.dma_semaphore, #tpu.memory_space<semaphore_mem>>
      %dma_start3A_210 = arith.constant 0 : i32
      %dma_start3A_211 = tpu.memref_slice %arg3[%add3A_4, %dma_start3A_210] : memref<4096x50xi32, #tpu.memory_space<hbm>> -> memref<32x50xi32, #tpu.memory_space<hbm>>
      %dma_start3A_212 = arith.constant 0 : i32
      %dma_start3A_213 = tpu.memref_slice %arg3[%add3A_4, %dma_start3A_212] : memref<4096x50xi32, #tpu.memory_space<hbm>> -> memref<32x50xi32, #tpu.memory_space<hbm>>
      tpu.enqueue_dma source(%dma_start3A_213 : memref<32x50xi32, #tpu.memory_space<hbm>>) target(%arg5 : memref<32x50xi32, #tpu.memory_space<vmem>>) target_semaphore(%run_scoped3A : memref<!tpu.dma_semaphore, #tpu.memory_space<semaphore_mem>>)
      %dma_wait3A_214 = arith.constant 0 : i32
      %dma_wait3A_215 = tpu.memref_slice %arg3[%add3A_4, %dma_wait3A_214] : memref<4096x50xi32, #tpu.memory_space<hbm>> -> memref<32x50xi32, #tpu.memory_space<hbm>>
      %dma_wait3A_216 = arith.constant 0 : i32
      %dma_wait3A_217 = tpu.memref_slice %arg3[%add3A_4, %dma_wait3A_216] : memref<4096x50xi32, #tpu.memory_space<hbm>> -> memref<32x50xi32, #tpu.memory_space<hbm>>
      tpu.wait_dma2 semaphore(%run_scoped3A : memref<!tpu.dma_semaphore, #tpu.memory_space<semaphore_mem>>) src(%dma_wait3A_217 : memref<32x50xi32, #tpu.memory_space<hbm>>) dst(%arg5 : memref<32x50xi32, #tpu.memory_space<vmem>>)
      tpu.yield
    }) : () -> ()
    %dma_start3A = arith.constant 0 : i32
    %dma_start3A_7 = arith.constant 0 : i32
    %dma_start3A_8 = arith.constant 0 : i32
    %dma_start3A_9 = arith.constant 0 : i32
    %dma_start3A_10 = tpu.memref_slice %arg6[%dma_start3A_7, %dma_start3A_8, %dma_start3A_9] : memref<8x56x128xf32, #tpu.memory_space<vmem>> -> memref<1x50x128xf32, #tpu.memory_space<vmem>>
    %dma_start3A_11 = tpu.memref_squeeze %dma_start3A_10 : memref<1x50x128xf32, #tpu.memory_space<vmem>> -> memref<50x128xf32, #tpu.memory_space<vmem>>
    %dma_start3A_12 = arith.constant 0 : i32
    %dma_start3A_13 = tpu.memref_slice %arg5[%dma_start3A, %dma_start3A_12] : memref<32x50xi32, #tpu.memory_space<vmem>> -> memref<1x50xi32, #tpu.memory_space<vmem>>
    %dma_start3A_14 = tpu.memref_squeeze %dma_start3A_13 : memref<1x50xi32, #tpu.memory_space<vmem>> -> memref<50xi32, #tpu.memory_space<vmem>>
    %dma_start3A_15 = arith.constant 0 : i32
    %dma_start3A_16 = arith.constant 0 : i32
    %dma_start3A_17 = tpu.memref_slice %arg2[%dma_start3A_15, %dma_start3A_16] : memref<100000x128xf32, #tpu.memory_space<hbm>> -> memref<100000x128xf32, #tpu.memory_space<hbm>>
    tpu.enqueue_indirect_dma source(%dma_start3A_17 : memref<100000x128xf32, #tpu.memory_space<hbm>>) target(%dma_start3A_11 : memref<50x128xf32, #tpu.memory_space<vmem>>) offsets(%dma_start3A_14 : memref<50xi32, #tpu.memory_space<vmem>>) semaphore(%arg7 : memref<!tpu.dma_semaphore, #tpu.memory_space<semaphore_mem>>)
    %dma_start3A_18 = arith.constant 1 : i32
    %dma_start3A_19 = arith.constant 1 : i32
    %dma_start3A_20 = arith.constant 0 : i32
    %dma_start3A_21 = arith.constant 0 : i32
    %dma_start3A_22 = tpu.memref_slice %arg6[%dma_start3A_19, %dma_start3A_20, %dma_start3A_21] : memref<8x56x128xf32, #tpu.memory_space<vmem>> -> memref<1x50x128xf32, #tpu.memory_space<vmem>>
    %dma_start3A_23 = tpu.memref_squeeze %dma_start3A_22 : memref<1x50x128xf32, #tpu.memory_space<vmem>> -> memref<50x128xf32, #tpu.memory_space<vmem>>
    %dma_start3A_24 = arith.constant 0 : i32
    %dma_start3A_25 = tpu.memref_slice %arg5[%dma_start3A_18, %dma_start3A_24] : memref<32x50xi32, #tpu.memory_space<vmem>> -> memref<1x50xi32, #tpu.memory_space<vmem>>
    %dma_start3A_26 = tpu.memref_squeeze %dma_start3A_25 : memref<1x50xi32, #tpu.memory_space<vmem>> -> memref<50xi32, #tpu.memory_space<vmem>>
    %dma_start3A_27 = arith.constant 0 : i32
    %dma_start3A_28 = arith.constant 0 : i32
    %dma_start3A_29 = tpu.memref_slice %arg2[%dma_start3A_27, %dma_start3A_28] : memref<100000x128xf32, #tpu.memory_space<hbm>> -> memref<100000x128xf32, #tpu.memory_space<hbm>>
    tpu.enqueue_indirect_dma source(%dma_start3A_29 : memref<100000x128xf32, #tpu.memory_space<hbm>>) target(%dma_start3A_23 : memref<50x128xf32, #tpu.memory_space<vmem>>) offsets(%dma_start3A_26 : memref<50xi32, #tpu.memory_space<vmem>>) semaphore(%arg8 : memref<!tpu.dma_semaphore, #tpu.memory_space<semaphore_mem>>)
    %dma_start3A_30 = arith.constant 2 : i32
    %dma_start3A_31 = arith.constant 2 : i32
    %dma_start3A_32 = arith.constant 0 : i32
    %dma_start3A_33 = arith.constant 0 : i32
    %dma_start3A_34 = tpu.memref_slice %arg6[%dma_start3A_31, %dma_start3A_32, %dma_start3A_33] : memref<8x56x128xf32, #tpu.memory_space<vmem>> -> memref<1x50x128xf32, #tpu.memory_space<vmem>>
    %dma_start3A_35 = tpu.memref_squeeze %dma_start3A_34 : memref<1x50x128xf32, #tpu.memory_space<vmem>> -> memref<50x128xf32, #tpu.memory_space<vmem>>
    %dma_start3A_36 = arith.constant 0 : i32
    %dma_start3A_37 = tpu.memref_slice %arg5[%dma_start3A_30, %dma_start3A_36] : memref<32x50xi32, #tpu.memory_space<vmem>> -> memref<1x50xi32, #tpu.memory_space<vmem>>
    %dma_start3A_38 = tpu.memref_squeeze %dma_start3A_37 : memref<1x50xi32, #tpu.memory_space<vmem>> -> memref<50xi32, #tpu.memory_space<vmem>>
    %dma_start3A_39 = arith.constant 0 : i32
    %dma_start3A_40 = arith.constant 0 : i32
    %dma_start3A_41 = tpu.memref_slice %arg2[%dma_start3A_39, %dma_start3A_40] : memref<100000x128xf32, #tpu.memory_space<hbm>> -> memref<100000x128xf32, #tpu.memory_space<hbm>>
    tpu.enqueue_indirect_dma source(%dma_start3A_41 : memref<100000x128xf32, #tpu.memory_space<hbm>>) target(%dma_start3A_35 : memref<50x128xf32, #tpu.memory_space<vmem>>) offsets(%dma_start3A_38 : memref<50xi32, #tpu.memory_space<vmem>>) semaphore(%arg9 : memref<!tpu.dma_semaphore, #tpu.memory_space<semaphore_mem>>)
    %dma_start3A_42 = arith.constant 3 : i32
    %dma_start3A_43 = arith.constant 3 : i32
    %dma_start3A_44 = arith.constant 0 : i32
    %dma_start3A_45 = arith.constant 0 : i32
    %dma_start3A_46 = tpu.memref_slice %arg6[%dma_start3A_43, %dma_start3A_44, %dma_start3A_45] : memref<8x56x128xf32, #tpu.memory_space<vmem>> -> memref<1x50x128xf32, #tpu.memory_space<vmem>>
    %dma_start3A_47 = tpu.memref_squeeze %dma_start3A_46 : memref<1x50x128xf32, #tpu.memory_space<vmem>> -> memref<50x128xf32, #tpu.memory_space<vmem>>
    %dma_start3A_48 = arith.constant 0 : i32
    %dma_start3A_49 = tpu.memref_slice %arg5[%dma_start3A_42, %dma_start3A_48] : memref<32x50xi32, #tpu.memory_space<vmem>> -> memref<1x50xi32, #tpu.memory_space<vmem>>
    %dma_start3A_50 = tpu.memref_squeeze %dma_start3A_49 : memref<1x50xi32, #tpu.memory_space<vmem>> -> memref<50xi32, #tpu.memory_space<vmem>>
    %dma_start3A_51 = arith.constant 0 : i32
    %dma_start3A_52 = arith.constant 0 : i32
    %dma_start3A_53 = tpu.memref_slice %arg2[%dma_start3A_51, %dma_start3A_52] : memref<100000x128xf32, #tpu.memory_space<hbm>> -> memref<100000x128xf32, #tpu.memory_space<hbm>>
    tpu.enqueue_indirect_dma source(%dma_start3A_53 : memref<100000x128xf32, #tpu.memory_space<hbm>>) target(%dma_start3A_47 : memref<50x128xf32, #tpu.memory_space<vmem>>) offsets(%dma_start3A_50 : memref<50xi32, #tpu.memory_space<vmem>>) semaphore(%arg10 : memref<!tpu.dma_semaphore, #tpu.memory_space<semaphore_mem>>)
    %scan3A = arith.constant 0 : i32
    %scan3A_54 = arith.constant 0 : i32
    %scan3A_55 = arith.constant 4 : i32
    %scan3A_56 = arith.addi %scan3A_54, %scan3A_55 : i32
    %scan3A_57 = arith.constant 1 : i32
    scf.for %scan3A_210 = %scan3A_54 to %scan3A_56 step %scan3A_57  : i32 {
      %mul3A_211 = arith.constant 8 : i32
      %mul3A_212 = arith.muli %scan3A_210, %mul3A_211 : i32
      %add3A_213 = arith.constant 0 : i32
      %add3A_214 = arith.addi %mul3A_212, %add3A_213 : i32
      %dma_wait3A_215 = arith.constant 0 : i32
      %dma_wait3A_216 = arith.constant 0 : i32
      %dma_wait3A_217 = arith.constant 0 : i32
      %dma_wait3A_218 = tpu.memref_slice %arg6[%dma_wait3A_215, %dma_wait3A_216, %dma_wait3A_217] : memref<8x56x128xf32, #tpu.memory_space<vmem>> -> memref<1x50x128xf32, #tpu.memory_space<vmem>>
      %dma_wait3A_219 = tpu.memref_squeeze %dma_wait3A_218 : memref<1x50x128xf32, #tpu.memory_space<vmem>> -> memref<50x128xf32, #tpu.memory_space<vmem>>
      %dma_wait3A_220 = arith.constant 0 : i32
      %dma_wait3A_221 = tpu.memref_slice %arg5[%add3A_214, %dma_wait3A_220] : memref<32x50xi32, #tpu.memory_space<vmem>> -> memref<1x50xi32, #tpu.memory_space<vmem>>
      %dma_wait3A_222 = tpu.memref_squeeze %dma_wait3A_221 : memref<1x50xi32, #tpu.memory_space<vmem>> -> memref<50xi32, #tpu.memory_space<vmem>>
      %dma_wait3A_223 = arith.constant 0 : i32
      %dma_wait3A_224 = arith.constant 0 : i32
      %dma_wait3A_225 = tpu.memref_slice %arg2[%dma_wait3A_223, %dma_wait3A_224] : memref<100000x128xf32, #tpu.memory_space<hbm>> -> memref<100000x128xf32, #tpu.memory_space<hbm>>
      tpu.wait_indirect_dma semaphore(%arg7 : memref<!tpu.dma_semaphore, #tpu.memory_space<semaphore_mem>>) src(%dma_wait3A_225 : memref<100000x128xf32, #tpu.memory_space<hbm>>) dst(%dma_wait3A_219 : memref<50x128xf32, #tpu.memory_space<vmem>>)
      %add3A_226 = arith.addi %mul3A_6, %add3A_214 : i32
      %dma_start3A_227 = arith.constant 0 : i32
      %dma_start3A_228 = arith.constant 0 : i32
      %dma_start3A_229 = arith.constant 0 : i32
      %dma_start3A_230 = tpu.memref_slice %arg6[%dma_start3A_227, %dma_start3A_228, %dma_start3A_229] : memref<8x56x128xf32, #tpu.memory_space<vmem>> -> memref<1x56x128xf32, #tpu.memory_space<vmem>>
      %dma_start3A_231 = tpu.memref_squeeze %dma_start3A_230 : memref<1x56x128xf32, #tpu.memory_space<vmem>> -> memref<56x128xf32, #tpu.memory_space<vmem>>
      %dma_start3A_232 = arith.constant 0 : i32
      %dma_start3A_233 = arith.constant 0 : i32
      %dma_start3A_234 = tpu.memref_slice %arg4[%add3A_226, %dma_start3A_232, %dma_start3A_233] : memref<1024x56x128xf32, #tpu.memory_space<hbm>> -> memref<1x56x128xf32, #tpu.memory_space<hbm>>
      %dma_start3A_235 = tpu.memref_squeeze %dma_start3A_234 : memref<1x56x128xf32, #tpu.memory_space<hbm>> -> memref<56x128xf32, #tpu.memory_space<hbm>>
      %dma_start3A_236 = arith.constant 0 : i32
      %dma_start3A_237 = arith.constant 0 : i32
      %dma_start3A_238 = tpu.memref_slice %arg4[%add3A_226, %dma_start3A_236, %dma_start3A_237] : memref<1024x56x128xf32, #tpu.memory_space<hbm>> -> memref<1x56x128xf32, #tpu.memory_space<hbm>>
      %dma_start3A_239 = tpu.memref_squeeze %dma_start3A_238 : memref<1x56x128xf32, #tpu.memory_space<hbm>> -> memref<56x128xf32, #tpu.memory_space<hbm>>
      %dma_start3A_240 = arith.constant 0 : i32
      %dma_start3A_241 = arith.constant 0 : i32
      %dma_start3A_242 = tpu.memref_slice %arg6[%dma_start3A_227, %dma_start3A_240, %dma_start3A_241] : memref<8x56x128xf32, #tpu.memory_space<vmem>> -> memref<1x56x128xf32, #tpu.memory_space<vmem>>
      %dma_start3A_243 = tpu.memref_squeeze %dma_start3A_242 : memref<1x56x128xf32, #tpu.memory_space<vmem>> -> memref<56x128xf32, #tpu.memory_space<vmem>>
      tpu.enqueue_dma source(%dma_start3A_243 : memref<56x128xf32, #tpu.memory_space<vmem>>) target(%dma_start3A_239 : memref<56x128xf32, #tpu.memory_space<hbm>>) target_semaphore(%arg15 : memref<!tpu.dma_semaphore, #tpu.memory_space<semaphore_mem>>)
      %add3A_244 = arith.constant 4 : i32
      %add3A_245 = arith.addi %add3A_214, %add3A_244 : i32
      %lt3A = arith.constant 32 : i32
      %lt3A_246 = arith.cmpi slt, %add3A_245, %lt3A : i32
      %convert_element_type3A = arith.extui %lt3A_246 : i1 to i32
      %cond3A = arith.constant 0 : i32
      %cond3A_247 = arith.cmpi ne, %convert_element_type3A, %cond3A : i32
      scf.if %cond3A_247 {
        %ge3A = arith.constant 8 : i32
        %ge3A_528 = arith.cmpi sge, %add3A_245, %ge3A : i32
        %convert_element_type3A_529 = arith.extui %ge3A_528 : i1 to i32
        %cond3A_530 = arith.constant 0 : i32
        %cond3A_531 = arith.cmpi ne, %convert_element_type3A_529, %cond3A_530 : i32
        scf.if %cond3A_531 {
          %sub3A = arith.constant 8 : i32
          %sub3A_543 = arith.subi %add3A_245, %sub3A : i32
          %add3A_544 = arith.addi %mul3A_6, %sub3A_543 : i32
          %dma_wait3A_545 = arith.constant 4 : i32
          %dma_wait3A_546 = arith.constant 0 : i32
          %dma_wait3A_547 = arith.constant 0 : i32
          %dma_wait3A_548 = tpu.memref_slice %arg6[%dma_wait3A_545, %dma_wait3A_546, %dma_wait3A_547] : memref<8x56x128xf32, #tpu.memory_space<vmem>> -> memref<1x56x128xf32, #tpu.memory_space<vmem>>
          %dma_wait3A_549 = tpu.memref_squeeze %dma_wait3A_548 : memref<1x56x128xf32, #tpu.memory_space<vmem>> -> memref<56x128xf32, #tpu.memory_space<vmem>>
          %dma_wait3A_550 = arith.constant 0 : i32
          %dma_wait3A_551 = arith.constant 0 : i32
          %dma_wait3A_552 = tpu.memref_slice %arg4[%add3A_544, %dma_wait3A_550, %dma_wait3A_551] : memref<1024x56x128xf32, #tpu.memory_space<hbm>> -> memref<1x56x128xf32, #tpu.memory_space<hbm>>
          %dma_wait3A_553 = tpu.memref_squeeze %dma_wait3A_552 : memref<1x56x128xf32, #tpu.memory_space<hbm>> -> memref<56x128xf32, #tpu.memory_space<hbm>>
          %dma_wait3A_554 = arith.constant 0 : i32
          %dma_wait3A_555 = arith.constant 0 : i32
          %dma_wait3A_556 = tpu.memref_slice %arg4[%add3A_544, %dma_wait3A_554, %dma_wait3A_555] : memref<1024x56x128xf32, #tpu.memory_space<hbm>> -> memref<1x56x128xf32, #tpu.memory_space<hbm>>
          %dma_wait3A_557 = tpu.memref_squeeze %dma_wait3A_556 : memref<1x56x128xf32, #tpu.memory_space<hbm>> -> memref<56x128xf32, #tpu.memory_space<hbm>>
          %dma_wait3A_558 = arith.constant 0 : i32
          %dma_wait3A_559 = arith.constant 0 : i32
          %dma_wait3A_560 = tpu.memref_slice %arg6[%dma_wait3A_545, %dma_wait3A_558, %dma_wait3A_559] : memref<8x56x128xf32, #tpu.memory_space<vmem>> -> memref<1x56x128xf32, #tpu.memory_space<vmem>>
          %dma_wait3A_561 = tpu.memref_squeeze %dma_wait3A_560 : memref<1x56x128xf32, #tpu.memory_space<vmem>> -> memref<56x128xf32, #tpu.memory_space<vmem>>
          tpu.wait_dma2 semaphore(%arg19 : memref<!tpu.dma_semaphore, #tpu.memory_space<semaphore_mem>>) src(%dma_wait3A_561 : memref<56x128xf32, #tpu.memory_space<vmem>>) dst(%dma_wait3A_557 : memref<56x128xf32, #tpu.memory_space<hbm>>)
        } else {
        }
        %dma_start3A_532 = arith.constant 4 : i32
        %dma_start3A_533 = arith.constant 0 : i32
        %dma_start3A_534 = arith.constant 0 : i32
        %dma_start3A_535 = tpu.memref_slice %arg6[%dma_start3A_532, %dma_start3A_533, %dma_start3A_534] : memref<8x56x128xf32, #tpu.memory_space<vmem>> -> memref<1x50x128xf32, #tpu.memory_space<vmem>>
        %dma_start3A_536 = tpu.memref_squeeze %dma_start3A_535 : memref<1x50x128xf32, #tpu.memory_space<vmem>> -> memref<50x128xf32, #tpu.memory_space<vmem>>
        %dma_start3A_537 = arith.constant 0 : i32
        %dma_start3A_538 = tpu.memref_slice %arg5[%add3A_245, %dma_start3A_537] : memref<32x50xi32, #tpu.memory_space<vmem>> -> memref<1x50xi32, #tpu.memory_space<vmem>>
        %dma_start3A_539 = tpu.memref_squeeze %dma_start3A_538 : memref<1x50xi32, #tpu.memory_space<vmem>> -> memref<50xi32, #tpu.memory_space<vmem>>
        %dma_start3A_540 = arith.constant 0 : i32
        %dma_start3A_541 = arith.constant 0 : i32
        %dma_start3A_542 = tpu.memref_slice %arg2[%dma_start3A_540, %dma_start3A_541] : memref<100000x128xf32, #tpu.memory_space<hbm>> -> memref<100000x128xf32, #tpu.memory_space<hbm>>
        tpu.enqueue_indirect_dma source(%dma_start3A_542 : memref<100000x128xf32, #tpu.memory_space<hbm>>) target(%dma_start3A_536 : memref<50x128xf32, #tpu.memory_space<vmem>>) offsets(%dma_start3A_539 : memref<50xi32, #tpu.memory_space<vmem>>) semaphore(%arg11 : memref<!tpu.dma_semaphore, #tpu.memory_space<semaphore_mem>>)
      } else {
      }
      %mul3A_248 = arith.constant 8 : i32
      %mul3A_249 = arith.muli %scan3A_210, %mul3A_248 : i32
      %add3A_250 = arith.constant 1 : i32
      %add3A_251 = arith.addi %mul3A_249, %add3A_250 : i32
      %dma_wait3A_252 = arith.constant 1 : i32
      %dma_wait3A_253 = arith.constant 0 : i32
      %dma_wait3A_254 = arith.constant 0 : i32
      %dma_wait3A_255 = tpu.memref_slice %arg6[%dma_wait3A_252, %dma_wait3A_253, %dma_wait3A_254] : memref<8x56x128xf32, #tpu.memory_space<vmem>> -> memref<1x50x128xf32, #tpu.memory_space<vmem>>
      %dma_wait3A_256 = tpu.memref_squeeze %dma_wait3A_255 : memref<1x50x128xf32, #tpu.memory_space<vmem>> -> memref<50x128xf32, #tpu.memory_space<vmem>>
      %dma_wait3A_257 = arith.constant 0 : i32
      %dma_wait3A_258 = tpu.memref_slice %arg5[%add3A_251, %dma_wait3A_257] : memref<32x50xi32, #tpu.memory_space<vmem>> -> memref<1x50xi32, #tpu.memory_space<vmem>>
      %dma_wait3A_259 = tpu.memref_squeeze %dma_wait3A_258 : memref<1x50xi32, #tpu.memory_space<vmem>> -> memref<50xi32, #tpu.memory_space<vmem>>
      %dma_wait3A_260 = arith.constant 0 : i32
      %dma_wait3A_261 = arith.constant 0 : i32
      %dma_wait3A_262 = tpu.memref_slice %arg2[%dma_wait3A_260, %dma_wait3A_261] : memref<100000x128xf32, #tpu.memory_space<hbm>> -> memref<100000x128xf32, #tpu.memory_space<hbm>>
      tpu.wait_indirect_dma semaphore(%arg8 : memref<!tpu.dma_semaphore, #tpu.memory_space<semaphore_mem>>) src(%dma_wait3A_262 : memref<100000x128xf32, #tpu.memory_space<hbm>>) dst(%dma_wait3A_256 : memref<50x128xf32, #tpu.memory_space<vmem>>)
      %add3A_263 = arith.addi %mul3A_6, %add3A_251 : i32
      %dma_start3A_264 = arith.constant 1 : i32
      %dma_start3A_265 = arith.constant 0 : i32
      %dma_start3A_266 = arith.constant 0 : i32
      %dma_start3A_267 = tpu.memref_slice %arg6[%dma_start3A_264, %dma_start3A_265, %dma_start3A_266] : memref<8x56x128xf32, #tpu.memory_space<vmem>> -> memref<1x56x128xf32, #tpu.memory_space<vmem>>
      %dma_start3A_268 = tpu.memref_squeeze %dma_start3A_267 : memref<1x56x128xf32, #tpu.memory_space<vmem>> -> memref<56x128xf32, #tpu.memory_space<vmem>>
      %dma_start3A_269 = arith.constant 0 : i32
      %dma_start3A_270 = arith.constant 0 : i32
      %dma_start3A_271 = tpu.memref_slice %arg4[%add3A_263, %dma_start3A_269, %dma_start3A_270] : memref<1024x56x128xf32, #tpu.memory_space<hbm>> -> memref<1x56x128xf32, #tpu.memory_space<hbm>>
      %dma_start3A_272 = tpu.memref_squeeze %dma_start3A_271 : memref<1x56x128xf32, #tpu.memory_space<hbm>> -> memref<56x128xf32, #tpu.memory_space<hbm>>
      %dma_start3A_273 = arith.constant 0 : i32
      %dma_start3A_274 = arith.constant 0 : i32
      %dma_start3A_275 = tpu.memref_slice %arg4[%add3A_263, %dma_start3A_273, %dma_start3A_274] : memref<1024x56x128xf32, #tpu.memory_space<hbm>> -> memref<1x56x128xf32, #tpu.memory_space<hbm>>
      %dma_start3A_276 = tpu.memref_squeeze %dma_start3A_275 : memref<1x56x128xf32, #tpu.memory_space<hbm>> -> memref<56x128xf32, #tpu.memory_space<hbm>>
      %dma_start3A_277 = arith.constant 0 : i32
      %dma_start3A_278 = arith.constant 0 : i32
      %dma_start3A_279 = tpu.memref_slice %arg6[%dma_start3A_264, %dma_start3A_277, %dma_start3A_278] : memref<8x56x128xf32, #tpu.memory_space<vmem>> -> memref<1x56x128xf32, #tpu.memory_space<vmem>>
      %dma_start3A_280 = tpu.memref_squeeze %dma_start3A_279 : memref<1x56x128xf32, #tpu.memory_space<vmem>> -> memref<56x128xf32, #tpu.memory_space<vmem>>
      tpu.enqueue_dma source(%dma_start3A_280 : memref<56x128xf32, #tpu.memory_space<vmem>>) target(%dma_start3A_276 : memref<56x128xf32, #tpu.memory_space<hbm>>) target_semaphore(%arg16 : memref<!tpu.dma_semaphore, #tpu.memory_space<semaphore_mem>>)
      %add3A_281 = arith.constant 4 : i32
      %add3A_282 = arith.addi %add3A_251, %add3A_281 : i32
      %lt3A_283 = arith.constant 32 : i32
      %lt3A_284 = arith.cmpi slt, %add3A_282, %lt3A_283 : i32
      %convert_element_type3A_285 = arith.extui %lt3A_284 : i1 to i32
      %cond3A_286 = arith.constant 0 : i32
      %cond3A_287 = arith.cmpi ne, %convert_element_type3A_285, %cond3A_286 : i32
      scf.if %cond3A_287 {
        %ge3A = arith.constant 8 : i32
        %ge3A_528 = arith.cmpi sge, %add3A_282, %ge3A : i32
        %convert_element_type3A_529 = arith.extui %ge3A_528 : i1 to i32
        %cond3A_530 = arith.constant 0 : i32
        %cond3A_531 = arith.cmpi ne, %convert_element_type3A_529, %cond3A_530 : i32
        scf.if %cond3A_531 {
          %sub3A = arith.constant 8 : i32
          %sub3A_543 = arith.subi %add3A_282, %sub3A : i32
          %add3A_544 = arith.addi %mul3A_6, %sub3A_543 : i32
          %dma_wait3A_545 = arith.constant 5 : i32
          %dma_wait3A_546 = arith.constant 0 : i32
          %dma_wait3A_547 = arith.constant 0 : i32
          %dma_wait3A_548 = tpu.memref_slice %arg6[%dma_wait3A_545, %dma_wait3A_546, %dma_wait3A_547] : memref<8x56x128xf32, #tpu.memory_space<vmem>> -> memref<1x56x128xf32, #tpu.memory_space<vmem>>
          %dma_wait3A_549 = tpu.memref_squeeze %dma_wait3A_548 : memref<1x56x128xf32, #tpu.memory_space<vmem>> -> memref<56x128xf32, #tpu.memory_space<vmem>>
          %dma_wait3A_550 = arith.constant 0 : i32
          %dma_wait3A_551 = arith.constant 0 : i32
          %dma_wait3A_552 = tpu.memref_slice %arg4[%add3A_544, %dma_wait3A_550, %dma_wait3A_551] : memref<1024x56x128xf32, #tpu.memory_space<hbm>> -> memref<1x56x128xf32, #tpu.memory_space<hbm>>
          %dma_wait3A_553 = tpu.memref_squeeze %dma_wait3A_552 : memref<1x56x128xf32, #tpu.memory_space<hbm>> -> memref<56x128xf32, #tpu.memory_space<hbm>>
          %dma_wait3A_554 = arith.constant 0 : i32
          %dma_wait3A_555 = arith.constant 0 : i32
          %dma_wait3A_556 = tpu.memref_slice %arg4[%add3A_544, %dma_wait3A_554, %dma_wait3A_555] : memref<1024x56x128xf32, #tpu.memory_space<hbm>> -> memref<1x56x128xf32, #tpu.memory_space<hbm>>
          %dma_wait3A_557 = tpu.memref_squeeze %dma_wait3A_556 : memref<1x56x128xf32, #tpu.memory_space<hbm>> -> memref<56x128xf32, #tpu.memory_space<hbm>>
          %dma_wait3A_558 = arith.constant 0 : i32
          %dma_wait3A_559 = arith.constant 0 : i32
          %dma_wait3A_560 = tpu.memref_slice %arg6[%dma_wait3A_545, %dma_wait3A_558, %dma_wait3A_559] : memref<8x56x128xf32, #tpu.memory_space<vmem>> -> memref<1x56x128xf32, #tpu.memory_space<vmem>>
          %dma_wait3A_561 = tpu.memref_squeeze %dma_wait3A_560 : memref<1x56x128xf32, #tpu.memory_space<vmem>> -> memref<56x128xf32, #tpu.memory_space<vmem>>
          tpu.wait_dma2 semaphore(%arg20 : memref<!tpu.dma_semaphore, #tpu.memory_space<semaphore_mem>>) src(%dma_wait3A_561 : memref<56x128xf32, #tpu.memory_space<vmem>>) dst(%dma_wait3A_557 : memref<56x128xf32, #tpu.memory_space<hbm>>)
        } else {
        }
        %dma_start3A_532 = arith.constant 5 : i32
        %dma_start3A_533 = arith.constant 0 : i32
        %dma_start3A_534 = arith.constant 0 : i32
        %dma_start3A_535 = tpu.memref_slice %arg6[%dma_start3A_532, %dma_start3A_533, %dma_start3A_534] : memref<8x56x128xf32, #tpu.memory_space<vmem>> -> memref<1x50x128xf32, #tpu.memory_space<vmem>>
        %dma_start3A_536 = tpu.memref_squeeze %dma_start3A_535 : memref<1x50x128xf32, #tpu.memory_space<vmem>> -> memref<50x128xf32, #tpu.memory_space<vmem>>
        %dma_start3A_537 = arith.constant 0 : i32
        %dma_start3A_538 = tpu.memref_slice %arg5[%add3A_282, %dma_start3A_537] : memref<32x50xi32, #tpu.memory_space<vmem>> -> memref<1x50xi32, #tpu.memory_space<vmem>>
        %dma_start3A_539 = tpu.memref_squeeze %dma_start3A_538 : memref<1x50xi32, #tpu.memory_space<vmem>> -> memref<50xi32, #tpu.memory_space<vmem>>
        %dma_start3A_540 = arith.constant 0 : i32
        %dma_start3A_541 = arith.constant 0 : i32
        %dma_start3A_542 = tpu.memref_slice %arg2[%dma_start3A_540, %dma_start3A_541] : memref<100000x128xf32, #tpu.memory_space<hbm>> -> memref<100000x128xf32, #tpu.memory_space<hbm>>
        tpu.enqueue_indirect_dma source(%dma_start3A_542 : memref<100000x128xf32, #tpu.memory_space<hbm>>) target(%dma_start3A_536 : memref<50x128xf32, #tpu.memory_space<vmem>>) offsets(%dma_start3A_539 : memref<50xi32, #tpu.memory_space<vmem>>) semaphore(%arg12 : memref<!tpu.dma_semaphore, #tpu.memory_space<semaphore_mem>>)
      } else {
      }
      %mul3A_288 = arith.constant 8 : i32
      %mul3A_289 = arith.muli %scan3A_210, %mul3A_288 : i32
      %add3A_290 = arith.constant 2 : i32
      %add3A_291 = arith.addi %mul3A_289, %add3A_290 : i32
      %dma_wait3A_292 = arith.constant 2 : i32
      %dma_wait3A_293 = arith.constant 0 : i32
      %dma_wait3A_294 = arith.constant 0 : i32
      %dma_wait3A_295 = tpu.memref_slice %arg6[%dma_wait3A_292, %dma_wait3A_293, %dma_wait3A_294] : memref<8x56x128xf32, #tpu.memory_space<vmem>> -> memref<1x50x128xf32, #tpu.memory_space<vmem>>
      %dma_wait3A_296 = tpu.memref_squeeze %dma_wait3A_295 : memref<1x50x128xf32, #tpu.memory_space<vmem>> -> memref<50x128xf32, #tpu.memory_space<vmem>>
      %dma_wait3A_297 = arith.constant 0 : i32
      %dma_wait3A_298 = tpu.memref_slice %arg5[%add3A_291, %dma_wait3A_297] : memref<32x50xi32, #tpu.memory_space<vmem>> -> memref<1x50xi32, #tpu.memory_space<vmem>>
      %dma_wait3A_299 = tpu.memref_squeeze %dma_wait3A_298 : memref<1x50xi32, #tpu.memory_space<vmem>> -> memref<50xi32, #tpu.memory_space<vmem>>
      %dma_wait3A_300 = arith.constant 0 : i32
      %dma_wait3A_301 = arith.constant 0 : i32
      %dma_wait3A_302 = tpu.memref_slice %arg2[%dma_wait3A_300, %dma_wait3A_301] : memref<100000x128xf32, #tpu.memory_space<hbm>> -> memref<100000x128xf32, #tpu.memory_space<hbm>>
      tpu.wait_indirect_dma semaphore(%arg9 : memref<!tpu.dma_semaphore, #tpu.memory_space<semaphore_mem>>) src(%dma_wait3A_302 : memref<100000x128xf32, #tpu.memory_space<hbm>>) dst(%dma_wait3A_296 : memref<50x128xf32, #tpu.memory_space<vmem>>)
      %add3A_303 = arith.addi %mul3A_6, %add3A_291 : i32
      %dma_start3A_304 = arith.constant 2 : i32
      %dma_start3A_305 = arith.constant 0 : i32
      %dma_start3A_306 = arith.constant 0 : i32
      %dma_start3A_307 = tpu.memref_slice %arg6[%dma_start3A_304, %dma_start3A_305, %dma_start3A_306] : memref<8x56x128xf32, #tpu.memory_space<vmem>> -> memref<1x56x128xf32, #tpu.memory_space<vmem>>
      %dma_start3A_308 = tpu.memref_squeeze %dma_start3A_307 : memref<1x56x128xf32, #tpu.memory_space<vmem>> -> memref<56x128xf32, #tpu.memory_space<vmem>>
      %dma_start3A_309 = arith.constant 0 : i32
      %dma_start3A_310 = arith.constant 0 : i32
      %dma_start3A_311 = tpu.memref_slice %arg4[%add3A_303, %dma_start3A_309, %dma_start3A_310] : memref<1024x56x128xf32, #tpu.memory_space<hbm>> -> memref<1x56x128xf32, #tpu.memory_space<hbm>>
      %dma_start3A_312 = tpu.memref_squeeze %dma_start3A_311 : memref<1x56x128xf32, #tpu.memory_space<hbm>> -> memref<56x128xf32, #tpu.memory_space<hbm>>
      %dma_start3A_313 = arith.constant 0 : i32
      %dma_start3A_314 = arith.constant 0 : i32
      %dma_start3A_315 = tpu.memref_slice %arg4[%add3A_303, %dma_start3A_313, %dma_start3A_314] : memref<1024x56x128xf32, #tpu.memory_space<hbm>> -> memref<1x56x128xf32, #tpu.memory_space<hbm>>
      %dma_start3A_316 = tpu.memref_squeeze %dma_start3A_315 : memref<1x56x128xf32, #tpu.memory_space<hbm>> -> memref<56x128xf32, #tpu.memory_space<hbm>>
      %dma_start3A_317 = arith.constant 0 : i32
      %dma_start3A_318 = arith.constant 0 : i32
      %dma_start3A_319 = tpu.memref_slice %arg6[%dma_start3A_304, %dma_start3A_317, %dma_start3A_318] : memref<8x56x128xf32, #tpu.memory_space<vmem>> -> memref<1x56x128xf32, #tpu.memory_space<vmem>>
      %dma_start3A_320 = tpu.memref_squeeze %dma_start3A_319 : memref<1x56x128xf32, #tpu.memory_space<vmem>> -> memref<56x128xf32, #tpu.memory_space<vmem>>
      tpu.enqueue_dma source(%dma_start3A_320 : memref<56x128xf32, #tpu.memory_space<vmem>>) target(%dma_start3A_316 : memref<56x128xf32, #tpu.memory_space<hbm>>) target_semaphore(%arg17 : memref<!tpu.dma_semaphore, #tpu.memory_space<semaphore_mem>>)
      %add3A_321 = arith.constant 4 : i32
      %add3A_322 = arith.addi %add3A_291, %add3A_321 : i32
      %lt3A_323 = arith.constant 32 : i32
      %lt3A_324 = arith.cmpi slt, %add3A_322, %lt3A_323 : i32
      %convert_element_type3A_325 = arith.extui %lt3A_324 : i1 to i32
      %cond3A_326 = arith.constant 0 : i32
      %cond3A_327 = arith.cmpi ne, %convert_element_type3A_325, %cond3A_326 : i32
      scf.if %cond3A_327 {
        %ge3A = arith.constant 8 : i32
        %ge3A_528 = arith.cmpi sge, %add3A_322, %ge3A : i32
        %convert_element_type3A_529 = arith.extui %ge3A_528 : i1 to i32
        %cond3A_530 = arith.constant 0 : i32
        %cond3A_531 = arith.cmpi ne, %convert_element_type3A_529, %cond3A_530 : i32
        scf.if %cond3A_531 {
          %sub3A = arith.constant 8 : i32
          %sub3A_543 = arith.subi %add3A_322, %sub3A : i32
          %add3A_544 = arith.addi %mul3A_6, %sub3A_543 : i32
          %dma_wait3A_545 = arith.constant 6 : i32
          %dma_wait3A_546 = arith.constant 0 : i32
          %dma_wait3A_547 = arith.constant 0 : i32
          %dma_wait3A_548 = tpu.memref_slice %arg6[%dma_wait3A_545, %dma_wait3A_546, %dma_wait3A_547] : memref<8x56x128xf32, #tpu.memory_space<vmem>> -> memref<1x56x128xf32, #tpu.memory_space<vmem>>
          %dma_wait3A_549 = tpu.memref_squeeze %dma_wait3A_548 : memref<1x56x128xf32, #tpu.memory_space<vmem>> -> memref<56x128xf32, #tpu.memory_space<vmem>>
          %dma_wait3A_550 = arith.constant 0 : i32
          %dma_wait3A_551 = arith.constant 0 : i32
          %dma_wait3A_552 = tpu.memref_slice %arg4[%add3A_544, %dma_wait3A_550, %dma_wait3A_551] : memref<1024x56x128xf32, #tpu.memory_space<hbm>> -> memref<1x56x128xf32, #tpu.memory_space<hbm>>
          %dma_wait3A_553 = tpu.memref_squeeze %dma_wait3A_552 : memref<1x56x128xf32, #tpu.memory_space<hbm>> -> memref<56x128xf32, #tpu.memory_space<hbm>>
          %dma_wait3A_554 = arith.constant 0 : i32
          %dma_wait3A_555 = arith.constant 0 : i32
          %dma_wait3A_556 = tpu.memref_slice %arg4[%add3A_544, %dma_wait3A_554, %dma_wait3A_555] : memref<1024x56x128xf32, #tpu.memory_space<hbm>> -> memref<1x56x128xf32, #tpu.memory_space<hbm>>
          %dma_wait3A_557 = tpu.memref_squeeze %dma_wait3A_556 : memref<1x56x128xf32, #tpu.memory_space<hbm>> -> memref<56x128xf32, #tpu.memory_space<hbm>>
          %dma_wait3A_558 = arith.constant 0 : i32
          %dma_wait3A_559 = arith.constant 0 : i32
          %dma_wait3A_560 = tpu.memref_slice %arg6[%dma_wait3A_545, %dma_wait3A_558, %dma_wait3A_559] : memref<8x56x128xf32, #tpu.memory_space<vmem>> -> memref<1x56x128xf32, #tpu.memory_space<vmem>>
          %dma_wait3A_561 = tpu.memref_squeeze %dma_wait3A_560 : memref<1x56x128xf32, #tpu.memory_space<vmem>> -> memref<56x128xf32, #tpu.memory_space<vmem>>
          tpu.wait_dma2 semaphore(%arg21 : memref<!tpu.dma_semaphore, #tpu.memory_space<semaphore_mem>>) src(%dma_wait3A_561 : memref<56x128xf32, #tpu.memory_space<vmem>>) dst(%dma_wait3A_557 : memref<56x128xf32, #tpu.memory_space<hbm>>)
        } else {
        }
        %dma_start3A_532 = arith.constant 6 : i32
        %dma_start3A_533 = arith.constant 0 : i32
        %dma_start3A_534 = arith.constant 0 : i32
        %dma_start3A_535 = tpu.memref_slice %arg6[%dma_start3A_532, %dma_start3A_533, %dma_start3A_534] : memref<8x56x128xf32, #tpu.memory_space<vmem>> -> memref<1x50x128xf32, #tpu.memory_space<vmem>>
        %dma_start3A_536 = tpu.memref_squeeze %dma_start3A_535 : memref<1x50x128xf32, #tpu.memory_space<vmem>> -> memref<50x128xf32, #tpu.memory_space<vmem>>
        %dma_start3A_537 = arith.constant 0 : i32
        %dma_start3A_538 = tpu.memref_slice %arg5[%add3A_322, %dma_start3A_537] : memref<32x50xi32, #tpu.memory_space<vmem>> -> memref<1x50xi32, #tpu.memory_space<vmem>>
        %dma_start3A_539 = tpu.memref_squeeze %dma_start3A_538 : memref<1x50xi32, #tpu.memory_space<vmem>> -> memref<50xi32, #tpu.memory_space<vmem>>
        %dma_start3A_540 = arith.constant 0 : i32
        %dma_start3A_541 = arith.constant 0 : i32
        %dma_start3A_542 = tpu.memref_slice %arg2[%dma_start3A_540, %dma_start3A_541] : memref<100000x128xf32, #tpu.memory_space<hbm>> -> memref<100000x128xf32, #tpu.memory_space<hbm>>
        tpu.enqueue_indirect_dma source(%dma_start3A_542 : memref<100000x128xf32, #tpu.memory_space<hbm>>) target(%dma_start3A_536 : memref<50x128xf32, #tpu.memory_space<vmem>>) offsets(%dma_start3A_539 : memref<50xi32, #tpu.memory_space<vmem>>) semaphore(%arg13 : memref<!tpu.dma_semaphore, #tpu.memory_space<semaphore_mem>>)
      } else {
      }
      %mul3A_328 = arith.constant 8 : i32
      %mul3A_329 = arith.muli %scan3A_210, %mul3A_328 : i32
      %add3A_330 = arith.constant 3 : i32
      %add3A_331 = arith.addi %mul3A_329, %add3A_330 : i32
      %dma_wait3A_332 = arith.constant 3 : i32
      %dma_wait3A_333 = arith.constant 0 : i32
      %dma_wait3A_334 = arith.constant 0 : i32
      %dma_wait3A_335 = tpu.memref_slice %arg6[%dma_wait3A_332, %dma_wait3A_333, %dma_wait3A_334] : memref<8x56x128xf32, #tpu.memory_space<vmem>> -> memref<1x50x128xf32, #tpu.memory_space<vmem>>
      %dma_wait3A_336 = tpu.memref_squeeze %dma_wait3A_335 : memref<1x50x128xf32, #tpu.memory_space<vmem>> -> memref<50x128xf32, #tpu.memory_space<vmem>>
      %dma_wait3A_337 = arith.constant 0 : i32
      %dma_wait3A_338 = tpu.memref_slice %arg5[%add3A_331, %dma_wait3A_337] : memref<32x50xi32, #tpu.memory_space<vmem>> -> memref<1x50xi32, #tpu.memory_space<vmem>>
      %dma_wait3A_339 = tpu.memref_squeeze %dma_wait3A_338 : memref<1x50xi32, #tpu.memory_space<vmem>> -> memref<50xi32, #tpu.memory_space<vmem>>
      %dma_wait3A_340 = arith.constant 0 : i32
      %dma_wait3A_341 = arith.constant 0 : i32
      %dma_wait3A_342 = tpu.memref_slice %arg2[%dma_wait3A_340, %dma_wait3A_341] : memref<100000x128xf32, #tpu.memory_space<hbm>> -> memref<100000x128xf32, #tpu.memory_space<hbm>>
      tpu.wait_indirect_dma semaphore(%arg10 : memref<!tpu.dma_semaphore, #tpu.memory_space<semaphore_mem>>) src(%dma_wait3A_342 : memref<100000x128xf32, #tpu.memory_space<hbm>>) dst(%dma_wait3A_336 : memref<50x128xf32, #tpu.memory_space<vmem>>)
      %add3A_343 = arith.addi %mul3A_6, %add3A_331 : i32
      %dma_start3A_344 = arith.constant 3 : i32
      %dma_start3A_345 = arith.constant 0 : i32
      %dma_start3A_346 = arith.constant 0 : i32
      %dma_start3A_347 = tpu.memref_slice %arg6[%dma_start3A_344, %dma_start3A_345, %dma_start3A_346] : memref<8x56x128xf32, #tpu.memory_space<vmem>> -> memref<1x56x128xf32, #tpu.memory_space<vmem>>
      %dma_start3A_348 = tpu.memref_squeeze %dma_start3A_347 : memref<1x56x128xf32, #tpu.memory_space<vmem>> -> memref<56x128xf32, #tpu.memory_space<vmem>>
      %dma_start3A_349 = arith.constant 0 : i32
      %dma_start3A_350 = arith.constant 0 : i32
      %dma_start3A_351 = tpu.memref_slice %arg4[%add3A_343, %dma_start3A_349, %dma_start3A_350] : memref<1024x56x128xf32, #tpu.memory_space<hbm>> -> memref<1x56x128xf32, #tpu.memory_space<hbm>>
      %dma_start3A_352 = tpu.memref_squeeze %dma_start3A_351 : memref<1x56x128xf32, #tpu.memory_space<hbm>> -> memref<56x128xf32, #tpu.memory_space<hbm>>
      %dma_start3A_353 = arith.constant 0 : i32
      %dma_start3A_354 = arith.constant 0 : i32
      %dma_start3A_355 = tpu.memref_slice %arg4[%add3A_343, %dma_start3A_353, %dma_start3A_354] : memref<1024x56x128xf32, #tpu.memory_space<hbm>> -> memref<1x56x128xf32, #tpu.memory_space<hbm>>
      %dma_start3A_356 = tpu.memref_squeeze %dma_start3A_355 : memref<1x56x128xf32, #tpu.memory_space<hbm>> -> memref<56x128xf32, #tpu.memory_space<hbm>>
      %dma_start3A_357 = arith.constant 0 : i32
      %dma_start3A_358 = arith.constant 0 : i32
      %dma_start3A_359 = tpu.memref_slice %arg6[%dma_start3A_344, %dma_start3A_357, %dma_start3A_358] : memref<8x56x128xf32, #tpu.memory_space<vmem>> -> memref<1x56x128xf32, #tpu.memory_space<vmem>>
      %dma_start3A_360 = tpu.memref_squeeze %dma_start3A_359 : memref<1x56x128xf32, #tpu.memory_space<vmem>> -> memref<56x128xf32, #tpu.memory_space<vmem>>
      tpu.enqueue_dma source(%dma_start3A_360 : memref<56x128xf32, #tpu.memory_space<vmem>>) target(%dma_start3A_356 : memref<56x128xf32, #tpu.memory_space<hbm>>) target_semaphore(%arg18 : memref<!tpu.dma_semaphore, #tpu.memory_space<semaphore_mem>>)
      %add3A_361 = arith.constant 4 : i32
      %add3A_362 = arith.addi %add3A_331, %add3A_361 : i32
      %lt3A_363 = arith.constant 32 : i32
      %lt3A_364 = arith.cmpi slt, %add3A_362, %lt3A_363 : i32
      %convert_element_type3A_365 = arith.extui %lt3A_364 : i1 to i32
      %cond3A_366 = arith.constant 0 : i32
      %cond3A_367 = arith.cmpi ne, %convert_element_type3A_365, %cond3A_366 : i32
      scf.if %cond3A_367 {
        %ge3A = arith.constant 8 : i32
        %ge3A_528 = arith.cmpi sge, %add3A_362, %ge3A : i32
        %convert_element_type3A_529 = arith.extui %ge3A_528 : i1 to i32
        %cond3A_530 = arith.constant 0 : i32
        %cond3A_531 = arith.cmpi ne, %convert_element_type3A_529, %cond3A_530 : i32
        scf.if %cond3A_531 {
          %sub3A = arith.constant 8 : i32
          %sub3A_543 = arith.subi %add3A_362, %sub3A : i32
          %add3A_544 = arith.addi %mul3A_6, %sub3A_543 : i32
          %dma_wait3A_545 = arith.constant 7 : i32
          %dma_wait3A_546 = arith.constant 0 : i32
          %dma_wait3A_547 = arith.constant 0 : i32
          %dma_wait3A_548 = tpu.memref_slice %arg6[%dma_wait3A_545, %dma_wait3A_546, %dma_wait3A_547] : memref<8x56x128xf32, #tpu.memory_space<vmem>> -> memref<1x56x128xf32, #tpu.memory_space<vmem>>
          %dma_wait3A_549 = tpu.memref_squeeze %dma_wait3A_548 : memref<1x56x128xf32, #tpu.memory_space<vmem>> -> memref<56x128xf32, #tpu.memory_space<vmem>>
          %dma_wait3A_550 = arith.constant 0 : i32
          %dma_wait3A_551 = arith.constant 0 : i32
          %dma_wait3A_552 = tpu.memref_slice %arg4[%add3A_544, %dma_wait3A_550, %dma_wait3A_551] : memref<1024x56x128xf32, #tpu.memory_space<hbm>> -> memref<1x56x128xf32, #tpu.memory_space<hbm>>
          %dma_wait3A_553 = tpu.memref_squeeze %dma_wait3A_552 : memref<1x56x128xf32, #tpu.memory_space<hbm>> -> memref<56x128xf32, #tpu.memory_space<hbm>>
          %dma_wait3A_554 = arith.constant 0 : i32
          %dma_wait3A_555 = arith.constant 0 : i32
          %dma_wait3A_556 = tpu.memref_slice %arg4[%add3A_544, %dma_wait3A_554, %dma_wait3A_555] : memref<1024x56x128xf32, #tpu.memory_space<hbm>> -> memref<1x56x128xf32, #tpu.memory_space<hbm>>
          %dma_wait3A_557 = tpu.memref_squeeze %dma_wait3A_556 : memref<1x56x128xf32, #tpu.memory_space<hbm>> -> memref<56x128xf32, #tpu.memory_space<hbm>>
          %dma_wait3A_558 = arith.constant 0 : i32
          %dma_wait3A_559 = arith.constant 0 : i32
          %dma_wait3A_560 = tpu.memref_slice %arg6[%dma_wait3A_545, %dma_wait3A_558, %dma_wait3A_559] : memref<8x56x128xf32, #tpu.memory_space<vmem>> -> memref<1x56x128xf32, #tpu.memory_space<vmem>>
          %dma_wait3A_561 = tpu.memref_squeeze %dma_wait3A_560 : memref<1x56x128xf32, #tpu.memory_space<vmem>> -> memref<56x128xf32, #tpu.memory_space<vmem>>
          tpu.wait_dma2 semaphore(%arg22 : memref<!tpu.dma_semaphore, #tpu.memory_space<semaphore_mem>>) src(%dma_wait3A_561 : memref<56x128xf32, #tpu.memory_space<vmem>>) dst(%dma_wait3A_557 : memref<56x128xf32, #tpu.memory_space<hbm>>)
        } else {
        }
        %dma_start3A_532 = arith.constant 7 : i32
        %dma_start3A_533 = arith.constant 0 : i32
        %dma_start3A_534 = arith.constant 0 : i32
        %dma_start3A_535 = tpu.memref_slice %arg6[%dma_start3A_532, %dma_start3A_533, %dma_start3A_534] : memref<8x56x128xf32, #tpu.memory_space<vmem>> -> memref<1x50x128xf32, #tpu.memory_space<vmem>>
        %dma_start3A_536 = tpu.memref_squeeze %dma_start3A_535 : memref<1x50x128xf32, #tpu.memory_space<vmem>> -> memref<50x128xf32, #tpu.memory_space<vmem>>
        %dma_start3A_537 = arith.constant 0 : i32
        %dma_start3A_538 = tpu.memref_slice %arg5[%add3A_362, %dma_start3A_537] : memref<32x50xi32, #tpu.memory_space<vmem>> -> memref<1x50xi32, #tpu.memory_space<vmem>>
        %dma_start3A_539 = tpu.memref_squeeze %dma_start3A_538 : memref<1x50xi32, #tpu.memory_space<vmem>> -> memref<50xi32, #tpu.memory_space<vmem>>
        %dma_start3A_540 = arith.constant 0 : i32
        %dma_start3A_541 = arith.constant 0 : i32
        %dma_start3A_542 = tpu.memref_slice %arg2[%dma_start3A_540, %dma_start3A_541] : memref<100000x128xf32, #tpu.memory_space<hbm>> -> memref<100000x128xf32, #tpu.memory_space<hbm>>
        tpu.enqueue_indirect_dma source(%dma_start3A_542 : memref<100000x128xf32, #tpu.memory_space<hbm>>) target(%dma_start3A_536 : memref<50x128xf32, #tpu.memory_space<vmem>>) offsets(%dma_start3A_539 : memref<50xi32, #tpu.memory_space<vmem>>) semaphore(%arg14 : memref<!tpu.dma_semaphore, #tpu.memory_space<semaphore_mem>>)
      } else {
      }
      %mul3A_368 = arith.constant 8 : i32
      %mul3A_369 = arith.muli %scan3A_210, %mul3A_368 : i32
      %add3A_370 = arith.constant 4 : i32
      %add3A_371 = arith.addi %mul3A_369, %add3A_370 : i32
      %dma_wait3A_372 = arith.constant 4 : i32
      %dma_wait3A_373 = arith.constant 0 : i32
      %dma_wait3A_374 = arith.constant 0 : i32
      %dma_wait3A_375 = tpu.memref_slice %arg6[%dma_wait3A_372, %dma_wait3A_373, %dma_wait3A_374] : memref<8x56x128xf32, #tpu.memory_space<vmem>> -> memref<1x50x128xf32, #tpu.memory_space<vmem>>
      %dma_wait3A_376 = tpu.memref_squeeze %dma_wait3A_375 : memref<1x50x128xf32, #tpu.memory_space<vmem>> -> memref<50x128xf32, #tpu.memory_space<vmem>>
      %dma_wait3A_377 = arith.constant 0 : i32
      %dma_wait3A_378 = tpu.memref_slice %arg5[%add3A_371, %dma_wait3A_377] : memref<32x50xi32, #tpu.memory_space<vmem>> -> memref<1x50xi32, #tpu.memory_space<vmem>>
      %dma_wait3A_379 = tpu.memref_squeeze %dma_wait3A_378 : memref<1x50xi32, #tpu.memory_space<vmem>> -> memref<50xi32, #tpu.memory_space<vmem>>
      %dma_wait3A_380 = arith.constant 0 : i32
      %dma_wait3A_381 = arith.constant 0 : i32
      %dma_wait3A_382 = tpu.memref_slice %arg2[%dma_wait3A_380, %dma_wait3A_381] : memref<100000x128xf32, #tpu.memory_space<hbm>> -> memref<100000x128xf32, #tpu.memory_space<hbm>>
      tpu.wait_indirect_dma semaphore(%arg11 : memref<!tpu.dma_semaphore, #tpu.memory_space<semaphore_mem>>) src(%dma_wait3A_382 : memref<100000x128xf32, #tpu.memory_space<hbm>>) dst(%dma_wait3A_376 : memref<50x128xf32, #tpu.memory_space<vmem>>)
      %add3A_383 = arith.addi %mul3A_6, %add3A_371 : i32
      %dma_start3A_384 = arith.constant 4 : i32
      %dma_start3A_385 = arith.constant 0 : i32
      %dma_start3A_386 = arith.constant 0 : i32
      %dma_start3A_387 = tpu.memref_slice %arg6[%dma_start3A_384, %dma_start3A_385, %dma_start3A_386] : memref<8x56x128xf32, #tpu.memory_space<vmem>> -> memref<1x56x128xf32, #tpu.memory_space<vmem>>
      %dma_start3A_388 = tpu.memref_squeeze %dma_start3A_387 : memref<1x56x128xf32, #tpu.memory_space<vmem>> -> memref<56x128xf32, #tpu.memory_space<vmem>>
      %dma_start3A_389 = arith.constant 0 : i32
      %dma_start3A_390 = arith.constant 0 : i32
      %dma_start3A_391 = tpu.memref_slice %arg4[%add3A_383, %dma_start3A_389, %dma_start3A_390] : memref<1024x56x128xf32, #tpu.memory_space<hbm>> -> memref<1x56x128xf32, #tpu.memory_space<hbm>>
      %dma_start3A_392 = tpu.memref_squeeze %dma_start3A_391 : memref<1x56x128xf32, #tpu.memory_space<hbm>> -> memref<56x128xf32, #tpu.memory_space<hbm>>
      %dma_start3A_393 = arith.constant 0 : i32
      %dma_start3A_394 = arith.constant 0 : i32
      %dma_start3A_395 = tpu.memref_slice %arg4[%add3A_383, %dma_start3A_393, %dma_start3A_394] : memref<1024x56x128xf32, #tpu.memory_space<hbm>> -> memref<1x56x128xf32, #tpu.memory_space<hbm>>
      %dma_start3A_396 = tpu.memref_squeeze %dma_start3A_395 : memref<1x56x128xf32, #tpu.memory_space<hbm>> -> memref<56x128xf32, #tpu.memory_space<hbm>>
      %dma_start3A_397 = arith.constant 0 : i32
      %dma_start3A_398 = arith.constant 0 : i32
      %dma_start3A_399 = tpu.memref_slice %arg6[%dma_start3A_384, %dma_start3A_397, %dma_start3A_398] : memref<8x56x128xf32, #tpu.memory_space<vmem>> -> memref<1x56x128xf32, #tpu.memory_space<vmem>>
      %dma_start3A_400 = tpu.memref_squeeze %dma_start3A_399 : memref<1x56x128xf32, #tpu.memory_space<vmem>> -> memref<56x128xf32, #tpu.memory_space<vmem>>
      tpu.enqueue_dma source(%dma_start3A_400 : memref<56x128xf32, #tpu.memory_space<vmem>>) target(%dma_start3A_396 : memref<56x128xf32, #tpu.memory_space<hbm>>) target_semaphore(%arg19 : memref<!tpu.dma_semaphore, #tpu.memory_space<semaphore_mem>>)
      %add3A_401 = arith.constant 4 : i32
      %add3A_402 = arith.addi %add3A_371, %add3A_401 : i32
      %lt3A_403 = arith.constant 32 : i32
      %lt3A_404 = arith.cmpi slt, %add3A_402, %lt3A_403 : i32
      %convert_element_type3A_405 = arith.extui %lt3A_404 : i1 to i32
      %cond3A_406 = arith.constant 0 : i32
      %cond3A_407 = arith.cmpi ne, %convert_element_type3A_405, %cond3A_406 : i32
      scf.if %cond3A_407 {
        %ge3A = arith.constant 8 : i32
        %ge3A_528 = arith.cmpi sge, %add3A_402, %ge3A : i32
        %convert_element_type3A_529 = arith.extui %ge3A_528 : i1 to i32
        %cond3A_530 = arith.constant 0 : i32
        %cond3A_531 = arith.cmpi ne, %convert_element_type3A_529, %cond3A_530 : i32
        scf.if %cond3A_531 {
          %sub3A = arith.constant 8 : i32
          %sub3A_543 = arith.subi %add3A_402, %sub3A : i32
          %add3A_544 = arith.addi %mul3A_6, %sub3A_543 : i32
          %dma_wait3A_545 = arith.constant 0 : i32
          %dma_wait3A_546 = arith.constant 0 : i32
          %dma_wait3A_547 = arith.constant 0 : i32
          %dma_wait3A_548 = tpu.memref_slice %arg6[%dma_wait3A_545, %dma_wait3A_546, %dma_wait3A_547] : memref<8x56x128xf32, #tpu.memory_space<vmem>> -> memref<1x56x128xf32, #tpu.memory_space<vmem>>
          %dma_wait3A_549 = tpu.memref_squeeze %dma_wait3A_548 : memref<1x56x128xf32, #tpu.memory_space<vmem>> -> memref<56x128xf32, #tpu.memory_space<vmem>>
          %dma_wait3A_550 = arith.constant 0 : i32
          %dma_wait3A_551 = arith.constant 0 : i32
          %dma_wait3A_552 = tpu.memref_slice %arg4[%add3A_544, %dma_wait3A_550, %dma_wait3A_551] : memref<1024x56x128xf32, #tpu.memory_space<hbm>> -> memref<1x56x128xf32, #tpu.memory_space<hbm>>
          %dma_wait3A_553 = tpu.memref_squeeze %dma_wait3A_552 : memref<1x56x128xf32, #tpu.memory_space<hbm>> -> memref<56x128xf32, #tpu.memory_space<hbm>>
          %dma_wait3A_554 = arith.constant 0 : i32
          %dma_wait3A_555 = arith.constant 0 : i32
          %dma_wait3A_556 = tpu.memref_slice %arg4[%add3A_544, %dma_wait3A_554, %dma_wait3A_555] : memref<1024x56x128xf32, #tpu.memory_space<hbm>> -> memref<1x56x128xf32, #tpu.memory_space<hbm>>
          %dma_wait3A_557 = tpu.memref_squeeze %dma_wait3A_556 : memref<1x56x128xf32, #tpu.memory_space<hbm>> -> memref<56x128xf32, #tpu.memory_space<hbm>>
          %dma_wait3A_558 = arith.constant 0 : i32
          %dma_wait3A_559 = arith.constant 0 : i32
          %dma_wait3A_560 = tpu.memref_slice %arg6[%dma_wait3A_545, %dma_wait3A_558, %dma_wait3A_559] : memref<8x56x128xf32, #tpu.memory_space<vmem>> -> memref<1x56x128xf32, #tpu.memory_space<vmem>>
          %dma_wait3A_561 = tpu.memref_squeeze %dma_wait3A_560 : memref<1x56x128xf32, #tpu.memory_space<vmem>> -> memref<56x128xf32, #tpu.memory_space<vmem>>
          tpu.wait_dma2 semaphore(%arg15 : memref<!tpu.dma_semaphore, #tpu.memory_space<semaphore_mem>>) src(%dma_wait3A_561 : memref<56x128xf32, #tpu.memory_space<vmem>>) dst(%dma_wait3A_557 : memref<56x128xf32, #tpu.memory_space<hbm>>)
        } else {
        }
        %dma_start3A_532 = arith.constant 0 : i32
        %dma_start3A_533 = arith.constant 0 : i32
        %dma_start3A_534 = arith.constant 0 : i32
        %dma_start3A_535 = tpu.memref_slice %arg6[%dma_start3A_532, %dma_start3A_533, %dma_start3A_534] : memref<8x56x128xf32, #tpu.memory_space<vmem>> -> memref<1x50x128xf32, #tpu.memory_space<vmem>>
        %dma_start3A_536 = tpu.memref_squeeze %dma_start3A_535 : memref<1x50x128xf32, #tpu.memory_space<vmem>> -> memref<50x128xf32, #tpu.memory_space<vmem>>
        %dma_start3A_537 = arith.constant 0 : i32
        %dma_start3A_538 = tpu.memref_slice %arg5[%add3A_402, %dma_start3A_537] : memref<32x50xi32, #tpu.memory_space<vmem>> -> memref<1x50xi32, #tpu.memory_space<vmem>>
        %dma_start3A_539 = tpu.memref_squeeze %dma_start3A_538 : memref<1x50xi32, #tpu.memory_space<vmem>> -> memref<50xi32, #tpu.memory_space<vmem>>
        %dma_start3A_540 = arith.constant 0 : i32
        %dma_start3A_541 = arith.constant 0 : i32
        %dma_start3A_542 = tpu.memref_slice %arg2[%dma_start3A_540, %dma_start3A_541] : memref<100000x128xf32, #tpu.memory_space<hbm>> -> memref<100000x128xf32, #tpu.memory_space<hbm>>
        tpu.enqueue_indirect_dma source(%dma_start3A_542 : memref<100000x128xf32, #tpu.memory_space<hbm>>) target(%dma_start3A_536 : memref<50x128xf32, #tpu.memory_space<vmem>>) offsets(%dma_start3A_539 : memref<50xi32, #tpu.memory_space<vmem>>) semaphore(%arg7 : memref<!tpu.dma_semaphore, #tpu.memory_space<semaphore_mem>>)
      } else {
      }
      %mul3A_408 = arith.constant 8 : i32
      %mul3A_409 = arith.muli %scan3A_210, %mul3A_408 : i32
      %add3A_410 = arith.constant 5 : i32
      %add3A_411 = arith.addi %mul3A_409, %add3A_410 : i32
      %dma_wait3A_412 = arith.constant 5 : i32
      %dma_wait3A_413 = arith.constant 0 : i32
      %dma_wait3A_414 = arith.constant 0 : i32
      %dma_wait3A_415 = tpu.memref_slice %arg6[%dma_wait3A_412, %dma_wait3A_413, %dma_wait3A_414] : memref<8x56x128xf32, #tpu.memory_space<vmem>> -> memref<1x50x128xf32, #tpu.memory_space<vmem>>
      %dma_wait3A_416 = tpu.memref_squeeze %dma_wait3A_415 : memref<1x50x128xf32, #tpu.memory_space<vmem>> -> memref<50x128xf32, #tpu.memory_space<vmem>>
      %dma_wait3A_417 = arith.constant 0 : i32
      %dma_wait3A_418 = tpu.memref_slice %arg5[%add3A_411, %dma_wait3A_417] : memref<32x50xi32, #tpu.memory_space<vmem>> -> memref<1x50xi32, #tpu.memory_space<vmem>>
      %dma_wait3A_419 = tpu.memref_squeeze %dma_wait3A_418 : memref<1x50xi32, #tpu.memory_space<vmem>> -> memref<50xi32, #tpu.memory_space<vmem>>
      %dma_wait3A_420 = arith.constant 0 : i32
      %dma_wait3A_421 = arith.constant 0 : i32
      %dma_wait3A_422 = tpu.memref_slice %arg2[%dma_wait3A_420, %dma_wait3A_421] : memref<100000x128xf32, #tpu.memory_space<hbm>> -> memref<100000x128xf32, #tpu.memory_space<hbm>>
      tpu.wait_indirect_dma semaphore(%arg12 : memref<!tpu.dma_semaphore, #tpu.memory_space<semaphore_mem>>) src(%dma_wait3A_422 : memref<100000x128xf32, #tpu.memory_space<hbm>>) dst(%dma_wait3A_416 : memref<50x128xf32, #tpu.memory_space<vmem>>)
      %add3A_423 = arith.addi %mul3A_6, %add3A_411 : i32
      %dma_start3A_424 = arith.constant 5 : i32
      %dma_start3A_425 = arith.constant 0 : i32
      %dma_start3A_426 = arith.constant 0 : i32
      %dma_start3A_427 = tpu.memref_slice %arg6[%dma_start3A_424, %dma_start3A_425, %dma_start3A_426] : memref<8x56x128xf32, #tpu.memory_space<vmem>> -> memref<1x56x128xf32, #tpu.memory_space<vmem>>
      %dma_start3A_428 = tpu.memref_squeeze %dma_start3A_427 : memref<1x56x128xf32, #tpu.memory_space<vmem>> -> memref<56x128xf32, #tpu.memory_space<vmem>>
      %dma_start3A_429 = arith.constant 0 : i32
      %dma_start3A_430 = arith.constant 0 : i32
      %dma_start3A_431 = tpu.memref_slice %arg4[%add3A_423, %dma_start3A_429, %dma_start3A_430] : memref<1024x56x128xf32, #tpu.memory_space<hbm>> -> memref<1x56x128xf32, #tpu.memory_space<hbm>>
      %dma_start3A_432 = tpu.memref_squeeze %dma_start3A_431 : memref<1x56x128xf32, #tpu.memory_space<hbm>> -> memref<56x128xf32, #tpu.memory_space<hbm>>
      %dma_start3A_433 = arith.constant 0 : i32
      %dma_start3A_434 = arith.constant 0 : i32
      %dma_start3A_435 = tpu.memref_slice %arg4[%add3A_423, %dma_start3A_433, %dma_start3A_434] : memref<1024x56x128xf32, #tpu.memory_space<hbm>> -> memref<1x56x128xf32, #tpu.memory_space<hbm>>
      %dma_start3A_436 = tpu.memref_squeeze %dma_start3A_435 : memref<1x56x128xf32, #tpu.memory_space<hbm>> -> memref<56x128xf32, #tpu.memory_space<hbm>>
      %dma_start3A_437 = arith.constant 0 : i32
      %dma_start3A_438 = arith.constant 0 : i32
      %dma_start3A_439 = tpu.memref_slice %arg6[%dma_start3A_424, %dma_start3A_437, %dma_start3A_438] : memref<8x56x128xf32, #tpu.memory_space<vmem>> -> memref<1x56x128xf32, #tpu.memory_space<vmem>>
      %dma_start3A_440 = tpu.memref_squeeze %dma_start3A_439 : memref<1x56x128xf32, #tpu.memory_space<vmem>> -> memref<56x128xf32, #tpu.memory_space<vmem>>
      tpu.enqueue_dma source(%dma_start3A_440 : memref<56x128xf32, #tpu.memory_space<vmem>>) target(%dma_start3A_436 : memref<56x128xf32, #tpu.memory_space<hbm>>) target_semaphore(%arg20 : memref<!tpu.dma_semaphore, #tpu.memory_space<semaphore_mem>>)
      %add3A_441 = arith.constant 4 : i32
      %add3A_442 = arith.addi %add3A_411, %add3A_441 : i32
      %lt3A_443 = arith.constant 32 : i32
      %lt3A_444 = arith.cmpi slt, %add3A_442, %lt3A_443 : i32
      %convert_element_type3A_445 = arith.extui %lt3A_444 : i1 to i32
      %cond3A_446 = arith.constant 0 : i32
      %cond3A_447 = arith.cmpi ne, %convert_element_type3A_445, %cond3A_446 : i32
      scf.if %cond3A_447 {
        %ge3A = arith.constant 8 : i32
        %ge3A_528 = arith.cmpi sge, %add3A_442, %ge3A : i32
        %convert_element_type3A_529 = arith.extui %ge3A_528 : i1 to i32
        %cond3A_530 = arith.constant 0 : i32
        %cond3A_531 = arith.cmpi ne, %convert_element_type3A_529, %cond3A_530 : i32
        scf.if %cond3A_531 {
          %sub3A = arith.constant 8 : i32
          %sub3A_543 = arith.subi %add3A_442, %sub3A : i32
          %add3A_544 = arith.addi %mul3A_6, %sub3A_543 : i32
          %dma_wait3A_545 = arith.constant 1 : i32
          %dma_wait3A_546 = arith.constant 0 : i32
          %dma_wait3A_547 = arith.constant 0 : i32
          %dma_wait3A_548 = tpu.memref_slice %arg6[%dma_wait3A_545, %dma_wait3A_546, %dma_wait3A_547] : memref<8x56x128xf32, #tpu.memory_space<vmem>> -> memref<1x56x128xf32, #tpu.memory_space<vmem>>
          %dma_wait3A_549 = tpu.memref_squeeze %dma_wait3A_548 : memref<1x56x128xf32, #tpu.memory_space<vmem>> -> memref<56x128xf32, #tpu.memory_space<vmem>>
          %dma_wait3A_550 = arith.constant 0 : i32
          %dma_wait3A_551 = arith.constant 0 : i32
          %dma_wait3A_552 = tpu.memref_slice %arg4[%add3A_544, %dma_wait3A_550, %dma_wait3A_551] : memref<1024x56x128xf32, #tpu.memory_space<hbm>> -> memref<1x56x128xf32, #tpu.memory_space<hbm>>
          %dma_wait3A_553 = tpu.memref_squeeze %dma_wait3A_552 : memref<1x56x128xf32, #tpu.memory_space<hbm>> -> memref<56x128xf32, #tpu.memory_space<hbm>>
          %dma_wait3A_554 = arith.constant 0 : i32
          %dma_wait3A_555 = arith.constant 0 : i32
          %dma_wait3A_556 = tpu.memref_slice %arg4[%add3A_544, %dma_wait3A_554, %dma_wait3A_555] : memref<1024x56x128xf32, #tpu.memory_space<hbm>> -> memref<1x56x128xf32, #tpu.memory_space<hbm>>
          %dma_wait3A_557 = tpu.memref_squeeze %dma_wait3A_556 : memref<1x56x128xf32, #tpu.memory_space<hbm>> -> memref<56x128xf32, #tpu.memory_space<hbm>>
          %dma_wait3A_558 = arith.constant 0 : i32
          %dma_wait3A_559 = arith.constant 0 : i32
          %dma_wait3A_560 = tpu.memref_slice %arg6[%dma_wait3A_545, %dma_wait3A_558, %dma_wait3A_559] : memref<8x56x128xf32, #tpu.memory_space<vmem>> -> memref<1x56x128xf32, #tpu.memory_space<vmem>>
          %dma_wait3A_561 = tpu.memref_squeeze %dma_wait3A_560 : memref<1x56x128xf32, #tpu.memory_space<vmem>> -> memref<56x128xf32, #tpu.memory_space<vmem>>
          tpu.wait_dma2 semaphore(%arg16 : memref<!tpu.dma_semaphore, #tpu.memory_space<semaphore_mem>>) src(%dma_wait3A_561 : memref<56x128xf32, #tpu.memory_space<vmem>>) dst(%dma_wait3A_557 : memref<56x128xf32, #tpu.memory_space<hbm>>)
        } else {
        }
        %dma_start3A_532 = arith.constant 1 : i32
        %dma_start3A_533 = arith.constant 0 : i32
        %dma_start3A_534 = arith.constant 0 : i32
        %dma_start3A_535 = tpu.memref_slice %arg6[%dma_start3A_532, %dma_start3A_533, %dma_start3A_534] : memref<8x56x128xf32, #tpu.memory_space<vmem>> -> memref<1x50x128xf32, #tpu.memory_space<vmem>>
        %dma_start3A_536 = tpu.memref_squeeze %dma_start3A_535 : memref<1x50x128xf32, #tpu.memory_space<vmem>> -> memref<50x128xf32, #tpu.memory_space<vmem>>
        %dma_start3A_537 = arith.constant 0 : i32
        %dma_start3A_538 = tpu.memref_slice %arg5[%add3A_442, %dma_start3A_537] : memref<32x50xi32, #tpu.memory_space<vmem>> -> memref<1x50xi32, #tpu.memory_space<vmem>>
        %dma_start3A_539 = tpu.memref_squeeze %dma_start3A_538 : memref<1x50xi32, #tpu.memory_space<vmem>> -> memref<50xi32, #tpu.memory_space<vmem>>
        %dma_start3A_540 = arith.constant 0 : i32
        %dma_start3A_541 = arith.constant 0 : i32
        %dma_start3A_542 = tpu.memref_slice %arg2[%dma_start3A_540, %dma_start3A_541] : memref<100000x128xf32, #tpu.memory_space<hbm>> -> memref<100000x128xf32, #tpu.memory_space<hbm>>
        tpu.enqueue_indirect_dma source(%dma_start3A_542 : memref<100000x128xf32, #tpu.memory_space<hbm>>) target(%dma_start3A_536 : memref<50x128xf32, #tpu.memory_space<vmem>>) offsets(%dma_start3A_539 : memref<50xi32, #tpu.memory_space<vmem>>) semaphore(%arg8 : memref<!tpu.dma_semaphore, #tpu.memory_space<semaphore_mem>>)
      } else {
      }
      %mul3A_448 = arith.constant 8 : i32
      %mul3A_449 = arith.muli %scan3A_210, %mul3A_448 : i32
      %add3A_450 = arith.constant 6 : i32
      %add3A_451 = arith.addi %mul3A_449, %add3A_450 : i32
      %dma_wait3A_452 = arith.constant 6 : i32
      %dma_wait3A_453 = arith.constant 0 : i32
      %dma_wait3A_454 = arith.constant 0 : i32
      %dma_wait3A_455 = tpu.memref_slice %arg6[%dma_wait3A_452, %dma_wait3A_453, %dma_wait3A_454] : memref<8x56x128xf32, #tpu.memory_space<vmem>> -> memref<1x50x128xf32, #tpu.memory_space<vmem>>
      %dma_wait3A_456 = tpu.memref_squeeze %dma_wait3A_455 : memref<1x50x128xf32, #tpu.memory_space<vmem>> -> memref<50x128xf32, #tpu.memory_space<vmem>>
      %dma_wait3A_457 = arith.constant 0 : i32
      %dma_wait3A_458 = tpu.memref_slice %arg5[%add3A_451, %dma_wait3A_457] : memref<32x50xi32, #tpu.memory_space<vmem>> -> memref<1x50xi32, #tpu.memory_space<vmem>>
      %dma_wait3A_459 = tpu.memref_squeeze %dma_wait3A_458 : memref<1x50xi32, #tpu.memory_space<vmem>> -> memref<50xi32, #tpu.memory_space<vmem>>
      %dma_wait3A_460 = arith.constant 0 : i32
      %dma_wait3A_461 = arith.constant 0 : i32
      %dma_wait3A_462 = tpu.memref_slice %arg2[%dma_wait3A_460, %dma_wait3A_461] : memref<100000x128xf32, #tpu.memory_space<hbm>> -> memref<100000x128xf32, #tpu.memory_space<hbm>>
      tpu.wait_indirect_dma semaphore(%arg13 : memref<!tpu.dma_semaphore, #tpu.memory_space<semaphore_mem>>) src(%dma_wait3A_462 : memref<100000x128xf32, #tpu.memory_space<hbm>>) dst(%dma_wait3A_456 : memref<50x128xf32, #tpu.memory_space<vmem>>)
      %add3A_463 = arith.addi %mul3A_6, %add3A_451 : i32
      %dma_start3A_464 = arith.constant 6 : i32
      %dma_start3A_465 = arith.constant 0 : i32
      %dma_start3A_466 = arith.constant 0 : i32
      %dma_start3A_467 = tpu.memref_slice %arg6[%dma_start3A_464, %dma_start3A_465, %dma_start3A_466] : memref<8x56x128xf32, #tpu.memory_space<vmem>> -> memref<1x56x128xf32, #tpu.memory_space<vmem>>
      %dma_start3A_468 = tpu.memref_squeeze %dma_start3A_467 : memref<1x56x128xf32, #tpu.memory_space<vmem>> -> memref<56x128xf32, #tpu.memory_space<vmem>>
      %dma_start3A_469 = arith.constant 0 : i32
      %dma_start3A_470 = arith.constant 0 : i32
      %dma_start3A_471 = tpu.memref_slice %arg4[%add3A_463, %dma_start3A_469, %dma_start3A_470] : memref<1024x56x128xf32, #tpu.memory_space<hbm>> -> memref<1x56x128xf32, #tpu.memory_space<hbm>>
      %dma_start3A_472 = tpu.memref_squeeze %dma_start3A_471 : memref<1x56x128xf32, #tpu.memory_space<hbm>> -> memref<56x128xf32, #tpu.memory_space<hbm>>
      %dma_start3A_473 = arith.constant 0 : i32
      %dma_start3A_474 = arith.constant 0 : i32
      %dma_start3A_475 = tpu.memref_slice %arg4[%add3A_463, %dma_start3A_473, %dma_start3A_474] : memref<1024x56x128xf32, #tpu.memory_space<hbm>> -> memref<1x56x128xf32, #tpu.memory_space<hbm>>
      %dma_start3A_476 = tpu.memref_squeeze %dma_start3A_475 : memref<1x56x128xf32, #tpu.memory_space<hbm>> -> memref<56x128xf32, #tpu.memory_space<hbm>>
      %dma_start3A_477 = arith.constant 0 : i32
      %dma_start3A_478 = arith.constant 0 : i32
      %dma_start3A_479 = tpu.memref_slice %arg6[%dma_start3A_464, %dma_start3A_477, %dma_start3A_478] : memref<8x56x128xf32, #tpu.memory_space<vmem>> -> memref<1x56x128xf32, #tpu.memory_space<vmem>>
      %dma_start3A_480 = tpu.memref_squeeze %dma_start3A_479 : memref<1x56x128xf32, #tpu.memory_space<vmem>> -> memref<56x128xf32, #tpu.memory_space<vmem>>
      tpu.enqueue_dma source(%dma_start3A_480 : memref<56x128xf32, #tpu.memory_space<vmem>>) target(%dma_start3A_476 : memref<56x128xf32, #tpu.memory_space<hbm>>) target_semaphore(%arg21 : memref<!tpu.dma_semaphore, #tpu.memory_space<semaphore_mem>>)
      %add3A_481 = arith.constant 4 : i32
      %add3A_482 = arith.addi %add3A_451, %add3A_481 : i32
      %lt3A_483 = arith.constant 32 : i32
      %lt3A_484 = arith.cmpi slt, %add3A_482, %lt3A_483 : i32
      %convert_element_type3A_485 = arith.extui %lt3A_484 : i1 to i32
      %cond3A_486 = arith.constant 0 : i32
      %cond3A_487 = arith.cmpi ne, %convert_element_type3A_485, %cond3A_486 : i32
      scf.if %cond3A_487 {
        %ge3A = arith.constant 8 : i32
        %ge3A_528 = arith.cmpi sge, %add3A_482, %ge3A : i32
        %convert_element_type3A_529 = arith.extui %ge3A_528 : i1 to i32
        %cond3A_530 = arith.constant 0 : i32
        %cond3A_531 = arith.cmpi ne, %convert_element_type3A_529, %cond3A_530 : i32
        scf.if %cond3A_531 {
          %sub3A = arith.constant 8 : i32
          %sub3A_543 = arith.subi %add3A_482, %sub3A : i32
          %add3A_544 = arith.addi %mul3A_6, %sub3A_543 : i32
          %dma_wait3A_545 = arith.constant 2 : i32
          %dma_wait3A_546 = arith.constant 0 : i32
          %dma_wait3A_547 = arith.constant 0 : i32
          %dma_wait3A_548 = tpu.memref_slice %arg6[%dma_wait3A_545, %dma_wait3A_546, %dma_wait3A_547] : memref<8x56x128xf32, #tpu.memory_space<vmem>> -> memref<1x56x128xf32, #tpu.memory_space<vmem>>
          %dma_wait3A_549 = tpu.memref_squeeze %dma_wait3A_548 : memref<1x56x128xf32, #tpu.memory_space<vmem>> -> memref<56x128xf32, #tpu.memory_space<vmem>>
          %dma_wait3A_550 = arith.constant 0 : i32
          %dma_wait3A_551 = arith.constant 0 : i32
          %dma_wait3A_552 = tpu.memref_slice %arg4[%add3A_544, %dma_wait3A_550, %dma_wait3A_551] : memref<1024x56x128xf32, #tpu.memory_space<hbm>> -> memref<1x56x128xf32, #tpu.memory_space<hbm>>
          %dma_wait3A_553 = tpu.memref_squeeze %dma_wait3A_552 : memref<1x56x128xf32, #tpu.memory_space<hbm>> -> memref<56x128xf32, #tpu.memory_space<hbm>>
          %dma_wait3A_554 = arith.constant 0 : i32
          %dma_wait3A_555 = arith.constant 0 : i32
          %dma_wait3A_556 = tpu.memref_slice %arg4[%add3A_544, %dma_wait3A_554, %dma_wait3A_555] : memref<1024x56x128xf32, #tpu.memory_space<hbm>> -> memref<1x56x128xf32, #tpu.memory_space<hbm>>
          %dma_wait3A_557 = tpu.memref_squeeze %dma_wait3A_556 : memref<1x56x128xf32, #tpu.memory_space<hbm>> -> memref<56x128xf32, #tpu.memory_space<hbm>>
          %dma_wait3A_558 = arith.constant 0 : i32
          %dma_wait3A_559 = arith.constant 0 : i32
          %dma_wait3A_560 = tpu.memref_slice %arg6[%dma_wait3A_545, %dma_wait3A_558, %dma_wait3A_559] : memref<8x56x128xf32, #tpu.memory_space<vmem>> -> memref<1x56x128xf32, #tpu.memory_space<vmem>>
          %dma_wait3A_561 = tpu.memref_squeeze %dma_wait3A_560 : memref<1x56x128xf32, #tpu.memory_space<vmem>> -> memref<56x128xf32, #tpu.memory_space<vmem>>
          tpu.wait_dma2 semaphore(%arg17 : memref<!tpu.dma_semaphore, #tpu.memory_space<semaphore_mem>>) src(%dma_wait3A_561 : memref<56x128xf32, #tpu.memory_space<vmem>>) dst(%dma_wait3A_557 : memref<56x128xf32, #tpu.memory_space<hbm>>)
        } else {
        }
        %dma_start3A_532 = arith.constant 2 : i32
        %dma_start3A_533 = arith.constant 0 : i32
        %dma_start3A_534 = arith.constant 0 : i32
        %dma_start3A_535 = tpu.memref_slice %arg6[%dma_start3A_532, %dma_start3A_533, %dma_start3A_534] : memref<8x56x128xf32, #tpu.memory_space<vmem>> -> memref<1x50x128xf32, #tpu.memory_space<vmem>>
        %dma_start3A_536 = tpu.memref_squeeze %dma_start3A_535 : memref<1x50x128xf32, #tpu.memory_space<vmem>> -> memref<50x128xf32, #tpu.memory_space<vmem>>
        %dma_start3A_537 = arith.constant 0 : i32
        %dma_start3A_538 = tpu.memref_slice %arg5[%add3A_482, %dma_start3A_537] : memref<32x50xi32, #tpu.memory_space<vmem>> -> memref<1x50xi32, #tpu.memory_space<vmem>>
        %dma_start3A_539 = tpu.memref_squeeze %dma_start3A_538 : memref<1x50xi32, #tpu.memory_space<vmem>> -> memref<50xi32, #tpu.memory_space<vmem>>
        %dma_start3A_540 = arith.constant 0 : i32
        %dma_start3A_541 = arith.constant 0 : i32
        %dma_start3A_542 = tpu.memref_slice %arg2[%dma_start3A_540, %dma_start3A_541] : memref<100000x128xf32, #tpu.memory_space<hbm>> -> memref<100000x128xf32, #tpu.memory_space<hbm>>
        tpu.enqueue_indirect_dma source(%dma_start3A_542 : memref<100000x128xf32, #tpu.memory_space<hbm>>) target(%dma_start3A_536 : memref<50x128xf32, #tpu.memory_space<vmem>>) offsets(%dma_start3A_539 : memref<50xi32, #tpu.memory_space<vmem>>) semaphore(%arg9 : memref<!tpu.dma_semaphore, #tpu.memory_space<semaphore_mem>>)
      } else {
      }
      %mul3A_488 = arith.constant 8 : i32
      %mul3A_489 = arith.muli %scan3A_210, %mul3A_488 : i32
      %add3A_490 = arith.constant 7 : i32
      %add3A_491 = arith.addi %mul3A_489, %add3A_490 : i32
      %dma_wait3A_492 = arith.constant 7 : i32
      %dma_wait3A_493 = arith.constant 0 : i32
      %dma_wait3A_494 = arith.constant 0 : i32
      %dma_wait3A_495 = tpu.memref_slice %arg6[%dma_wait3A_492, %dma_wait3A_493, %dma_wait3A_494] : memref<8x56x128xf32, #tpu.memory_space<vmem>> -> memref<1x50x128xf32, #tpu.memory_space<vmem>>
      %dma_wait3A_496 = tpu.memref_squeeze %dma_wait3A_495 : memref<1x50x128xf32, #tpu.memory_space<vmem>> -> memref<50x128xf32, #tpu.memory_space<vmem>>
      %dma_wait3A_497 = arith.constant 0 : i32
      %dma_wait3A_498 = tpu.memref_slice %arg5[%add3A_491, %dma_wait3A_497] : memref<32x50xi32, #tpu.memory_space<vmem>> -> memref<1x50xi32, #tpu.memory_space<vmem>>
      %dma_wait3A_499 = tpu.memref_squeeze %dma_wait3A_498 : memref<1x50xi32, #tpu.memory_space<vmem>> -> memref<50xi32, #tpu.memory_space<vmem>>
      %dma_wait3A_500 = arith.constant 0 : i32
      %dma_wait3A_501 = arith.constant 0 : i32
      %dma_wait3A_502 = tpu.memref_slice %arg2[%dma_wait3A_500, %dma_wait3A_501] : memref<100000x128xf32, #tpu.memory_space<hbm>> -> memref<100000x128xf32, #tpu.memory_space<hbm>>
      tpu.wait_indirect_dma semaphore(%arg14 : memref<!tpu.dma_semaphore, #tpu.memory_space<semaphore_mem>>) src(%dma_wait3A_502 : memref<100000x128xf32, #tpu.memory_space<hbm>>) dst(%dma_wait3A_496 : memref<50x128xf32, #tpu.memory_space<vmem>>)
      %add3A_503 = arith.addi %mul3A_6, %add3A_491 : i32
      %dma_start3A_504 = arith.constant 7 : i32
      %dma_start3A_505 = arith.constant 0 : i32
      %dma_start3A_506 = arith.constant 0 : i32
      %dma_start3A_507 = tpu.memref_slice %arg6[%dma_start3A_504, %dma_start3A_505, %dma_start3A_506] : memref<8x56x128xf32, #tpu.memory_space<vmem>> -> memref<1x56x128xf32, #tpu.memory_space<vmem>>
      %dma_start3A_508 = tpu.memref_squeeze %dma_start3A_507 : memref<1x56x128xf32, #tpu.memory_space<vmem>> -> memref<56x128xf32, #tpu.memory_space<vmem>>
      %dma_start3A_509 = arith.constant 0 : i32
      %dma_start3A_510 = arith.constant 0 : i32
      %dma_start3A_511 = tpu.memref_slice %arg4[%add3A_503, %dma_start3A_509, %dma_start3A_510] : memref<1024x56x128xf32, #tpu.memory_space<hbm>> -> memref<1x56x128xf32, #tpu.memory_space<hbm>>
      %dma_start3A_512 = tpu.memref_squeeze %dma_start3A_511 : memref<1x56x128xf32, #tpu.memory_space<hbm>> -> memref<56x128xf32, #tpu.memory_space<hbm>>
      %dma_start3A_513 = arith.constant 0 : i32
      %dma_start3A_514 = arith.constant 0 : i32
      %dma_start3A_515 = tpu.memref_slice %arg4[%add3A_503, %dma_start3A_513, %dma_start3A_514] : memref<1024x56x128xf32, #tpu.memory_space<hbm>> -> memref<1x56x128xf32, #tpu.memory_space<hbm>>
      %dma_start3A_516 = tpu.memref_squeeze %dma_start3A_515 : memref<1x56x128xf32, #tpu.memory_space<hbm>> -> memref<56x128xf32, #tpu.memory_space<hbm>>
      %dma_start3A_517 = arith.constant 0 : i32
      %dma_start3A_518 = arith.constant 0 : i32
      %dma_start3A_519 = tpu.memref_slice %arg6[%dma_start3A_504, %dma_start3A_517, %dma_start3A_518] : memref<8x56x128xf32, #tpu.memory_space<vmem>> -> memref<1x56x128xf32, #tpu.memory_space<vmem>>
      %dma_start3A_520 = tpu.memref_squeeze %dma_start3A_519 : memref<1x56x128xf32, #tpu.memory_space<vmem>> -> memref<56x128xf32, #tpu.memory_space<vmem>>
      tpu.enqueue_dma source(%dma_start3A_520 : memref<56x128xf32, #tpu.memory_space<vmem>>) target(%dma_start3A_516 : memref<56x128xf32, #tpu.memory_space<hbm>>) target_semaphore(%arg22 : memref<!tpu.dma_semaphore, #tpu.memory_space<semaphore_mem>>)
      %add3A_521 = arith.constant 4 : i32
      %add3A_522 = arith.addi %add3A_491, %add3A_521 : i32
      %lt3A_523 = arith.constant 32 : i32
      %lt3A_524 = arith.cmpi slt, %add3A_522, %lt3A_523 : i32
      %convert_element_type3A_525 = arith.extui %lt3A_524 : i1 to i32
      %cond3A_526 = arith.constant 0 : i32
      %cond3A_527 = arith.cmpi ne, %convert_element_type3A_525, %cond3A_526 : i32
      scf.if %cond3A_527 {
        %ge3A = arith.constant 8 : i32
        %ge3A_528 = arith.cmpi sge, %add3A_522, %ge3A : i32
        %convert_element_type3A_529 = arith.extui %ge3A_528 : i1 to i32
        %cond3A_530 = arith.constant 0 : i32
        %cond3A_531 = arith.cmpi ne, %convert_element_type3A_529, %cond3A_530 : i32
        scf.if %cond3A_531 {
          %sub3A = arith.constant 8 : i32
          %sub3A_543 = arith.subi %add3A_522, %sub3A : i32
          %add3A_544 = arith.addi %mul3A_6, %sub3A_543 : i32
          %dma_wait3A_545 = arith.constant 3 : i32
          %dma_wait3A_546 = arith.constant 0 : i32
          %dma_wait3A_547 = arith.constant 0 : i32
          %dma_wait3A_548 = tpu.memref_slice %arg6[%dma_wait3A_545, %dma_wait3A_546, %dma_wait3A_547] : memref<8x56x128xf32, #tpu.memory_space<vmem>> -> memref<1x56x128xf32, #tpu.memory_space<vmem>>
          %dma_wait3A_549 = tpu.memref_squeeze %dma_wait3A_548 : memref<1x56x128xf32, #tpu.memory_space<vmem>> -> memref<56x128xf32, #tpu.memory_space<vmem>>
          %dma_wait3A_550 = arith.constant 0 : i32
          %dma_wait3A_551 = arith.constant 0 : i32
          %dma_wait3A_552 = tpu.memref_slice %arg4[%add3A_544, %dma_wait3A_550, %dma_wait3A_551] : memref<1024x56x128xf32, #tpu.memory_space<hbm>> -> memref<1x56x128xf32, #tpu.memory_space<hbm>>
          %dma_wait3A_553 = tpu.memref_squeeze %dma_wait3A_552 : memref<1x56x128xf32, #tpu.memory_space<hbm>> -> memref<56x128xf32, #tpu.memory_space<hbm>>
          %dma_wait3A_554 = arith.constant 0 : i32
          %dma_wait3A_555 = arith.constant 0 : i32
          %dma_wait3A_556 = tpu.memref_slice %arg4[%add3A_544, %dma_wait3A_554, %dma_wait3A_555] : memref<1024x56x128xf32, #tpu.memory_space<hbm>> -> memref<1x56x128xf32, #tpu.memory_space<hbm>>
          %dma_wait3A_557 = tpu.memref_squeeze %dma_wait3A_556 : memref<1x56x128xf32, #tpu.memory_space<hbm>> -> memref<56x128xf32, #tpu.memory_space<hbm>>
          %dma_wait3A_558 = arith.constant 0 : i32
          %dma_wait3A_559 = arith.constant 0 : i32
          %dma_wait3A_560 = tpu.memref_slice %arg6[%dma_wait3A_545, %dma_wait3A_558, %dma_wait3A_559] : memref<8x56x128xf32, #tpu.memory_space<vmem>> -> memref<1x56x128xf32, #tpu.memory_space<vmem>>
          %dma_wait3A_561 = tpu.memref_squeeze %dma_wait3A_560 : memref<1x56x128xf32, #tpu.memory_space<vmem>> -> memref<56x128xf32, #tpu.memory_space<vmem>>
          tpu.wait_dma2 semaphore(%arg18 : memref<!tpu.dma_semaphore, #tpu.memory_space<semaphore_mem>>) src(%dma_wait3A_561 : memref<56x128xf32, #tpu.memory_space<vmem>>) dst(%dma_wait3A_557 : memref<56x128xf32, #tpu.memory_space<hbm>>)
        } else {
        }
        %dma_start3A_532 = arith.constant 3 : i32
        %dma_start3A_533 = arith.constant 0 : i32
        %dma_start3A_534 = arith.constant 0 : i32
        %dma_start3A_535 = tpu.memref_slice %arg6[%dma_start3A_532, %dma_start3A_533, %dma_start3A_534] : memref<8x56x128xf32, #tpu.memory_space<vmem>> -> memref<1x50x128xf32, #tpu.memory_space<vmem>>
        %dma_start3A_536 = tpu.memref_squeeze %dma_start3A_535 : memref<1x50x128xf32, #tpu.memory_space<vmem>> -> memref<50x128xf32, #tpu.memory_space<vmem>>
        %dma_start3A_537 = arith.constant 0 : i32
        %dma_start3A_538 = tpu.memref_slice %arg5[%add3A_522, %dma_start3A_537] : memref<32x50xi32, #tpu.memory_space<vmem>> -> memref<1x50xi32, #tpu.memory_space<vmem>>
        %dma_start3A_539 = tpu.memref_squeeze %dma_start3A_538 : memref<1x50xi32, #tpu.memory_space<vmem>> -> memref<50xi32, #tpu.memory_space<vmem>>
        %dma_start3A_540 = arith.constant 0 : i32
        %dma_start3A_541 = arith.constant 0 : i32
        %dma_start3A_542 = tpu.memref_slice %arg2[%dma_start3A_540, %dma_start3A_541] : memref<100000x128xf32, #tpu.memory_space<hbm>> -> memref<100000x128xf32, #tpu.memory_space<hbm>>
        tpu.enqueue_indirect_dma source(%dma_start3A_542 : memref<100000x128xf32, #tpu.memory_space<hbm>>) target(%dma_start3A_536 : memref<50x128xf32, #tpu.memory_space<vmem>>) offsets(%dma_start3A_539 : memref<50xi32, #tpu.memory_space<vmem>>) semaphore(%arg10 : memref<!tpu.dma_semaphore, #tpu.memory_space<semaphore_mem>>)
      } else {
      }
    }
    %scan3A_58 = arith.constant 4 : i32
    %add3A_59 = arith.constant 24 : i32
    %add3A_60 = arith.addi %mul3A_6, %add3A_59 : i32
    %dma_wait3A = arith.constant 0 : i32
    %dma_wait3A_61 = arith.constant 0 : i32
    %dma_wait3A_62 = arith.constant 0 : i32
    %dma_wait3A_63 = tpu.memref_slice %arg6[%dma_wait3A, %dma_wait3A_61, %dma_wait3A_62] : memref<8x56x128xf32, #tpu.memory_space<vmem>> -> memref<1x56x128xf32, #tpu.memory_space<vmem>>
    %dma_wait3A_64 = tpu.memref_squeeze %dma_wait3A_63 : memref<1x56x128xf32, #tpu.memory_space<vmem>> -> memref<56x128xf32, #tpu.memory_space<vmem>>
    %dma_wait3A_65 = arith.constant 0 : i32
    %dma_wait3A_66 = arith.constant 0 : i32
    %dma_wait3A_67 = tpu.memref_slice %arg4[%add3A_60, %dma_wait3A_65, %dma_wait3A_66] : memref<1024x56x128xf32, #tpu.memory_space<hbm>> -> memref<1x56x128xf32, #tpu.memory_space<hbm>>
    %dma_wait3A_68 = tpu.memref_squeeze %dma_wait3A_67 : memref<1x56x128xf32, #tpu.memory_space<hbm>> -> memref<56x128xf32, #tpu.memory_space<hbm>>
    %dma_wait3A_69 = arith.constant 0 : i32
    %dma_wait3A_70 = arith.constant 0 : i32
    %dma_wait3A_71 = tpu.memref_slice %arg4[%add3A_60, %dma_wait3A_69, %dma_wait3A_70] : memref<1024x56x128xf32, #tpu.memory_space<hbm>> -> memref<1x56x128xf32, #tpu.memory_space<hbm>>
    %dma_wait3A_72 = tpu.memref_squeeze %dma_wait3A_71 : memref<1x56x128xf32, #tpu.memory_space<hbm>> -> memref<56x128xf32, #tpu.memory_space<hbm>>
    %dma_wait3A_73 = arith.constant 0 : i32
    %dma_wait3A_74 = arith.constant 0 : i32
    %dma_wait3A_75 = tpu.memref_slice %arg6[%dma_wait3A, %dma_wait3A_73, %dma_wait3A_74] : memref<8x56x128xf32, #tpu.memory_space<vmem>> -> memref<1x56x128xf32, #tpu.memory_space<vmem>>
    %dma_wait3A_76 = tpu.memref_squeeze %dma_wait3A_75 : memref<1x56x128xf32, #tpu.memory_space<vmem>> -> memref<56x128xf32, #tpu.memory_space<vmem>>
    tpu.wait_dma2 semaphore(%arg15 : memref<!tpu.dma_semaphore, #tpu.memory_space<semaphore_mem>>) src(%dma_wait3A_76 : memref<56x128xf32, #tpu.memory_space<vmem>>) dst(%dma_wait3A_72 : memref<56x128xf32, #tpu.memory_space<hbm>>)
    %add3A_77 = arith.constant 25 : i32
    %add3A_78 = arith.addi %mul3A_6, %add3A_77 : i32
    %dma_wait3A_79 = arith.constant 1 : i32
    %dma_wait3A_80 = arith.constant 0 : i32
    %dma_wait3A_81 = arith.constant 0 : i32
    %dma_wait3A_82 = tpu.memref_slice %arg6[%dma_wait3A_79, %dma_wait3A_80, %dma_wait3A_81] : memref<8x56x128xf32, #tpu.memory_space<vmem>> -> memref<1x56x128xf32, #tpu.memory_space<vmem>>
    %dma_wait3A_83 = tpu.memref_squeeze %dma_wait3A_82 : memref<1x56x128xf32, #tpu.memory_space<vmem>> -> memref<56x128xf32, #tpu.memory_space<vmem>>
    %dma_wait3A_84 = arith.constant 0 : i32
    %dma_wait3A_85 = arith.constant 0 : i32
    %dma_wait3A_86 = tpu.memref_slice %arg4[%add3A_78, %dma_wait3A_84, %dma_wait3A_85] : memref<1024x56x128xf32, #tpu.memory_space<hbm>> -> memref<1x56x128xf32, #tpu.memory_space<hbm>>
    %dma_wait3A_87 = tpu.memref_squeeze %dma_wait3A_86 : memref<1x56x128xf32, #tpu.memory_space<hbm>> -> memref<56x128xf32, #tpu.memory_space<hbm>>
    %dma_wait3A_88 = arith.constant 0 : i32
    %dma_wait3A_89 = arith.constant 0 : i32
    %dma_wait3A_90 = tpu.memref_slice %arg4[%add3A_78, %dma_wait3A_88, %dma_wait3A_89] : memref<1024x56x128xf32, #tpu.memory_space<hbm>> -> memref<1x56x128xf32, #tpu.memory_space<hbm>>
    %dma_wait3A_91 = tpu.memref_squeeze %dma_wait3A_90 : memref<1x56x128xf32, #tpu.memory_space<hbm>> -> memref<56x128xf32, #tpu.memory_space<hbm>>
    %dma_wait3A_92 = arith.constant 0 : i32
    %dma_wait3A_93 = arith.constant 0 : i32
    %dma_wait3A_94 = tpu.memref_slice %arg6[%dma_wait3A_79, %dma_wait3A_92, %dma_wait3A_93] : memref<8x56x128xf32, #tpu.memory_space<vmem>> -> memref<1x56x128xf32, #tpu.memory_space<vmem>>
    %dma_wait3A_95 = tpu.memref_squeeze %dma_wait3A_94 : memref<1x56x128xf32, #tpu.memory_space<vmem>> -> memref<56x128xf32, #tpu.memory_space<vmem>>
    tpu.wait_dma2 semaphore(%arg16 : memref<!tpu.dma_semaphore, #tpu.memory_space<semaphore_mem>>) src(%dma_wait3A_95 : memref<56x128xf32, #tpu.memory_space<vmem>>) dst(%dma_wait3A_91 : memref<56x128xf32, #tpu.memory_space<hbm>>)
    %add3A_96 = arith.constant 26 : i32
    %add3A_97 = arith.addi %mul3A_6, %add3A_96 : i32
    %dma_wait3A_98 = arith.constant 2 : i32
    %dma_wait3A_99 = arith.constant 0 : i32
    %dma_wait3A_100 = arith.constant 0 : i32
    %dma_wait3A_101 = tpu.memref_slice %arg6[%dma_wait3A_98, %dma_wait3A_99, %dma_wait3A_100] : memref<8x56x128xf32, #tpu.memory_space<vmem>> -> memref<1x56x128xf32, #tpu.memory_space<vmem>>
    %dma_wait3A_102 = tpu.memref_squeeze %dma_wait3A_101 : memref<1x56x128xf32, #tpu.memory_space<vmem>> -> memref<56x128xf32, #tpu.memory_space<vmem>>
    %dma_wait3A_103 = arith.constant 0 : i32
    %dma_wait3A_104 = arith.constant 0 : i32
    %dma_wait3A_105 = tpu.memref_slice %arg4[%add3A_97, %dma_wait3A_103, %dma_wait3A_104] : memref<1024x56x128xf32, #tpu.memory_space<hbm>> -> memref<1x56x128xf32, #tpu.memory_space<hbm>>
    %dma_wait3A_106 = tpu.memref_squeeze %dma_wait3A_105 : memref<1x56x128xf32, #tpu.memory_space<hbm>> -> memref<56x128xf32, #tpu.memory_space<hbm>>
    %dma_wait3A_107 = arith.constant 0 : i32
    %dma_wait3A_108 = arith.constant 0 : i32
    %dma_wait3A_109 = tpu.memref_slice %arg4[%add3A_97, %dma_wait3A_107, %dma_wait3A_108] : memref<1024x56x128xf32, #tpu.memory_space<hbm>> -> memref<1x56x128xf32, #tpu.memory_space<hbm>>
    %dma_wait3A_110 = tpu.memref_squeeze %dma_wait3A_109 : memref<1x56x128xf32, #tpu.memory_space<hbm>> -> memref<56x128xf32, #tpu.memory_space<hbm>>
    %dma_wait3A_111 = arith.constant 0 : i32
    %dma_wait3A_112 = arith.constant 0 : i32
    %dma_wait3A_113 = tpu.memref_slice %arg6[%dma_wait3A_98, %dma_wait3A_111, %dma_wait3A_112] : memref<8x56x128xf32, #tpu.memory_space<vmem>> -> memref<1x56x128xf32, #tpu.memory_space<vmem>>
    %dma_wait3A_114 = tpu.memref_squeeze %dma_wait3A_113 : memref<1x56x128xf32, #tpu.memory_space<vmem>> -> memref<56x128xf32, #tpu.memory_space<vmem>>
    tpu.wait_dma2 semaphore(%arg17 : memref<!tpu.dma_semaphore, #tpu.memory_space<semaphore_mem>>) src(%dma_wait3A_114 : memref<56x128xf32, #tpu.memory_space<vmem>>) dst(%dma_wait3A_110 : memref<56x128xf32, #tpu.memory_space<hbm>>)
    %add3A_115 = arith.constant 27 : i32
    %add3A_116 = arith.addi %mul3A_6, %add3A_115 : i32
    %dma_wait3A_117 = arith.constant 3 : i32
    %dma_wait3A_118 = arith.constant 0 : i32
    %dma_wait3A_119 = arith.constant 0 : i32
    %dma_wait3A_120 = tpu.memref_slice %arg6[%dma_wait3A_117, %dma_wait3A_118, %dma_wait3A_119] : memref<8x56x128xf32, #tpu.memory_space<vmem>> -> memref<1x56x128xf32, #tpu.memory_space<vmem>>
    %dma_wait3A_121 = tpu.memref_squeeze %dma_wait3A_120 : memref<1x56x128xf32, #tpu.memory_space<vmem>> -> memref<56x128xf32, #tpu.memory_space<vmem>>
    %dma_wait3A_122 = arith.constant 0 : i32
    %dma_wait3A_123 = arith.constant 0 : i32
    %dma_wait3A_124 = tpu.memref_slice %arg4[%add3A_116, %dma_wait3A_122, %dma_wait3A_123] : memref<1024x56x128xf32, #tpu.memory_space<hbm>> -> memref<1x56x128xf32, #tpu.memory_space<hbm>>
    %dma_wait3A_125 = tpu.memref_squeeze %dma_wait3A_124 : memref<1x56x128xf32, #tpu.memory_space<hbm>> -> memref<56x128xf32, #tpu.memory_space<hbm>>
    %dma_wait3A_126 = arith.constant 0 : i32
    %dma_wait3A_127 = arith.constant 0 : i32
    %dma_wait3A_128 = tpu.memref_slice %arg4[%add3A_116, %dma_wait3A_126, %dma_wait3A_127] : memref<1024x56x128xf32, #tpu.memory_space<hbm>> -> memref<1x56x128xf32, #tpu.memory_space<hbm>>
    %dma_wait3A_129 = tpu.memref_squeeze %dma_wait3A_128 : memref<1x56x128xf32, #tpu.memory_space<hbm>> -> memref<56x128xf32, #tpu.memory_space<hbm>>
    %dma_wait3A_130 = arith.constant 0 : i32
    %dma_wait3A_131 = arith.constant 0 : i32
    %dma_wait3A_132 = tpu.memref_slice %arg6[%dma_wait3A_117, %dma_wait3A_130, %dma_wait3A_131] : memref<8x56x128xf32, #tpu.memory_space<vmem>> -> memref<1x56x128xf32, #tpu.memory_space<vmem>>
    %dma_wait3A_133 = tpu.memref_squeeze %dma_wait3A_132 : memref<1x56x128xf32, #tpu.memory_space<vmem>> -> memref<56x128xf32, #tpu.memory_space<vmem>>
    tpu.wait_dma2 semaphore(%arg18 : memref<!tpu.dma_semaphore, #tpu.memory_space<semaphore_mem>>) src(%dma_wait3A_133 : memref<56x128xf32, #tpu.memory_space<vmem>>) dst(%dma_wait3A_129 : memref<56x128xf32, #tpu.memory_space<hbm>>)
    %add3A_134 = arith.constant 28 : i32
    %add3A_135 = arith.addi %mul3A_6, %add3A_134 : i32
    %dma_wait3A_136 = arith.constant 4 : i32
    %dma_wait3A_137 = arith.constant 0 : i32
    %dma_wait3A_138 = arith.constant 0 : i32
    %dma_wait3A_139 = tpu.memref_slice %arg6[%dma_wait3A_136, %dma_wait3A_137, %dma_wait3A_138] : memref<8x56x128xf32, #tpu.memory_space<vmem>> -> memref<1x56x128xf32, #tpu.memory_space<vmem>>
    %dma_wait3A_140 = tpu.memref_squeeze %dma_wait3A_139 : memref<1x56x128xf32, #tpu.memory_space<vmem>> -> memref<56x128xf32, #tpu.memory_space<vmem>>
    %dma_wait3A_141 = arith.constant 0 : i32
    %dma_wait3A_142 = arith.constant 0 : i32
    %dma_wait3A_143 = tpu.memref_slice %arg4[%add3A_135, %dma_wait3A_141, %dma_wait3A_142] : memref<1024x56x128xf32, #tpu.memory_space<hbm>> -> memref<1x56x128xf32, #tpu.memory_space<hbm>>
    %dma_wait3A_144 = tpu.memref_squeeze %dma_wait3A_143 : memref<1x56x128xf32, #tpu.memory_space<hbm>> -> memref<56x128xf32, #tpu.memory_space<hbm>>
    %dma_wait3A_145 = arith.constant 0 : i32
    %dma_wait3A_146 = arith.constant 0 : i32
    %dma_wait3A_147 = tpu.memref_slice %arg4[%add3A_135, %dma_wait3A_145, %dma_wait3A_146] : memref<1024x56x128xf32, #tpu.memory_space<hbm>> -> memref<1x56x128xf32, #tpu.memory_space<hbm>>
    %dma_wait3A_148 = tpu.memref_squeeze %dma_wait3A_147 : memref<1x56x128xf32, #tpu.memory_space<hbm>> -> memref<56x128xf32, #tpu.memory_space<hbm>>
    %dma_wait3A_149 = arith.constant 0 : i32
    %dma_wait3A_150 = arith.constant 0 : i32
    %dma_wait3A_151 = tpu.memref_slice %arg6[%dma_wait3A_136, %dma_wait3A_149, %dma_wait3A_150] : memref<8x56x128xf32, #tpu.memory_space<vmem>> -> memref<1x56x128xf32, #tpu.memory_space<vmem>>
    %dma_wait3A_152 = tpu.memref_squeeze %dma_wait3A_151 : memref<1x56x128xf32, #tpu.memory_space<vmem>> -> memref<56x128xf32, #tpu.memory_space<vmem>>
    tpu.wait_dma2 semaphore(%arg19 : memref<!tpu.dma_semaphore, #tpu.memory_space<semaphore_mem>>) src(%dma_wait3A_152 : memref<56x128xf32, #tpu.memory_space<vmem>>) dst(%dma_wait3A_148 : memref<56x128xf32, #tpu.memory_space<hbm>>)
    %add3A_153 = arith.constant 29 : i32
    %add3A_154 = arith.addi %mul3A_6, %add3A_153 : i32
    %dma_wait3A_155 = arith.constant 5 : i32
    %dma_wait3A_156 = arith.constant 0 : i32
    %dma_wait3A_157 = arith.constant 0 : i32
    %dma_wait3A_158 = tpu.memref_slice %arg6[%dma_wait3A_155, %dma_wait3A_156, %dma_wait3A_157] : memref<8x56x128xf32, #tpu.memory_space<vmem>> -> memref<1x56x128xf32, #tpu.memory_space<vmem>>
    %dma_wait3A_159 = tpu.memref_squeeze %dma_wait3A_158 : memref<1x56x128xf32, #tpu.memory_space<vmem>> -> memref<56x128xf32, #tpu.memory_space<vmem>>
    %dma_wait3A_160 = arith.constant 0 : i32
    %dma_wait3A_161 = arith.constant 0 : i32
    %dma_wait3A_162 = tpu.memref_slice %arg4[%add3A_154, %dma_wait3A_160, %dma_wait3A_161] : memref<1024x56x128xf32, #tpu.memory_space<hbm>> -> memref<1x56x128xf32, #tpu.memory_space<hbm>>
    %dma_wait3A_163 = tpu.memref_squeeze %dma_wait3A_162 : memref<1x56x128xf32, #tpu.memory_space<hbm>> -> memref<56x128xf32, #tpu.memory_space<hbm>>
    %dma_wait3A_164 = arith.constant 0 : i32
    %dma_wait3A_165 = arith.constant 0 : i32
    %dma_wait3A_166 = tpu.memref_slice %arg4[%add3A_154, %dma_wait3A_164, %dma_wait3A_165] : memref<1024x56x128xf32, #tpu.memory_space<hbm>> -> memref<1x56x128xf32, #tpu.memory_space<hbm>>
    %dma_wait3A_167 = tpu.memref_squeeze %dma_wait3A_166 : memref<1x56x128xf32, #tpu.memory_space<hbm>> -> memref<56x128xf32, #tpu.memory_space<hbm>>
    %dma_wait3A_168 = arith.constant 0 : i32
    %dma_wait3A_169 = arith.constant 0 : i32
    %dma_wait3A_170 = tpu.memref_slice %arg6[%dma_wait3A_155, %dma_wait3A_168, %dma_wait3A_169] : memref<8x56x128xf32, #tpu.memory_space<vmem>> -> memref<1x56x128xf32, #tpu.memory_space<vmem>>
    %dma_wait3A_171 = tpu.memref_squeeze %dma_wait3A_170 : memref<1x56x128xf32, #tpu.memory_space<vmem>> -> memref<56x128xf32, #tpu.memory_space<vmem>>
    tpu.wait_dma2 semaphore(%arg20 : memref<!tpu.dma_semaphore, #tpu.memory_space<semaphore_mem>>) src(%dma_wait3A_171 : memref<56x128xf32, #tpu.memory_space<vmem>>) dst(%dma_wait3A_167 : memref<56x128xf32, #tpu.memory_space<hbm>>)
    %add3A_172 = arith.constant 30 : i32
    %add3A_173 = arith.addi %mul3A_6, %add3A_172 : i32
    %dma_wait3A_174 = arith.constant 6 : i32
    %dma_wait3A_175 = arith.constant 0 : i32
    %dma_wait3A_176 = arith.constant 0 : i32
    %dma_wait3A_177 = tpu.memref_slice %arg6[%dma_wait3A_174, %dma_wait3A_175, %dma_wait3A_176] : memref<8x56x128xf32, #tpu.memory_space<vmem>> -> memref<1x56x128xf32, #tpu.memory_space<vmem>>
    %dma_wait3A_178 = tpu.memref_squeeze %dma_wait3A_177 : memref<1x56x128xf32, #tpu.memory_space<vmem>> -> memref<56x128xf32, #tpu.memory_space<vmem>>
    %dma_wait3A_179 = arith.constant 0 : i32
    %dma_wait3A_180 = arith.constant 0 : i32
    %dma_wait3A_181 = tpu.memref_slice %arg4[%add3A_173, %dma_wait3A_179, %dma_wait3A_180] : memref<1024x56x128xf32, #tpu.memory_space<hbm>> -> memref<1x56x128xf32, #tpu.memory_space<hbm>>
    %dma_wait3A_182 = tpu.memref_squeeze %dma_wait3A_181 : memref<1x56x128xf32, #tpu.memory_space<hbm>> -> memref<56x128xf32, #tpu.memory_space<hbm>>
    %dma_wait3A_183 = arith.constant 0 : i32
    %dma_wait3A_184 = arith.constant 0 : i32
    %dma_wait3A_185 = tpu.memref_slice %arg4[%add3A_173, %dma_wait3A_183, %dma_wait3A_184] : memref<1024x56x128xf32, #tpu.memory_space<hbm>> -> memref<1x56x128xf32, #tpu.memory_space<hbm>>
    %dma_wait3A_186 = tpu.memref_squeeze %dma_wait3A_185 : memref<1x56x128xf32, #tpu.memory_space<hbm>> -> memref<56x128xf32, #tpu.memory_space<hbm>>
    %dma_wait3A_187 = arith.constant 0 : i32
    %dma_wait3A_188 = arith.constant 0 : i32
    %dma_wait3A_189 = tpu.memref_slice %arg6[%dma_wait3A_174, %dma_wait3A_187, %dma_wait3A_188] : memref<8x56x128xf32, #tpu.memory_space<vmem>> -> memref<1x56x128xf32, #tpu.memory_space<vmem>>
    %dma_wait3A_190 = tpu.memref_squeeze %dma_wait3A_189 : memref<1x56x128xf32, #tpu.memory_space<vmem>> -> memref<56x128xf32, #tpu.memory_space<vmem>>
    tpu.wait_dma2 semaphore(%arg21 : memref<!tpu.dma_semaphore, #tpu.memory_space<semaphore_mem>>) src(%dma_wait3A_190 : memref<56x128xf32, #tpu.memory_space<vmem>>) dst(%dma_wait3A_186 : memref<56x128xf32, #tpu.memory_space<hbm>>)
    %add3A_191 = arith.constant 31 : i32
    %add3A_192 = arith.addi %mul3A_6, %add3A_191 : i32
    %dma_wait3A_193 = arith.constant 7 : i32
    %dma_wait3A_194 = arith.constant 0 : i32
    %dma_wait3A_195 = arith.constant 0 : i32
    %dma_wait3A_196 = tpu.memref_slice %arg6[%dma_wait3A_193, %dma_wait3A_194, %dma_wait3A_195] : memref<8x56x128xf32, #tpu.memory_space<vmem>> -> memref<1x56x128xf32, #tpu.memory_space<vmem>>
    %dma_wait3A_197 = tpu.memref_squeeze %dma_wait3A_196 : memref<1x56x128xf32, #tpu.memory_space<vmem>> -> memref<56x128xf32, #tpu.memory_space<vmem>>
    %dma_wait3A_198 = arith.constant 0 : i32
    %dma_wait3A_199 = arith.constant 0 : i32
    %dma_wait3A_200 = tpu.memref_slice %arg4[%add3A_192, %dma_wait3A_198, %dma_wait3A_199] : memref<1024x56x128xf32, #tpu.memory_space<hbm>> -> memref<1x56x128xf32, #tpu.memory_space<hbm>>
    %dma_wait3A_201 = tpu.memref_squeeze %dma_wait3A_200 : memref<1x56x128xf32, #tpu.memory_space<hbm>> -> memref<56x128xf32, #tpu.memory_space<hbm>>
    %dma_wait3A_202 = arith.constant 0 : i32
    %dma_wait3A_203 = arith.constant 0 : i32
    %dma_wait3A_204 = tpu.memref_slice %arg4[%add3A_192, %dma_wait3A_202, %dma_wait3A_203] : memref<1024x56x128xf32, #tpu.memory_space<hbm>> -> memref<1x56x128xf32, #tpu.memory_space<hbm>>
    %dma_wait3A_205 = tpu.memref_squeeze %dma_wait3A_204 : memref<1x56x128xf32, #tpu.memory_space<hbm>> -> memref<56x128xf32, #tpu.memory_space<hbm>>
    %dma_wait3A_206 = arith.constant 0 : i32
    %dma_wait3A_207 = arith.constant 0 : i32
    %dma_wait3A_208 = tpu.memref_slice %arg6[%dma_wait3A_193, %dma_wait3A_206, %dma_wait3A_207] : memref<8x56x128xf32, #tpu.memory_space<vmem>> -> memref<1x56x128xf32, #tpu.memory_space<vmem>>
    %dma_wait3A_209 = tpu.memref_squeeze %dma_wait3A_208 : memref<1x56x128xf32, #tpu.memory_space<vmem>> -> memref<56x128xf32, #tpu.memory_space<vmem>>
    tpu.wait_dma2 semaphore(%arg22 : memref<!tpu.dma_semaphore, #tpu.memory_space<semaphore_mem>>) src(%dma_wait3A_209 : memref<56x128xf32, #tpu.memory_space<vmem>>) dst(%dma_wait3A_205 : memref<56x128xf32, #tpu.memory_space<hbm>>)
    return
  }
}

module attributes {stable_mosaic.version = 14 : i64} {
  func.func @_tc_body_rest(%arg0: i32, %arg1: memref<4096x50x128xf32, #tpu.memory_space<any>>, %arg2: memref<64x56x128xf32, #tpu.memory_space<vmem>>, %arg3: memref<64x50x128xf32, #tpu.memory_space<vmem>>) attributes {dimension_semantics = [#tpu.dimension_semantics<arbitrary>], iteration_bounds = array<i64: 16>, scalar_prefetch = 0 : i64, scratch_operands = 0 : i64, tpu.core_type = #tpu.core_type<tc>, window_params = [{}, {transform_indices = @transform_1, window_bounds = array<i64: 64, 56, 128>}, {transform_indices = @transform_2, window_bounds = array<i64: 64, 50, 128>}]} {
    %get3A = arith.constant 0 : index
    %get3A_0 = arith.constant 0 : index
    %get3A_1 = arith.constant 0 : index
    %get3A_2 = vector.load %arg2[%get3A, %get3A_0, %get3A_1] : memref<64x56x128xf32, #tpu.memory_space<vmem>>, vector<64x50x128xf32>
    %mul3A = arith.constant 11.3137083 : f32
    %mul3A_3 = vector.broadcast %mul3A : f32 to vector<64x50x128xf32>
    %mul3A_4 = arith.mulf %get3A_2, %mul3A_3 : vector<64x50x128xf32>
    %swap3A = arith.constant 0 : index
    %swap3A_5 = arith.constant 0 : index
    %swap3A_6 = arith.constant 0 : index
    %swap3A_7 = vector.load %arg3[%swap3A, %swap3A_5, %swap3A_6] : memref<64x50x128xf32, #tpu.memory_space<vmem>>, vector<64x50x128xf32>
    tpu.vector_store %arg3[%swap3A, %swap3A_5, %swap3A_6], %mul3A_4 {strides = array<i32>} : memref<64x50x128xf32, #tpu.memory_space<vmem>>, vector<64x50x128xf32>,
    return
  }
  func.func @transform_1(%arg0: i32) -> (i32, i32, i32) {
    %c0_i32 = arith.constant 0 : i32
    %c0_i32_0 = arith.constant 0 : i32
    %c0_i32_1 = arith.constant 0 : i32
    return %arg0, %c0_i32, %c0_i32_0 : i32, i32, i32
  }
  func.func @transform_2(%arg0: i32) -> (i32, i32, i32) {
    %add3A = arith.constant 32 : i32
    %add3A_0 = arith.addi %add3A, %arg0 : i32
    %c0_i32 = arith.constant 0 : i32
    %c0_i32_1 = arith.constant 0 : i32
    %c0_i32_2 = arith.constant 0 : i32
    return %add3A_0, %c0_i32, %c0_i32_1 : i32, i32, i32
  }
}

module attributes {stable_mosaic.version = 14 : i64} {
  func.func @_tc_body_rest(%arg0: i32, %arg1: memref<4096x50x128xf32, #tpu.memory_space<any>>, %arg2: memref<64x56x128xf32, #tpu.memory_space<vmem>>, %arg3: memref<64x50x128xf32, #tpu.memory_space<vmem>>) attributes {dimension_semantics = [#tpu.dimension_semantics<arbitrary>], iteration_bounds = array<i64: 16>, scalar_prefetch = 0 : i64, scratch_operands = 0 : i64, tpu.core_type = #tpu.core_type<tc>, window_params = [{}, {transform_indices = @transform_1, window_bounds = array<i64: 64, 56, 128>}, {transform_indices = @transform_2, window_bounds = array<i64: 64, 50, 128>}]} {
    %get3A = arith.constant 0 : index
    %get3A_0 = arith.constant 0 : index
    %get3A_1 = arith.constant 0 : index
    %get3A_2 = vector.load %arg2[%get3A, %get3A_0, %get3A_1] : memref<64x56x128xf32, #tpu.memory_space<vmem>>, vector<64x50x128xf32>
    %mul3A = arith.constant 11.3137083 : f32
    %mul3A_3 = vector.broadcast %mul3A : f32 to vector<64x50x128xf32>
    %mul3A_4 = arith.mulf %get3A_2, %mul3A_3 : vector<64x50x128xf32>
    %swap3A = arith.constant 0 : index
    %swap3A_5 = arith.constant 0 : index
    %swap3A_6 = arith.constant 0 : index
    %swap3A_7 = vector.load %arg3[%swap3A, %swap3A_5, %swap3A_6] : memref<64x50x128xf32, #tpu.memory_space<vmem>>, vector<64x50x128xf32>
    tpu.vector_store %arg3[%swap3A, %swap3A_5, %swap3A_6], %mul3A_4 {strides = array<i32>} : memref<64x50x128xf32, #tpu.memory_space<vmem>>, vector<64x50x128xf32>,
    return
  }
  func.func @transform_1(%arg0: i32) -> (i32, i32, i32) {
    %c0_i32 = arith.constant 0 : i32
    %c0_i32_0 = arith.constant 0 : i32
    %c0_i32_1 = arith.constant 0 : i32
    return %arg0, %c0_i32, %c0_i32_0 : i32, i32, i32
  }
  func.func @transform_2(%arg0: i32) -> (i32, i32, i32) {
    %add3A = arith.constant 16 : i32
    %add3A_0 = arith.addi %add3A, %arg0 : i32
    %c0_i32 = arith.constant 0 : i32
    %c0_i32_1 = arith.constant 0 : i32
    %c0_i32_2 = arith.constant 0 : i32
    return %add3A_0, %c0_i32, %c0_i32_1 : i32, i32, i32
  }
}

module attributes {stable_mosaic.version = 14 : i64} {
  func.func @_tc_body_first(%arg0: i32, %arg1: memref<64x56x128xf32, #tpu.memory_space<vmem>>, %arg2: memref<64x50x128xf32, #tpu.memory_space<vmem>>) attributes {dimension_semantics = [#tpu.dimension_semantics<arbitrary>], iteration_bounds = array<i64: 16>, scalar_prefetch = 0 : i64, scratch_operands = 0 : i64, tpu.core_type = #tpu.core_type<tc>, window_params = [{transform_indices = @transform_0, window_bounds = array<i64: 64, 56, 128>}, {transform_indices = @transform_1, window_bounds = array<i64: 64, 50, 128>}]} {
    %get3A = arith.constant 0 : index
    %get3A_0 = arith.constant 0 : index
    %get3A_1 = arith.constant 0 : index
    %get3A_2 = vector.load %arg1[%get3A, %get3A_0, %get3A_1] : memref<64x56x128xf32, #tpu.memory_space<vmem>>, vector<64x50x128xf32>
    %mul3A = arith.constant 11.3137083 : f32
    %mul3A_3 = vector.broadcast %mul3A : f32 to vector<64x50x128xf32>
    %mul3A_4 = arith.mulf %get3A_2, %mul3A_3 : vector<64x50x128xf32>
    %swap3A = arith.constant 0 : index
    %swap3A_5 = arith.constant 0 : index
    %swap3A_6 = arith.constant 0 : index
    %swap3A_7 = vector.load %arg2[%swap3A, %swap3A_5, %swap3A_6] : memref<64x50x128xf32, #tpu.memory_space<vmem>>, vector<64x50x128xf32>
    tpu.vector_store %arg2[%swap3A, %swap3A_5, %swap3A_6], %mul3A_4 {strides = array<i32>} : memref<64x50x128xf32, #tpu.memory_space<vmem>>, vector<64x50x128xf32>,
    return
  }
  func.func @transform_0(%arg0: i32) -> (i32, i32, i32) {
    %c0_i32 = arith.constant 0 : i32
    %c0_i32_0 = arith.constant 0 : i32
    %c0_i32_1 = arith.constant 0 : i32
    return %arg0, %c0_i32, %c0_i32_0 : i32, i32, i32
  }
  func.func @transform_1(%arg0: i32) -> (i32, i32, i32) {
    %add3A = arith.constant 0 : i32
    %add3A_0 = arith.addi %add3A, %arg0 : i32
    %c0_i32 = arith.constant 0 : i32
    %c0_i32_1 = arith.constant 0 : i32
    %c0_i32_2 = arith.constant 0 : i32
    return %add3A_0, %c0_i32, %c0_i32_1 : i32, i32, i32
  }
}

module attributes {stable_mosaic.version = 14 : i64} {
  func.func @_tc_body_rest(%arg0: i32, %arg1: memref<4096x50x128xf32, #tpu.memory_space<any>>, %arg2: memref<64x56x128xf32, #tpu.memory_space<vmem>>, %arg3: memref<64x50x128xf32, #tpu.memory_space<vmem>>) attributes {dimension_semantics = [#tpu.dimension_semantics<arbitrary>], iteration_bounds = array<i64: 16>, scalar_prefetch = 0 : i64, scratch_operands = 0 : i64, tpu.core_type = #tpu.core_type<tc>, window_params = [{}, {transform_indices = @transform_1, window_bounds = array<i64: 64, 56, 128>}, {transform_indices = @transform_2, window_bounds = array<i64: 64, 50, 128>}]} {
    %get3A = arith.constant 0 : index
    %get3A_0 = arith.constant 0 : index
    %get3A_1 = arith.constant 0 : index
    %get3A_2 = vector.load %arg2[%get3A, %get3A_0, %get3A_1] : memref<64x56x128xf32, #tpu.memory_space<vmem>>, vector<64x50x128xf32>
    %mul3A = arith.constant 11.3137083 : f32
    %mul3A_3 = vector.broadcast %mul3A : f32 to vector<64x50x128xf32>
    %mul3A_4 = arith.mulf %get3A_2, %mul3A_3 : vector<64x50x128xf32>
    %swap3A = arith.constant 0 : index
    %swap3A_5 = arith.constant 0 : index
    %swap3A_6 = arith.constant 0 : index
    %swap3A_7 = vector.load %arg3[%swap3A, %swap3A_5, %swap3A_6] : memref<64x50x128xf32, #tpu.memory_space<vmem>>, vector<64x50x128xf32>
    tpu.vector_store %arg3[%swap3A, %swap3A_5, %swap3A_6], %mul3A_4 {strides = array<i32>} : memref<64x50x128xf32, #tpu.memory_space<vmem>>, vector<64x50x128xf32>,
    return
  }
  func.func @transform_1(%arg0: i32) -> (i32, i32, i32) {
    %c0_i32 = arith.constant 0 : i32
    %c0_i32_0 = arith.constant 0 : i32
    %c0_i32_1 = arith.constant 0 : i32
    return %arg0, %c0_i32, %c0_i32_0 : i32, i32, i32
  }
  func.func @transform_2(%arg0: i32) -> (i32, i32, i32) {
    %add3A = arith.constant 48 : i32
    %add3A_0 = arith.addi %add3A, %arg0 : i32
    %c0_i32 = arith.constant 0 : i32
    %c0_i32_1 = arith.constant 0 : i32
    %c0_i32_2 = arith.constant 0 : i32
    return %add3A_0, %c0_i32, %c0_i32_1 : i32, i32, i32
  }
}

</mosaic_0001>

<sc_bundles>
// kernel: kernel.10.cloned.1.call-start
scs
__scs_entry_jumppad:
0x0: {  	(pc) =	sbr.rel $0x88, $3  }
0x1: {  	(tag) =	ssettag $0x0;
	lr =	simm.s32 $0x1  }
0x2: {  	[smem:$0x3F9F] =	sst lr;
	_ =	strace $0xD0000000  }
0x3: {  	_ = 	snop  }
0x4: {  	_ = 	snop  }
0x5: {  	_ = 	snop  }
0x6: {  	_ = 	snop  }
0x7: {  	_ = 	snop  }
__scs_overlays_trampoline_lowered:
0x8: {  	[smem:$0x3FAE] =	sst s0  }
0x9: {  	[smem:$0x3FAF] =	sst s1  }
0xa: {  	[smem:$0x3FB0] =	sst s2  }
0xb: {  	[smem:$0x3FB1] =	sst s3  }
0xc: {  	[smem:$0x3FB2] =	sst s4  }
0xd: {  	[smem:$0x3FB3] =	sst s5  }
0xe: {  	[smem:$0x3FB4] =	sst s6  }
0xf: {  	[smem:$0x3FB5] =	sst s7  }
0x10: {  	[smem:$0x3FB6] =	sst s8  }
0x11: {  	[smem:$0x3FB7] =	sst s9;
	s0 =	simm.s32 @!p0 $0x0  }
0x12: {  	s1 =	sld [smem:$0x3F9D];
	s0 =	simm.s32 @p0 $0x1  }
0x13: {  	[smem:$0x3FB8] =	sst s0;
	s0 =	simm.s32 @!p1 $0x0  }
0x14: {  	s2 =	sld [smem:$0x3F9C];
	s0 =	simm.s32 @p1 $0x1  }
0x15: {  	[smem:$0x3FB9] =	sst s0;
	s0 =	simm.s32 @!p2 $0x0  }
0x16: {  	s3 =	sld [smem:$0x3FDB];
	s0 =	simm.s32 @p2 $0x1  }
0x17: {  	s4 =	simm.s32 $0x1BF5;
	[smem:$0x3FBB] =	sst s0  }
0x18: {  	s0 =	sld [smem:$0x3F9E];
	_ =	swait.ge [sflag:s4], $0x0  }
0x19: {  	s7 =	sld [smem:$0x3F9F]  }
0x1a: {  	s8 =	sadd.s32 $0xFFFFE003, lr  }
0x1b: {  	s9 =	sadd.s32 $0xFFFFFEF7, lr;
	s5 =	simm.s32 $0xFFFFFFFF;
	p2 =	slt.u32 s8, $0xFFFFF086  }
0x1c: {  	p1 =	slt.u32 s9, $0xF7A;
	s5 =	simm.s32 @!p2 $0x0  }
0x1d: {  	s5 =	simm.s32 @p1 $0x1;
	p0 =	seq.s32 s7, s2  }
0x1e: {  	s7 =	smul.u32 @!p0 $0xF7A, s2;
	p2 =	seq.s32 @!p0 s5, $0x0  }
0x1f: {  	s9 =	smul.u32 $0xF7A, s1;
	s8 =	simm.s32 @!p0 $0x1BF5;
	p2 =	por !p2, p0  }
0x20: {  	[sflag:s8] =	ssyncset.s32 @!p0 $0xFFFFF086;
	s6 =	sadd.s32 @!p0 s3, s7;
	s7 =	simm.s32 @!p0 $0x108  }
0x21: {  	s3 =	sadd.s32 s3, s9;
	s6 =	sadd.s32 @!p0 $0x88, s6;
	s7 =	simm.s32 @p2 $0x1082  }
0x22: {  	[simem:s7], [sflag:s8] =	dma.local @!p0 [hbm:s6], $0xF7A  }
0x23: {  	s9 =	sor.u32 $0xD0000000, s2;
	s6 =	simm.s32 $0x108;
	_ =	swait.ge @!p0 [sflag:s8], $0x0  }
0x24: {  	s3 =	sadd.s32 $0x88, s3;
	s6 =	simm.s32 @!p1 $0x1082;
	[sflag:s4] =	ssyncset.s32 $0xFFFFF086  }
0x25: {  	[simem:s6], [sflag:s4] =	dma.local [hbm:s3], $0xF7A  }
0x26: {  	[smem:$0x3F9F] =	sst s1;
	(tag) =	ssettag s2;
	_ =	strace s9  }
0x27: {  	s1 =	sld [smem:$0x3FAF]  }
0x28: {  	s2 =	sld [smem:$0x3FB0]  }
0x29: {  	s4 =	sld [smem:$0x3FB2]  }
0x2a: {  	p0 =	seq.s32 s5, $0x0;
	s5 =	sld [smem:$0x3FB3]  }
0x2b: {  	s6 =	sld [smem:$0x3FB4]  }
0x2c: {  	s7 =	sld [smem:$0x3FB5]  }
0x2d: {  	s3 =	simm.s32 $0x108;
	s8 =	sld [smem:$0x3FB6]  }
0x2e: {  	s3 =	simm.s32 @!p0 $0x1082;
	s9 =	sld [smem:$0x3FB7]  }
0x2f: {  	lr =	sadd.s32 s0, s3;
	s0 =	sld [smem:$0x3FAE]  }
0x30: {  	s3 =	sld [smem:$0x3FB1]  }
0x31: {  	[smem:$0x3FBA] =	sst s10  }
0x32: {  	s10 =	sld [smem:$0x3FB8];
	_ =	sdelay $0x3  }
0x33: {  	p0 =	seq.s32 s10, $0x1;
	s10 =	sld [smem:$0x3FBA];
	_ =	sdelay $0x3  }
0x34: {  	[smem:$0x3FBA] =	sst s10  }
0x35: {  	s10 =	sld [smem:$0x3FB9];
	_ =	sdelay $0x3  }
0x36: {  	p1 =	seq.s32 s10, $0x1;
	s10 =	sld [smem:$0x3FBA];
	_ =	sdelay $0x3  }
0x37: {  	[smem:$0x3FBA] =	sst s10  }
0x38: {  	s10 =	sld [smem:$0x3FBB]  }
0x39: {  	_ = 	snop;
	(pc) =	sbr.ind lr, $3  }
0x3a: {  	_ = 	snop  }
0x3b: {  	_ = 	snop  }
0x3c: {  	p2 =	seq.s32 s10, $0x1;
	s10 =	sld [smem:$0x3FBA]  }
0x3d: {  	_ =	shalt  }
0x3e: {  	_ =	shalt  }
0x3f: {  	_ =	shalt  }
0x40: {  	_ =	shalt  }
0x41: {  	_ =	shalt  }
0x42: {  	_ =	shalt  }
0x43: {  	_ =	shalt  }
0x44: {  	_ =	shalt  }
0x45: {  	_ =	shalt  }
0x46: {  	_ =	shalt  }
0x47: {  	_ =	shalt  }
0x48: {  	_ =	shalt  }
0x49: {  	_ =	shalt  }
0x4a: {  	_ =	shalt  }
0x4b: {  	_ =	shalt  }
0x4c: {  	_ =	shalt  }
0x4d: {  	_ =	shalt  }
0x4e: {  	_ =	shalt  }
0x4f: {  	_ =	shalt  }
0x50: {  	_ =	shalt  }
0x51: {  	_ =	shalt  }
0x52: {  	_ =	shalt  }
0x53: {  	_ =	shalt  }
0x54: {  	_ =	shalt  }
0x55: {  	_ =	shalt  }
0x56: {  	_ =	shalt  }
0x57: {  	_ =	shalt  }
0x58: {  	_ =	shalt  }
0x59: {  	_ =	shalt  }
0x5a: {  	_ =	shalt  }
0x5b: {  	_ =	shalt  }
0x5c: {  	_ =	shalt  }
0x5d: {  	_ =	shalt  }
0x5e: {  	_ =	shalt  }
0x5f: {  	_ =	shalt  }
0x60: {  	_ =	shalt  }
0x61: {  	_ =	shalt  }
0x62: {  	_ =	shalt  }
0x63: {  	_ =	shalt  }
0x64: {  	_ =	shalt  }
0x65: {  	_ =	shalt  }
0x66: {  	_ =	shalt  }
0x67: {  	_ =	shalt  }
0x68: {  	_ =	shalt  }
0x69: {  	_ =	shalt  }
0x6a: {  	_ =	shalt  }
0x6b: {  	_ =	shalt  }
0x6c: {  	_ =	shalt  }
0x6d: {  	_ =	shalt  }
0x6e: {  	_ =	shalt  }
0x6f: {  	_ =	shalt  }
0x70: {  	_ =	shalt  }
0x71: {  	_ =	shalt  }
0x72: {  	_ =	shalt  }
0x73: {  	_ =	shalt  }
0x74: {  	_ =	shalt  }
0x75: {  	_ =	shalt  }
0x76: {  	_ =	shalt  }
0x77: {  	_ =	shalt  }
0x78: {  	_ =	shalt  }
0x79: {  	_ =	shalt  }
0x7a: {  	_ =	shalt  }
0x7b: {  	_ =	shalt  }
0x7c: {  	_ =	shalt  }
0x7d: {  	_ =	shalt  }
0x7e: {  	_ =	shalt  }
0x7f: {  	_ =	shalt  }
0x80: {  	_ =	shalt  }
0x81: {  	_ =	shalt  }
0x82: {  	_ =	shalt  }
0x83: {  	_ =	shalt  }
0x84: {  	_ =	shalt  }
0x85: {  	_ =	shalt  }
0x86: {  	_ =	shalt  }
0x87: {  	_ =	shalt  }
.Lfunc_end0:
.L_simem_size_0:
called_computation_lowered:
.L_overlay_start_0:
0x88: {  	s2 =	sld [smem:$0x3FD9]  }
0x89: {  	s3 =	sld [smem:$0x3FFE];
	_ =	sdelay $0x1  }
0x8a: {  	s1 =	srdreg.scid  }
0x8b: {  	s0 =	sand.u32 $0x1, s1  }
0x8c: {  	s17 =	sshll.u32 s0, $0xA;
	s2 =	sadd.s32 s3, s2  }
0x8d: {  	s2 =	sadd.s32 s2, s17  }
0x8e: {  	[smem:$0x3FC6] =	sst s2  }
0x8f: {  	_ = 	snop  }
0x90: {  	s2 =	sld [smem:$0x3FC8];
	(tm) =	ssettm $0x1  }
0x91: {  	s18 =	sld [smem:$0x3FFB];
	_ =	sdelay $0x3  }
0x92: {  	_ =	strace s18  }
0x93: {  	s3 =	sld [smem:$0x3FFC];
	_ =	sdelay $0x3  }
0x94: {  	_ =	strace s3  }
0x95: {  	s3 =	sld [smem:$0x3FFD];
	_ =	sdelay $0x3  }
0x96: {  	_ =	strace s3  }
0x97: {  	_ =	strace $0x8FFFFFFF  }
0x98: {  	s19 =	sld [smem:$0x3FDB];
	_ =	sdelay $0x1  }
0x99: {  	s4 =	simm.s32 $_scs_section_size  }
0x9a: {  	s5 =	simm.s32 $_size__tile_overlayer_lowered;
	s6 =	simm.s32 $_tile_overlayer_lowered  }
0x9b: {  	s22 =	simm.s32 $0x1BFF;
	s21 =	sshll.u32 s6, $0x1;
	s3 =	sadd.s32 s4, s19  }
0x9c: {  	s7 =	simm.s32 $0x0;
	s20 =	sshll.u32 s5, $0x1;
	s5 =	sadd.s32 s21, s3  }
0x9d: {  	[timem:s7], [sflag:s22] =	dma.local [hbm:s5], s20  }
0x9e: {  	_ =	swait.ge [sflag:s22], s20  }
0x9f: {  	s4 =	ssub.s32 $0x0, s20;
	[sflag:s22] =	ssyncset.done $0x0  }
0xa0: {  	[sflag:s22] =	ssyncadd.s32 s4;
	_ =	sdelay $0x1  }
0xa1: {  	s23 =	simm.s32 $0x1B8B  }
0xa2: {  	_ =	swait.ge [sflag:s23], $0x1  }
0xa3: {  	[sflag:s23] =	ssyncset.done $0x0  }
0xa4: {  	s25 =	simm.s32 $0x1B8E;
	s24 =	sld [smem:$0x3FFE];
	[sflag:s23] =	ssyncadd.s32 $0xFFFFFFFF  }
0xa5: {  	s26 =	simm.s32 $execute0_lowered;
	[smem:$0x3FD2] =	sst s25  }
0xa6: {  	s5 =	sshll.u32 s26, $0x1;
	_ =	strace $0x80000046;
	[dreg:$0x1] =	wrdreg $0xFFFFFFFF  }
0xa7: {  	s28 =	simm.s32 $_size_execute0_lowered;
	s3 =	sadd.s32 s3, s5;
	[dreg:$0x0] =	wrdreg $0x0  }
0xa8: {  	s5 =	sshll.u32 s28, $0x1;
	[dreg:$0x2] =	wrdreg s3  }
0xa9: {  	[dreg:$0x3] =	wrdreg s5  }
0xaa: {  	[dreg:$0x4] =	wrdreg $0xC0  }
0xab: {  	_ =	task [dreg:s7], $0x5FFFF  }
0xac: {  	[dreg:$0x1] =	wrdreg $0xFFFFFFFF  }
0xad: {  	[dreg:$0x0] =	wrdreg $0x60  }
0xae: {  	[dreg:$0x2] =	wrdreg s2  }
0xaf: {  	[dreg:$0x3] =	wrdreg s24  }
0xb0: {  	[dreg:$0x4] =	wrdreg $0x9  }
0xb1: {  	_ =	task.clear_ibuf [dreg:s7], $0x5FFFF;
	_ =	strace $0x90000046  }
0xb2: {  	s29 =	simm.s32 $0x9;
	_ =	strace $0x80000048  }
0xb3: {  	_ =	swait.ge [sflag:s29], $0x1  }
0xb4: {  	[sflag:s29] =	ssyncadd.s32 $0xFFFFFFFF  }
0xb5: {  	_ =	strace $0x90000048  }
0xb6: {  	_ =	sfence  }
0xb7: {  	s30 =	sld [smem:$0x0];
	_ =	sdelay $0x2  }
0xb8: {  	s31 =	sshll.u32 s1, $0xD;
	s1 =	sshrl.u32 s1, $0x2  }
0xb9: {  	s3 =	sand.u32 $0x4000, s31;
	s1 =	sadd.s32 s1, s30  }
0xba: {  	s0 =	sor.u32 s3, s0;
	s1 =	sshll.u32 s1, $0x11  }
0xbb: {  	s0 =	sor.u32 s1, s0  }
0xbc: {  	s0 =	sadd.s32 $0x8F2B, s0  }
0xbd: {  	[sflag:s0] =	ssyncadd.remote.s32 $0x1  }
0xbe: {  	_ =	sfence.sel $0xFFFF  }
0xbf: {  	[dreg:$0x0] =	wrdreg $0xFFFFFFFF;
	(pc) =	sbr.abs _section_cstart, $3  }
0xc0: {  	[dreg:$0x1] =	wrdreg $0xFFFFFFFF  }
0xc1: {  	_ =	task.clear_ibuf [dreg:s7], $0x2FFFF;
	_ =	strace $0x9FFFFFFF  }
0xc2: {  	(tm) =	ssettm $0x7FFFFFFF  }
0xc3: {  	_ =	shalt  }
tec
execute0_lowered:
.L_overlay_start_1:
0x0: {  	(tag) =	ssettag $0x1  }
0x1: {  	s1 =	rddreg [dreg:$0x0]  }
0x2: {  	s0 =	rddreg [dreg:$0x1];
	s2 =	srdreg.scid;
	s3 =	simm.s32 $0x0  }
0x3: {  	s8 =	stileid.u32;
	s10 =	simm.s32 $0x32;
	s11 =	simm.s32 $0x1000  }
0x4: {  	s13 =	simm.s32 $0x2C00;
	s15 =	simm.s32 $0x4800;
	s17 =	simm.s32 $0x6400  }
0x5: {  	s18 =	simm.s32 $0x1;
	s19 =	simm.s32 $0x8000;
	s20 =	simm.s32 $0x2  }
0x6: {  	s21 =	simm.s32 $0x9C00;
	s22 =	simm.s32 $0x3;
	s23 =	simm.s32 $0xB800  }
0x7: {  	s24 =	simm.s32 $0x4;
	s25 =	simm.s32 $0xD400;
	s26 =	simm.s32 $0x5  }
0x8: {  	s28 =	simm.s32 $0x7;
	s29 =	simm.s32 $0x8;
	s2 =	sand.u32 $0x1, s2  }
0x9: {  	[smem:$0x7FF] =	sst s3;
	s4 =	sshll.u32 s8, $0x6;
	s30 =	smul.u32 $0xE000, s8  }
0xa: {  	s5 =	sshll.u32 s2, $0x5;
	_ =	strace $0x80000047;
	s6 =	ssub.s32 $0x2, s2  }
0xb: {  	s2 =	smul.u32 $0x7000, s2;
	s4 =	sor.u32 s5, s4;
	s7 =	sshrl.u32 s6, $0x1  }
0xc: {  	s5 =	sshll.u32 s4, $0x4;
	s4 =	smul.u32 $0x380, s4;
	s6 =	ssub.s32 s6, s7  }
0xd: {  	s5 =	sadd.s32 s5, s0;
	s0 =	sadd.s32 $0x11000, s0;
	s31 =	smax.u32 s6, $0x1  }
.Ltmp0:
0xe: {  	s6 =	simm.s32 $0x0;
	s4 =	sadd.s32 s4, s0;
	(pc) =	sbr.rel .LBB2_1-.Ltmp0, $4  }
0xf: {  	s5 =	sadd.s32 $0x1000, s5;
	[dreg:$0x5] =	wrdreg s31;
	s0 =	sadd.s32 s30, s0  }
0x10: {  	[dreg:$0x3] =	wrdreg s5;
	s5 =	sadd.s32 $0x6580, s4;
	s4 =	sadd.s32 $0x6C80, s4  }
0x11: {  	s0 =	sadd.s32 s2, s0;
	s2 =	simm.s32 $0xC;
	[dreg:$0x4] =	wrdreg s4  }
0x12: {  	[dreg:$0x6] =	wrdreg s0;
	s0 =	simm.s32 $0xB;
	s4 =	simm.s32 $0x10  }
.LBB2_4:
0x13: {  	_ =	swait.ge [sflag:s29], $0x1900  }
0x14: {  	[sflag:s29] =	ssyncset.done $0x0  }
0x15: {  	s9 =	simm.s32 $0x9;
	s7 =	rddreg [dreg:$0x4];
	[sflag:s29] =	ssyncadd.s32 $0xFFFFE700  }
0x16: {  	[hbm4b:s7+s3] =	stream.linear.scatter [tilespmem:s25], [sflag:$0x10], $0x1C00, $0x38;
	[tilespmem:$0xF000] =	vst v63  }
0x17: {  	_ =	swait.ge [sflag:s9], $0x1C00  }
0x18: {  	[sflag:s9] =	ssyncset.done $0x0  }
0x19: {  	s12 =	simm.s32 $0xA;
	[sflag:s9] =	ssyncadd.s32 $0xFFFFE400  }
0x1a: {  	_ =	swait.ge [sflag:s12], $0x1C00  }
0x1b: {  	[sflag:s12] =	ssyncset.done $0x0  }
0x1c: {  	[sflag:s12] =	ssyncadd.s32 $0xFFFFE400  }
0x1d: {  	_ =	swait.ge [sflag:s0], $0x1C00  }
0x1e: {  	[sflag:s0] =	ssyncset.done $0x0  }
0x1f: {  	[sflag:s0] =	ssyncadd.s32 $0xFFFFE400  }
0x20: {  	_ =	swait.ge [sflag:s2], $0x1C00  }
0x21: {  	[sflag:s2] =	ssyncset.done $0x0  }
0x22: {  	s14 =	simm.s32 $0xD;
	[sflag:s2] =	ssyncadd.s32 $0xFFFFE400  }
0x23: {  	_ =	swait.ge [sflag:s14], $0x1C00  }
0x24: {  	[sflag:s14] =	ssyncset.done $0x0  }
0x25: {  	s16 =	simm.s32 $0xE;
	[sflag:s14] =	ssyncadd.s32 $0xFFFFE400  }
0x26: {  	_ =	swait.ge [sflag:s16], $0x1C00  }
0x27: {  	[sflag:s16] =	ssyncset.done $0x0  }
0x28: {  	s30 =	simm.s32 $0xF;
	[sflag:s16] =	ssyncadd.s32 $0xFFFFE400  }
0x29: {  	_ =	swait.ge [sflag:s30], $0x1C00  }
0x2a: {  	[sflag:s30] =	ssyncset.done $0x0  }
0x2b: {  	[sflag:s30] =	ssyncadd.s32 $0xFFFFE400  }
0x2c: {  	_ =	swait.ge [sflag:s4], $0x1C00  }
0x2d: {  	s6 =	sadd.s32 $0x1, s6;
	s31 =	rddreg [dreg:$0x5]  }
0x2e: {  	p0 =	sne.s32 s6, s31  }
.Ltmp1:
0x2f: {  	_ = 	snop;
	(pc) =	sbr.rel @!p0 .LBB2_5-.Ltmp1, $3  }
0x30: {  	_ =	sdelay $0x1  }
0x31: {  	[sflag:s4] =	ssyncset.done $0x0  }
0x32: {  	[sflag:s4] =	ssyncadd.s32 $0xFFFFE400  }
.LBB2_1:
0x33: {  	s7 =	rddreg [dreg:$0x3];
	s14 =	simm.s32 $0x11  }
0x34: {  	[tilespmem:s3], [sflag:$0x11] =	stream.linear.gather [hbm4b:s7+s3], $0x1000, $0x38;
	[tilespmem:$0xF000] =	vst v63  }
0x35: {  	_ =	swait.ge [sflag:s14], $0x1000  }
0x36: {  	[sflag:s14] =	ssyncset.done $0x0  }
0x37: {  	[sflag:s14] =	ssyncadd.s32 $0xFFFFF000  }
0x38: {  	[tilespmem:s11], [sflag:$0x1] =	stream.indirect.gather [hbm4b:s1+s10], $0x80, s3, s10, $0xb8;
	[tilespmem:$0xF000] =	vst v63  }
0x39: {  	s16 =	simm.s32 $0x80  }
0x3a: {  	[tilespmem:s13], [sflag:$0x2] =	stream.indirect.gather [hbm4b:s1+s10], $0x80, s16, s10, $0xb8;
	[tilespmem:$0xF000] =	vst v63  }
0x3b: {  	s30 =	simm.s32 $0x100  }
0x3c: {  	[tilespmem:s15], [sflag:$0x3] =	stream.indirect.gather [hbm4b:s1+s10], $0x80, s30, s10, $0xb8;
	[tilespmem:$0xF000] =	vst v63  }
0x3d: {  	s31 =	simm.s32 $0x180;
	s7 =	simm.s32 $0x0;
	s8 =	rddreg [dreg:$0x6]  }
0x3e: {  	[tilespmem:s17], [sflag:$0x4] =	stream.indirect.gather [hbm4b:s1+s10], $0x80, s31, s10, $0xb8;
	[tilespmem:$0xF000] =	vst v63  }
.LBB2_2:
0x3f: {  	_ =	swait.ge [sflag:s18], $0x1900  }
0x40: {  	p0 =	seq.s32 s7, $0x0;
	[sflag:s18] =	ssyncset.done $0x0  }
0x41: {  	s30 =	simm.s32 @!p0 $0xD;
	[sflag:s18] =	ssyncadd.s32 $0xFFFFE700  }
0x42: {  	[hbm4b:s8+s3] =	stream.linear.scatter [tilespmem:s11], [sflag:$0x9], $0x1C00, $0x38;
	[tilespmem:$0xF000] =	vst v63  }
0x43: {  	_ =	swait.ge @!p0 [sflag:s30], $0x1C00  }
0x44: {  	s9 =	sshra.s32 s7, $0x2;
	[sflag:s30] =	ssyncset.done @!p0 $0x0  }
0x45: {  	s31 =	sadd.s32 $0x200, s9;
	[sflag:s30] =	ssyncadd.s32 @!p0 $0xFFFFE400  }
0x46: {  	[tilespmem:s19], [sflag:$0x5] =	stream.indirect.gather [hbm4b:s1+s10], $0x80, s31, s10, $0xb8;
	[tilespmem:$0xF000] =	vst v63  }
0x47: {  	_ =	swait.ge [sflag:s20], $0x1900  }
0x48: {  	[sflag:s20] =	ssyncset.done $0x0  }
0x49: {  	s12 =	sadd.s32 $0x380, s8;
	s30 =	simm.s32 @!p0 $0xE;
	[sflag:s20] =	ssyncadd.s32 $0xFFFFE700  }
0x4a: {  	[hbm4b:s12+s3] =	stream.linear.scatter [tilespmem:s13], [sflag:$0xA], $0x1C00, $0x38;
	[tilespmem:$0xF000] =	vst v63  }
0x4b: {  	_ =	swait.ge @!p0 [sflag:s30], $0x1C00  }
0x4c: {  	[sflag:s30] =	ssyncset.done @!p0 $0x0  }
0x4d: {  	s14 =	sadd.s32 $0x280, s9;
	[sflag:s30] =	ssyncadd.s32 @!p0 $0xFFFFE400  }
0x4e: {  	[tilespmem:s21], [sflag:$0x6] =	stream.indirect.gather [hbm4b:s1+s10], $0x80, s14, s10, $0xb8;
	[tilespmem:$0xF000] =	vst v63  }
0x4f: {  	_ =	swait.ge [sflag:s22], $0x1900  }
0x50: {  	[sflag:s22] =	ssyncset.done $0x0  }
0x51: {  	s16 =	sadd.s32 $0x700, s8;
	s30 =	simm.s32 @!p0 $0xF;
	[sflag:s22] =	ssyncadd.s32 $0xFFFFE700  }
0x52: {  	[hbm4b:s16+s3] =	stream.linear.scatter [tilespmem:s15], [sflag:$0xB], $0x1C00, $0x38;
	[tilespmem:$0xF000] =	vst v63  }
0x53: {  	_ =	swait.ge @!p0 [sflag:s30], $0x1C00  }
0x54: {  	[sflag:s30] =	ssyncset.done @!p0 $0x0  }
0x55: {  	s31 =	sadd.s32 $0x300, s9;
	[sflag:s30] =	ssyncadd.s32 @!p0 $0xFFFFE400  }
0x56: {  	[tilespmem:s23], [sflag:$0x7] =	stream.indirect.gather [hbm4b:s1+s10], $0x80, s31, s10, $0xb8;
	[tilespmem:$0xF000] =	vst v63  }
0x57: {  	_ =	swait.ge [sflag:s24], $0x1900  }
0x58: {  	[sflag:s24] =	ssyncset.done $0x0  }
0x59: {  	s12 =	sadd.s32 $0xA80, s8;
	s30 =	simm.s32 @!p0 $0x10;
	[sflag:s24] =	ssyncadd.s32 $0xFFFFE700  }
0x5a: {  	[hbm4b:s12+s3] =	stream.linear.scatter [tilespmem:s17], [sflag:$0xC], $0x1C00, $0x38;
	[tilespmem:$0xF000] =	vst v63  }
0x5b: {  	_ =	swait.ge @!p0 [sflag:s30], $0x1C00  }
0x5c: {  	[sflag:s30] =	ssyncset.done @!p0 $0x0  }
0x5d: {  	s14 =	sadd.s32 $0x380, s9;
	[sflag:s30] =	ssyncadd.s32 @!p0 $0xFFFFE400  }
0x5e: {  	[tilespmem:s25], [sflag:$0x8] =	stream.indirect.gather [hbm4b:s1+s10], $0x80, s14, s10, $0xb8;
	[tilespmem:$0xF000] =	vst v63  }
0x5f: {  	_ =	swait.ge [sflag:s26], $0x1900  }
0x60: {  	p0 =	seq.s32 s7, $0x3000;
	[sflag:s26] =	ssyncset.done $0x0  }
0x61: {  	s16 =	sadd.s32 $0xE00, s8;
	s30 =	simm.s32 @p0 $0x6;
	[sflag:s26] =	ssyncadd.s32 $0xFFFFE700  }
0x62: {  	[hbm4b:s16+s3] =	stream.linear.scatter [tilespmem:s19], [sflag:$0xD], $0x1C00, $0x38;
	[tilespmem:$0xF000] =	vst v63  }
0x63: {  	_ =	swait.ge @p0 [sflag:s30], $0x1900  }
0x64: {  	[sflag:s30] =	ssyncset.done @p0 $0x0  }
0x65: {  	s31 =	simm.s32 @p0 $0x9C00;
	[sflag:s30] =	ssyncadd.s32 @p0 $0xFFFFE700;
	s30 =	simm.s32 @p0 $0x0  }
0x66: {  	[hbm4b:s5+s30] =	stream.linear.scatter @p0 [tilespmem:s31], [sflag:$0xE], $0x1C00, $0x38;
	[tilespmem:$0xF000] =	vst v63  }
0x67: {  	s30 =	simm.s32 @!p0 $0x9  }
0x68: {  	_ =	swait.ge @!p0 [sflag:s30], $0x1C00  }
0x69: {  	[sflag:s30] =	ssyncset.done @!p0 $0x0  }
0x6a: {  	[sflag:s30] =	ssyncadd.s32 @!p0 $0xFFFFE400;
	s30 =	sshra.s32 @!p0 s7, $0x2  }
0x6b: {  	s12 =	simm.s32 @!p0 $0x32;
	s14 =	simm.s32 @!p0 $0x1000;
	s31 =	sadd.s32 @!p0 $0x400, s30  }
0x6c: {  	[tilespmem:s14], [sflag:$0x1] =	stream.indirect.gather @!p0 [hbm4b:s1+s12], $0x80, s31, s12, $0xb8;
	[tilespmem:$0xF000] =	vst v63  }
0x6d: {  	s14 =	simm.s32 @!p0 $0x6  }
0x6e: {  	_ =	swait.ge @!p0 [sflag:s14], $0x1900  }
0x6f: {  	s16 =	simm.s32 @!p0 $0x9C00;
	[sflag:s14] =	ssyncset.done @!p0 $0x0  }
0x70: {  	s31 =	simm.s32 @!p0 $0x0;
	[sflag:s14] =	ssyncadd.s32 @!p0 $0xFFFFE700;
	s14 =	sadd.s32 @!p0 $0x1180, s8  }
0x71: {  	[hbm4b:s14+s31] =	stream.linear.scatter @!p0 [tilespmem:s16], [sflag:$0xE], $0x1C00, $0x38;
	[tilespmem:$0xF000] =	vst v63  }
0x72: {  	s14 =	simm.s32 @!p0 $0xA  }
0x73: {  	_ =	swait.ge @!p0 [sflag:s14], $0x1C00  }
0x74: {  	[sflag:s14] =	ssyncset.done @!p0 $0x0  }
0x75: {  	s16 =	simm.s32 @!p0 $0x2C00;
	[sflag:s14] =	ssyncadd.s32 @!p0 $0xFFFFE400;
	s14 =	sadd.s32 @!p0 $0x480, s30  }
0x76: {  	[tilespmem:s16], [sflag:$0x2] =	stream.indirect.gather @!p0 [hbm4b:s1+s12], $0x80, s14, s12, $0xb8;
	[tilespmem:$0xF000] =	vst v63  }
.Ltmp2:
0x77: {  	_ = 	snop;
	(pc) =	sbr.rel @p0 .LBB2_4-.Ltmp2, $4  }
0x78: {  	_ =	swait.ge [sflag:s28], $0x1900  }
0x79: {  	[sflag:s28] =	ssyncset.done $0x0  }
0x7a: {  	s31 =	sadd.s32 $0x1500, s8;
	[sflag:s28] =	ssyncadd.s32 $0xFFFFE700  }
0x7b: {  	[hbm4b:s31+s3] =	stream.linear.scatter [tilespmem:s23], [sflag:$0xF], $0x1C00, $0x38;
	[tilespmem:$0xF000] =	vst v63  }
0x7c: {  	_ =	swait.ge [sflag:s0], $0x1C00  }
0x7d: {  	[sflag:s0] =	ssyncset.done $0x0  }
0x7e: {  	s12 =	sadd.s32 $0x500, s9;
	[sflag:s0] =	ssyncadd.s32 $0xFFFFE400  }
0x7f: {  	[tilespmem:s15], [sflag:$0x3] =	stream.indirect.gather [hbm4b:s1+s10], $0x80, s12, s10, $0xb8;
	[tilespmem:$0xF000] =	vst v63  }
0x80: {  	_ =	swait.ge [sflag:s29], $0x1900  }
0x81: {  	[sflag:s29] =	ssyncset.done $0x0  }
0x82: {  	s30 =	sadd.s32 $0x1880, s8;
	[sflag:s29] =	ssyncadd.s32 $0xFFFFE700  }
0x83: {  	[hbm4b:s30+s3] =	stream.linear.scatter [tilespmem:s25], [sflag:$0x10], $0x1C00, $0x38;
	[tilespmem:$0xF000] =	vst v63  }
.Ltmp3:
0x84: {  	_ = 	snop;
	(pc) =	sbr.rel .LBB2_2-.Ltmp3, $4  }
0x85: {  	_ =	swait.ge [sflag:s2], $0x1C00  }
0x86: {  	s31 =	sadd.s32 $0x580, s9;
	[sflag:s2] =	ssyncset.done $0x0  }
0x87: {  	s7 =	sadd.s32 $0x1000, s7;
	s8 =	sadd.s32 $0x1C00, s8;
	[sflag:s2] =	ssyncadd.s32 $0xFFFFE400  }
0x88: {  	[tilespmem:s17], [sflag:$0x4] =	stream.indirect.gather [hbm4b:s1+s10], $0x80, s31, s10, $0xb8;
	[tilespmem:$0xF000] =	vst v63  }
.LBB2_5:
0x89: {  	_ =	sfence.sel $0x180000  }
0x8a: {  	[bflag:$0x0] =	sbarrier.arrive $0xFFFF  }
0x8b: {  	_ =	strace $0x90000047  }
0x8c: {  	s0 =	stileid.u32;
	[bflag:$0x2] =	sbarrier.arrive $0xFFFF  }
0x8d: {  	p0 =	sne.s32 s0, $0x0;
	s0 =	rddreg [dreg:$0x2]  }
0x8e: {  	s0 =	sadd.s32 @!p0 $0x100000, s0  }
0x8f: {  	[sflag:s0] =	ssyncadd.tile.s32 @!p0 $0x1;
	_ =	shalt  }
.Lfunc_end2:
_tile_overlayer_lowered:
.L_overlay_start_2:
0x90: {  	(tag) =	ssettag $0x2  }
0x91: {  	s0 =	rddreg [dreg:$0x0];
	s2 =	stileid.u32  }
0x92: {  	s1 =	rddreg [dreg:$0x1];
	p0 =	sne.s32 s2, $0x0  }
0x93: {  	s3 =	rddreg [dreg:$0x2];
	[bflag:$0x3] =	sbarrier.arrive $0xFFFF;
	s2 =	simm.s32 @!p0 $0x1C11  }
0x94: {  	[timem:s3], [sflag:s2] =	dma.local @!p0 [hbm:s0], s1  }
0x95: {  	s0 =	simm.s32 @!p0 $0x11  }
0x96: {  	_ =	swait.ge @!p0 [sflag:s0], s1  }
0x97: {  	s1 =	ssub.s32 @!p0 $0x0, s1;
	[sflag:s0] =	ssyncset.done @!p0 $0x0  }
0x98: {  	[sflag:s0] =	ssyncadd.s32 @!p0 s1  }
0x99: {  	[bflag:$0x3] =	sbarrier.arrive $0xFFFF  }
0x9a: {  	_ =	shalt  }

// kernel: kernel.13.cloned.1.call-start
scs
__scs_entry_jumppad:
0x0: {  	(pc) =	sbr.rel $0x88, $3  }
0x1: {  	(tag) =	ssettag $0x0;
	lr =	simm.s32 $0x1  }
0x2: {  	[smem:$0x3F9F] =	sst lr;
	_ =	strace $0xD0000000  }
0x3: {  	_ = 	snop  }
0x4: {  	_ = 	snop  }
0x5: {  	_ = 	snop  }
0x6: {  	_ = 	snop  }
0x7: {  	_ = 	snop  }
__scs_overlays_trampoline_lowered:
0x8: {  	[smem:$0x3FAE] =	sst s0  }
0x9: {  	[smem:$0x3FAF] =	sst s1  }
0xa: {  	[smem:$0x3FB0] =	sst s2  }
0xb: {  	[smem:$0x3FB1] =	sst s3  }
0xc: {  	[smem:$0x3FB2] =	sst s4  }
0xd: {  	[smem:$0x3FB3] =	sst s5  }
0xe: {  	[smem:$0x3FB4] =	sst s6  }
0xf: {  	[smem:$0x3FB5] =	sst s7  }
0x10: {  	[smem:$0x3FB6] =	sst s8  }
0x11: {  	[smem:$0x3FB7] =	sst s9;
	s0 =	simm.s32 @!p0 $0x0  }
0x12: {  	s1 =	sld [smem:$0x3F9D];
	s0 =	simm.s32 @p0 $0x1  }
0x13: {  	[smem:$0x3FB8] =	sst s0;
	s0 =	simm.s32 @!p1 $0x0  }
0x14: {  	s2 =	sld [smem:$0x3F9C];
	s0 =	simm.s32 @p1 $0x1  }
0x15: {  	[smem:$0x3FB9] =	sst s0;
	s0 =	simm.s32 @!p2 $0x0  }
0x16: {  	s3 =	sld [smem:$0x3FDB];
	s0 =	simm.s32 @p2 $0x1  }
0x17: {  	s4 =	simm.s32 $0x1BF5;
	[smem:$0x3FBB] =	sst s0  }
0x18: {  	s0 =	sld [smem:$0x3F9E];
	_ =	swait.ge [sflag:s4], $0x0  }
0x19: {  	s7 =	sld [smem:$0x3F9F]  }
0x1a: {  	s8 =	sadd.s32 $0xFFFFE003, lr  }
0x1b: {  	s9 =	sadd.s32 $0xFFFFFEF7, lr;
	s5 =	simm.s32 $0xFFFFFFFF;
	p2 =	slt.u32 s8, $0xFFFFF086  }
0x1c: {  	p1 =	slt.u32 s9, $0xF7A;
	s5 =	simm.s32 @!p2 $0x0  }
0x1d: {  	s5 =	simm.s32 @p1 $0x1;
	p0 =	seq.s32 s7, s2  }
0x1e: {  	s7 =	smul.u32 @!p0 $0xF7A, s2;
	p2 =	seq.s32 @!p0 s5, $0x0  }
0x1f: {  	s9 =	smul.u32 $0xF7A, s1;
	s8 =	simm.s32 @!p0 $0x1BF5;
	p2 =	por !p2, p0  }
0x20: {  	[sflag:s8] =	ssyncset.s32 @!p0 $0xFFFFF086;
	s6 =	sadd.s32 @!p0 s3, s7;
	s7 =	simm.s32 @!p0 $0x108  }
0x21: {  	s3 =	sadd.s32 s3, s9;
	s6 =	sadd.s32 @!p0 $0x88, s6;
	s7 =	simm.s32 @p2 $0x1082  }
0x22: {  	[simem:s7], [sflag:s8] =	dma.local @!p0 [hbm:s6], $0xF7A  }
0x23: {  	s9 =	sor.u32 $0xD0000000, s2;
	s6 =	simm.s32 $0x108;
	_ =	swait.ge @!p0 [sflag:s8], $0x0  }
0x24: {  	s3 =	sadd.s32 $0x88, s3;
	s6 =	simm.s32 @!p1 $0x1082;
	[sflag:s4] =	ssyncset.s32 $0xFFFFF086  }
0x25: {  	[simem:s6], [sflag:s4] =	dma.local [hbm:s3], $0xF7A  }
0x26: {  	[smem:$0x3F9F] =	sst s1;
	(tag) =	ssettag s2;
	_ =	strace s9  }
0x27: {  	s1 =	sld [smem:$0x3FAF]  }
0x28: {  	s2 =	sld [smem:$0x3FB0]  }
0x29: {  	s4 =	sld [smem:$0x3FB2]  }
0x2a: {  	p0 =	seq.s32 s5, $0x0;
	s5 =	sld [smem:$0x3FB3]  }
0x2b: {  	s6 =	sld [smem:$0x3FB4]  }
0x2c: {  	s7 =	sld [smem:$0x3FB5]  }
0x2d: {  	s3 =	simm.s32 $0x108;
	s8 =	sld [smem:$0x3FB6]  }
0x2e: {  	s3 =	simm.s32 @!p0 $0x1082;
	s9 =	sld [smem:$0x3FB7]  }
0x2f: {  	lr =	sadd.s32 s0, s3;
	s0 =	sld [smem:$0x3FAE]  }
0x30: {  	s3 =	sld [smem:$0x3FB1]  }
0x31: {  	[smem:$0x3FBA] =	sst s10  }
0x32: {  	s10 =	sld [smem:$0x3FB8];
	_ =	sdelay $0x3  }
0x33: {  	p0 =	seq.s32 s10, $0x1;
	s10 =	sld [smem:$0x3FBA];
	_ =	sdelay $0x3  }
0x34: {  	[smem:$0x3FBA] =	sst s10  }
0x35: {  	s10 =	sld [smem:$0x3FB9];
	_ =	sdelay $0x3  }
0x36: {  	p1 =	seq.s32 s10, $0x1;
	s10 =	sld [smem:$0x3FBA];
	_ =	sdelay $0x3  }
0x37: {  	[smem:$0x3FBA] =	sst s10  }
0x38: {  	s10 =	sld [smem:$0x3FBB]  }
0x39: {  	_ = 	snop;
	(pc) =	sbr.ind lr, $3  }
0x3a: {  	_ = 	snop  }
0x3b: {  	_ = 	snop  }
0x3c: {  	p2 =	seq.s32 s10, $0x1;
	s10 =	sld [smem:$0x3FBA]  }
0x3d: {  	_ =	shalt  }
0x3e: {  	_ =	shalt  }
0x3f: {  	_ =	shalt  }
0x40: {  	_ =	shalt  }
0x41: {  	_ =	shalt  }
0x42: {  	_ =	shalt  }
0x43: {  	_ =	shalt  }
0x44: {  	_ =	shalt  }
0x45: {  	_ =	shalt  }
0x46: {  	_ =	shalt  }
0x47: {  	_ =	shalt  }
0x48: {  	_ =	shalt  }
0x49: {  	_ =	shalt  }
0x4a: {  	_ =	shalt  }
0x4b: {  	_ =	shalt  }
0x4c: {  	_ =	shalt  }
0x4d: {  	_ =	shalt  }
0x4e: {  	_ =	shalt  }
0x4f: {  	_ =	shalt  }
0x50: {  	_ =	shalt  }
0x51: {  	_ =	shalt  }
0x52: {  	_ =	shalt  }
0x53: {  	_ =	shalt  }
0x54: {  	_ =	shalt  }
0x55: {  	_ =	shalt  }
0x56: {  	_ =	shalt  }
0x57: {  	_ =	shalt  }
0x58: {  	_ =	shalt  }
0x59: {  	_ =	shalt  }
0x5a: {  	_ =	shalt  }
0x5b: {  	_ =	shalt  }
0x5c: {  	_ =	shalt  }
0x5d: {  	_ =	shalt  }
0x5e: {  	_ =	shalt  }
0x5f: {  	_ =	shalt  }
0x60: {  	_ =	shalt  }
0x61: {  	_ =	shalt  }
0x62: {  	_ =	shalt  }
0x63: {  	_ =	shalt  }
0x64: {  	_ =	shalt  }
0x65: {  	_ =	shalt  }
0x66: {  	_ =	shalt  }
0x67: {  	_ =	shalt  }
0x68: {  	_ =	shalt  }
0x69: {  	_ =	shalt  }
0x6a: {  	_ =	shalt  }
0x6b: {  	_ =	shalt  }
0x6c: {  	_ =	shalt  }
0x6d: {  	_ =	shalt  }
0x6e: {  	_ =	shalt  }
0x6f: {  	_ =	shalt  }
0x70: {  	_ =	shalt  }
0x71: {  	_ =	shalt  }
0x72: {  	_ =	shalt  }
0x73: {  	_ =	shalt  }
0x74: {  	_ =	shalt  }
0x75: {  	_ =	shalt  }
0x76: {  	_ =	shalt  }
0x77: {  	_ =	shalt  }
0x78: {  	_ =	shalt  }
0x79: {  	_ =	shalt  }
0x7a: {  	_ =	shalt  }
0x7b: {  	_ =	shalt  }
0x7c: {  	_ =	shalt  }
0x7d: {  	_ =	shalt  }
0x7e: {  	_ =	shalt  }
0x7f: {  	_ =	shalt  }
0x80: {  	_ =	shalt  }
0x81: {  	_ =	shalt  }
0x82: {  	_ =	shalt  }
0x83: {  	_ =	shalt  }
0x84: {  	_ =	shalt  }
0x85: {  	_ =	shalt  }
0x86: {  	_ =	shalt  }
0x87: {  	_ =	shalt  }
.Lfunc_end0:
.L_simem_size_0:
called_computation.1_lowered:
.L_overlay_start_0:
0x88: {  	s2 =	sld [smem:$0x3FD9]  }
0x89: {  	s3 =	sld [smem:$0x3FFE];
	_ =	sdelay $0x1  }
0x8a: {  	s1 =	srdreg.scid  }
0x8b: {  	s0 =	sand.u32 $0x1, s1  }
0x8c: {  	s17 =	sshll.u32 s0, $0xA;
	s2 =	sadd.s32 s3, s2  }
0x8d: {  	s2 =	sadd.s32 s2, s17  }
0x8e: {  	[smem:$0x3FC6] =	sst s2  }
0x8f: {  	_ = 	snop  }
0x90: {  	s18 =	sld [smem:$0x3FC8];
	(tm) =	ssettm $0x1  }
0x91: {  	s19 =	sld [smem:$0x3FFB];
	_ =	sdelay $0x3  }
0x92: {  	_ =	strace s19  }
0x93: {  	s2 =	sld [smem:$0x3FFC];
	_ =	sdelay $0x3  }
0x94: {  	_ =	strace s2  }
0x95: {  	s2 =	sld [smem:$0x3FFD];
	_ =	sdelay $0x3  }
0x96: {  	_ =	strace s2  }
0x97: {  	_ =	strace $0x8FFFFFFF  }
0x98: {  	s20 =	sld [smem:$0x3FDB];
	_ =	sdelay $0x1  }
0x99: {  	s4 =	simm.s32 $_scs_section_size  }
0x9a: {  	s5 =	simm.s32 $_size__tile_overlayer_lowered;
	s6 =	simm.s32 $_tile_overlayer_lowered  }
0x9b: {  	s7 =	simm.s32 $0x1BFF;
	s21 =	sshll.u32 s6, $0x1;
	s4 =	sadd.s32 s4, s20  }
0x9c: {  	s22 =	simm.s32 $0x0;
	s5 =	sshll.u32 s5, $0x1;
	s6 =	sadd.s32 s21, s4  }
0x9d: {  	[timem:s22], [sflag:s7] =	dma.local [hbm:s6], s5  }
0x9e: {  	_ =	swait.ge [sflag:s7], s5  }
0x9f: {  	s5 =	ssub.s32 $0x0, s5;
	[sflag:s7] =	ssyncset.done $0x0  }
0xa0: {  	[sflag:s7] =	ssyncadd.s32 s5;
	_ =	sdelay $0x1  }
0xa1: {  	s23 =	simm.s32 $0x1B8B  }
0xa2: {  	_ =	swait.ge [sflag:s23], $0x1  }
0xa3: {  	[sflag:s23] =	ssyncset.done $0x0  }
0xa4: {  	[sflag:s23] =	ssyncadd.s32 $0xFFFFFFFF  }
0xa5: {  	s5 =	sld [smem:$0x0]  }
0xa6: {  	s6 =	sand.u32 $0xFFFFFFFE, s1  }
0xa7: {  	p0 =	sne.s32 s1, s6  }
0xa8: {  	s6 =	sshll.u32 @p0 s6, $0xE  }
0xa9: {  	s6 =	sadd.s32 @p0 $0x11B8D, s6;
	s7 =	sshll.u32 @p0 s5, $0x11  }
0xaa: {  	s6 =	sor.u32 @p0 s7, s6  }
0xab: {  	[sflag:s6] =	ssyncadd.remote.s32 @p0 $0x1;
	_ =	sdelay $0x1  }
0xac: {  	s6 =	simm.s32 @p0 $0x1B8D  }
0xad: {  	_ =	swait.eq @p0 [sflag:s6], $0x1  }
0xae: {  	[sflag:s6] =	ssyncadd.s32 @p0 $0xFFFFFFFF  }
0xaf: {  	s7 =	sshll.u32 @!p0 s1, $0xE  }
0xb0: {  	s7 =	sor.u32 @!p0 $0x4000, s7;
	s6 =	simm.s32 @!p0 $0x1B8D  }
0xb1: {  	s5 =	sshll.u32 @!p0 s5, $0x11;
	s7 =	sadd.s32 @!p0 $0x11B8D, s7;
	_ =	swait.eq @!p0 [sflag:s6], $0x1  }
0xb2: {  	s5 =	sor.u32 @!p0 s5, s7;
	[sflag:s6] =	ssyncadd.s32 @!p0 $0xFFFFFFFF  }
0xb3: {  	s25 =	simm.s32 $0x1B8E;
	s24 =	sld [smem:$0x3FFE];
	[sflag:s5] =	ssyncadd.remote.s32 @!p0 $0x1  }
0xb4: {  	s26 =	simm.s32 $execute0_lowered;
	[smem:$0x3FD2] =	sst s25  }
0xb5: {  	s6 =	sshll.u32 s26, $0x1;
	_ =	strace $0x80000049;
	[dreg:$0x1] =	wrdreg $0xFFFFFFFF  }
0xb6: {  	s28 =	simm.s32 $_size_execute0_lowered;
	s4 =	sadd.s32 s4, s6;
	[dreg:$0x0] =	wrdreg $0x0  }
0xb7: {  	s6 =	sshll.u32 s28, $0x1;
	[dreg:$0x2] =	wrdreg s4  }
0xb8: {  	[dreg:$0x3] =	wrdreg s6  }
0xb9: {  	[dreg:$0x4] =	wrdreg $0xC0  }
0xba: {  	_ =	task [dreg:s22], $0x5FFFF  }
0xbb: {  	[dreg:$0x1] =	wrdreg $0xFFFFFFFF  }
0xbc: {  	[dreg:$0x0] =	wrdreg $0x60  }
0xbd: {  	[dreg:$0x2] =	wrdreg s18  }
0xbe: {  	[dreg:$0x3] =	wrdreg s24  }
0xbf: {  	[dreg:$0x4] =	wrdreg $0xA  }
0xc0: {  	_ =	task.clear_ibuf [dreg:s22], $0x5FFFF;
	_ =	strace $0x90000049  }
0xc1: {  	s29 =	simm.s32 $0xA;
	_ =	strace $0x8000004B  }
0xc2: {  	_ =	swait.ge [sflag:s29], $0x1  }
0xc3: {  	[sflag:s29] =	ssyncadd.s32 $0xFFFFFFFF  }
0xc4: {  	_ =	strace $0x9000004B  }
0xc5: {  	_ =	sfence  }
0xc6: {  	s30 =	sld [smem:$0x0];
	_ =	sdelay $0x2  }
0xc7: {  	s31 =	sshll.u32 s1, $0xD;
	s1 =	sshrl.u32 s1, $0x2  }
0xc8: {  	s4 =	sand.u32 $0x4000, s31;
	s1 =	sadd.s32 s1, s30  }
0xc9: {  	s0 =	sor.u32 s4, s0;
	s1 =	sshll.u32 s1, $0x11  }
0xca: {  	s0 =	sor.u32 s1, s0  }
0xcb: {  	s0 =	sadd.s32 $0x8F2B, s0  }
0xcc: {  	[sflag:s0] =	ssyncadd.remote.s32 $0x1  }
0xcd: {  	_ =	sfence.sel $0xFFFF  }
0xce: {  	[dreg:$0x0] =	wrdreg $0xFFFFFFFF;
	(pc) =	sbr.abs _section_cstart, $3  }
0xcf: {  	[dreg:$0x1] =	wrdreg $0xFFFFFFFF  }
0xd0: {  	_ =	task.clear_ibuf [dreg:s22], $0x2FFFF;
	_ =	strace $0x9FFFFFFF  }
0xd1: {  	(tm) =	ssettm $0x7FFFFFFF  }
tec
execute0_lowered:
.L_overlay_start_1:
0x0: {  	(tag) =	ssettag $0x1  }
0x1: {  	s1 =	rddreg [dreg:$0x0]  }
0x2: {  	s0 =	rddreg [dreg:$0x1];
	s2 =	srdreg.scid;
	s3 =	simm.s32 $0x0  }
0x3: {  	s8 =	stileid.u32;
	s10 =	simm.s32 $0x32;
	s11 =	simm.s32 $0x1000  }
0x4: {  	s13 =	simm.s32 $0x2C00;
	s15 =	simm.s32 $0x4800;
	s17 =	simm.s32 $0x6400  }
0x5: {  	s18 =	simm.s32 $0x1;
	s19 =	simm.s32 $0x8000;
	s20 =	simm.s32 $0x2  }
0x6: {  	s21 =	simm.s32 $0x9C00;
	s22 =	simm.s32 $0x3;
	s23 =	simm.s32 $0xB800  }
0x7: {  	s24 =	simm.s32 $0x4;
	s25 =	simm.s32 $0xD400;
	s26 =	simm.s32 $0x5  }
0x8: {  	s28 =	simm.s32 $0x7;
	s29 =	simm.s32 $0x8;
	s2 =	sand.u32 $0x1, s2  }
0x9: {  	[smem:$0x7FF] =	sst s3;
	s4 =	sshll.u32 s8, $0x6;
	s30 =	smul.u32 $0xE000, s8  }
0xa: {  	s5 =	sshll.u32 s2, $0x5;
	_ =	strace $0x8000004A;
	s6 =	ssub.s32 $0x2, s2  }
0xb: {  	s2 =	smul.u32 $0x7000, s2;
	s4 =	sor.u32 s5, s4;
	s7 =	sshrl.u32 s6, $0x1  }
0xc: {  	s5 =	sshll.u32 s4, $0x4;
	s4 =	smul.u32 $0x380, s4;
	s6 =	ssub.s32 s6, s7  }
0xd: {  	s5 =	sadd.s32 s5, s0;
	s0 =	sadd.s32 $0xF1000, s0;
	s31 =	smax.u32 s6, $0x1  }
.Ltmp0:
0xe: {  	s6 =	simm.s32 $0x0;
	s4 =	sadd.s32 s4, s0;
	(pc) =	sbr.rel .LBB2_1-.Ltmp0, $4  }
0xf: {  	s5 =	sadd.s32 $0x5000, s5;
	[dreg:$0x5] =	wrdreg s31;
	s0 =	sadd.s32 s30, s0  }
0x10: {  	[dreg:$0x3] =	wrdreg s5;
	s5 =	sadd.s32 $0x6580, s4;
	s4 =	sadd.s32 $0x6C80, s4  }
0x11: {  	s0 =	sadd.s32 s2, s0;
	s2 =	simm.s32 $0xC;
	[dreg:$0x4] =	wrdreg s4  }
0x12: {  	[dreg:$0x6] =	wrdreg s0;
	s0 =	simm.s32 $0xB;
	s4 =	simm.s32 $0x10  }
.LBB2_4:
0x13: {  	_ =	swait.ge [sflag:s29], $0x1900  }
0x14: {  	[sflag:s29] =	ssyncset.done $0x0  }
0x15: {  	s9 =	simm.s32 $0x9;
	s7 =	rddreg [dreg:$0x4];
	[sflag:s29] =	ssyncadd.s32 $0xFFFFE700  }
0x16: {  	[hbm4b:s7+s3] =	stream.linear.scatter [tilespmem:s25], [sflag:$0x10], $0x1C00, $0x38;
	[tilespmem:$0xF000] =	vst v63  }
0x17: {  	_ =	swait.ge [sflag:s9], $0x1C00  }
0x18: {  	[sflag:s9] =	ssyncset.done $0x0  }
0x19: {  	s12 =	simm.s32 $0xA;
	[sflag:s9] =	ssyncadd.s32 $0xFFFFE400  }
0x1a: {  	_ =	swait.ge [sflag:s12], $0x1C00  }
0x1b: {  	[sflag:s12] =	ssyncset.done $0x0  }
0x1c: {  	[sflag:s12] =	ssyncadd.s32 $0xFFFFE400  }
0x1d: {  	_ =	swait.ge [sflag:s0], $0x1C00  }
0x1e: {  	[sflag:s0] =	ssyncset.done $0x0  }
0x1f: {  	[sflag:s0] =	ssyncadd.s32 $0xFFFFE400  }
0x20: {  	_ =	swait.ge [sflag:s2], $0x1C00  }
0x21: {  	[sflag:s2] =	ssyncset.done $0x0  }
0x22: {  	s14 =	simm.s32 $0xD;
	[sflag:s2] =	ssyncadd.s32 $0xFFFFE400  }
0x23: {  	_ =	swait.ge [sflag:s14], $0x1C00  }
0x24: {  	[sflag:s14] =	ssyncset.done $0x0  }
0x25: {  	s16 =	simm.s32 $0xE;
	[sflag:s14] =	ssyncadd.s32 $0xFFFFE400  }
0x26: {  	_ =	swait.ge [sflag:s16], $0x1C00  }
0x27: {  	[sflag:s16] =	ssyncset.done $0x0  }
0x28: {  	s30 =	simm.s32 $0xF;
	[sflag:s16] =	ssyncadd.s32 $0xFFFFE400  }
0x29: {  	_ =	swait.ge [sflag:s30], $0x1C00  }
0x2a: {  	[sflag:s30] =	ssyncset.done $0x0  }
0x2b: {  	[sflag:s30] =	ssyncadd.s32 $0xFFFFE400  }
0x2c: {  	_ =	swait.ge [sflag:s4], $0x1C00  }
0x2d: {  	s6 =	sadd.s32 $0x1, s6;
	s31 =	rddreg [dreg:$0x5]  }
0x2e: {  	p0 =	sne.s32 s6, s31  }
.Ltmp1:
0x2f: {  	_ = 	snop;
	(pc) =	sbr.rel @!p0 .LBB2_5-.Ltmp1, $3  }
0x30: {  	_ =	sdelay $0x1  }
0x31: {  	[sflag:s4] =	ssyncset.done $0x0  }
0x32: {  	[sflag:s4] =	ssyncadd.s32 $0xFFFFE400  }
.LBB2_1:
0x33: {  	s7 =	rddreg [dreg:$0x3];
	s14 =	simm.s32 $0x11  }
0x34: {  	[tilespmem:s3], [sflag:$0x11] =	stream.linear.gather [hbm4b:s7+s3], $0x1000, $0x38;
	[tilespmem:$0xF000] =	vst v63  }
0x35: {  	_ =	swait.ge [sflag:s14], $0x1000  }
0x36: {  	[sflag:s14] =	ssyncset.done $0x0  }
0x37: {  	[sflag:s14] =	ssyncadd.s32 $0xFFFFF000  }
0x38: {  	[tilespmem:s11], [sflag:$0x1] =	stream.indirect.gather [hbm4b:s1+s10], $0x80, s3, s10, $0xb8;
	[tilespmem:$0xF000] =	vst v63  }
0x39: {  	s16 =	simm.s32 $0x80  }
0x3a: {  	[tilespmem:s13], [sflag:$0x2] =	stream.indirect.gather [hbm4b:s1+s10], $0x80, s16, s10, $0xb8;
	[tilespmem:$0xF000] =	vst v63  }
0x3b: {  	s30 =	simm.s32 $0x100  }
0x3c: {  	[tilespmem:s15], [sflag:$0x3] =	stream.indirect.gather [hbm4b:s1+s10], $0x80, s30, s10, $0xb8;
	[tilespmem:$0xF000] =	vst v63  }
0x3d: {  	s31 =	simm.s32 $0x180;
	s7 =	simm.s32 $0x0;
	s8 =	rddreg [dreg:$0x6]  }
0x3e: {  	[tilespmem:s17], [sflag:$0x4] =	stream.indirect.gather [hbm4b:s1+s10], $0x80, s31, s10, $0xb8;
	[tilespmem:$0xF000] =	vst v63  }
.LBB2_2:
0x3f: {  	_ =	swait.ge [sflag:s18], $0x1900  }
0x40: {  	p0 =	seq.s32 s7, $0x0;
	[sflag:s18] =	ssyncset.done $0x0  }
0x41: {  	s30 =	simm.s32 @!p0 $0xD;
	[sflag:s18] =	ssyncadd.s32 $0xFFFFE700  }
0x42: {  	[hbm4b:s8+s3] =	stream.linear.scatter [tilespmem:s11], [sflag:$0x9], $0x1C00, $0x38;
	[tilespmem:$0xF000] =	vst v63  }
0x43: {  	_ =	swait.ge @!p0 [sflag:s30], $0x1C00  }
0x44: {  	s9 =	sshra.s32 s7, $0x2;
	[sflag:s30] =	ssyncset.done @!p0 $0x0  }
0x45: {  	s31 =	sadd.s32 $0x200, s9;
	[sflag:s30] =	ssyncadd.s32 @!p0 $0xFFFFE400  }
0x46: {  	[tilespmem:s19], [sflag:$0x5] =	stream.indirect.gather [hbm4b:s1+s10], $0x80, s31, s10, $0xb8;
	[tilespmem:$0xF000] =	vst v63  }
0x47: {  	_ =	swait.ge [sflag:s20], $0x1900  }
0x48: {  	[sflag:s20] =	ssyncset.done $0x0  }
0x49: {  	s12 =	sadd.s32 $0x380, s8;
	s30 =	simm.s32 @!p0 $0xE;
	[sflag:s20] =	ssyncadd.s32 $0xFFFFE700  }
0x4a: {  	[hbm4b:s12+s3] =	stream.linear.scatter [tilespmem:s13], [sflag:$0xA], $0x1C00, $0x38;
	[tilespmem:$0xF000] =	vst v63  }
0x4b: {  	_ =	swait.ge @!p0 [sflag:s30], $0x1C00  }
0x4c: {  	[sflag:s30] =	ssyncset.done @!p0 $0x0  }
0x4d: {  	s14 =	sadd.s32 $0x280, s9;
	[sflag:s30] =	ssyncadd.s32 @!p0 $0xFFFFE400  }
0x4e: {  	[tilespmem:s21], [sflag:$0x6] =	stream.indirect.gather [hbm4b:s1+s10], $0x80, s14, s10, $0xb8;
	[tilespmem:$0xF000] =	vst v63  }
0x4f: {  	_ =	swait.ge [sflag:s22], $0x1900  }
0x50: {  	[sflag:s22] =	ssyncset.done $0x0  }
0x51: {  	s16 =	sadd.s32 $0x700, s8;
	s30 =	simm.s32 @!p0 $0xF;
	[sflag:s22] =	ssyncadd.s32 $0xFFFFE700  }
0x52: {  	[hbm4b:s16+s3] =	stream.linear.scatter [tilespmem:s15], [sflag:$0xB], $0x1C00, $0x38;
	[tilespmem:$0xF000] =	vst v63  }
0x53: {  	_ =	swait.ge @!p0 [sflag:s30], $0x1C00  }
0x54: {  	[sflag:s30] =	ssyncset.done @!p0 $0x0  }
0x55: {  	s31 =	sadd.s32 $0x300, s9;
	[sflag:s30] =	ssyncadd.s32 @!p0 $0xFFFFE400  }
0x56: {  	[tilespmem:s23], [sflag:$0x7] =	stream.indirect.gather [hbm4b:s1+s10], $0x80, s31, s10, $0xb8;
	[tilespmem:$0xF000] =	vst v63  }
0x57: {  	_ =	swait.ge [sflag:s24], $0x1900  }
0x58: {  	[sflag:s24] =	ssyncset.done $0x0  }
0x59: {  	s12 =	sadd.s32 $0xA80, s8;
	s30 =	simm.s32 @!p0 $0x10;
	[sflag:s24] =	ssyncadd.s32 $0xFFFFE700  }
0x5a: {  	[hbm4b:s12+s3] =	stream.linear.scatter [tilespmem:s17], [sflag:$0xC], $0x1C00, $0x38;
	[tilespmem:$0xF000] =	vst v63  }
0x5b: {  	_ =	swait.ge @!p0 [sflag:s30], $0x1C00  }
0x5c: {  	[sflag:s30] =	ssyncset.done @!p0 $0x0  }
0x5d: {  	s14 =	sadd.s32 $0x380, s9;
	[sflag:s30] =	ssyncadd.s32 @!p0 $0xFFFFE400  }
0x5e: {  	[tilespmem:s25], [sflag:$0x8] =	stream.indirect.gather [hbm4b:s1+s10], $0x80, s14, s10, $0xb8;
	[tilespmem:$0xF000] =	vst v63  }
0x5f: {  	_ =	swait.ge [sflag:s26], $0x1900  }
0x60: {  	p0 =	seq.s32 s7, $0x3000;
	[sflag:s26] =	ssyncset.done $0x0  }
0x61: {  	s16 =	sadd.s32 $0xE00, s8;
	s30 =	simm.s32 @p0 $0x6;
	[sflag:s26] =	ssyncadd.s32 $0xFFFFE700  }
0x62: {  	[hbm4b:s16+s3] =	stream.linear.scatter [tilespmem:s19], [sflag:$0xD], $0x1C00, $0x38;
	[tilespmem:$0xF000] =	vst v63  }
0x63: {  	_ =	swait.ge @p0 [sflag:s30], $0x1900  }
0x64: {  	[sflag:s30] =	ssyncset.done @p0 $0x0  }
0x65: {  	s31 =	simm.s32 @p0 $0x9C00;
	[sflag:s30] =	ssyncadd.s32 @p0 $0xFFFFE700;
	s30 =	simm.s32 @p0 $0x0  }
0x66: {  	[hbm4b:s5+s30] =	stream.linear.scatter @p0 [tilespmem:s31], [sflag:$0xE], $0x1C00, $0x38;
	[tilespmem:$0xF000] =	vst v63  }
0x67: {  	s30 =	simm.s32 @!p0 $0x9  }
0x68: {  	_ =	swait.ge @!p0 [sflag:s30], $0x1C00  }
0x69: {  	[sflag:s30] =	ssyncset.done @!p0 $0x0  }
0x6a: {  	[sflag:s30] =	ssyncadd.s32 @!p0 $0xFFFFE400;
	s30 =	sshra.s32 @!p0 s7, $0x2  }
0x6b: {  	s12 =	simm.s32 @!p0 $0x32;
	s14 =	simm.s32 @!p0 $0x1000;
	s31 =	sadd.s32 @!p0 $0x400, s30  }
0x6c: {  	[tilespmem:s14], [sflag:$0x1] =	stream.indirect.gather @!p0 [hbm4b:s1+s12], $0x80, s31, s12, $0xb8;
	[tilespmem:$0xF000] =	vst v63  }
0x6d: {  	s14 =	simm.s32 @!p0 $0x6  }
0x6e: {  	_ =	swait.ge @!p0 [sflag:s14], $0x1900  }
0x6f: {  	s16 =	simm.s32 @!p0 $0x9C00;
	[sflag:s14] =	ssyncset.done @!p0 $0x0  }
0x70: {  	s31 =	simm.s32 @!p0 $0x0;
	[sflag:s14] =	ssyncadd.s32 @!p0 $0xFFFFE700;
	s14 =	sadd.s32 @!p0 $0x1180, s8  }
0x71: {  	[hbm4b:s14+s31] =	stream.linear.scatter @!p0 [tilespmem:s16], [sflag:$0xE], $0x1C00, $0x38;
	[tilespmem:$0xF000] =	vst v63  }
0x72: {  	s14 =	simm.s32 @!p0 $0xA  }
0x73: {  	_ =	swait.ge @!p0 [sflag:s14], $0x1C00  }
0x74: {  	[sflag:s14] =	ssyncset.done @!p0 $0x0  }
0x75: {  	s16 =	simm.s32 @!p0 $0x2C00;
	[sflag:s14] =	ssyncadd.s32 @!p0 $0xFFFFE400;
	s14 =	sadd.s32 @!p0 $0x480, s30  }
0x76: {  	[tilespmem:s16], [sflag:$0x2] =	stream.indirect.gather @!p0 [hbm4b:s1+s12], $0x80, s14, s12, $0xb8;
	[tilespmem:$0xF000] =	vst v63  }
.Ltmp2:
0x77: {  	_ = 	snop;
	(pc) =	sbr.rel @p0 .LBB2_4-.Ltmp2, $4  }
0x78: {  	_ =	swait.ge [sflag:s28], $0x1900  }
0x79: {  	[sflag:s28] =	ssyncset.done $0x0  }
0x7a: {  	s31 =	sadd.s32 $0x1500, s8;
	[sflag:s28] =	ssyncadd.s32 $0xFFFFE700  }
0x7b: {  	[hbm4b:s31+s3] =	stream.linear.scatter [tilespmem:s23], [sflag:$0xF], $0x1C00, $0x38;
	[tilespmem:$0xF000] =	vst v63  }
0x7c: {  	_ =	swait.ge [sflag:s0], $0x1C00  }
0x7d: {  	[sflag:s0] =	ssyncset.done $0x0  }
0x7e: {  	s12 =	sadd.s32 $0x500, s9;
	[sflag:s0] =	ssyncadd.s32 $0xFFFFE400  }
0x7f: {  	[tilespmem:s15], [sflag:$0x3] =	stream.indirect.gather [hbm4b:s1+s10], $0x80, s12, s10, $0xb8;
	[tilespmem:$0xF000] =	vst v63  }
0x80: {  	_ =	swait.ge [sflag:s29], $0x1900  }
0x81: {  	[sflag:s29] =	ssyncset.done $0x0  }
0x82: {  	s30 =	sadd.s32 $0x1880, s8;
	[sflag:s29] =	ssyncadd.s32 $0xFFFFE700  }
0x83: {  	[hbm4b:s30+s3] =	stream.linear.scatter [tilespmem:s25], [sflag:$0x10], $0x1C00, $0x38;
	[tilespmem:$0xF000] =	vst v63  }
.Ltmp3:
0x84: {  	_ = 	snop;
	(pc) =	sbr.rel .LBB2_2-.Ltmp3, $4  }
0x85: {  	_ =	swait.ge [sflag:s2], $0x1C00  }
0x86: {  	s31 =	sadd.s32 $0x580, s9;
	[sflag:s2] =	ssyncset.done $0x0  }
0x87: {  	s7 =	sadd.s32 $0x1000, s7;
	s8 =	sadd.s32 $0x1C00, s8;
	[sflag:s2] =	ssyncadd.s32 $0xFFFFE400  }
0x88: {  	[tilespmem:s17], [sflag:$0x4] =	stream.indirect.gather [hbm4b:s1+s10], $0x80, s31, s10, $0xb8;
	[tilespmem:$0xF000] =	vst v63  }
.LBB2_5:
0x89: {  	_ =	sfence.sel $0x180000  }
0x8a: {  	[bflag:$0x0] =	sbarrier.arrive $0xFFFF  }
0x8b: {  	_ =	strace $0x9000004A  }
0x8c: {  	s0 =	stileid.u32;
	[bflag:$0x2] =	sbarrier.arrive $0xFFFF  }
0x8d: {  	p0 =	sne.s32 s0, $0x0;
	s0 =	rddreg [dreg:$0x2]  }
0x8e: {  	s0 =	sadd.s32 @!p0 $0x100000, s0  }
0x8f: {  	[sflag:s0] =	ssyncadd.tile.s32 @!p0 $0x1;
	_ =	shalt  }
.Lfunc_end2:
_tile_overlayer_lowered:
.L_overlay_start_2:
0x90: {  	(tag) =	ssettag $0x2  }
0x91: {  	s0 =	rddreg [dreg:$0x0];
	s2 =	stileid.u32  }
0x92: {  	s1 =	rddreg [dreg:$0x1];
	p0 =	sne.s32 s2, $0x0  }
0x93: {  	s3 =	rddreg [dreg:$0x2];
	[bflag:$0x3] =	sbarrier.arrive $0xFFFF;
	s2 =	simm.s32 @!p0 $0x1C11  }
0x94: {  	[timem:s3], [sflag:s2] =	dma.local @!p0 [hbm:s0], s1  }
0x95: {  	s0 =	simm.s32 @!p0 $0x11  }
0x96: {  	_ =	swait.ge @!p0 [sflag:s0], s1  }
0x97: {  	s1 =	ssub.s32 @!p0 $0x0, s1;
	[sflag:s0] =	ssyncset.done @!p0 $0x0  }
0x98: {  	[sflag:s0] =	ssyncadd.s32 @!p0 s1  }
0x99: {  	[bflag:$0x3] =	sbarrier.arrive $0xFFFF  }
0x9a: {  	_ =	shalt  }

// kernel: kernel.16.cloned.1.call-start
scs
__scs_entry_jumppad:
0x0: {  	(pc) =	sbr.rel $0x88, $3  }
0x1: {  	(tag) =	ssettag $0x0;
	lr =	simm.s32 $0x1  }
0x2: {  	[smem:$0x3F9F] =	sst lr;
	_ =	strace $0xD0000000  }
0x3: {  	_ = 	snop  }
0x4: {  	_ = 	snop  }
0x5: {  	_ = 	snop  }
0x6: {  	_ = 	snop  }
0x7: {  	_ = 	snop  }
__scs_overlays_trampoline_lowered:
0x8: {  	[smem:$0x3FAE] =	sst s0  }
0x9: {  	[smem:$0x3FAF] =	sst s1  }
0xa: {  	[smem:$0x3FB0] =	sst s2  }
0xb: {  	[smem:$0x3FB1] =	sst s3  }
0xc: {  	[smem:$0x3FB2] =	sst s4  }
0xd: {  	[smem:$0x3FB3] =	sst s5  }
0xe: {  	[smem:$0x3FB4] =	sst s6  }
0xf: {  	[smem:$0x3FB5] =	sst s7  }
0x10: {  	[smem:$0x3FB6] =	sst s8  }
0x11: {  	[smem:$0x3FB7] =	sst s9;
	s0 =	simm.s32 @!p0 $0x0  }
0x12: {  	s1 =	sld [smem:$0x3F9D];
	s0 =	simm.s32 @p0 $0x1  }
0x13: {  	[smem:$0x3FB8] =	sst s0;
	s0 =	simm.s32 @!p1 $0x0  }
0x14: {  	s2 =	sld [smem:$0x3F9C];
	s0 =	simm.s32 @p1 $0x1  }
0x15: {  	[smem:$0x3FB9] =	sst s0;
	s0 =	simm.s32 @!p2 $0x0  }
0x16: {  	s3 =	sld [smem:$0x3FDB];
	s0 =	simm.s32 @p2 $0x1  }
0x17: {  	s4 =	simm.s32 $0x1BF5;
	[smem:$0x3FBB] =	sst s0  }
0x18: {  	s0 =	sld [smem:$0x3F9E];
	_ =	swait.ge [sflag:s4], $0x0  }
0x19: {  	s7 =	sld [smem:$0x3F9F]  }
0x1a: {  	s8 =	sadd.s32 $0xFFFFE003, lr  }
0x1b: {  	s9 =	sadd.s32 $0xFFFFFEF7, lr;
	s5 =	simm.s32 $0xFFFFFFFF;
	p2 =	slt.u32 s8, $0xFFFFF086  }
0x1c: {  	p1 =	slt.u32 s9, $0xF7A;
	s5 =	simm.s32 @!p2 $0x0  }
0x1d: {  	s5 =	simm.s32 @p1 $0x1;
	p0 =	seq.s32 s7, s2  }
0x1e: {  	s7 =	smul.u32 @!p0 $0xF7A, s2;
	p2 =	seq.s32 @!p0 s5, $0x0  }
0x1f: {  	s9 =	smul.u32 $0xF7A, s1;
	s8 =	simm.s32 @!p0 $0x1BF5;
	p2 =	por !p2, p0  }
0x20: {  	[sflag:s8] =	ssyncset.s32 @!p0 $0xFFFFF086;
	s6 =	sadd.s32 @!p0 s3, s7;
	s7 =	simm.s32 @!p0 $0x108  }
0x21: {  	s3 =	sadd.s32 s3, s9;
	s6 =	sadd.s32 @!p0 $0x88, s6;
	s7 =	simm.s32 @p2 $0x1082  }
0x22: {  	[simem:s7], [sflag:s8] =	dma.local @!p0 [hbm:s6], $0xF7A  }
0x23: {  	s9 =	sor.u32 $0xD0000000, s2;
	s6 =	simm.s32 $0x108;
	_ =	swait.ge @!p0 [sflag:s8], $0x0  }
0x24: {  	s3 =	sadd.s32 $0x88, s3;
	s6 =	simm.s32 @!p1 $0x1082;
	[sflag:s4] =	ssyncset.s32 $0xFFFFF086  }
0x25: {  	[simem:s6], [sflag:s4] =	dma.local [hbm:s3], $0xF7A  }
0x26: {  	[smem:$0x3F9F] =	sst s1;
	(tag) =	ssettag s2;
	_ =	strace s9  }
0x27: {  	s1 =	sld [smem:$0x3FAF]  }
0x28: {  	s2 =	sld [smem:$0x3FB0]  }
0x29: {  	s4 =	sld [smem:$0x3FB2]  }
0x2a: {  	p0 =	seq.s32 s5, $0x0;
	s5 =	sld [smem:$0x3FB3]  }
0x2b: {  	s6 =	sld [smem:$0x3FB4]  }
0x2c: {  	s7 =	sld [smem:$0x3FB5]  }
0x2d: {  	s3 =	simm.s32 $0x108;
	s8 =	sld [smem:$0x3FB6]  }
0x2e: {  	s3 =	simm.s32 @!p0 $0x1082;
	s9 =	sld [smem:$0x3FB7]  }
0x2f: {  	lr =	sadd.s32 s0, s3;
	s0 =	sld [smem:$0x3FAE]  }
0x30: {  	s3 =	sld [smem:$0x3FB1]  }
0x31: {  	[smem:$0x3FBA] =	sst s10  }
0x32: {  	s10 =	sld [smem:$0x3FB8];
	_ =	sdelay $0x3  }
0x33: {  	p0 =	seq.s32 s10, $0x1;
	s10 =	sld [smem:$0x3FBA];
	_ =	sdelay $0x3  }
0x34: {  	[smem:$0x3FBA] =	sst s10  }
0x35: {  	s10 =	sld [smem:$0x3FB9];
	_ =	sdelay $0x3  }
0x36: {  	p1 =	seq.s32 s10, $0x1;
	s10 =	sld [smem:$0x3FBA];
	_ =	sdelay $0x3  }
0x37: {  	[smem:$0x3FBA] =	sst s10  }
0x38: {  	s10 =	sld [smem:$0x3FBB]  }
0x39: {  	_ = 	snop;
	(pc) =	sbr.ind lr, $3  }
0x3a: {  	_ = 	snop  }
0x3b: {  	_ = 	snop  }
0x3c: {  	p2 =	seq.s32 s10, $0x1;
	s10 =	sld [smem:$0x3FBA]  }
0x3d: {  	_ =	shalt  }
0x3e: {  	_ =	shalt  }
0x3f: {  	_ =	shalt  }
0x40: {  	_ =	shalt  }
0x41: {  	_ =	shalt  }
0x42: {  	_ =	shalt  }
0x43: {  	_ =	shalt  }
0x44: {  	_ =	shalt  }
0x45: {  	_ =	shalt  }
0x46: {  	_ =	shalt  }
0x47: {  	_ =	shalt  }
0x48: {  	_ =	shalt  }
0x49: {  	_ =	shalt  }
0x4a: {  	_ =	shalt  }
0x4b: {  	_ =	shalt  }
0x4c: {  	_ =	shalt  }
0x4d: {  	_ =	shalt  }
0x4e: {  	_ =	shalt  }
0x4f: {  	_ =	shalt  }
0x50: {  	_ =	shalt  }
0x51: {  	_ =	shalt  }
0x52: {  	_ =	shalt  }
0x53: {  	_ =	shalt  }
0x54: {  	_ =	shalt  }
0x55: {  	_ =	shalt  }
0x56: {  	_ =	shalt  }
0x57: {  	_ =	shalt  }
0x58: {  	_ =	shalt  }
0x59: {  	_ =	shalt  }
0x5a: {  	_ =	shalt  }
0x5b: {  	_ =	shalt  }
0x5c: {  	_ =	shalt  }
0x5d: {  	_ =	shalt  }
0x5e: {  	_ =	shalt  }
0x5f: {  	_ =	shalt  }
0x60: {  	_ =	shalt  }
0x61: {  	_ =	shalt  }
0x62: {  	_ =	shalt  }
0x63: {  	_ =	shalt  }
0x64: {  	_ =	shalt  }
0x65: {  	_ =	shalt  }
0x66: {  	_ =	shalt  }
0x67: {  	_ =	shalt  }
0x68: {  	_ =	shalt  }
0x69: {  	_ =	shalt  }
0x6a: {  	_ =	shalt  }
0x6b: {  	_ =	shalt  }
0x6c: {  	_ =	shalt  }
0x6d: {  	_ =	shalt  }
0x6e: {  	_ =	shalt  }
0x6f: {  	_ =	shalt  }
0x70: {  	_ =	shalt  }
0x71: {  	_ =	shalt  }
0x72: {  	_ =	shalt  }
0x73: {  	_ =	shalt  }
0x74: {  	_ =	shalt  }
0x75: {  	_ =	shalt  }
0x76: {  	_ =	shalt  }
0x77: {  	_ =	shalt  }
0x78: {  	_ =	shalt  }
0x79: {  	_ =	shalt  }
0x7a: {  	_ =	shalt  }
0x7b: {  	_ =	shalt  }
0x7c: {  	_ =	shalt  }
0x7d: {  	_ =	shalt  }
0x7e: {  	_ =	shalt  }
0x7f: {  	_ =	shalt  }
0x80: {  	_ =	shalt  }
0x81: {  	_ =	shalt  }
0x82: {  	_ =	shalt  }
0x83: {  	_ =	shalt  }
0x84: {  	_ =	shalt  }
0x85: {  	_ =	shalt  }
0x86: {  	_ =	shalt  }
0x87: {  	_ =	shalt  }
.Lfunc_end0:
.L_simem_size_0:
called_computation.2_lowered:
.L_overlay_start_0:
0x88: {  	s2 =	sld [smem:$0x3FD9]  }
0x89: {  	s3 =	sld [smem:$0x3FFE];
	_ =	sdelay $0x1  }
0x8a: {  	s1 =	srdreg.scid  }
0x8b: {  	s0 =	sand.u32 $0x1, s1  }
0x8c: {  	s17 =	sshll.u32 s0, $0xA;
	s2 =	sadd.s32 s3, s2  }
0x8d: {  	s2 =	sadd.s32 s2, s17  }
0x8e: {  	[smem:$0x3FC6] =	sst s2  }
0x8f: {  	_ = 	snop  }
0x90: {  	s18 =	sld [smem:$0x3FC8];
	(tm) =	ssettm $0x1  }
0x91: {  	s19 =	sld [smem:$0x3FFB];
	_ =	sdelay $0x3  }
0x92: {  	_ =	strace s19  }
0x93: {  	s2 =	sld [smem:$0x3FFC];
	_ =	sdelay $0x3  }
0x94: {  	_ =	strace s2  }
0x95: {  	s2 =	sld [smem:$0x3FFD];
	_ =	sdelay $0x3  }
0x96: {  	_ =	strace s2  }
0x97: {  	_ =	strace $0x8FFFFFFF  }
0x98: {  	s20 =	sld [smem:$0x3FDB];
	_ =	sdelay $0x1  }
0x99: {  	s4 =	simm.s32 $_scs_section_size  }
0x9a: {  	s5 =	simm.s32 $_size__tile_overlayer_lowered;
	s6 =	simm.s32 $_tile_overlayer_lowered  }
0x9b: {  	s7 =	simm.s32 $0x1BFF;
	s21 =	sshll.u32 s6, $0x1;
	s4 =	sadd.s32 s4, s20  }
0x9c: {  	s22 =	simm.s32 $0x0;
	s5 =	sshll.u32 s5, $0x1;
	s6 =	sadd.s32 s21, s4  }
0x9d: {  	[timem:s22], [sflag:s7] =	dma.local [hbm:s6], s5  }
0x9e: {  	_ =	swait.ge [sflag:s7], s5  }
0x9f: {  	s5 =	ssub.s32 $0x0, s5;
	[sflag:s7] =	ssyncset.done $0x0  }
0xa0: {  	[sflag:s7] =	ssyncadd.s32 s5;
	_ =	sdelay $0x1  }
0xa1: {  	s23 =	simm.s32 $0x1B8B  }
0xa2: {  	_ =	swait.ge [sflag:s23], $0x1  }
0xa3: {  	[sflag:s23] =	ssyncset.done $0x0  }
0xa4: {  	[sflag:s23] =	ssyncadd.s32 $0xFFFFFFFF  }
0xa5: {  	s5 =	sld [smem:$0x0]  }
0xa6: {  	s6 =	sand.u32 $0xFFFFFFFE, s1  }
0xa7: {  	p0 =	sne.s32 s1, s6  }
0xa8: {  	s6 =	sshll.u32 @p0 s6, $0xE  }
0xa9: {  	s6 =	sadd.s32 @p0 $0x11B8D, s6;
	s7 =	sshll.u32 @p0 s5, $0x11  }
0xaa: {  	s6 =	sor.u32 @p0 s7, s6  }
0xab: {  	[sflag:s6] =	ssyncadd.remote.s32 @p0 $0x1;
	_ =	sdelay $0x1  }
0xac: {  	s6 =	simm.s32 @p0 $0x1B8D  }
0xad: {  	_ =	swait.eq @p0 [sflag:s6], $0x1  }
0xae: {  	[sflag:s6] =	ssyncadd.s32 @p0 $0xFFFFFFFF  }
0xaf: {  	s7 =	sshll.u32 @!p0 s1, $0xE  }
0xb0: {  	s7 =	sor.u32 @!p0 $0x4000, s7;
	s6 =	simm.s32 @!p0 $0x1B8D  }
0xb1: {  	s5 =	sshll.u32 @!p0 s5, $0x11;
	s7 =	sadd.s32 @!p0 $0x11B8D, s7;
	_ =	swait.eq @!p0 [sflag:s6], $0x1  }
0xb2: {  	s5 =	sor.u32 @!p0 s5, s7;
	[sflag:s6] =	ssyncadd.s32 @!p0 $0xFFFFFFFF  }
0xb3: {  	s25 =	simm.s32 $0x1B8E;
	s24 =	sld [smem:$0x3FFE];
	[sflag:s5] =	ssyncadd.remote.s32 @!p0 $0x1  }
0xb4: {  	s26 =	simm.s32 $execute0_lowered;
	[smem:$0x3FD2] =	sst s25  }
0xb5: {  	s6 =	sshll.u32 s26, $0x1;
	_ =	strace $0x8000004C;
	[dreg:$0x1] =	wrdreg $0xFFFFFFFF  }
0xb6: {  	s28 =	simm.s32 $_size_execute0_lowered;
	s4 =	sadd.s32 s4, s6;
	[dreg:$0x0] =	wrdreg $0x0  }
0xb7: {  	s6 =	sshll.u32 s28, $0x1;
	[dreg:$0x2] =	wrdreg s4  }
0xb8: {  	[dreg:$0x3] =	wrdreg s6  }
0xb9: {  	[dreg:$0x4] =	wrdreg $0xC0  }
0xba: {  	_ =	task [dreg:s22], $0x5FFFF  }
0xbb: {  	[dreg:$0x1] =	wrdreg $0xFFFFFFFF  }
0xbc: {  	[dreg:$0x0] =	wrdreg $0x60  }
0xbd: {  	[dreg:$0x2] =	wrdreg s18  }
0xbe: {  	[dreg:$0x3] =	wrdreg s24  }
0xbf: {  	[dreg:$0x4] =	wrdreg $0xB  }
0xc0: {  	_ =	task.clear_ibuf [dreg:s22], $0x5FFFF;
	_ =	strace $0x9000004C  }
0xc1: {  	s29 =	simm.s32 $0xB;
	_ =	strace $0x8000004E  }
0xc2: {  	_ =	swait.ge [sflag:s29], $0x1  }
0xc3: {  	[sflag:s29] =	ssyncadd.s32 $0xFFFFFFFF  }
0xc4: {  	_ =	strace $0x9000004E  }
0xc5: {  	_ =	sfence  }
0xc6: {  	s30 =	sld [smem:$0x0];
	_ =	sdelay $0x2  }
0xc7: {  	s31 =	sshll.u32 s1, $0xD;
	s1 =	sshrl.u32 s1, $0x2  }
0xc8: {  	s4 =	sand.u32 $0x4000, s31;
	s1 =	sadd.s32 s1, s30  }
0xc9: {  	s0 =	sor.u32 s4, s0;
	s1 =	sshll.u32 s1, $0x11  }
0xca: {  	s0 =	sor.u32 s1, s0  }
0xcb: {  	s0 =	sadd.s32 $0x8F2B, s0  }
0xcc: {  	[sflag:s0] =	ssyncadd.remote.s32 $0x1  }
0xcd: {  	_ =	sfence.sel $0xFFFF  }
0xce: {  	[dreg:$0x0] =	wrdreg $0xFFFFFFFF;
	(pc) =	sbr.abs _section_cstart, $3  }
0xcf: {  	[dreg:$0x1] =	wrdreg $0xFFFFFFFF  }
0xd0: {  	_ =	task.clear_ibuf [dreg:s22], $0x2FFFF;
	_ =	strace $0x9FFFFFFF  }
0xd1: {  	(tm) =	ssettm $0x7FFFFFFF  }
tec
execute0_lowered:
.L_overlay_start_1:
0x0: {  	(tag) =	ssettag $0x1  }
0x1: {  	s1 =	rddreg [dreg:$0x0]  }
0x2: {  	s0 =	rddreg [dreg:$0x1];
	s2 =	srdreg.scid;
	s3 =	simm.s32 $0x0  }
0x3: {  	s8 =	stileid.u32;
	s10 =	simm.s32 $0x32;
	s11 =	simm.s32 $0x1000  }
0x4: {  	s13 =	simm.s32 $0x2C00;
	s15 =	simm.s32 $0x4800;
	s17 =	simm.s32 $0x6400  }
0x5: {  	s18 =	simm.s32 $0x1;
	s19 =	simm.s32 $0x8000;
	s20 =	simm.s32 $0x2  }
0x6: {  	s21 =	simm.s32 $0x9C00;
	s22 =	simm.s32 $0x3;
	s23 =	simm.s32 $0xB800  }
0x7: {  	s24 =	simm.s32 $0x4;
	s25 =	simm.s32 $0xD400;
	s26 =	simm.s32 $0x5  }
0x8: {  	s28 =	simm.s32 $0x7;
	s29 =	simm.s32 $0x8;
	s2 =	sand.u32 $0x1, s2  }
0x9: {  	[smem:$0x7FF] =	sst s3;
	s4 =	sshll.u32 s8, $0x6;
	s30 =	smul.u32 $0xE000, s8  }
0xa: {  	s5 =	sshll.u32 s2, $0x5;
	_ =	strace $0x8000004D;
	s6 =	ssub.s32 $0x2, s2  }
0xb: {  	s2 =	smul.u32 $0x7000, s2;
	s4 =	sor.u32 s5, s4;
	s7 =	sshrl.u32 s6, $0x1  }
0xc: {  	s5 =	sshll.u32 s4, $0x4;
	s4 =	smul.u32 $0x380, s4;
	s6 =	ssub.s32 s6, s7  }
0xd: {  	s5 =	sadd.s32 s5, s0;
	s0 =	sadd.s32 $0x1D1000, s0;
	s31 =	smax.u32 s6, $0x1  }
.Ltmp0:
0xe: {  	s6 =	simm.s32 $0x0;
	s4 =	sadd.s32 s4, s0;
	(pc) =	sbr.rel .LBB2_1-.Ltmp0, $4  }
0xf: {  	s5 =	sadd.s32 $0x9000, s5;
	[dreg:$0x5] =	wrdreg s31;
	s0 =	sadd.s32 s30, s0  }
0x10: {  	[dreg:$0x3] =	wrdreg s5;
	s5 =	sadd.s32 $0x6580, s4;
	s4 =	sadd.s32 $0x6C80, s4  }
0x11: {  	s0 =	sadd.s32 s2, s0;
	s2 =	simm.s32 $0xC;
	[dreg:$0x4] =	wrdreg s4  }
0x12: {  	[dreg:$0x6] =	wrdreg s0;
	s0 =	simm.s32 $0xB;
	s4 =	simm.s32 $0x10  }
.LBB2_4:
0x13: {  	_ =	swait.ge [sflag:s29], $0x1900  }
0x14: {  	[sflag:s29] =	ssyncset.done $0x0  }
0x15: {  	s9 =	simm.s32 $0x9;
	s7 =	rddreg [dreg:$0x4];
	[sflag:s29] =	ssyncadd.s32 $0xFFFFE700  }
0x16: {  	[hbm4b:s7+s3] =	stream.linear.scatter [tilespmem:s25], [sflag:$0x10], $0x1C00, $0x38;
	[tilespmem:$0xF000] =	vst v63  }
0x17: {  	_ =	swait.ge [sflag:s9], $0x1C00  }
0x18: {  	[sflag:s9] =	ssyncset.done $0x0  }
0x19: {  	s12 =	simm.s32 $0xA;
	[sflag:s9] =	ssyncadd.s32 $0xFFFFE400  }
0x1a: {  	_ =	swait.ge [sflag:s12], $0x1C00  }
0x1b: {  	[sflag:s12] =	ssyncset.done $0x0  }
0x1c: {  	[sflag:s12] =	ssyncadd.s32 $0xFFFFE400  }
0x1d: {  	_ =	swait.ge [sflag:s0], $0x1C00  }
0x1e: {  	[sflag:s0] =	ssyncset.done $0x0  }
0x1f: {  	[sflag:s0] =	ssyncadd.s32 $0xFFFFE400  }
0x20: {  	_ =	swait.ge [sflag:s2], $0x1C00  }
0x21: {  	[sflag:s2] =	ssyncset.done $0x0  }
0x22: {  	s14 =	simm.s32 $0xD;
	[sflag:s2] =	ssyncadd.s32 $0xFFFFE400  }
0x23: {  	_ =	swait.ge [sflag:s14], $0x1C00  }
0x24: {  	[sflag:s14] =	ssyncset.done $0x0  }
0x25: {  	s16 =	simm.s32 $0xE;
	[sflag:s14] =	ssyncadd.s32 $0xFFFFE400  }
0x26: {  	_ =	swait.ge [sflag:s16], $0x1C00  }
0x27: {  	[sflag:s16] =	ssyncset.done $0x0  }
0x28: {  	s30 =	simm.s32 $0xF;
	[sflag:s16] =	ssyncadd.s32 $0xFFFFE400  }
0x29: {  	_ =	swait.ge [sflag:s30], $0x1C00  }
0x2a: {  	[sflag:s30] =	ssyncset.done $0x0  }
0x2b: {  	[sflag:s30] =	ssyncadd.s32 $0xFFFFE400  }
0x2c: {  	_ =	swait.ge [sflag:s4], $0x1C00  }
0x2d: {  	s6 =	sadd.s32 $0x1, s6;
	s31 =	rddreg [dreg:$0x5]  }
0x2e: {  	p0 =	sne.s32 s6, s31  }
.Ltmp1:
0x2f: {  	_ = 	snop;
	(pc) =	sbr.rel @!p0 .LBB2_5-.Ltmp1, $3  }
0x30: {  	_ =	sdelay $0x1  }
0x31: {  	[sflag:s4] =	ssyncset.done $0x0  }
0x32: {  	[sflag:s4] =	ssyncadd.s32 $0xFFFFE400  }
.LBB2_1:
0x33: {  	s7 =	rddreg [dreg:$0x3];
	s14 =	simm.s32 $0x11  }
0x34: {  	[tilespmem:s3], [sflag:$0x11] =	stream.linear.gather [hbm4b:s7+s3], $0x1000, $0x38;
	[tilespmem:$0xF000] =	vst v63  }
0x35: {  	_ =	swait.ge [sflag:s14], $0x1000  }
0x36: {  	[sflag:s14] =	ssyncset.done $0x0  }
0x37: {  	[sflag:s14] =	ssyncadd.s32 $0xFFFFF000  }
0x38: {  	[tilespmem:s11], [sflag:$0x1] =	stream.indirect.gather [hbm4b:s1+s10], $0x80, s3, s10, $0xb8;
	[tilespmem:$0xF000] =	vst v63  }
0x39: {  	s16 =	simm.s32 $0x80  }
0x3a: {  	[tilespmem:s13], [sflag:$0x2] =	stream.indirect.gather [hbm4b:s1+s10], $0x80, s16, s10, $0xb8;
	[tilespmem:$0xF000] =	vst v63  }
0x3b: {  	s30 =	simm.s32 $0x100  }
0x3c: {  	[tilespmem:s15], [sflag:$0x3] =	stream.indirect.gather [hbm4b:s1+s10], $0x80, s30, s10, $0xb8;
	[tilespmem:$0xF000] =	vst v63  }
0x3d: {  	s31 =	simm.s32 $0x180;
	s7 =	simm.s32 $0x0;
	s8 =	rddreg [dreg:$0x6]  }
0x3e: {  	[tilespmem:s17], [sflag:$0x4] =	stream.indirect.gather [hbm4b:s1+s10], $0x80, s31, s10, $0xb8;
	[tilespmem:$0xF000] =	vst v63  }
.LBB2_2:
0x3f: {  	_ =	swait.ge [sflag:s18], $0x1900  }
0x40: {  	p0 =	seq.s32 s7, $0x0;
	[sflag:s18] =	ssyncset.done $0x0  }
0x41: {  	s30 =	simm.s32 @!p0 $0xD;
	[sflag:s18] =	ssyncadd.s32 $0xFFFFE700  }
0x42: {  	[hbm4b:s8+s3] =	stream.linear.scatter [tilespmem:s11], [sflag:$0x9], $0x1C00, $0x38;
	[tilespmem:$0xF000] =	vst v63  }
0x43: {  	_ =	swait.ge @!p0 [sflag:s30], $0x1C00  }
0x44: {  	s9 =	sshra.s32 s7, $0x2;
	[sflag:s30] =	ssyncset.done @!p0 $0x0  }
0x45: {  	s31 =	sadd.s32 $0x200, s9;
	[sflag:s30] =	ssyncadd.s32 @!p0 $0xFFFFE400  }
0x46: {  	[tilespmem:s19], [sflag:$0x5] =	stream.indirect.gather [hbm4b:s1+s10], $0x80, s31, s10, $0xb8;
	[tilespmem:$0xF000] =	vst v63  }
0x47: {  	_ =	swait.ge [sflag:s20], $0x1900  }
0x48: {  	[sflag:s20] =	ssyncset.done $0x0  }
0x49: {  	s12 =	sadd.s32 $0x380, s8;
	s30 =	simm.s32 @!p0 $0xE;
	[sflag:s20] =	ssyncadd.s32 $0xFFFFE700  }
0x4a: {  	[hbm4b:s12+s3] =	stream.linear.scatter [tilespmem:s13], [sflag:$0xA], $0x1C00, $0x38;
	[tilespmem:$0xF000] =	vst v63  }
0x4b: {  	_ =	swait.ge @!p0 [sflag:s30], $0x1C00  }
0x4c: {  	[sflag:s30] =	ssyncset.done @!p0 $0x0  }
0x4d: {  	s14 =	sadd.s32 $0x280, s9;
	[sflag:s30] =	ssyncadd.s32 @!p0 $0xFFFFE400  }
0x4e: {  	[tilespmem:s21], [sflag:$0x6] =	stream.indirect.gather [hbm4b:s1+s10], $0x80, s14, s10, $0xb8;
	[tilespmem:$0xF000] =	vst v63  }
0x4f: {  	_ =	swait.ge [sflag:s22], $0x1900  }
0x50: {  	[sflag:s22] =	ssyncset.done $0x0  }
0x51: {  	s16 =	sadd.s32 $0x700, s8;
	s30 =	simm.s32 @!p0 $0xF;
	[sflag:s22] =	ssyncadd.s32 $0xFFFFE700  }
0x52: {  	[hbm4b:s16+s3] =	stream.linear.scatter [tilespmem:s15], [sflag:$0xB], $0x1C00, $0x38;
	[tilespmem:$0xF000] =	vst v63  }
0x53: {  	_ =	swait.ge @!p0 [sflag:s30], $0x1C00  }
0x54: {  	[sflag:s30] =	ssyncset.done @!p0 $0x0  }
0x55: {  	s31 =	sadd.s32 $0x300, s9;
	[sflag:s30] =	ssyncadd.s32 @!p0 $0xFFFFE400  }
0x56: {  	[tilespmem:s23], [sflag:$0x7] =	stream.indirect.gather [hbm4b:s1+s10], $0x80, s31, s10, $0xb8;
	[tilespmem:$0xF000] =	vst v63  }
0x57: {  	_ =	swait.ge [sflag:s24], $0x1900  }
0x58: {  	[sflag:s24] =	ssyncset.done $0x0  }
0x59: {  	s12 =	sadd.s32 $0xA80, s8;
	s30 =	simm.s32 @!p0 $0x10;
	[sflag:s24] =	ssyncadd.s32 $0xFFFFE700  }
0x5a: {  	[hbm4b:s12+s3] =	stream.linear.scatter [tilespmem:s17], [sflag:$0xC], $0x1C00, $0x38;
	[tilespmem:$0xF000] =	vst v63  }
0x5b: {  	_ =	swait.ge @!p0 [sflag:s30], $0x1C00  }
0x5c: {  	[sflag:s30] =	ssyncset.done @!p0 $0x0  }
0x5d: {  	s14 =	sadd.s32 $0x380, s9;
	[sflag:s30] =	ssyncadd.s32 @!p0 $0xFFFFE400  }
0x5e: {  	[tilespmem:s25], [sflag:$0x8] =	stream.indirect.gather [hbm4b:s1+s10], $0x80, s14, s10, $0xb8;
	[tilespmem:$0xF000] =	vst v63  }
0x5f: {  	_ =	swait.ge [sflag:s26], $0x1900  }
0x60: {  	p0 =	seq.s32 s7, $0x3000;
	[sflag:s26] =	ssyncset.done $0x0  }
0x61: {  	s16 =	sadd.s32 $0xE00, s8;
	s30 =	simm.s32 @p0 $0x6;
	[sflag:s26] =	ssyncadd.s32 $0xFFFFE700  }
0x62: {  	[hbm4b:s16+s3] =	stream.linear.scatter [tilespmem:s19], [sflag:$0xD], $0x1C00, $0x38;
	[tilespmem:$0xF000] =	vst v63  }
0x63: {  	_ =	swait.ge @p0 [sflag:s30], $0x1900  }
0x64: {  	[sflag:s30] =	ssyncset.done @p0 $0x0  }
0x65: {  	s31 =	simm.s32 @p0 $0x9C00;
	[sflag:s30] =	ssyncadd.s32 @p0 $0xFFFFE700;
	s30 =	simm.s32 @p0 $0x0  }
0x66: {  	[hbm4b:s5+s30] =	stream.linear.scatter @p0 [tilespmem:s31], [sflag:$0xE], $0x1C00, $0x38;
	[tilespmem:$0xF000] =	vst v63  }
0x67: {  	s30 =	simm.s32 @!p0 $0x9  }
0x68: {  	_ =	swait.ge @!p0 [sflag:s30], $0x1C00  }
0x69: {  	[sflag:s30] =	ssyncset.done @!p0 $0x0  }
0x6a: {  	[sflag:s30] =	ssyncadd.s32 @!p0 $0xFFFFE400;
	s30 =	sshra.s32 @!p0 s7, $0x2  }
0x6b: {  	s12 =	simm.s32 @!p0 $0x32;
	s14 =	simm.s32 @!p0 $0x1000;
	s31 =	sadd.s32 @!p0 $0x400, s30  }
0x6c: {  	[tilespmem:s14], [sflag:$0x1] =	stream.indirect.gather @!p0 [hbm4b:s1+s12], $0x80, s31, s12, $0xb8;
	[tilespmem:$0xF000] =	vst v63  }
0x6d: {  	s14 =	simm.s32 @!p0 $0x6  }
0x6e: {  	_ =	swait.ge @!p0 [sflag:s14], $0x1900  }
0x6f: {  	s16 =	simm.s32 @!p0 $0x9C00;
	[sflag:s14] =	ssyncset.done @!p0 $0x0  }
0x70: {  	s31 =	simm.s32 @!p0 $0x0;
	[sflag:s14] =	ssyncadd.s32 @!p0 $0xFFFFE700;
	s14 =	sadd.s32 @!p0 $0x1180, s8  }
0x71: {  	[hbm4b:s14+s31] =	stream.linear.scatter @!p0 [tilespmem:s16], [sflag:$0xE], $0x1C00, $0x38;
	[tilespmem:$0xF000] =	vst v63  }
0x72: {  	s14 =	simm.s32 @!p0 $0xA  }
0x73: {  	_ =	swait.ge @!p0 [sflag:s14], $0x1C00  }
0x74: {  	[sflag:s14] =	ssyncset.done @!p0 $0x0  }
0x75: {  	s16 =	simm.s32 @!p0 $0x2C00;
	[sflag:s14] =	ssyncadd.s32 @!p0 $0xFFFFE400;
	s14 =	sadd.s32 @!p0 $0x480, s30  }
0x76: {  	[tilespmem:s16], [sflag:$0x2] =	stream.indirect.gather @!p0 [hbm4b:s1+s12], $0x80, s14, s12, $0xb8;
	[tilespmem:$0xF000] =	vst v63  }
.Ltmp2:
0x77: {  	_ = 	snop;
	(pc) =	sbr.rel @p0 .LBB2_4-.Ltmp2, $4  }
0x78: {  	_ =	swait.ge [sflag:s28], $0x1900  }
0x79: {  	[sflag:s28] =	ssyncset.done $0x0  }
0x7a: {  	s31 =	sadd.s32 $0x1500, s8;
	[sflag:s28] =	ssyncadd.s32 $0xFFFFE700  }
0x7b: {  	[hbm4b:s31+s3] =	stream.linear.scatter [tilespmem:s23], [sflag:$0xF], $0x1C00, $0x38;
	[tilespmem:$0xF000] =	vst v63  }
0x7c: {  	_ =	swait.ge [sflag:s0], $0x1C00  }
0x7d: {  	[sflag:s0] =	ssyncset.done $0x0  }
0x7e: {  	s12 =	sadd.s32 $0x500, s9;
	[sflag:s0] =	ssyncadd.s32 $0xFFFFE400  }
0x7f: {  	[tilespmem:s15], [sflag:$0x3] =	stream.indirect.gather [hbm4b:s1+s10], $0x80, s12, s10, $0xb8;
	[tilespmem:$0xF000] =	vst v63  }
0x80: {  	_ =	swait.ge [sflag:s29], $0x1900  }
0x81: {  	[sflag:s29] =	ssyncset.done $0x0  }
0x82: {  	s30 =	sadd.s32 $0x1880, s8;
	[sflag:s29] =	ssyncadd.s32 $0xFFFFE700  }
0x83: {  	[hbm4b:s30+s3] =	stream.linear.scatter [tilespmem:s25], [sflag:$0x10], $0x1C00, $0x38;
	[tilespmem:$0xF000] =	vst v63  }
.Ltmp3:
0x84: {  	_ = 	snop;
	(pc) =	sbr.rel .LBB2_2-.Ltmp3, $4  }
0x85: {  	_ =	swait.ge [sflag:s2], $0x1C00  }
0x86: {  	s31 =	sadd.s32 $0x580, s9;
	[sflag:s2] =	ssyncset.done $0x0  }
0x87: {  	s7 =	sadd.s32 $0x1000, s7;
	s8 =	sadd.s32 $0x1C00, s8;
	[sflag:s2] =	ssyncadd.s32 $0xFFFFE400  }
0x88: {  	[tilespmem:s17], [sflag:$0x4] =	stream.indirect.gather [hbm4b:s1+s10], $0x80, s31, s10, $0xb8;
	[tilespmem:$0xF000] =	vst v63  }
.LBB2_5:
0x89: {  	_ =	sfence.sel $0x180000  }
0x8a: {  	[bflag:$0x0] =	sbarrier.arrive $0xFFFF  }
0x8b: {  	_ =	strace $0x9000004D  }
0x8c: {  	s0 =	stileid.u32;
	[bflag:$0x2] =	sbarrier.arrive $0xFFFF  }
0x8d: {  	p0 =	sne.s32 s0, $0x0;
	s0 =	rddreg [dreg:$0x2]  }
0x8e: {  	s0 =	sadd.s32 @!p0 $0x100000, s0  }
0x8f: {  	[sflag:s0] =	ssyncadd.tile.s32 @!p0 $0x1;
	_ =	shalt  }
.Lfunc_end2:
_tile_overlayer_lowered:
.L_overlay_start_2:
0x90: {  	(tag) =	ssettag $0x2  }
0x91: {  	s0 =	rddreg [dreg:$0x0];
	s2 =	stileid.u32  }
0x92: {  	s1 =	rddreg [dreg:$0x1];
	p0 =	sne.s32 s2, $0x0  }
0x93: {  	s3 =	rddreg [dreg:$0x2];
	[bflag:$0x3] =	sbarrier.arrive $0xFFFF;
	s2 =	simm.s32 @!p0 $0x1C11  }
0x94: {  	[timem:s3], [sflag:s2] =	dma.local @!p0 [hbm:s0], s1  }
0x95: {  	s0 =	simm.s32 @!p0 $0x11  }
0x96: {  	_ =	swait.ge @!p0 [sflag:s0], s1  }
0x97: {  	s1 =	ssub.s32 @!p0 $0x0, s1;
	[sflag:s0] =	ssyncset.done @!p0 $0x0  }
0x98: {  	[sflag:s0] =	ssyncadd.s32 @!p0 s1  }
0x99: {  	[bflag:$0x3] =	sbarrier.arrive $0xFFFF  }
0x9a: {  	_ =	shalt  }

// kernel: kernel.19.cloned.1.call-start
scs
__scs_entry_jumppad:
0x0: {  	(pc) =	sbr.rel $0x88, $3  }
0x1: {  	(tag) =	ssettag $0x0;
	lr =	simm.s32 $0x1  }
0x2: {  	[smem:$0x3F9F] =	sst lr;
	_ =	strace $0xD0000000  }
0x3: {  	_ = 	snop  }
0x4: {  	_ = 	snop  }
0x5: {  	_ = 	snop  }
0x6: {  	_ = 	snop  }
0x7: {  	_ = 	snop  }
__scs_overlays_trampoline_lowered:
0x8: {  	[smem:$0x3FAE] =	sst s0  }
0x9: {  	[smem:$0x3FAF] =	sst s1  }
0xa: {  	[smem:$0x3FB0] =	sst s2  }
0xb: {  	[smem:$0x3FB1] =	sst s3  }
0xc: {  	[smem:$0x3FB2] =	sst s4  }
0xd: {  	[smem:$0x3FB3] =	sst s5  }
0xe: {  	[smem:$0x3FB4] =	sst s6  }
0xf: {  	[smem:$0x3FB5] =	sst s7  }
0x10: {  	[smem:$0x3FB6] =	sst s8  }
0x11: {  	[smem:$0x3FB7] =	sst s9;
	s0 =	simm.s32 @!p0 $0x0  }
0x12: {  	s1 =	sld [smem:$0x3F9D];
	s0 =	simm.s32 @p0 $0x1  }
0x13: {  	[smem:$0x3FB8] =	sst s0;
	s0 =	simm.s32 @!p1 $0x0  }
0x14: {  	s2 =	sld [smem:$0x3F9C];
	s0 =	simm.s32 @p1 $0x1  }
0x15: {  	[smem:$0x3FB9] =	sst s0;
	s0 =	simm.s32 @!p2 $0x0  }
0x16: {  	s3 =	sld [smem:$0x3FDB];
	s0 =	simm.s32 @p2 $0x1  }
0x17: {  	s4 =	simm.s32 $0x1BF5;
	[smem:$0x3FBB] =	sst s0  }
0x18: {  	s0 =	sld [smem:$0x3F9E];
	_ =	swait.ge [sflag:s4], $0x0  }
0x19: {  	s7 =	sld [smem:$0x3F9F]  }
0x1a: {  	s8 =	sadd.s32 $0xFFFFE003, lr  }
0x1b: {  	s9 =	sadd.s32 $0xFFFFFEF7, lr;
	s5 =	simm.s32 $0xFFFFFFFF;
	p2 =	slt.u32 s8, $0xFFFFF086  }
0x1c: {  	p1 =	slt.u32 s9, $0xF7A;
	s5 =	simm.s32 @!p2 $0x0  }
0x1d: {  	s5 =	simm.s32 @p1 $0x1;
	p0 =	seq.s32 s7, s2  }
0x1e: {  	s7 =	smul.u32 @!p0 $0xF7A, s2;
	p2 =	seq.s32 @!p0 s5, $0x0  }
0x1f: {  	s9 =	smul.u32 $0xF7A, s1;
	s8 =	simm.s32 @!p0 $0x1BF5;
	p2 =	por !p2, p0  }
0x20: {  	[sflag:s8] =	ssyncset.s32 @!p0 $0xFFFFF086;
	s6 =	sadd.s32 @!p0 s3, s7;
	s7 =	simm.s32 @!p0 $0x108  }
0x21: {  	s3 =	sadd.s32 s3, s9;
	s6 =	sadd.s32 @!p0 $0x88, s6;
	s7 =	simm.s32 @p2 $0x1082  }
0x22: {  	[simem:s7], [sflag:s8] =	dma.local @!p0 [hbm:s6], $0xF7A  }
0x23: {  	s9 =	sor.u32 $0xD0000000, s2;
	s6 =	simm.s32 $0x108;
	_ =	swait.ge @!p0 [sflag:s8], $0x0  }
0x24: {  	s3 =	sadd.s32 $0x88, s3;
	s6 =	simm.s32 @!p1 $0x1082;
	[sflag:s4] =	ssyncset.s32 $0xFFFFF086  }
0x25: {  	[simem:s6], [sflag:s4] =	dma.local [hbm:s3], $0xF7A  }
0x26: {  	[smem:$0x3F9F] =	sst s1;
	(tag) =	ssettag s2;
	_ =	strace s9  }
0x27: {  	s1 =	sld [smem:$0x3FAF]  }
0x28: {  	s2 =	sld [smem:$0x3FB0]  }
0x29: {  	s4 =	sld [smem:$0x3FB2]  }
0x2a: {  	p0 =	seq.s32 s5, $0x0;
	s5 =	sld [smem:$0x3FB3]  }
0x2b: {  	s6 =	sld [smem:$0x3FB4]  }
0x2c: {  	s7 =	sld [smem:$0x3FB5]  }
0x2d: {  	s3 =	simm.s32 $0x108;
	s8 =	sld [smem:$0x3FB6]  }
0x2e: {  	s3 =	simm.s32 @!p0 $0x1082;
	s9 =	sld [smem:$0x3FB7]  }
0x2f: {  	lr =	sadd.s32 s0, s3;
	s0 =	sld [smem:$0x3FAE]  }
0x30: {  	s3 =	sld [smem:$0x3FB1]  }
0x31: {  	[smem:$0x3FBA] =	sst s10  }
0x32: {  	s10 =	sld [smem:$0x3FB8];
	_ =	sdelay $0x3  }
0x33: {  	p0 =	seq.s32 s10, $0x1;
	s10 =	sld [smem:$0x3FBA];
	_ =	sdelay $0x3  }
0x34: {  	[smem:$0x3FBA] =	sst s10  }
0x35: {  	s10 =	sld [smem:$0x3FB9];
	_ =	sdelay $0x3  }
0x36: {  	p1 =	seq.s32 s10, $0x1;
	s10 =	sld [smem:$0x3FBA];
	_ =	sdelay $0x3  }
0x37: {  	[smem:$0x3FBA] =	sst s10  }
0x38: {  	s10 =	sld [smem:$0x3FBB]  }
0x39: {  	_ = 	snop;
	(pc) =	sbr.ind lr, $3  }
0x3a: {  	_ = 	snop  }
0x3b: {  	_ = 	snop  }
0x3c: {  	p2 =	seq.s32 s10, $0x1;
	s10 =	sld [smem:$0x3FBA]  }
0x3d: {  	_ =	shalt  }
0x3e: {  	_ =	shalt  }
0x3f: {  	_ =	shalt  }
0x40: {  	_ =	shalt  }
0x41: {  	_ =	shalt  }
0x42: {  	_ =	shalt  }
0x43: {  	_ =	shalt  }
0x44: {  	_ =	shalt  }
0x45: {  	_ =	shalt  }
0x46: {  	_ =	shalt  }
0x47: {  	_ =	shalt  }
0x48: {  	_ =	shalt  }
0x49: {  	_ =	shalt  }
0x4a: {  	_ =	shalt  }
0x4b: {  	_ =	shalt  }
0x4c: {  	_ =	shalt  }
0x4d: {  	_ =	shalt  }
0x4e: {  	_ =	shalt  }
0x4f: {  	_ =	shalt  }
0x50: {  	_ =	shalt  }
0x51: {  	_ =	shalt  }
0x52: {  	_ =	shalt  }
0x53: {  	_ =	shalt  }
0x54: {  	_ =	shalt  }
0x55: {  	_ =	shalt  }
0x56: {  	_ =	shalt  }
0x57: {  	_ =	shalt  }
0x58: {  	_ =	shalt  }
0x59: {  	_ =	shalt  }
0x5a: {  	_ =	shalt  }
0x5b: {  	_ =	shalt  }
0x5c: {  	_ =	shalt  }
0x5d: {  	_ =	shalt  }
0x5e: {  	_ =	shalt  }
0x5f: {  	_ =	shalt  }
0x60: {  	_ =	shalt  }
0x61: {  	_ =	shalt  }
0x62: {  	_ =	shalt  }
0x63: {  	_ =	shalt  }
0x64: {  	_ =	shalt  }
0x65: {  	_ =	shalt  }
0x66: {  	_ =	shalt  }
0x67: {  	_ =	shalt  }
0x68: {  	_ =	shalt  }
0x69: {  	_ =	shalt  }
0x6a: {  	_ =	shalt  }
0x6b: {  	_ =	shalt  }
0x6c: {  	_ =	shalt  }
0x6d: {  	_ =	shalt  }
0x6e: {  	_ =	shalt  }
0x6f: {  	_ =	shalt  }
0x70: {  	_ =	shalt  }
0x71: {  	_ =	shalt  }
0x72: {  	_ =	shalt  }
0x73: {  	_ =	shalt  }
0x74: {  	_ =	shalt  }
0x75: {  	_ =	shalt  }
0x76: {  	_ =	shalt  }
0x77: {  	_ =	shalt  }
0x78: {  	_ =	shalt  }
0x79: {  	_ =	shalt  }
0x7a: {  	_ =	shalt  }
0x7b: {  	_ =	shalt  }
0x7c: {  	_ =	shalt  }
0x7d: {  	_ =	shalt  }
0x7e: {  	_ =	shalt  }
0x7f: {  	_ =	shalt  }
0x80: {  	_ =	shalt  }
0x81: {  	_ =	shalt  }
0x82: {  	_ =	shalt  }
0x83: {  	_ =	shalt  }
0x84: {  	_ =	shalt  }
0x85: {  	_ =	shalt  }
0x86: {  	_ =	shalt  }
0x87: {  	_ =	shalt  }
.Lfunc_end0:
.L_simem_size_0:
called_computation.3_lowered:
.L_overlay_start_0:
0x88: {  	s2 =	sld [smem:$0x3FD9]  }
0x89: {  	s3 =	sld [smem:$0x3FFE];
	_ =	sdelay $0x1  }
0x8a: {  	s1 =	srdreg.scid  }
0x8b: {  	s0 =	sand.u32 $0x1, s1  }
0x8c: {  	s17 =	sshll.u32 s0, $0xA;
	s2 =	sadd.s32 s3, s2  }
0x8d: {  	s2 =	sadd.s32 s2, s17  }
0x8e: {  	[smem:$0x3FC6] =	sst s2  }
0x8f: {  	_ = 	snop  }
0x90: {  	s4 =	sld [smem:$0x3FC8]  }
0x91: {  	s18 =	sld [smem:$0x3FD0];
	(tm) =	ssettm $0x1  }
0x92: {  	s19 =	sld [smem:$0x3FFB];
	_ =	sdelay $0x3  }
0x93: {  	_ =	strace s19  }
0x94: {  	s2 =	sld [smem:$0x3FFC];
	_ =	sdelay $0x3  }
0x95: {  	_ =	strace s2  }
0x96: {  	s2 =	sld [smem:$0x3FFD];
	_ =	sdelay $0x3  }
0x97: {  	_ =	strace s2  }
0x98: {  	_ =	strace $0x8FFFFFFF  }
0x99: {  	s20 =	sld [smem:$0x3FDB];
	_ =	sdelay $0x1  }
0x9a: {  	s5 =	simm.s32 $_scs_section_size  }
0x9b: {  	s6 =	simm.s32 $_size__tile_overlayer_lowered;
	s7 =	simm.s32 $_tile_overlayer_lowered  }
0x9c: {  	s8 =	simm.s32 $0x1BFF;
	s21 =	sshll.u32 s7, $0x1;
	s5 =	sadd.s32 s5, s20  }
0x9d: {  	s22 =	simm.s32 $0x0;
	s6 =	sshll.u32 s6, $0x1;
	s7 =	sadd.s32 s21, s5  }
0x9e: {  	[timem:s22], [sflag:s8] =	dma.local [hbm:s7], s6  }
0x9f: {  	_ =	swait.ge [sflag:s8], s6  }
0xa0: {  	s6 =	ssub.s32 $0x0, s6;
	[sflag:s8] =	ssyncset.done $0x0  }
0xa1: {  	[sflag:s8] =	ssyncadd.s32 s6;
	_ =	sdelay $0x1  }
0xa2: {  	s23 =	simm.s32 $0x1B8B  }
0xa3: {  	_ =	swait.ge [sflag:s23], $0x1  }
0xa4: {  	[sflag:s23] =	ssyncset.done $0x0  }
0xa5: {  	[sflag:s23] =	ssyncadd.s32 $0xFFFFFFFF  }
0xa6: {  	s6 =	sld [smem:$0x0]  }
0xa7: {  	s7 =	sand.u32 $0xFFFFFFFE, s1  }
0xa8: {  	p0 =	sne.s32 s1, s7  }
0xa9: {  	s7 =	sshll.u32 @p0 s7, $0xE  }
0xaa: {  	s7 =	sadd.s32 @p0 $0x11B8D, s7;
	s8 =	sshll.u32 @p0 s6, $0x11  }
0xab: {  	s7 =	sor.u32 @p0 s8, s7  }
0xac: {  	[sflag:s7] =	ssyncadd.remote.s32 @p0 $0x1;
	_ =	sdelay $0x1  }
0xad: {  	s7 =	simm.s32 @p0 $0x1B8D  }
0xae: {  	_ =	swait.eq @p0 [sflag:s7], $0x1  }
0xaf: {  	[sflag:s7] =	ssyncadd.s32 @p0 $0xFFFFFFFF  }
0xb0: {  	s8 =	sshll.u32 @!p0 s1, $0xE  }
0xb1: {  	s8 =	sor.u32 @!p0 $0x4000, s8;
	s7 =	simm.s32 @!p0 $0x1B8D  }
0xb2: {  	s6 =	sshll.u32 @!p0 s6, $0x11;
	s8 =	sadd.s32 @!p0 $0x11B8D, s8;
	_ =	swait.eq @!p0 [sflag:s7], $0x1  }
0xb3: {  	s6 =	sor.u32 @!p0 s6, s8;
	[sflag:s7] =	ssyncadd.s32 @!p0 $0xFFFFFFFF  }
0xb4: {  	s25 =	simm.s32 $0x1B8E;
	s24 =	sld [smem:$0x3FFE];
	[sflag:s6] =	ssyncadd.remote.s32 @!p0 $0x1  }
0xb5: {  	s26 =	simm.s32 $execute0_lowered;
	[smem:$0x3FD2] =	sst s25  }
0xb6: {  	s7 =	sshll.u32 s26, $0x1;
	_ =	strace $0x8000004F;
	[dreg:$0x1] =	wrdreg $0xFFFFFFFF  }
0xb7: {  	s28 =	simm.s32 $_size_execute0_lowered;
	s5 =	sadd.s32 s5, s7;
	[dreg:$0x0] =	wrdreg $0x0  }
0xb8: {  	s7 =	sshll.u32 s28, $0x1;
	[dreg:$0x2] =	wrdreg s5  }
0xb9: {  	[dreg:$0x3] =	wrdreg s7  }
0xba: {  	[dreg:$0x4] =	wrdreg $0xC0  }
0xbb: {  	_ =	task [dreg:s22], $0x5FFFF  }
0xbc: {  	[dreg:$0x1] =	wrdreg $0xFFFFFFFF  }
0xbd: {  	[dreg:$0x0] =	wrdreg $0x60  }
0xbe: {  	[dreg:$0x2] =	wrdreg s4  }
0xbf: {  	[dreg:$0x3] =	wrdreg s24  }
0xc0: {  	[dreg:$0x4] =	wrdreg s18  }
0xc1: {  	[dreg:$0x5] =	wrdreg $0xC  }
0xc2: {  	_ =	task.clear_ibuf [dreg:s22], $0x6FFFF;
	_ =	strace $0x9000004F  }
0xc3: {  	s29 =	simm.s32 $0xC;
	_ =	strace $0x80000051  }
0xc4: {  	_ =	swait.ge [sflag:s29], $0x1  }
0xc5: {  	[sflag:s29] =	ssyncadd.s32 $0xFFFFFFFF  }
0xc6: {  	_ =	strace $0x90000051  }
0xc7: {  	_ =	sfence  }
0xc8: {  	s30 =	sld [smem:$0x0];
	_ =	sdelay $0x2  }
0xc9: {  	s31 =	sshll.u32 s1, $0xD;
	s1 =	sshrl.u32 s1, $0x2  }
0xca: {  	s4 =	sand.u32 $0x4000, s31;
	s1 =	sadd.s32 s1, s30  }
0xcb: {  	s0 =	sor.u32 s4, s0;
	s1 =	sshll.u32 s1, $0x11  }
0xcc: {  	s0 =	sor.u32 s1, s0  }
0xcd: {  	s0 =	sadd.s32 $0x8F2B, s0  }
0xce: {  	[sflag:s0] =	ssyncadd.remote.s32 $0x1  }
0xcf: {  	_ =	sfence.sel $0xFFFF  }
0xd0: {  	[dreg:$0x0] =	wrdreg $0xFFFFFFFF;
	(pc) =	sbr.abs _section_cstart, $3  }
0xd1: {  	[dreg:$0x1] =	wrdreg $0xFFFFFFFF  }
0xd2: {  	_ =	task.clear_ibuf [dreg:s22], $0x2FFFF;
	_ =	strace $0x9FFFFFFF  }
0xd3: {  	(tm) =	ssettm $0x7FFFFFFF  }
tec
execute0_lowered:
.L_overlay_start_1:
0x0: {  	(tag) =	ssettag $0x1  }
0x1: {  	s1 =	rddreg [dreg:$0x0]  }
0x2: {  	s0 =	rddreg [dreg:$0x1]  }
0x3: {  	s2 =	rddreg [dreg:$0x2];
	s3 =	srdreg.scid  }
0x4: {  	s8 =	stileid.u32;
	s10 =	simm.s32 $0x32;
	s11 =	simm.s32 $0x1000  }
0x5: {  	s13 =	simm.s32 $0x2C00;
	s15 =	simm.s32 $0x4800;
	s17 =	simm.s32 $0x6400  }
0x6: {  	s18 =	simm.s32 $0x1;
	s19 =	simm.s32 $0x8000;
	s20 =	simm.s32 $0x2  }
0x7: {  	s21 =	simm.s32 $0x9C00;
	s22 =	simm.s32 $0x3;
	s23 =	simm.s32 $0xB800  }
0x8: {  	s28 =	simm.s32 $0x7;
	s29 =	simm.s32 $0x8;
	s4 =	sand.u32 $0x1, s3  }
0x9: {  	s3 =	simm.s32 $0x0;
	s5 =	sshll.u32 s8, $0x6;
	s8 =	smul.u32 $0xE000, s8  }
0xa: {  	s6 =	sshll.u32 s4, $0x5;
	[smem:$0x7FF] =	sst s3;
	s7 =	ssub.s32 $0x2, s4  }
0xb: {  	s26 =	smul.u32 $0x7000, s4;
	s4 =	simm.s32 $0x10;
	s5 =	sor.u32 s6, s5  }
0xc: {  	s24 =	sshrl.u32 s7, $0x1;
	s6 =	sshll.u32 s5, $0x4;
	s5 =	smul.u32 $0x380, s5  }
0xd: {  	_ =	strace $0x80000050;
	s0 =	sadd.s32 s6, s0;
	s6 =	ssub.s32 s7, s24  }
0xe: {  	s24 =	simm.s32 $0x4;
	s25 =	sadd.s32 s5, s2;
	s0 =	sadd.s32 $0xD000, s0  }
.Ltmp0:
0xf: {  	s31 =	smax.u32 s6, $0x1;
	s2 =	sadd.s32 s8, s2;
	(pc) =	sbr.rel .LBB2_1-.Ltmp0, $4  }
0x10: {  	s6 =	simm.s32 $0x0;
	[dreg:$0x4] =	wrdreg s0;
	s5 =	sadd.s32 $0x6580, s25  }
0x11: {  	s30 =	sadd.s32 $0x6C80, s25;
	[dreg:$0x6] =	wrdreg s31;
	s0 =	sadd.s32 s26, s2  }
0x12: {  	s25 =	simm.s32 $0xD400;
	s26 =	simm.s32 $0x5;
	[dreg:$0x5] =	wrdreg s30  }
0x13: {  	s2 =	simm.s32 $0xC;
	[dreg:$0x7] =	wrdreg s0;
	s0 =	simm.s32 $0xB  }
.LBB2_4:
0x14: {  	_ =	swait.ge [sflag:s29], $0x1900  }
0x15: {  	[sflag:s29] =	ssyncset.done $0x0  }
0x16: {  	s9 =	simm.s32 $0x9;
	s7 =	rddreg [dreg:$0x5];
	[sflag:s29] =	ssyncadd.s32 $0xFFFFE700  }
0x17: {  	[hbm4b:s7+s3] =	stream.linear.scatter [tilespmem:s25], [sflag:$0x10], $0x1C00, $0x38;
	[tilespmem:$0xF000] =	vst v63  }
0x18: {  	_ =	swait.ge [sflag:s9], $0x1C00  }
0x19: {  	[sflag:s9] =	ssyncset.done $0x0  }
0x1a: {  	s12 =	simm.s32 $0xA;
	[sflag:s9] =	ssyncadd.s32 $0xFFFFE400  }
0x1b: {  	_ =	swait.ge [sflag:s12], $0x1C00  }
0x1c: {  	[sflag:s12] =	ssyncset.done $0x0  }
0x1d: {  	[sflag:s12] =	ssyncadd.s32 $0xFFFFE400  }
0x1e: {  	_ =	swait.ge [sflag:s0], $0x1C00  }
0x1f: {  	[sflag:s0] =	ssyncset.done $0x0  }
0x20: {  	[sflag:s0] =	ssyncadd.s32 $0xFFFFE400  }
0x21: {  	_ =	swait.ge [sflag:s2], $0x1C00  }
0x22: {  	[sflag:s2] =	ssyncset.done $0x0  }
0x23: {  	s14 =	simm.s32 $0xD;
	[sflag:s2] =	ssyncadd.s32 $0xFFFFE400  }
0x24: {  	_ =	swait.ge [sflag:s14], $0x1C00  }
0x25: {  	[sflag:s14] =	ssyncset.done $0x0  }
0x26: {  	s16 =	simm.s32 $0xE;
	[sflag:s14] =	ssyncadd.s32 $0xFFFFE400  }
0x27: {  	_ =	swait.ge [sflag:s16], $0x1C00  }
0x28: {  	[sflag:s16] =	ssyncset.done $0x0  }
0x29: {  	s30 =	simm.s32 $0xF;
	[sflag:s16] =	ssyncadd.s32 $0xFFFFE400  }
0x2a: {  	_ =	swait.ge [sflag:s30], $0x1C00  }
0x2b: {  	[sflag:s30] =	ssyncset.done $0x0  }
0x2c: {  	[sflag:s30] =	ssyncadd.s32 $0xFFFFE400  }
0x2d: {  	_ =	swait.ge [sflag:s4], $0x1C00  }
0x2e: {  	s6 =	sadd.s32 $0x1, s6;
	s31 =	rddreg [dreg:$0x6]  }
0x2f: {  	p0 =	sne.s32 s6, s31  }
.Ltmp1:
0x30: {  	_ = 	snop;
	(pc) =	sbr.rel @!p0 .LBB2_5-.Ltmp1, $3  }
0x31: {  	_ =	sdelay $0x1  }
0x32: {  	[sflag:s4] =	ssyncset.done $0x0  }
0x33: {  	[sflag:s4] =	ssyncadd.s32 $0xFFFFE400  }
.LBB2_1:
0x34: {  	s7 =	rddreg [dreg:$0x4];
	s14 =	simm.s32 $0x11  }
0x35: {  	[tilespmem:s3], [sflag:$0x11] =	stream.linear.gather [hbm4b:s7+s3], $0x1000, $0x38;
	[tilespmem:$0xF000] =	vst v63  }
0x36: {  	_ =	swait.ge [sflag:s14], $0x1000  }
0x37: {  	[sflag:s14] =	ssyncset.done $0x0  }
0x38: {  	[sflag:s14] =	ssyncadd.s32 $0xFFFFF000  }
0x39: {  	[tilespmem:s11], [sflag:$0x1] =	stream.indirect.gather [hbm4b:s1+s10], $0x80, s3, s10, $0xb8;
	[tilespmem:$0xF000] =	vst v63  }
0x3a: {  	s16 =	simm.s32 $0x80  }
0x3b: {  	[tilespmem:s13], [sflag:$0x2] =	stream.indirect.gather [hbm4b:s1+s10], $0x80, s16, s10, $0xb8;
	[tilespmem:$0xF000] =	vst v63  }
0x3c: {  	s30 =	simm.s32 $0x100  }
0x3d: {  	[tilespmem:s15], [sflag:$0x3] =	stream.indirect.gather [hbm4b:s1+s10], $0x80, s30, s10, $0xb8;
	[tilespmem:$0xF000] =	vst v63  }
0x3e: {  	s31 =	simm.s32 $0x180;
	s7 =	simm.s32 $0x0;
	s8 =	rddreg [dreg:$0x7]  }
0x3f: {  	[tilespmem:s17], [sflag:$0x4] =	stream.indirect.gather [hbm4b:s1+s10], $0x80, s31, s10, $0xb8;
	[tilespmem:$0xF000] =	vst v63  }
.LBB2_2:
0x40: {  	_ =	swait.ge [sflag:s18], $0x1900  }
0x41: {  	p0 =	seq.s32 s7, $0x0;
	[sflag:s18] =	ssyncset.done $0x0  }
0x42: {  	s30 =	simm.s32 @!p0 $0xD;
	[sflag:s18] =	ssyncadd.s32 $0xFFFFE700  }
0x43: {  	[hbm4b:s8+s3] =	stream.linear.scatter [tilespmem:s11], [sflag:$0x9], $0x1C00, $0x38;
	[tilespmem:$0xF000] =	vst v63  }
0x44: {  	_ =	swait.ge @!p0 [sflag:s30], $0x1C00  }
0x45: {  	s9 =	sshra.s32 s7, $0x2;
	[sflag:s30] =	ssyncset.done @!p0 $0x0  }
0x46: {  	s31 =	sadd.s32 $0x200, s9;
	[sflag:s30] =	ssyncadd.s32 @!p0 $0xFFFFE400  }
0x47: {  	[tilespmem:s19], [sflag:$0x5] =	stream.indirect.gather [hbm4b:s1+s10], $0x80, s31, s10, $0xb8;
	[tilespmem:$0xF000] =	vst v63  }
0x48: {  	_ =	swait.ge [sflag:s20], $0x1900  }
0x49: {  	[sflag:s20] =	ssyncset.done $0x0  }
0x4a: {  	s12 =	sadd.s32 $0x380, s8;
	s30 =	simm.s32 @!p0 $0xE;
	[sflag:s20] =	ssyncadd.s32 $0xFFFFE700  }
0x4b: {  	[hbm4b:s12+s3] =	stream.linear.scatter [tilespmem:s13], [sflag:$0xA], $0x1C00, $0x38;
	[tilespmem:$0xF000] =	vst v63  }
0x4c: {  	_ =	swait.ge @!p0 [sflag:s30], $0x1C00  }
0x4d: {  	[sflag:s30] =	ssyncset.done @!p0 $0x0  }
0x4e: {  	s14 =	sadd.s32 $0x280, s9;
	[sflag:s30] =	ssyncadd.s32 @!p0 $0xFFFFE400  }
0x4f: {  	[tilespmem:s21], [sflag:$0x6] =	stream.indirect.gather [hbm4b:s1+s10], $0x80, s14, s10, $0xb8;
	[tilespmem:$0xF000] =	vst v63  }
0x50: {  	_ =	swait.ge [sflag:s22], $0x1900  }
0x51: {  	[sflag:s22] =	ssyncset.done $0x0  }
0x52: {  	s16 =	sadd.s32 $0x700, s8;
	s30 =	simm.s32 @!p0 $0xF;
	[sflag:s22] =	ssyncadd.s32 $0xFFFFE700  }
0x53: {  	[hbm4b:s16+s3] =	stream.linear.scatter [tilespmem:s15], [sflag:$0xB], $0x1C00, $0x38;
	[tilespmem:$0xF000] =	vst v63  }
0x54: {  	_ =	swait.ge @!p0 [sflag:s30], $0x1C00  }
0x55: {  	[sflag:s30] =	ssyncset.done @!p0 $0x0  }
0x56: {  	s31 =	sadd.s32 $0x300, s9;
	[sflag:s30] =	ssyncadd.s32 @!p0 $0xFFFFE400  }
0x57: {  	[tilespmem:s23], [sflag:$0x7] =	stream.indirect.gather [hbm4b:s1+s10], $0x80, s31, s10, $0xb8;
	[tilespmem:$0xF000] =	vst v63  }
0x58: {  	_ =	swait.ge [sflag:s24], $0x1900  }
0x59: {  	[sflag:s24] =	ssyncset.done $0x0  }
0x5a: {  	s12 =	sadd.s32 $0xA80, s8;
	s30 =	simm.s32 @!p0 $0x10;
	[sflag:s24] =	ssyncadd.s32 $0xFFFFE700  }
0x5b: {  	[hbm4b:s12+s3] =	stream.linear.scatter [tilespmem:s17], [sflag:$0xC], $0x1C00, $0x38;
	[tilespmem:$0xF000] =	vst v63  }
0x5c: {  	_ =	swait.ge @!p0 [sflag:s30], $0x1C00  }
0x5d: {  	[sflag:s30] =	ssyncset.done @!p0 $0x0  }
0x5e: {  	s14 =	sadd.s32 $0x380, s9;
	[sflag:s30] =	ssyncadd.s32 @!p0 $0xFFFFE400  }
0x5f: {  	[tilespmem:s25], [sflag:$0x8] =	stream.indirect.gather [hbm4b:s1+s10], $0x80, s14, s10, $0xb8;
	[tilespmem:$0xF000] =	vst v63  }
0x60: {  	_ =	swait.ge [sflag:s26], $0x1900  }
0x61: {  	p0 =	seq.s32 s7, $0x3000;
	[sflag:s26] =	ssyncset.done $0x0  }
0x62: {  	s16 =	sadd.s32 $0xE00, s8;
	s30 =	simm.s32 @p0 $0x6;
	[sflag:s26] =	ssyncadd.s32 $0xFFFFE700  }
0x63: {  	[hbm4b:s16+s3] =	stream.linear.scatter [tilespmem:s19], [sflag:$0xD], $0x1C00, $0x38;
	[tilespmem:$0xF000] =	vst v63  }
0x64: {  	_ =	swait.ge @p0 [sflag:s30], $0x1900  }
0x65: {  	[sflag:s30] =	ssyncset.done @p0 $0x0  }
0x66: {  	s31 =	simm.s32 @p0 $0x9C00;
	[sflag:s30] =	ssyncadd.s32 @p0 $0xFFFFE700;
	s30 =	simm.s32 @p0 $0x0  }
0x67: {  	[hbm4b:s5+s30] =	stream.linear.scatter @p0 [tilespmem:s31], [sflag:$0xE], $0x1C00, $0x38;
	[tilespmem:$0xF000] =	vst v63  }
0x68: {  	s30 =	simm.s32 @!p0 $0x9  }
0x69: {  	_ =	swait.ge @!p0 [sflag:s30], $0x1C00  }
0x6a: {  	[sflag:s30] =	ssyncset.done @!p0 $0x0  }
0x6b: {  	[sflag:s30] =	ssyncadd.s32 @!p0 $0xFFFFE400;
	s30 =	sshra.s32 @!p0 s7, $0x2  }
0x6c: {  	s12 =	simm.s32 @!p0 $0x32;
	s14 =	simm.s32 @!p0 $0x1000;
	s31 =	sadd.s32 @!p0 $0x400, s30  }
0x6d: {  	[tilespmem:s14], [sflag:$0x1] =	stream.indirect.gather @!p0 [hbm4b:s1+s12], $0x80, s31, s12, $0xb8;
	[tilespmem:$0xF000] =	vst v63  }
0x6e: {  	s14 =	simm.s32 @!p0 $0x6  }
0x6f: {  	_ =	swait.ge @!p0 [sflag:s14], $0x1900  }
0x70: {  	s16 =	simm.s32 @!p0 $0x9C00;
	[sflag:s14] =	ssyncset.done @!p0 $0x0  }
0x71: {  	s31 =	simm.s32 @!p0 $0x0;
	[sflag:s14] =	ssyncadd.s32 @!p0 $0xFFFFE700;
	s14 =	sadd.s32 @!p0 $0x1180, s8  }
0x72: {  	[hbm4b:s14+s31] =	stream.linear.scatter @!p0 [tilespmem:s16], [sflag:$0xE], $0x1C00, $0x38;
	[tilespmem:$0xF000] =	vst v63  }
0x73: {  	s14 =	simm.s32 @!p0 $0xA  }
0x74: {  	_ =	swait.ge @!p0 [sflag:s14], $0x1C00  }
0x75: {  	[sflag:s14] =	ssyncset.done @!p0 $0x0  }
0x76: {  	s16 =	simm.s32 @!p0 $0x2C00;
	[sflag:s14] =	ssyncadd.s32 @!p0 $0xFFFFE400;
	s14 =	sadd.s32 @!p0 $0x480, s30  }
0x77: {  	[tilespmem:s16], [sflag:$0x2] =	stream.indirect.gather @!p0 [hbm4b:s1+s12], $0x80, s14, s12, $0xb8;
	[tilespmem:$0xF000] =	vst v63  }
.Ltmp2:
0x78: {  	_ = 	snop;
	(pc) =	sbr.rel @p0 .LBB2_4-.Ltmp2, $4  }
0x79: {  	_ =	swait.ge [sflag:s28], $0x1900  }
0x7a: {  	[sflag:s28] =	ssyncset.done $0x0  }
0x7b: {  	s31 =	sadd.s32 $0x1500, s8;
	[sflag:s28] =	ssyncadd.s32 $0xFFFFE700  }
0x7c: {  	[hbm4b:s31+s3] =	stream.linear.scatter [tilespmem:s23], [sflag:$0xF], $0x1C00, $0x38;
	[tilespmem:$0xF000] =	vst v63  }
0x7d: {  	_ =	swait.ge [sflag:s0], $0x1C00  }
0x7e: {  	[sflag:s0] =	ssyncset.done $0x0  }
0x7f: {  	s12 =	sadd.s32 $0x500, s9;
	[sflag:s0] =	ssyncadd.s32 $0xFFFFE400  }
0x80: {  	[tilespmem:s15], [sflag:$0x3] =	stream.indirect.gather [hbm4b:s1+s10], $0x80, s12, s10, $0xb8;
	[tilespmem:$0xF000] =	vst v63  }
0x81: {  	_ =	swait.ge [sflag:s29], $0x1900  }
0x82: {  	[sflag:s29] =	ssyncset.done $0x0  }
0x83: {  	s30 =	sadd.s32 $0x1880, s8;
	[sflag:s29] =	ssyncadd.s32 $0xFFFFE700  }
0x84: {  	[hbm4b:s30+s3] =	stream.linear.scatter [tilespmem:s25], [sflag:$0x10], $0x1C00, $0x38;
	[tilespmem:$0xF000] =	vst v63  }
.Ltmp3:
0x85: {  	_ = 	snop;
	(pc) =	sbr.rel .LBB2_2-.Ltmp3, $4  }
0x86: {  	_ =	swait.ge [sflag:s2], $0x1C00  }
0x87: {  	s31 =	sadd.s32 $0x580, s9;
	[sflag:s2] =	ssyncset.done $0x0  }
0x88: {  	s7 =	sadd.s32 $0x1000, s7;
	s8 =	sadd.s32 $0x1C00, s8;
	[sflag:s2] =	ssyncadd.s32 $0xFFFFE400  }
0x89: {  	[tilespmem:s17], [sflag:$0x4] =	stream.indirect.gather [hbm4b:s1+s10], $0x80, s31, s10, $0xb8;
	[tilespmem:$0xF000] =	vst v63  }
.LBB2_5:
0x8a: {  	_ =	sfence.sel $0x180000  }
0x8b: {  	[bflag:$0x0] =	sbarrier.arrive $0xFFFF  }
0x8c: {  	_ =	strace $0x90000050  }
0x8d: {  	s0 =	stileid.u32;
	[bflag:$0x2] =	sbarrier.arrive $0xFFFF  }
0x8e: {  	p0 =	sne.s32 s0, $0x0;
	s0 =	rddreg [dreg:$0x3]  }
0x8f: {  	s0 =	sadd.s32 @!p0 $0x100000, s0  }
0x90: {  	[sflag:s0] =	ssyncadd.tile.s32 @!p0 $0x1;
	_ =	shalt  }
.Lfunc_end2:
_tile_overlayer_lowered:
.L_overlay_start_2:
0x91: {  	(tag) =	ssettag $0x2  }
0x92: {  	s0 =	rddreg [dreg:$0x0];
	s2 =	stileid.u32  }
0x93: {  	s1 =	rddreg [dreg:$0x1];
	p0 =	sne.s32 s2, $0x0  }
0x94: {  	s3 =	rddreg [dreg:$0x2];
	[bflag:$0x3] =	sbarrier.arrive $0xFFFF;
	s2 =	simm.s32 @!p0 $0x1C11  }
0x95: {  	[timem:s3], [sflag:s2] =	dma.local @!p0 [hbm:s0], s1  }
0x96: {  	s0 =	simm.s32 @!p0 $0x11  }
0x97: {  	_ =	swait.ge @!p0 [sflag:s0], s1  }
0x98: {  	s1 =	ssub.s32 @!p0 $0x0, s1;
	[sflag:s0] =	ssyncset.done @!p0 $0x0  }
0x99: {  	[sflag:s0] =	ssyncadd.s32 @!p0 s1  }
0x9a: {  	[bflag:$0x3] =	sbarrier.arrive $0xFFFF  }
0x9b: {  	_ =	shalt  }

</sc_bundles>
